<compile_context>
chip_gen: v7x
topology: tpu7x:2x2x1
jax: 0.10.2.dev20260603
libtpu: 0.0.44.dev20260713+nightly
codegen_flags: <defaults>
</compile_context>

<pallas_src>
import functools

import jax
import jax.numpy as jnp
import numpy as np
from jax import lax
from jax.experimental import pallas as pl
from jax.experimental.pallas import tpu as pltpu
from jax.experimental.pallas import tpu_sc as plsc

N = 16384
D = 256
H = 128
O = 128
E = 4
EP = 8
BN_S = 1.0 / np.sqrt(1.0 + 1e-5)

TN = 2048
TNL = 8192

NSC, NSUB, L = 2, 16, 16
NW = NSC * NSUB
TOK_W = N // NW
GRP = TOK_W // L


def _dot_t(a, b):
    return jax.lax.dot_general(a, b, (((1,), (1,)), ((), ())),
                               preferred_element_type=jnp.float32)


_NLOG2E = -1.4426950408889634


def _sigmoid(t):
    return 1.0 / (1.0 + jnp.exp2(t * _NLOG2E))


def _logits_body(x_ref, Wg_ref, lt_ref):
    lt_ref[...] = jax.lax.dot_general(
        Wg_ref[...], x_ref[...], (((1,), (1,)), ((), ())),
        preferred_element_type=jnp.float32)


_sc_mesh = plsc.VectorSubcoreMesh(core_axis_name="c", subcore_axis_name="s")


@functools.partial(
    pl.kernel,
    mesh=_sc_mesh,
    out_type=jax.ShapeDtypeStruct((EP, N), jnp.float32),
    scratch_types=[
        pltpu.VMEM((E, TOK_W), jnp.float32),
        pltpu.VMEM((E, TOK_W), jnp.float32),
    ],
)
def _router_sc(lt_hbm, wt_hbm, lv, wv):
    wid = lax.axis_index("s") * NSC + lax.axis_index("c")
    base = wid * TOK_W
    pltpu.sync_copy(lt_hbm.at[pl.ds(0, E), pl.ds(base, TOK_W)], lv)
    for g in range(GRP):
        sl = pl.ds(g * L, L)
        v0 = lv[0, sl]
        v1 = lv[1, sl]
        v2 = lv[2, sl]
        v3 = lv[3, sl]
        m1 = jnp.maximum(jnp.maximum(v0, v1), jnp.maximum(v2, v3))
        i1 = jnp.where(v0 == m1, 0,
                       jnp.where(v1 == m1, 1,
                                 jnp.where(v2 == m1, 2, 3)))
        ninf = jnp.float32(-jnp.inf)
        u0 = jnp.where(i1 == 0, ninf, v0)
        u1 = jnp.where(i1 == 1, ninf, v1)
        u2 = jnp.where(i1 == 2, ninf, v2)
        u3 = jnp.where(i1 == 3, ninf, v3)
        m2 = jnp.maximum(jnp.maximum(u0, u1), jnp.maximum(u2, u3))
        i2 = jnp.where(u0 == m2, 0,
                       jnp.where(u1 == m2, 1,
                                 jnp.where(u2 == m2, 2, 3)))
        z = jnp.exp(m2 - m1)
        w1 = 1.0 / (1.0 + z)
        w2 = z * w1
        zero = jnp.float32(0.0)
        for e in range(E):
            wv[e, sl] = jnp.where(i1 == e, w1,
                                  jnp.where(i2 == e, w2, zero))
    pltpu.sync_copy(wv, wt_hbm.at[pl.ds(0, E), pl.ds(base, TOK_W)])


def _moe_body(x_ref, wt_ref, We1_ref, be1_ref, Weh_ref, beh_ref,
              Weo_ref, beo_ref, Ws1_ref, bs1_ref, Wsh_ref, bsh_ref,
              Wso_ref, bso_ref, o_ref):
    x = x_ref[...]
    w = jnp.transpose(wt_ref[...])

    hc = jnp.maximum(_dot_t(x, We1_ref[...]) + be1_ref[...], 0.0)
    hs = jnp.maximum(_dot_t(x, Ws1_ref[...]) + bs1_ref[...], 0.0)

    acc = jnp.zeros((x.shape[0], O), jnp.float32)
    for e in range(E):
        he = hc[:, e * H:(e + 1) * H]
        h = jnp.maximum(_dot_t(he, Weh_ref[e] * BN_S) + beh_ref[e], 0.0)
        o = _sigmoid(_dot_t(h, Weo_ref[e] * BN_S) + beo_ref[e])
        acc = acc + o * w[:, e:e + 1]

    h = jnp.maximum(_dot_t(hs, Wsh_ref[...] * BN_S) + bsh_ref[...], 0.0)
    sf = _sigmoid(_dot_t(h, Wso_ref[...] * BN_S) + bso_ref[...])

    o_ref[...] = acc + sf


@jax.jit
def _run(combined, Wg, We1, be1, Weh, beh, Weo, beo,
         Ws1, bs1, Wsh, bsh, Wso, bso):
    Wgp = jnp.concatenate([Wg, jnp.zeros((EP - E, D), Wg.dtype)], axis=0)

    full = lambda shape: pl.BlockSpec(shape, lambda i: (0,) * len(shape))

    lt = pl.pallas_call(
        _logits_body,
        grid_spec=pl.GridSpec(
            grid=(N // TNL,),
            in_specs=[pl.BlockSpec((TNL, D), lambda i: (i, 0)),
                      full((EP, D))],
            out_specs=pl.BlockSpec((EP, TNL), lambda i: (0, i)),
        ),
        out_shape=jax.ShapeDtypeStruct((EP, N), jnp.float32),
        compiler_params=pltpu.CompilerParams(
            dimension_semantics=("parallel",),
        ),
    )(combined, Wgp)

    wt = _router_sc(lt)

    grid_spec = pl.GridSpec(
        grid=(N // TN,),
        in_specs=[
            pl.BlockSpec((TN, D), lambda i: (i, 0)),
            pl.BlockSpec((EP, TN), lambda i: (0, i)),
            full((E * H, D)), full((1, E * H)),
            full((E, H, H)), full((E, H)),
            full((E, O, H)), full((E, O)),
            full((H, D)), full((1, H)),
            full((H, H)), full((1, H)),
            full((O, H)), full((1, O)),
        ],
        out_specs=pl.BlockSpec((TN, O), lambda i: (i, 0)),
    )
    return pl.pallas_call(
        _moe_body,
        grid_spec=grid_spec,
        out_shape=jax.ShapeDtypeStruct((N, O), jnp.float32),
        compiler_params=pltpu.CompilerParams(
            dimension_semantics=("parallel",),
        ),
    )(combined, wt, We1.reshape(E * H, D), be1.reshape(1, E * H),
      Weh, beh, Weo, beo, Ws1, bs1.reshape(1, H),
      Wsh, bsh.reshape(1, H), Wso, bso.reshape(1, O))


def kernel(combined, Wg, We1, be1, Weh, beh, Weo, beo,
           Ws1, bs1, Wsh, bsh, Wso, bso):
    return _run(combined, Wg, We1, be1, Weh, beh, Weo, beo,
                Ws1, bs1, Wsh, bsh, Wso, bso)

# --- scband reference (transcript-rebuilt; emitter-appended) ---
"""Pipeline reference for scband-deepseek-mo-e-35476429865908 (READ-ONLY COPY).

The authoritative reference and input builder live on the scoring server;
editing this copy changes nothing except your own understanding.
"""

import jax, jax.numpy as jnp
import numpy as np

N = 16384
D = 256
H = 128
O = 128
E = 4
K = 2
BN_S = 1.0 / np.sqrt(1.0 + 1e-5)  # eval-mode BatchNorm with running mean 0 / var 1, gamma=1, beta=0


def _experts_all(x, W1, b1, Wh, bh, Wo, bo):
    # run every expert on every token (eval path of DeepseekMoE)
    h = jnp.einsum('nd,ehd->neh', x, W1) + b1[None]
    h = jax.nn.relu(h) * BN_S
    h = jnp.einsum('neh,egh->neg', h, Wh) + bh[None]
    h = jax.nn.relu(h) * BN_S
    o = jax.nn.sigmoid(jnp.einsum('neh,egh->neg', h, Wo) + bo[None])
    return o  # [N, E, O]


def _shared_expert(x, W1, b1, Wh, bh, Wo, bo):
    h = jax.nn.relu(x @ W1.T + b1) * BN_S
    h = jax.nn.relu(h @ Wh.T + bh) * BN_S
    return jax.nn.sigmoid(h @ Wo.T + bo)


def setup_inputs(seed: int = 0) -> dict:
    key = jax.random.key(seed)
    ks = jax.random.split(key, 14)
    sD = 1.0 / np.sqrt(D)
    sH = 1.0 / np.sqrt(H)
    u = lambda k, shape, sc: jax.random.uniform(k, shape, minval=-sc, maxval=sc, dtype=jnp.float32)
    return {
        'combined': jax.random.normal(ks[0], (N, D), dtype=jnp.float32),
        'Wg': u(ks[1], (E, D), sD),
        'We1': u(ks[2], (E, H, D), sD), 'be1': u(ks[3], (E, H), sD),
        'Weh': u(ks[4], (E, H, H), sH), 'beh': u(ks[5], (E, H), sH),
        'Weo': u(ks[6], (E, O, H), sH), 'beo': u(ks[7], (E, O), sH),
        'Ws1': u(ks[8], (H, D), sD), 'bs1': u(ks[9], (H,), sD),
        'Wsh': u(ks[10], (H, H), sH), 'bsh': u(ks[11], (H,), sH),
        'Wso': u(ks[12], (O, H), sH), 'bso': u(ks[13], (O,), sH),
    }


def reference(combined, Wg, We1, be1, Weh, beh, Weo, beo, Ws1, bs1, Wsh, bsh, Wso, bso):
    # MoEGate
    logits = combined @ Wg.T
    scores = jax.nn.softmax(logits, axis=-1)
    topk_w, topk_idx = jax.lax.top_k(scores, K)
    topk_w = topk_w / (jnp.sum(topk_w, axis=-1, keepdims=True) + 1e-20)
    # eval-path combine: one-hot expert mask weighted sum
    mask = jax.nn.one_hot(topk_idx, E, dtype=jnp.float32)  # [N, K, E]
    weights_sum = jnp.sum(mask * topk_w[..., None], axis=1)  # [N, E]
    expert_outputs = _experts_all(combined, We1, be1, Weh, beh, Weo, beo)  # [N, E, O]
    moe_output = jnp.sum(expert_outputs * weights_sum[..., None], axis=1)  # [N, O]
    shared_feature = _shared_expert(combined, Ws1, bs1, Wsh, bsh, Wso, bso)
    final_output = moe_output + shared_feature
    return final_output

if __name__ == "__main__":
    import jax
    _d = setup_inputs()
    print(jax.jit(kernel)(*tuple(_d.values())))

</pallas_src>

<mosaic_0001>
#map = affine_map<(d0, d1) -> (0, 0)>
module attributes {stable_mosaic.version = 14 : i64} {
  func.func @_router_sc(%arg0: i32, %arg1: i32, %arg2: memref<8x16384xf32, #tpu.memory_space<hbm>>, %arg3: memref<8x16384xf32, #tpu.memory_space<hbm>>, %arg4: memref<4x512xf32, #tpu.memory_space<vmem>>, %arg5: memref<4x512xf32, #tpu.memory_space<vmem>>) attributes {dimension_semantics = [#tpu.dimension_semantics<core_parallel>, #tpu.dimension_semantics<subcore_parallel>], iteration_bounds = array<i64: 2, 16>, scalar_prefetch = 0 : i64, scratch_operands = 2 : i64, tpu.core_type = #tpu.core_type<sc_vector_subcore>, window_params = [{transform_indices = #map}, {transform_indices = #map}]} {
    %mul3A = arith.constant 2 : i32
    %mul3A_0 = arith.muli %arg1, %mul3A : i32
    %add3A = arith.addi %mul3A_0, %arg0 : i32
    %mul3A_1 = arith.constant 512 : i32
    %mul3A_2 = arith.muli %add3A, %mul3A_1 : i32
    "tpu.region"() ({
      %run_scoped3A = tpu.sem_alloc : memref<!tpu.dma_semaphore, #tpu.memory_space<semaphore_mem>>
      %dma_start3A = arith.constant 0 : i32
      %dma_start3A_4825 = tpu.memref_slice %arg2[%dma_start3A, %mul3A_2] : memref<8x16384xf32, #tpu.memory_space<hbm>> -> memref<4x512xf32, #tpu.memory_space<hbm>>
      %dma_start3A_4826 = arith.constant 0 : i32
      %dma_start3A_4827 = tpu.memref_slice %arg2[%dma_start3A_4826, %mul3A_2] : memref<8x16384xf32, #tpu.memory_space<hbm>> -> memref<4x512xf32, #tpu.memory_space<hbm>>
      tpu.enqueue_dma source(%dma_start3A_4827 : memref<4x512xf32, #tpu.memory_space<hbm>>) target(%arg4 : memref<4x512xf32, #tpu.memory_space<vmem>>) target_semaphore(%run_scoped3A : memref<!tpu.dma_semaphore, #tpu.memory_space<semaphore_mem>>)
      %dma_wait3A = arith.constant 0 : i32
      %dma_wait3A_4828 = tpu.memref_slice %arg2[%dma_wait3A, %mul3A_2] : memref<8x16384xf32, #tpu.memory_space<hbm>> -> memref<4x512xf32, #tpu.memory_space<hbm>>
      %dma_wait3A_4829 = arith.constant 0 : i32
      %dma_wait3A_4830 = tpu.memref_slice %arg2[%dma_wait3A_4829, %mul3A_2] : memref<8x16384xf32, #tpu.memory_space<hbm>> -> memref<4x512xf32, #tpu.memory_space<hbm>>
      tpu.wait_dma2 semaphore(%run_scoped3A : memref<!tpu.dma_semaphore, #tpu.memory_space<semaphore_mem>>) src(%dma_wait3A_4830 : memref<4x512xf32, #tpu.memory_space<hbm>>) dst(%arg4 : memref<4x512xf32, #tpu.memory_space<vmem>>)
      tpu.yield
    }) : () -> ()
    %get3A = arith.constant 0 : i32
    %get3A_3 = arith.index_cast %get3A : i32 to index
    %get3A_4 = arith.constant 0 : index
    %get3A_5 = tpu.vector_load %arg4[%get3A_3, %get3A_4] {strides = array<i32>} : memref<4x512xf32, #tpu.memory_space<vmem>>, vector<1x16xf32>,
    %get3A_6 = vector.shape_cast %get3A_5 : vector<1x16xf32> to vector<16xf32>
    %get3A_7 = arith.constant 1 : i32
    %get3A_8 = arith.index_cast %get3A_7 : i32 to index
    %get3A_9 = arith.constant 0 : index
    %get3A_10 = tpu.vector_load %arg4[%get3A_8, %get3A_9] {strides = array<i32>} : memref<4x512xf32, #tpu.memory_space<vmem>>, vector<1x16xf32>,
    %get3A_11 = vector.shape_cast %get3A_10 : vector<1x16xf32> to vector<16xf32>
    %get3A_12 = arith.constant 2 : i32
    %get3A_13 = arith.index_cast %get3A_12 : i32 to index
    %get3A_14 = arith.constant 0 : index
    %get3A_15 = tpu.vector_load %arg4[%get3A_13, %get3A_14] {strides = array<i32>} : memref<4x512xf32, #tpu.memory_space<vmem>>, vector<1x16xf32>,
    %get3A_16 = vector.shape_cast %get3A_15 : vector<1x16xf32> to vector<16xf32>
    %get3A_17 = arith.constant 3 : i32
    %get3A_18 = arith.index_cast %get3A_17 : i32 to index
    %get3A_19 = arith.constant 0 : index
    %get3A_20 = tpu.vector_load %arg4[%get3A_18, %get3A_19] {strides = array<i32>} : memref<4x512xf32, #tpu.memory_space<vmem>>, vector<1x16xf32>,
    %get3A_21 = vector.shape_cast %get3A_20 : vector<1x16xf32> to vector<16xf32>
    %max3A = arith.maximumf %get3A_6, %get3A_11 : vector<16xf32>
    %max3A_22 = arith.maximumf %get3A_16, %get3A_21 : vector<16xf32>
    %max3A_23 = arith.maximumf %max3A, %max3A_22 : vector<16xf32>
    %eq3A = arith.cmpf oeq, %get3A_6, %max3A_23 : vector<16xf32>
    %eq3A_24 = arith.cmpf oeq, %get3A_11, %max3A_23 : vector<16xf32>
    %eq3A_25 = arith.cmpf oeq, %get3A_16, %max3A_23 : vector<16xf32>
    %jit3A = arith.constant 2 : i32
    %jit3A_26 = arith.constant 3 : i32
    %broadcast_in_dim3A = vector.broadcast %jit3A : i32 to vector<16xi32>
    %broadcast_in_dim3A_27 = vector.broadcast %jit3A_26 : i32 to vector<16xi32>
    %select_n3A = arith.select %eq3A_25, %broadcast_in_dim3A, %broadcast_in_dim3A_27 : vector<16xi1>, vector<16xi32>
    %jit3A_28 = arith.constant 1 : i32
    %broadcast_in_dim3A_29 = vector.broadcast %jit3A_28 : i32 to vector<16xi32>
    %select_n3A_30 = arith.select %eq3A_24, %broadcast_in_dim3A_29, %select_n3A : vector<16xi1>, vector<16xi32>
    %jit3A_31 = arith.constant 0 : i32
    %broadcast_in_dim3A_32 = vector.broadcast %jit3A_31 : i32 to vector<16xi32>
    %select_n3A_33 = arith.select %eq3A, %broadcast_in_dim3A_32, %select_n3A_30 : vector<16xi1>, vector<16xi32>
    %eq3A_34 = arith.constant 0 : i32
    %eq3A_35 = vector.broadcast %eq3A_34 : i32 to vector<16xi32>
    %eq3A_36 = arith.cmpi eq, %select_n3A_33, %eq3A_35 : vector<16xi32>
    %jit3A_37 = arith.constant 0xFF800000 : f32
    %broadcast_in_dim3A_38 = vector.broadcast %jit3A_37 : f32 to vector<16xf32>
    %select_n3A_39 = arith.select %eq3A_36, %broadcast_in_dim3A_38, %get3A_6 : vector<16xi1>, vector<16xf32>
    %eq3A_40 = arith.constant 1 : i32
    %eq3A_41 = vector.broadcast %eq3A_40 : i32 to vector<16xi32>
    %eq3A_42 = arith.cmpi eq, %select_n3A_33, %eq3A_41 : vector<16xi32>
    %jit3A_43 = arith.constant 0xFF800000 : f32
    %broadcast_in_dim3A_44 = vector.broadcast %jit3A_43 : f32 to vector<16xf32>
    %select_n3A_45 = arith.select %eq3A_42, %broadcast_in_dim3A_44, %get3A_11 : vector<16xi1>, vector<16xf32>
    %eq3A_46 = arith.constant 2 : i32
    %eq3A_47 = vector.broadcast %eq3A_46 : i32 to vector<16xi32>
    %eq3A_48 = arith.cmpi eq, %select_n3A_33, %eq3A_47 : vector<16xi32>
    %jit3A_49 = arith.constant 0xFF800000 : f32
    %broadcast_in_dim3A_50 = vector.broadcast %jit3A_49 : f32 to vector<16xf32>
    %select_n3A_51 = arith.select %eq3A_48, %broadcast_in_dim3A_50, %get3A_16 : vector<16xi1>, vector<16xf32>
    %eq3A_52 = arith.constant 3 : i32
    %eq3A_53 = vector.broadcast %eq3A_52 : i32 to vector<16xi32>
    %eq3A_54 = arith.cmpi eq, %select_n3A_33, %eq3A_53 : vector<16xi32>
    %jit3A_55 = arith.constant 0xFF800000 : f32
    %broadcast_in_dim3A_56 = vector.broadcast %jit3A_55 : f32 to vector<16xf32>
    %select_n3A_57 = arith.select %eq3A_54, %broadcast_in_dim3A_56, %get3A_21 : vector<16xi1>, vector<16xf32>
    %max3A_58 = arith.maximumf %select_n3A_39, %select_n3A_45 : vector<16xf32>
    %max3A_59 = arith.maximumf %select_n3A_51, %select_n3A_57 : vector<16xf32>
    %max3A_60 = arith.maximumf %max3A_58, %max3A_59 : vector<16xf32>
    %eq3A_61 = arith.cmpf oeq, %select_n3A_39, %max3A_60 : vector<16xf32>
    %eq3A_62 = arith.cmpf oeq, %select_n3A_45, %max3A_60 : vector<16xf32>
    %eq3A_63 = arith.cmpf oeq, %select_n3A_51, %max3A_60 : vector<16xf32>
    %jit3A_64 = arith.constant 2 : i32
    %jit3A_65 = arith.constant 3 : i32
    %broadcast_in_dim3A_66 = vector.broadcast %jit3A_64 : i32 to vector<16xi32>
    %broadcast_in_dim3A_67 = vector.broadcast %jit3A_65 : i32 to vector<16xi32>
    %select_n3A_68 = arith.select %eq3A_63, %broadcast_in_dim3A_66, %broadcast_in_dim3A_67 : vector<16xi1>, vector<16xi32>
    %jit3A_69 = arith.constant 1 : i32
    %broadcast_in_dim3A_70 = vector.broadcast %jit3A_69 : i32 to vector<16xi32>
    %select_n3A_71 = arith.select %eq3A_62, %broadcast_in_dim3A_70, %select_n3A_68 : vector<16xi1>, vector<16xi32>
    %jit3A_72 = arith.constant 0 : i32
    %broadcast_in_dim3A_73 = vector.broadcast %jit3A_72 : i32 to vector<16xi32>
    %select_n3A_74 = arith.select %eq3A_61, %broadcast_in_dim3A_73, %select_n3A_71 : vector<16xi1>, vector<16xi32>
    %sub3A = arith.subf %max3A_60, %max3A_23 : vector<16xf32>
    %exp3A = math.exp %sub3A : vector<16xf32>
    %add3A_75 = arith.constant 1.000000e+00 : f32
    %add3A_76 = vector.broadcast %add3A_75 : f32 to vector<16xf32>
    %add3A_77 = arith.addf %add3A_76, %exp3A : vector<16xf32>
    %div3A = arith.constant 1.000000e+00 : f32
    %div3A_78 = vector.broadcast %div3A : f32 to vector<16xf32>
    %div3A_79 = arith.divf %div3A_78, %add3A_77 : vector<16xf32>
    %mul3A_80 = arith.mulf %exp3A, %div3A_79 : vector<16xf32>
    %eq3A_81 = arith.constant 0 : i32
    %eq3A_82 = vector.broadcast %eq3A_81 : i32 to vector<16xi32>
    %eq3A_83 = arith.cmpi eq, %select_n3A_33, %eq3A_82 : vector<16xi32>
    %eq3A_84 = arith.constant 0 : i32
    %eq3A_85 = vector.broadcast %eq3A_84 : i32 to vector<16xi32>
    %eq3A_86 = arith.cmpi eq, %select_n3A_74, %eq3A_85 : vector<16xi32>
    %jit3A_87 = arith.constant 0.000000e+00 : f32
    %broadcast_in_dim3A_88 = vector.broadcast %jit3A_87 : f32 to vector<16xf32>
    %select_n3A_89 = arith.select %eq3A_86, %mul3A_80, %broadcast_in_dim3A_88 : vector<16xi1>, vector<16xf32>
    %select_n3A_90 = arith.select %eq3A_83, %div3A_79, %select_n3A_89 : vector<16xi1>, vector<16xf32>
    %swap3A = arith.constant 0 : i32
    %swap3A_91 = arith.index_cast %swap3A : i32 to index
    %swap3A_92 = arith.constant 0 : index
    %swap3A_93 = tpu.vector_load %arg5[%swap3A_91, %swap3A_92] {strides = array<i32>} : memref<4x512xf32, #tpu.memory_space<vmem>>, vector<1x16xf32>,
    %swap3A_94 = vector.shape_cast %swap3A_93 : vector<1x16xf32> to vector<16xf32>
    %swap3A_95 = vector.shape_cast %select_n3A_90 : vector<16xf32> to vector<1x16xf32>
    tpu.vector_store %arg5[%swap3A_91, %swap3A_92], %swap3A_95 {strides = array<i32>} : memref<4x512xf32, #tpu.memory_space<vmem>>, vector<1x16xf32>,
    %eq3A_96 = arith.constant 1 : i32
    %eq3A_97 = vector.broadcast %eq3A_96 : i32 to vector<16xi32>
    %eq3A_98 = arith.cmpi eq, %select_n3A_33, %eq3A_97 : vector<16xi32>
    %eq3A_99 = arith.constant 1 : i32
    %eq3A_100 = vector.broadcast %eq3A_99 : i32 to vector<16xi32>
    %eq3A_101 = arith.cmpi eq, %select_n3A_74, %eq3A_100 : vector<16xi32>
    %jit3A_102 = arith.constant 0.000000e+00 : f32
    %broadcast_in_dim3A_103 = vector.broadcast %jit3A_102 : f32 to vector<16xf32>
    %select_n3A_104 = arith.select %eq3A_101, %mul3A_80, %broadcast_in_dim3A_103 : vector<16xi1>, vector<16xf32>
    %select_n3A_105 = arith.select %eq3A_98, %div3A_79, %select_n3A_104 : vector<16xi1>, vector<16xf32>
    %swap3A_106 = arith.constant 1 : i32
    %swap3A_107 = arith.index_cast %swap3A_106 : i32 to index
    %swap3A_108 = arith.constant 0 : index
    %swap3A_109 = tpu.vector_load %arg5[%swap3A_107, %swap3A_108] {strides = array<i32>} : memref<4x512xf32, #tpu.memory_space<vmem>>, vector<1x16xf32>,
    %swap3A_110 = vector.shape_cast %swap3A_109 : vector<1x16xf32> to vector<16xf32>
    %swap3A_111 = vector.shape_cast %select_n3A_105 : vector<16xf32> to vector<1x16xf32>
    tpu.vector_store %arg5[%swap3A_107, %swap3A_108], %swap3A_111 {strides = array<i32>} : memref<4x512xf32, #tpu.memory_space<vmem>>, vector<1x16xf32>,
    %eq3A_112 = arith.constant 2 : i32
    %eq3A_113 = vector.broadcast %eq3A_112 : i32 to vector<16xi32>
    %eq3A_114 = arith.cmpi eq, %select_n3A_33, %eq3A_113 : vector<16xi32>
    %eq3A_115 = arith.constant 2 : i32
    %eq3A_116 = vector.broadcast %eq3A_115 : i32 to vector<16xi32>
    %eq3A_117 = arith.cmpi eq, %select_n3A_74, %eq3A_116 : vector<16xi32>
    %jit3A_118 = arith.constant 0.000000e+00 : f32
    %broadcast_in_dim3A_119 = vector.broadcast %jit3A_118 : f32 to vector<16xf32>
    %select_n3A_120 = arith.select %eq3A_117, %mul3A_80, %broadcast_in_dim3A_119 : vector<16xi1>, vector<16xf32>
    %select_n3A_121 = arith.select %eq3A_114, %div3A_79, %select_n3A_120 : vector<16xi1>, vector<16xf32>
    %swap3A_122 = arith.constant 2 : i32
    %swap3A_123 = arith.index_cast %swap3A_122 : i32 to index
    %swap3A_124 = arith.constant 0 : index
    %swap3A_125 = tpu.vector_load %arg5[%swap3A_123, %swap3A_124] {strides = array<i32>} : memref<4x512xf32, #tpu.memory_space<vmem>>, vector<1x16xf32>,
    %swap3A_126 = vector.shape_cast %swap3A_125 : vector<1x16xf32> to vector<16xf32>
    %swap3A_127 = vector.shape_cast %select_n3A_121 : vector<16xf32> to vector<1x16xf32>
    tpu.vector_store %arg5[%swap3A_123, %swap3A_124], %swap3A_127 {strides = array<i32>} : memref<4x512xf32, #tpu.memory_space<vmem>>, vector<1x16xf32>,
    %eq3A_128 = arith.constant 3 : i32
    %eq3A_129 = vector.broadcast %eq3A_128 : i32 to vector<16xi32>
    %eq3A_130 = arith.cmpi eq, %select_n3A_33, %eq3A_129 : vector<16xi32>
    %eq3A_131 = arith.constant 3 : i32
    %eq3A_132 = vector.broadcast %eq3A_131 : i32 to vector<16xi32>
    %eq3A_133 = arith.cmpi eq, %select_n3A_74, %eq3A_132 : vector<16xi32>
    %jit3A_134 = arith.constant 0.000000e+00 : f32
    %broadcast_in_dim3A_135 = vector.broadcast %jit3A_134 : f32 to vector<16xf32>
    %select_n3A_136 = arith.select %eq3A_133, %mul3A_80, %broadcast_in_dim3A_135 : vector<16xi1>, vector<16xf32>
    %select_n3A_137 = arith.select %eq3A_130, %div3A_79, %select_n3A_136 : vector<16xi1>, vector<16xf32>
    %swap3A_138 = arith.constant 3 : i32
    %swap3A_139 = arith.index_cast %swap3A_138 : i32 to index
    %swap3A_140 = arith.constant 0 : index
    %swap3A_141 = tpu.vector_load %arg5[%swap3A_139, %swap3A_140] {strides = array<i32>} : memref<4x512xf32, #tpu.memory_space<vmem>>, vector<1x16xf32>,
    %swap3A_142 = vector.shape_cast %swap3A_141 : vector<1x16xf32> to vector<16xf32>
    %swap3A_143 = vector.shape_cast %select_n3A_137 : vector<16xf32> to vector<1x16xf32>
    tpu.vector_store %arg5[%swap3A_139, %swap3A_140], %swap3A_143 {strides = array<i32>} : memref<4x512xf32, #tpu.memory_space<vmem>>, vector<1x16xf32>,
    %get3A_144 = arith.constant 0 : i32
    %get3A_145 = arith.index_cast %get3A_144 : i32 to index
    %get3A_146 = arith.constant 16 : index
    %get3A_147 = tpu.vector_load %arg4[%get3A_145, %get3A_146] {strides = array<i32>} : memref<4x512xf32, #tpu.memory_space<vmem>>, vector<1x16xf32>,
    %get3A_148 = vector.shape_cast %get3A_147 : vector<1x16xf32> to vector<16xf32>
    %get3A_149 = arith.constant 1 : i32
    %get3A_150 = arith.index_cast %get3A_149 : i32 to index
    %get3A_151 = arith.constant 16 : index
    %get3A_152 = tpu.vector_load %arg4[%get3A_150, %get3A_151] {strides = array<i32>} : memref<4x512xf32, #tpu.memory_space<vmem>>, vector<1x16xf32>,
    %get3A_153 = vector.shape_cast %get3A_152 : vector<1x16xf32> to vector<16xf32>
    %get3A_154 = arith.constant 2 : i32
    %get3A_155 = arith.index_cast %get3A_154 : i32 to index
    %get3A_156 = arith.constant 16 : index
    %get3A_157 = tpu.vector_load %arg4[%get3A_155, %get3A_156] {strides = array<i32>} : memref<4x512xf32, #tpu.memory_space<vmem>>, vector<1x16xf32>,
    %get3A_158 = vector.shape_cast %get3A_157 : vector<1x16xf32> to vector<16xf32>
    %get3A_159 = arith.constant 3 : i32
    %get3A_160 = arith.index_cast %get3A_159 : i32 to index
    %get3A_161 = arith.constant 16 : index
    %get3A_162 = tpu.vector_load %arg4[%get3A_160, %get3A_161] {strides = array<i32>} : memref<4x512xf32, #tpu.memory_space<vmem>>, vector<1x16xf32>,
    %get3A_163 = vector.shape_cast %get3A_162 : vector<1x16xf32> to vector<16xf32>
    %max3A_164 = arith.maximumf %get3A_148, %get3A_153 : vector<16xf32>
    %max3A_165 = arith.maximumf %get3A_158, %get3A_163 : vector<16xf32>
    %max3A_166 = arith.maximumf %max3A_164, %max3A_165 : vector<16xf32>
    %eq3A_167 = arith.cmpf oeq, %get3A_148, %max3A_166 : vector<16xf32>
    %eq3A_168 = arith.cmpf oeq, %get3A_153, %max3A_166 : vector<16xf32>
    %eq3A_169 = arith.cmpf oeq, %get3A_158, %max3A_166 : vector<16xf32>
    %jit3A_170 = arith.constant 2 : i32
    %jit3A_171 = arith.constant 3 : i32
    %broadcast_in_dim3A_172 = vector.broadcast %jit3A_170 : i32 to vector<16xi32>
    %broadcast_in_dim3A_173 = vector.broadcast %jit3A_171 : i32 to vector<16xi32>
    %select_n3A_174 = arith.select %eq3A_169, %broadcast_in_dim3A_172, %broadcast_in_dim3A_173 : vector<16xi1>, vector<16xi32>
    %jit3A_175 = arith.constant 1 : i32
    %broadcast_in_dim3A_176 = vector.broadcast %jit3A_175 : i32 to vector<16xi32>
    %select_n3A_177 = arith.select %eq3A_168, %broadcast_in_dim3A_176, %select_n3A_174 : vector<16xi1>, vector<16xi32>
    %jit3A_178 = arith.constant 0 : i32
    %broadcast_in_dim3A_179 = vector.broadcast %jit3A_178 : i32 to vector<16xi32>
    %select_n3A_180 = arith.select %eq3A_167, %broadcast_in_dim3A_179, %select_n3A_177 : vector<16xi1>, vector<16xi32>
    %eq3A_181 = arith.constant 0 : i32
    %eq3A_182 = vector.broadcast %eq3A_181 : i32 to vector<16xi32>
    %eq3A_183 = arith.cmpi eq, %select_n3A_180, %eq3A_182 : vector<16xi32>
    %jit3A_184 = arith.constant 0xFF800000 : f32
    %broadcast_in_dim3A_185 = vector.broadcast %jit3A_184 : f32 to vector<16xf32>
    %select_n3A_186 = arith.select %eq3A_183, %broadcast_in_dim3A_185, %get3A_148 : vector<16xi1>, vector<16xf32>
    %eq3A_187 = arith.constant 1 : i32
    %eq3A_188 = vector.broadcast %eq3A_187 : i32 to vector<16xi32>
    %eq3A_189 = arith.cmpi eq, %select_n3A_180, %eq3A_188 : vector<16xi32>
    %jit3A_190 = arith.constant 0xFF800000 : f32
    %broadcast_in_dim3A_191 = vector.broadcast %jit3A_190 : f32 to vector<16xf32>
    %select_n3A_192 = arith.select %eq3A_189, %broadcast_in_dim3A_191, %get3A_153 : vector<16xi1>, vector<16xf32>
    %eq3A_193 = arith.constant 2 : i32
    %eq3A_194 = vector.broadcast %eq3A_193 : i32 to vector<16xi32>
    %eq3A_195 = arith.cmpi eq, %select_n3A_180, %eq3A_194 : vector<16xi32>
    %jit3A_196 = arith.constant 0xFF800000 : f32
    %broadcast_in_dim3A_197 = vector.broadcast %jit3A_196 : f32 to vector<16xf32>
    %select_n3A_198 = arith.select %eq3A_195, %broadcast_in_dim3A_197, %get3A_158 : vector<16xi1>, vector<16xf32>
    %eq3A_199 = arith.constant 3 : i32
    %eq3A_200 = vector.broadcast %eq3A_199 : i32 to vector<16xi32>
    %eq3A_201 = arith.cmpi eq, %select_n3A_180, %eq3A_200 : vector<16xi32>
    %jit3A_202 = arith.constant 0xFF800000 : f32
    %broadcast_in_dim3A_203 = vector.broadcast %jit3A_202 : f32 to vector<16xf32>
    %select_n3A_204 = arith.select %eq3A_201, %broadcast_in_dim3A_203, %get3A_163 : vector<16xi1>, vector<16xf32>
    %max3A_205 = arith.maximumf %select_n3A_186, %select_n3A_192 : vector<16xf32>
    %max3A_206 = arith.maximumf %select_n3A_198, %select_n3A_204 : vector<16xf32>
    %max3A_207 = arith.maximumf %max3A_205, %max3A_206 : vector<16xf32>
    %eq3A_208 = arith.cmpf oeq, %select_n3A_186, %max3A_207 : vector<16xf32>
    %eq3A_209 = arith.cmpf oeq, %select_n3A_192, %max3A_207 : vector<16xf32>
    %eq3A_210 = arith.cmpf oeq, %select_n3A_198, %max3A_207 : vector<16xf32>
    %jit3A_211 = arith.constant 2 : i32
    %jit3A_212 = arith.constant 3 : i32
    %broadcast_in_dim3A_213 = vector.broadcast %jit3A_211 : i32 to vector<16xi32>
    %broadcast_in_dim3A_214 = vector.broadcast %jit3A_212 : i32 to vector<16xi32>
    %select_n3A_215 = arith.select %eq3A_210, %broadcast_in_dim3A_213, %broadcast_in_dim3A_214 : vector<16xi1>, vector<16xi32>
    %jit3A_216 = arith.constant 1 : i32
    %broadcast_in_dim3A_217 = vector.broadcast %jit3A_216 : i32 to vector<16xi32>
    %select_n3A_218 = arith.select %eq3A_209, %broadcast_in_dim3A_217, %select_n3A_215 : vector<16xi1>, vector<16xi32>
    %jit3A_219 = arith.constant 0 : i32
    %broadcast_in_dim3A_220 = vector.broadcast %jit3A_219 : i32 to vector<16xi32>
    %select_n3A_221 = arith.select %eq3A_208, %broadcast_in_dim3A_220, %select_n3A_218 : vector<16xi1>, vector<16xi32>
    %sub3A_222 = arith.subf %max3A_207, %max3A_166 : vector<16xf32>
    %exp3A_223 = math.exp %sub3A_222 : vector<16xf32>
    %add3A_224 = arith.constant 1.000000e+00 : f32
    %add3A_225 = vector.broadcast %add3A_224 : f32 to vector<16xf32>
    %add3A_226 = arith.addf %add3A_225, %exp3A_223 : vector<16xf32>
    %div3A_227 = arith.constant 1.000000e+00 : f32
    %div3A_228 = vector.broadcast %div3A_227 : f32 to vector<16xf32>
    %div3A_229 = arith.divf %div3A_228, %add3A_226 : vector<16xf32>
    %mul3A_230 = arith.mulf %exp3A_223, %div3A_229 : vector<16xf32>
    %eq3A_231 = arith.constant 0 : i32
    %eq3A_232 = vector.broadcast %eq3A_231 : i32 to vector<16xi32>
    %eq3A_233 = arith.cmpi eq, %select_n3A_180, %eq3A_232 : vector<16xi32>
    %eq3A_234 = arith.constant 0 : i32
    %eq3A_235 = vector.broadcast %eq3A_234 : i32 to vector<16xi32>
    %eq3A_236 = arith.cmpi eq, %select_n3A_221, %eq3A_235 : vector<16xi32>
    %jit3A_237 = arith.constant 0.000000e+00 : f32
    %broadcast_in_dim3A_238 = vector.broadcast %jit3A_237 : f32 to vector<16xf32>
    %select_n3A_239 = arith.select %eq3A_236, %mul3A_230, %broadcast_in_dim3A_238 : vector<16xi1>, vector<16xf32>
    %select_n3A_240 = arith.select %eq3A_233, %div3A_229, %select_n3A_239 : vector<16xi1>, vector<16xf32>
    %swap3A_241 = arith.constant 0 : i32
    %swap3A_242 = arith.index_cast %swap3A_241 : i32 to index
    %swap3A_243 = arith.constant 16 : index
    %swap3A_244 = tpu.vector_load %arg5[%swap3A_242, %swap3A_243] {strides = array<i32>} : memref<4x512xf32, #tpu.memory_space<vmem>>, vector<1x16xf32>,
    %swap3A_245 = vector.shape_cast %swap3A_244 : vector<1x16xf32> to vector<16xf32>
    %swap3A_246 = vector.shape_cast %select_n3A_240 : vector<16xf32> to vector<1x16xf32>
    tpu.vector_store %arg5[%swap3A_242, %swap3A_243], %swap3A_246 {strides = array<i32>} : memref<4x512xf32, #tpu.memory_space<vmem>>, vector<1x16xf32>,
    %eq3A_247 = arith.constant 1 : i32
    %eq3A_248 = vector.broadcast %eq3A_247 : i32 to vector<16xi32>
    %eq3A_249 = arith.cmpi eq, %select_n3A_180, %eq3A_248 : vector<16xi32>
    %eq3A_250 = arith.constant 1 : i32
    %eq3A_251 = vector.broadcast %eq3A_250 : i32 to vector<16xi32>
    %eq3A_252 = arith.cmpi eq, %select_n3A_221, %eq3A_251 : vector<16xi32>
    %jit3A_253 = arith.constant 0.000000e+00 : f32
    %broadcast_in_dim3A_254 = vector.broadcast %jit3A_253 : f32 to vector<16xf32>
    %select_n3A_255 = arith.select %eq3A_252, %mul3A_230, %broadcast_in_dim3A_254 : vector<16xi1>, vector<16xf32>
    %select_n3A_256 = arith.select %eq3A_249, %div3A_229, %select_n3A_255 : vector<16xi1>, vector<16xf32>
    %swap3A_257 = arith.constant 1 : i32
    %swap3A_258 = arith.index_cast %swap3A_257 : i32 to index
    %swap3A_259 = arith.constant 16 : index
    %swap3A_260 = tpu.vector_load %arg5[%swap3A_258, %swap3A_259] {strides = array<i32>} : memref<4x512xf32, #tpu.memory_space<vmem>>, vector<1x16xf32>,
    %swap3A_261 = vector.shape_cast %swap3A_260 : vector<1x16xf32> to vector<16xf32>
    %swap3A_262 = vector.shape_cast %select_n3A_256 : vector<16xf32> to vector<1x16xf32>
    tpu.vector_store %arg5[%swap3A_258, %swap3A_259], %swap3A_262 {strides = array<i32>} : memref<4x512xf32, #tpu.memory_space<vmem>>, vector<1x16xf32>,
    %eq3A_263 = arith.constant 2 : i32
    %eq3A_264 = vector.broadcast %eq3A_263 : i32 to vector<16xi32>
    %eq3A_265 = arith.cmpi eq, %select_n3A_180, %eq3A_264 : vector<16xi32>
    %eq3A_266 = arith.constant 2 : i32
    %eq3A_267 = vector.broadcast %eq3A_266 : i32 to vector<16xi32>
    %eq3A_268 = arith.cmpi eq, %select_n3A_221, %eq3A_267 : vector<16xi32>
    %jit3A_269 = arith.constant 0.000000e+00 : f32
    %broadcast_in_dim3A_270 = vector.broadcast %jit3A_269 : f32 to vector<16xf32>
    %select_n3A_271 = arith.select %eq3A_268, %mul3A_230, %broadcast_in_dim3A_270 : vector<16xi1>, vector<16xf32>
    %select_n3A_272 = arith.select %eq3A_265, %div3A_229, %select_n3A_271 : vector<16xi1>, vector<16xf32>
    %swap3A_273 = arith.constant 2 : i32
    %swap3A_274 = arith.index_cast %swap3A_273 : i32 to index
    %swap3A_275 = arith.constant 16 : index
    %swap3A_276 = tpu.vector_load %arg5[%swap3A_274, %swap3A_275] {strides = array<i32>} : memref<4x512xf32, #tpu.memory_space<vmem>>, vector<1x16xf32>,
    %swap3A_277 = vector.shape_cast %swap3A_276 : vector<1x16xf32> to vector<16xf32>
    %swap3A_278 = vector.shape_cast %select_n3A_272 : vector<16xf32> to vector<1x16xf32>
    tpu.vector_store %arg5[%swap3A_274, %swap3A_275], %swap3A_278 {strides = array<i32>} : memref<4x512xf32, #tpu.memory_space<vmem>>, vector<1x16xf32>,
    %eq3A_279 = arith.constant 3 : i32
    %eq3A_280 = vector.broadcast %eq3A_279 : i32 to vector<16xi32>
    %eq3A_281 = arith.cmpi eq, %select_n3A_180, %eq3A_280 : vector<16xi32>
    %eq3A_282 = arith.constant 3 : i32
    %eq3A_283 = vector.broadcast %eq3A_282 : i32 to vector<16xi32>
    %eq3A_284 = arith.cmpi eq, %select_n3A_221, %eq3A_283 : vector<16xi32>
    %jit3A_285 = arith.constant 0.000000e+00 : f32
    %broadcast_in_dim3A_286 = vector.broadcast %jit3A_285 : f32 to vector<16xf32>
    %select_n3A_287 = arith.select %eq3A_284, %mul3A_230, %broadcast_in_dim3A_286 : vector<16xi1>, vector<16xf32>
    %select_n3A_288 = arith.select %eq3A_281, %div3A_229, %select_n3A_287 : vector<16xi1>, vector<16xf32>
    %swap3A_289 = arith.constant 3 : i32
    %swap3A_290 = arith.index_cast %swap3A_289 : i32 to index
    %swap3A_291 = arith.constant 16 : index
    %swap3A_292 = tpu.vector_load %arg5[%swap3A_290, %swap3A_291] {strides = array<i32>} : memref<4x512xf32, #tpu.memory_space<vmem>>, vector<1x16xf32>,
    %swap3A_293 = vector.shape_cast %swap3A_292 : vector<1x16xf32> to vector<16xf32>
    %swap3A_294 = vector.shape_cast %select_n3A_288 : vector<16xf32> to vector<1x16xf32>
    tpu.vector_store %arg5[%swap3A_290, %swap3A_291], %swap3A_294 {strides = array<i32>} : memref<4x512xf32, #tpu.memory_space<vmem>>, vector<1x16xf32>,
    %get3A_295 = arith.constant 0 : i32
    %get3A_296 = arith.index_cast %get3A_295 : i32 to index
    %get3A_297 = arith.constant 32 : index
    %get3A_298 = tpu.vector_load %arg4[%get3A_296, %get3A_297] {strides = array<i32>} : memref<4x512xf32, #tpu.memory_space<vmem>>, vector<1x16xf32>,
    %get3A_299 = vector.shape_cast %get3A_298 : vector<1x16xf32> to vector<16xf32>
    %get3A_300 = arith.constant 1 : i32
    %get3A_301 = arith.index_cast %get3A_300 : i32 to index
    %get3A_302 = arith.constant 32 : index
    %get3A_303 = tpu.vector_load %arg4[%get3A_301, %get3A_302] {strides = array<i32>} : memref<4x512xf32, #tpu.memory_space<vmem>>, vector<1x16xf32>,
    %get3A_304 = vector.shape_cast %get3A_303 : vector<1x16xf32> to vector<16xf32>
    %get3A_305 = arith.constant 2 : i32
    %get3A_306 = arith.index_cast %get3A_305 : i32 to index
    %get3A_307 = arith.constant 32 : index
    %get3A_308 = tpu.vector_load %arg4[%get3A_306, %get3A_307] {strides = array<i32>} : memref<4x512xf32, #tpu.memory_space<vmem>>, vector<1x16xf32>,
    %get3A_309 = vector.shape_cast %get3A_308 : vector<1x16xf32> to vector<16xf32>
    %get3A_310 = arith.constant 3 : i32
    %get3A_311 = arith.index_cast %get3A_310 : i32 to index
    %get3A_312 = arith.constant 32 : index
    %get3A_313 = tpu.vector_load %arg4[%get3A_311, %get3A_312] {strides = array<i32>} : memref<4x512xf32, #tpu.memory_space<vmem>>, vector<1x16xf32>,
    %get3A_314 = vector.shape_cast %get3A_313 : vector<1x16xf32> to vector<16xf32>
    %max3A_315 = arith.maximumf %get3A_299, %get3A_304 : vector<16xf32>
    %max3A_316 = arith.maximumf %get3A_309, %get3A_314 : vector<16xf32>
    %max3A_317 = arith.maximumf %max3A_315, %max3A_316 : vector<16xf32>
    %eq3A_318 = arith.cmpf oeq, %get3A_299, %max3A_317 : vector<16xf32>
    %eq3A_319 = arith.cmpf oeq, %get3A_304, %max3A_317 : vector<16xf32>
    %eq3A_320 = arith.cmpf oeq, %get3A_309, %max3A_317 : vector<16xf32>
    %jit3A_321 = arith.constant 2 : i32
    %jit3A_322 = arith.constant 3 : i32
    %broadcast_in_dim3A_323 = vector.broadcast %jit3A_321 : i32 to vector<16xi32>
    %broadcast_in_dim3A_324 = vector.broadcast %jit3A_322 : i32 to vector<16xi32>
    %select_n3A_325 = arith.select %eq3A_320, %broadcast_in_dim3A_323, %broadcast_in_dim3A_324 : vector<16xi1>, vector<16xi32>
    %jit3A_326 = arith.constant 1 : i32
    %broadcast_in_dim3A_327 = vector.broadcast %jit3A_326 : i32 to vector<16xi32>
    %select_n3A_328 = arith.select %eq3A_319, %broadcast_in_dim3A_327, %select_n3A_325 : vector<16xi1>, vector<16xi32>
    %jit3A_329 = arith.constant 0 : i32
    %broadcast_in_dim3A_330 = vector.broadcast %jit3A_329 : i32 to vector<16xi32>
    %select_n3A_331 = arith.select %eq3A_318, %broadcast_in_dim3A_330, %select_n3A_328 : vector<16xi1>, vector<16xi32>
    %eq3A_332 = arith.constant 0 : i32
    %eq3A_333 = vector.broadcast %eq3A_332 : i32 to vector<16xi32>
    %eq3A_334 = arith.cmpi eq, %select_n3A_331, %eq3A_333 : vector<16xi32>
    %jit3A_335 = arith.constant 0xFF800000 : f32
    %broadcast_in_dim3A_336 = vector.broadcast %jit3A_335 : f32 to vector<16xf32>
    %select_n3A_337 = arith.select %eq3A_334, %broadcast_in_dim3A_336, %get3A_299 : vector<16xi1>, vector<16xf32>
    %eq3A_338 = arith.constant 1 : i32
    %eq3A_339 = vector.broadcast %eq3A_338 : i32 to vector<16xi32>
    %eq3A_340 = arith.cmpi eq, %select_n3A_331, %eq3A_339 : vector<16xi32>
    %jit3A_341 = arith.constant 0xFF800000 : f32
    %broadcast_in_dim3A_342 = vector.broadcast %jit3A_341 : f32 to vector<16xf32>
    %select_n3A_343 = arith.select %eq3A_340, %broadcast_in_dim3A_342, %get3A_304 : vector<16xi1>, vector<16xf32>
    %eq3A_344 = arith.constant 2 : i32
    %eq3A_345 = vector.broadcast %eq3A_344 : i32 to vector<16xi32>
    %eq3A_346 = arith.cmpi eq, %select_n3A_331, %eq3A_345 : vector<16xi32>
    %jit3A_347 = arith.constant 0xFF800000 : f32
    %broadcast_in_dim3A_348 = vector.broadcast %jit3A_347 : f32 to vector<16xf32>
    %select_n3A_349 = arith.select %eq3A_346, %broadcast_in_dim3A_348, %get3A_309 : vector<16xi1>, vector<16xf32>
    %eq3A_350 = arith.constant 3 : i32
    %eq3A_351 = vector.broadcast %eq3A_350 : i32 to vector<16xi32>
    %eq3A_352 = arith.cmpi eq, %select_n3A_331, %eq3A_351 : vector<16xi32>
    %jit3A_353 = arith.constant 0xFF800000 : f32
    %broadcast_in_dim3A_354 = vector.broadcast %jit3A_353 : f32 to vector<16xf32>
    %select_n3A_355 = arith.select %eq3A_352, %broadcast_in_dim3A_354, %get3A_314 : vector<16xi1>, vector<16xf32>
    %max3A_356 = arith.maximumf %select_n3A_337, %select_n3A_343 : vector<16xf32>
    %max3A_357 = arith.maximumf %select_n3A_349, %select_n3A_355 : vector<16xf32>
    %max3A_358 = arith.maximumf %max3A_356, %max3A_357 : vector<16xf32>
    %eq3A_359 = arith.cmpf oeq, %select_n3A_337, %max3A_358 : vector<16xf32>
    %eq3A_360 = arith.cmpf oeq, %select_n3A_343, %max3A_358 : vector<16xf32>
    %eq3A_361 = arith.cmpf oeq, %select_n3A_349, %max3A_358 : vector<16xf32>
    %jit3A_362 = arith.constant 2 : i32
    %jit3A_363 = arith.constant 3 : i32
    %broadcast_in_dim3A_364 = vector.broadcast %jit3A_362 : i32 to vector<16xi32>
    %broadcast_in_dim3A_365 = vector.broadcast %jit3A_363 : i32 to vector<16xi32>
    %select_n3A_366 = arith.select %eq3A_361, %broadcast_in_dim3A_364, %broadcast_in_dim3A_365 : vector<16xi1>, vector<16xi32>
    %jit3A_367 = arith.constant 1 : i32
    %broadcast_in_dim3A_368 = vector.broadcast %jit3A_367 : i32 to vector<16xi32>
    %select_n3A_369 = arith.select %eq3A_360, %broadcast_in_dim3A_368, %select_n3A_366 : vector<16xi1>, vector<16xi32>
    %jit3A_370 = arith.constant 0 : i32
    %broadcast_in_dim3A_371 = vector.broadcast %jit3A_370 : i32 to vector<16xi32>
    %select_n3A_372 = arith.select %eq3A_359, %broadcast_in_dim3A_371, %select_n3A_369 : vector<16xi1>, vector<16xi32>
    %sub3A_373 = arith.subf %max3A_358, %max3A_317 : vector<16xf32>
    %exp3A_374 = math.exp %sub3A_373 : vector<16xf32>
    %add3A_375 = arith.constant 1.000000e+00 : f32
    %add3A_376 = vector.broadcast %add3A_375 : f32 to vector<16xf32>
    %add3A_377 = arith.addf %add3A_376, %exp3A_374 : vector<16xf32>
    %div3A_378 = arith.constant 1.000000e+00 : f32
    %div3A_379 = vector.broadcast %div3A_378 : f32 to vector<16xf32>
    %div3A_380 = arith.divf %div3A_379, %add3A_377 : vector<16xf32>
    %mul3A_381 = arith.mulf %exp3A_374, %div3A_380 : vector<16xf32>
    %eq3A_382 = arith.constant 0 : i32
    %eq3A_383 = vector.broadcast %eq3A_382 : i32 to vector<16xi32>
    %eq3A_384 = arith.cmpi eq, %select_n3A_331, %eq3A_383 : vector<16xi32>
    %eq3A_385 = arith.constant 0 : i32
    %eq3A_386 = vector.broadcast %eq3A_385 : i32 to vector<16xi32>
    %eq3A_387 = arith.cmpi eq, %select_n3A_372, %eq3A_386 : vector<16xi32>
    %jit3A_388 = arith.constant 0.000000e+00 : f32
    %broadcast_in_dim3A_389 = vector.broadcast %jit3A_388 : f32 to vector<16xf32>
    %select_n3A_390 = arith.select %eq3A_387, %mul3A_381, %broadcast_in_dim3A_389 : vector<16xi1>, vector<16xf32>
    %select_n3A_391 = arith.select %eq3A_384, %div3A_380, %select_n3A_390 : vector<16xi1>, vector<16xf32>
    %swap3A_392 = arith.constant 0 : i32
    %swap3A_393 = arith.index_cast %swap3A_392 : i32 to index
    %swap3A_394 = arith.constant 32 : index
    %swap3A_395 = tpu.vector_load %arg5[%swap3A_393, %swap3A_394] {strides = array<i32>} : memref<4x512xf32, #tpu.memory_space<vmem>>, vector<1x16xf32>,
    %swap3A_396 = vector.shape_cast %swap3A_395 : vector<1x16xf32> to vector<16xf32>
    %swap3A_397 = vector.shape_cast %select_n3A_391 : vector<16xf32> to vector<1x16xf32>
    tpu.vector_store %arg5[%swap3A_393, %swap3A_394], %swap3A_397 {strides = array<i32>} : memref<4x512xf32, #tpu.memory_space<vmem>>, vector<1x16xf32>,
    %eq3A_398 = arith.constant 1 : i32
    %eq3A_399 = vector.broadcast %eq3A_398 : i32 to vector<16xi32>
    %eq3A_400 = arith.cmpi eq, %select_n3A_331, %eq3A_399 : vector<16xi32>
    %eq3A_401 = arith.constant 1 : i32
    %eq3A_402 = vector.broadcast %eq3A_401 : i32 to vector<16xi32>
    %eq3A_403 = arith.cmpi eq, %select_n3A_372, %eq3A_402 : vector<16xi32>
    %jit3A_404 = arith.constant 0.000000e+00 : f32
    %broadcast_in_dim3A_405 = vector.broadcast %jit3A_404 : f32 to vector<16xf32>
    %select_n3A_406 = arith.select %eq3A_403, %mul3A_381, %broadcast_in_dim3A_405 : vector<16xi1>, vector<16xf32>
    %select_n3A_407 = arith.select %eq3A_400, %div3A_380, %select_n3A_406 : vector<16xi1>, vector<16xf32>
    %swap3A_408 = arith.constant 1 : i32
    %swap3A_409 = arith.index_cast %swap3A_408 : i32 to index
    %swap3A_410 = arith.constant 32 : index
    %swap3A_411 = tpu.vector_load %arg5[%swap3A_409, %swap3A_410] {strides = array<i32>} : memref<4x512xf32, #tpu.memory_space<vmem>>, vector<1x16xf32>,
    %swap3A_412 = vector.shape_cast %swap3A_411 : vector<1x16xf32> to vector<16xf32>
    %swap3A_413 = vector.shape_cast %select_n3A_407 : vector<16xf32> to vector<1x16xf32>
    tpu.vector_store %arg5[%swap3A_409, %swap3A_410], %swap3A_413 {strides = array<i32>} : memref<4x512xf32, #tpu.memory_space<vmem>>, vector<1x16xf32>,
    %eq3A_414 = arith.constant 2 : i32
    %eq3A_415 = vector.broadcast %eq3A_414 : i32 to vector<16xi32>
    %eq3A_416 = arith.cmpi eq, %select_n3A_331, %eq3A_415 : vector<16xi32>
    %eq3A_417 = arith.constant 2 : i32
    %eq3A_418 = vector.broadcast %eq3A_417 : i32 to vector<16xi32>
    %eq3A_419 = arith.cmpi eq, %select_n3A_372, %eq3A_418 : vector<16xi32>
    %jit3A_420 = arith.constant 0.000000e+00 : f32
    %broadcast_in_dim3A_421 = vector.broadcast %jit3A_420 : f32 to vector<16xf32>
    %select_n3A_422 = arith.select %eq3A_419, %mul3A_381, %broadcast_in_dim3A_421 : vector<16xi1>, vector<16xf32>
    %select_n3A_423 = arith.select %eq3A_416, %div3A_380, %select_n3A_422 : vector<16xi1>, vector<16xf32>
    %swap3A_424 = arith.constant 2 : i32
    %swap3A_425 = arith.index_cast %swap3A_424 : i32 to index
    %swap3A_426 = arith.constant 32 : index
    %swap3A_427 = tpu.vector_load %arg5[%swap3A_425, %swap3A_426] {strides = array<i32>} : memref<4x512xf32, #tpu.memory_space<vmem>>, vector<1x16xf32>,
    %swap3A_428 = vector.shape_cast %swap3A_427 : vector<1x16xf32> to vector<16xf32>
    %swap3A_429 = vector.shape_cast %select_n3A_423 : vector<16xf32> to vector<1x16xf32>
    tpu.vector_store %arg5[%swap3A_425, %swap3A_426], %swap3A_429 {strides = array<i32>} : memref<4x512xf32, #tpu.memory_space<vmem>>, vector<1x16xf32>,
    %eq3A_430 = arith.constant 3 : i32
    %eq3A_431 = vector.broadcast %eq3A_430 : i32 to vector<16xi32>
    %eq3A_432 = arith.cmpi eq, %select_n3A_331, %eq3A_431 : vector<16xi32>
    %eq3A_433 = arith.constant 3 : i32
    %eq3A_434 = vector.broadcast %eq3A_433 : i32 to vector<16xi32>
    %eq3A_435 = arith.cmpi eq, %select_n3A_372, %eq3A_434 : vector<16xi32>
    %jit3A_436 = arith.constant 0.000000e+00 : f32
    %broadcast_in_dim3A_437 = vector.broadcast %jit3A_436 : f32 to vector<16xf32>
    %select_n3A_438 = arith.select %eq3A_435, %mul3A_381, %broadcast_in_dim3A_437 : vector<16xi1>, vector<16xf32>
    %select_n3A_439 = arith.select %eq3A_432, %div3A_380, %select_n3A_438 : vector<16xi1>, vector<16xf32>
    %swap3A_440 = arith.constant 3 : i32
    %swap3A_441 = arith.index_cast %swap3A_440 : i32 to index
    %swap3A_442 = arith.constant 32 : index
    %swap3A_443 = tpu.vector_load %arg5[%swap3A_441, %swap3A_442] {strides = array<i32>} : memref<4x512xf32, #tpu.memory_space<vmem>>, vector<1x16xf32>,
    %swap3A_444 = vector.shape_cast %swap3A_443 : vector<1x16xf32> to vector<16xf32>
    %swap3A_445 = vector.shape_cast %select_n3A_439 : vector<16xf32> to vector<1x16xf32>
    tpu.vector_store %arg5[%swap3A_441, %swap3A_442], %swap3A_445 {strides = array<i32>} : memref<4x512xf32, #tpu.memory_space<vmem>>, vector<1x16xf32>,
    %get3A_446 = arith.constant 0 : i32
    %get3A_447 = arith.index_cast %get3A_446 : i32 to index
    %get3A_448 = arith.constant 48 : index
    %get3A_449 = tpu.vector_load %arg4[%get3A_447, %get3A_448] {strides = array<i32>} : memref<4x512xf32, #tpu.memory_space<vmem>>, vector<1x16xf32>,
    %get3A_450 = vector.shape_cast %get3A_449 : vector<1x16xf32> to vector<16xf32>
    %get3A_451 = arith.constant 1 : i32
    %get3A_452 = arith.index_cast %get3A_451 : i32 to index
    %get3A_453 = arith.constant 48 : index
    %get3A_454 = tpu.vector_load %arg4[%get3A_452, %get3A_453] {strides = array<i32>} : memref<4x512xf32, #tpu.memory_space<vmem>>, vector<1x16xf32>,
    %get3A_455 = vector.shape_cast %get3A_454 : vector<1x16xf32> to vector<16xf32>
    %get3A_456 = arith.constant 2 : i32
    %get3A_457 = arith.index_cast %get3A_456 : i32 to index
    %get3A_458 = arith.constant 48 : index
    %get3A_459 = tpu.vector_load %arg4[%get3A_457, %get3A_458] {strides = array<i32>} : memref<4x512xf32, #tpu.memory_space<vmem>>, vector<1x16xf32>,
    %get3A_460 = vector.shape_cast %get3A_459 : vector<1x16xf32> to vector<16xf32>
    %get3A_461 = arith.constant 3 : i32
    %get3A_462 = arith.index_cast %get3A_461 : i32 to index
    %get3A_463 = arith.constant 48 : index
    %get3A_464 = tpu.vector_load %arg4[%get3A_462, %get3A_463] {strides = array<i32>} : memref<4x512xf32, #tpu.memory_space<vmem>>, vector<1x16xf32>,
    %get3A_465 = vector.shape_cast %get3A_464 : vector<1x16xf32> to vector<16xf32>
    %max3A_466 = arith.maximumf %get3A_450, %get3A_455 : vector<16xf32>
    %max3A_467 = arith.maximumf %get3A_460, %get3A_465 : vector<16xf32>
    %max3A_468 = arith.maximumf %max3A_466, %max3A_467 : vector<16xf32>
    %eq3A_469 = arith.cmpf oeq, %get3A_450, %max3A_468 : vector<16xf32>
    %eq3A_470 = arith.cmpf oeq, %get3A_455, %max3A_468 : vector<16xf32>
    %eq3A_471 = arith.cmpf oeq, %get3A_460, %max3A_468 : vector<16xf32>
    %jit3A_472 = arith.constant 2 : i32
    %jit3A_473 = arith.constant 3 : i32
    %broadcast_in_dim3A_474 = vector.broadcast %jit3A_472 : i32 to vector<16xi32>
    %broadcast_in_dim3A_475 = vector.broadcast %jit3A_473 : i32 to vector<16xi32>
    %select_n3A_476 = arith.select %eq3A_471, %broadcast_in_dim3A_474, %broadcast_in_dim3A_475 : vector<16xi1>, vector<16xi32>
    %jit3A_477 = arith.constant 1 : i32
    %broadcast_in_dim3A_478 = vector.broadcast %jit3A_477 : i32 to vector<16xi32>
    %select_n3A_479 = arith.select %eq3A_470, %broadcast_in_dim3A_478, %select_n3A_476 : vector<16xi1>, vector<16xi32>
    %jit3A_480 = arith.constant 0 : i32
    %broadcast_in_dim3A_481 = vector.broadcast %jit3A_480 : i32 to vector<16xi32>
    %select_n3A_482 = arith.select %eq3A_469, %broadcast_in_dim3A_481, %select_n3A_479 : vector<16xi1>, vector<16xi32>
    %eq3A_483 = arith.constant 0 : i32
    %eq3A_484 = vector.broadcast %eq3A_483 : i32 to vector<16xi32>
    %eq3A_485 = arith.cmpi eq, %select_n3A_482, %eq3A_484 : vector<16xi32>
    %jit3A_486 = arith.constant 0xFF800000 : f32
    %broadcast_in_dim3A_487 = vector.broadcast %jit3A_486 : f32 to vector<16xf32>
    %select_n3A_488 = arith.select %eq3A_485, %broadcast_in_dim3A_487, %get3A_450 : vector<16xi1>, vector<16xf32>
    %eq3A_489 = arith.constant 1 : i32
    %eq3A_490 = vector.broadcast %eq3A_489 : i32 to vector<16xi32>
    %eq3A_491 = arith.cmpi eq, %select_n3A_482, %eq3A_490 : vector<16xi32>
    %jit3A_492 = arith.constant 0xFF800000 : f32
    %broadcast_in_dim3A_493 = vector.broadcast %jit3A_492 : f32 to vector<16xf32>
    %select_n3A_494 = arith.select %eq3A_491, %broadcast_in_dim3A_493, %get3A_455 : vector<16xi1>, vector<16xf32>
    %eq3A_495 = arith.constant 2 : i32
    %eq3A_496 = vector.broadcast %eq3A_495 : i32 to vector<16xi32>
    %eq3A_497 = arith.cmpi eq, %select_n3A_482, %eq3A_496 : vector<16xi32>
    %jit3A_498 = arith.constant 0xFF800000 : f32
    %broadcast_in_dim3A_499 = vector.broadcast %jit3A_498 : f32 to vector<16xf32>
    %select_n3A_500 = arith.select %eq3A_497, %broadcast_in_dim3A_499, %get3A_460 : vector<16xi1>, vector<16xf32>
    %eq3A_501 = arith.constant 3 : i32
    %eq3A_502 = vector.broadcast %eq3A_501 : i32 to vector<16xi32>
    %eq3A_503 = arith.cmpi eq, %select_n3A_482, %eq3A_502 : vector<16xi32>
    %jit3A_504 = arith.constant 0xFF800000 : f32
    %broadcast_in_dim3A_505 = vector.broadcast %jit3A_504 : f32 to vector<16xf32>
    %select_n3A_506 = arith.select %eq3A_503, %broadcast_in_dim3A_505, %get3A_465 : vector<16xi1>, vector<16xf32>
    %max3A_507 = arith.maximumf %select_n3A_488, %select_n3A_494 : vector<16xf32>
    %max3A_508 = arith.maximumf %select_n3A_500, %select_n3A_506 : vector<16xf32>
    %max3A_509 = arith.maximumf %max3A_507, %max3A_508 : vector<16xf32>
    %eq3A_510 = arith.cmpf oeq, %select_n3A_488, %max3A_509 : vector<16xf32>
    %eq3A_511 = arith.cmpf oeq, %select_n3A_494, %max3A_509 : vector<16xf32>
    %eq3A_512 = arith.cmpf oeq, %select_n3A_500, %max3A_509 : vector<16xf32>
    %jit3A_513 = arith.constant 2 : i32
    %jit3A_514 = arith.constant 3 : i32
    %broadcast_in_dim3A_515 = vector.broadcast %jit3A_513 : i32 to vector<16xi32>
    %broadcast_in_dim3A_516 = vector.broadcast %jit3A_514 : i32 to vector<16xi32>
    %select_n3A_517 = arith.select %eq3A_512, %broadcast_in_dim3A_515, %broadcast_in_dim3A_516 : vector<16xi1>, vector<16xi32>
    %jit3A_518 = arith.constant 1 : i32
    %broadcast_in_dim3A_519 = vector.broadcast %jit3A_518 : i32 to vector<16xi32>
    %select_n3A_520 = arith.select %eq3A_511, %broadcast_in_dim3A_519, %select_n3A_517 : vector<16xi1>, vector<16xi32>
    %jit3A_521 = arith.constant 0 : i32
    %broadcast_in_dim3A_522 = vector.broadcast %jit3A_521 : i32 to vector<16xi32>
    %select_n3A_523 = arith.select %eq3A_510, %broadcast_in_dim3A_522, %select_n3A_520 : vector<16xi1>, vector<16xi32>
    %sub3A_524 = arith.subf %max3A_509, %max3A_468 : vector<16xf32>
    %exp3A_525 = math.exp %sub3A_524 : vector<16xf32>
    %add3A_526 = arith.constant 1.000000e+00 : f32
    %add3A_527 = vector.broadcast %add3A_526 : f32 to vector<16xf32>
    %add3A_528 = arith.addf %add3A_527, %exp3A_525 : vector<16xf32>
    %div3A_529 = arith.constant 1.000000e+00 : f32
    %div3A_530 = vector.broadcast %div3A_529 : f32 to vector<16xf32>
    %div3A_531 = arith.divf %div3A_530, %add3A_528 : vector<16xf32>
    %mul3A_532 = arith.mulf %exp3A_525, %div3A_531 : vector<16xf32>
    %eq3A_533 = arith.constant 0 : i32
    %eq3A_534 = vector.broadcast %eq3A_533 : i32 to vector<16xi32>
    %eq3A_535 = arith.cmpi eq, %select_n3A_482, %eq3A_534 : vector<16xi32>
    %eq3A_536 = arith.constant 0 : i32
    %eq3A_537 = vector.broadcast %eq3A_536 : i32 to vector<16xi32>
    %eq3A_538 = arith.cmpi eq, %select_n3A_523, %eq3A_537 : vector<16xi32>
    %jit3A_539 = arith.constant 0.000000e+00 : f32
    %broadcast_in_dim3A_540 = vector.broadcast %jit3A_539 : f32 to vector<16xf32>
    %select_n3A_541 = arith.select %eq3A_538, %mul3A_532, %broadcast_in_dim3A_540 : vector<16xi1>, vector<16xf32>
    %select_n3A_542 = arith.select %eq3A_535, %div3A_531, %select_n3A_541 : vector<16xi1>, vector<16xf32>
    %swap3A_543 = arith.constant 0 : i32
    %swap3A_544 = arith.index_cast %swap3A_543 : i32 to index
    %swap3A_545 = arith.constant 48 : index
    %swap3A_546 = tpu.vector_load %arg5[%swap3A_544, %swap3A_545] {strides = array<i32>} : memref<4x512xf32, #tpu.memory_space<vmem>>, vector<1x16xf32>,
    %swap3A_547 = vector.shape_cast %swap3A_546 : vector<1x16xf32> to vector<16xf32>
    %swap3A_548 = vector.shape_cast %select_n3A_542 : vector<16xf32> to vector<1x16xf32>
    tpu.vector_store %arg5[%swap3A_544, %swap3A_545], %swap3A_548 {strides = array<i32>} : memref<4x512xf32, #tpu.memory_space<vmem>>, vector<1x16xf32>,
    %eq3A_549 = arith.constant 1 : i32
    %eq3A_550 = vector.broadcast %eq3A_549 : i32 to vector<16xi32>
    %eq3A_551 = arith.cmpi eq, %select_n3A_482, %eq3A_550 : vector<16xi32>
    %eq3A_552 = arith.constant 1 : i32
    %eq3A_553 = vector.broadcast %eq3A_552 : i32 to vector<16xi32>
    %eq3A_554 = arith.cmpi eq, %select_n3A_523, %eq3A_553 : vector<16xi32>
    %jit3A_555 = arith.constant 0.000000e+00 : f32
    %broadcast_in_dim3A_556 = vector.broadcast %jit3A_555 : f32 to vector<16xf32>
    %select_n3A_557 = arith.select %eq3A_554, %mul3A_532, %broadcast_in_dim3A_556 : vector<16xi1>, vector<16xf32>
    %select_n3A_558 = arith.select %eq3A_551, %div3A_531, %select_n3A_557 : vector<16xi1>, vector<16xf32>
    %swap3A_559 = arith.constant 1 : i32
    %swap3A_560 = arith.index_cast %swap3A_559 : i32 to index
    %swap3A_561 = arith.constant 48 : index
    %swap3A_562 = tpu.vector_load %arg5[%swap3A_560, %swap3A_561] {strides = array<i32>} : memref<4x512xf32, #tpu.memory_space<vmem>>, vector<1x16xf32>,
    %swap3A_563 = vector.shape_cast %swap3A_562 : vector<1x16xf32> to vector<16xf32>
    %swap3A_564 = vector.shape_cast %select_n3A_558 : vector<16xf32> to vector<1x16xf32>
    tpu.vector_store %arg5[%swap3A_560, %swap3A_561], %swap3A_564 {strides = array<i32>} : memref<4x512xf32, #tpu.memory_space<vmem>>, vector<1x16xf32>,
    %eq3A_565 = arith.constant 2 : i32
    %eq3A_566 = vector.broadcast %eq3A_565 : i32 to vector<16xi32>
    %eq3A_567 = arith.cmpi eq, %select_n3A_482, %eq3A_566 : vector<16xi32>
    %eq3A_568 = arith.constant 2 : i32
    %eq3A_569 = vector.broadcast %eq3A_568 : i32 to vector<16xi32>
    %eq3A_570 = arith.cmpi eq, %select_n3A_523, %eq3A_569 : vector<16xi32>
    %jit3A_571 = arith.constant 0.000000e+00 : f32
    %broadcast_in_dim3A_572 = vector.broadcast %jit3A_571 : f32 to vector<16xf32>
    %select_n3A_573 = arith.select %eq3A_570, %mul3A_532, %broadcast_in_dim3A_572 : vector<16xi1>, vector<16xf32>
    %select_n3A_574 = arith.select %eq3A_567, %div3A_531, %select_n3A_573 : vector<16xi1>, vector<16xf32>
    %swap3A_575 = arith.constant 2 : i32
    %swap3A_576 = arith.index_cast %swap3A_575 : i32 to index
    %swap3A_577 = arith.constant 48 : index
    %swap3A_578 = tpu.vector_load %arg5[%swap3A_576, %swap3A_577] {strides = array<i32>} : memref<4x512xf32, #tpu.memory_space<vmem>>, vector<1x16xf32>,
    %swap3A_579 = vector.shape_cast %swap3A_578 : vector<1x16xf32> to vector<16xf32>
    %swap3A_580 = vector.shape_cast %select_n3A_574 : vector<16xf32> to vector<1x16xf32>
    tpu.vector_store %arg5[%swap3A_576, %swap3A_577], %swap3A_580 {strides = array<i32>} : memref<4x512xf32, #tpu.memory_space<vmem>>, vector<1x16xf32>,
    %eq3A_581 = arith.constant 3 : i32
    %eq3A_582 = vector.broadcast %eq3A_581 : i32 to vector<16xi32>
    %eq3A_583 = arith.cmpi eq, %select_n3A_482, %eq3A_582 : vector<16xi32>
    %eq3A_584 = arith.constant 3 : i32
    %eq3A_585 = vector.broadcast %eq3A_584 : i32 to vector<16xi32>
    %eq3A_586 = arith.cmpi eq, %select_n3A_523, %eq3A_585 : vector<16xi32>
    %jit3A_587 = arith.constant 0.000000e+00 : f32
    %broadcast_in_dim3A_588 = vector.broadcast %jit3A_587 : f32 to vector<16xf32>
    %select_n3A_589 = arith.select %eq3A_586, %mul3A_532, %broadcast_in_dim3A_588 : vector<16xi1>, vector<16xf32>
    %select_n3A_590 = arith.select %eq3A_583, %div3A_531, %select_n3A_589 : vector<16xi1>, vector<16xf32>
    %swap3A_591 = arith.constant 3 : i32
    %swap3A_592 = arith.index_cast %swap3A_591 : i32 to index
    %swap3A_593 = arith.constant 48 : index
    %swap3A_594 = tpu.vector_load %arg5[%swap3A_592, %swap3A_593] {strides = array<i32>} : memref<4x512xf32, #tpu.memory_space<vmem>>, vector<1x16xf32>,
    %swap3A_595 = vector.shape_cast %swap3A_594 : vector<1x16xf32> to vector<16xf32>
    %swap3A_596 = vector.shape_cast %select_n3A_590 : vector<16xf32> to vector<1x16xf32>
    tpu.vector_store %arg5[%swap3A_592, %swap3A_593], %swap3A_596 {strides = array<i32>} : memref<4x512xf32, #tpu.memory_space<vmem>>, vector<1x16xf32>,
    %get3A_597 = arith.constant 0 : i32
    %get3A_598 = arith.index_cast %get3A_597 : i32 to index
    %get3A_599 = arith.constant 64 : index
    %get3A_600 = tpu.vector_load %arg4[%get3A_598, %get3A_599] {strides = array<i32>} : memref<4x512xf32, #tpu.memory_space<vmem>>, vector<1x16xf32>,
    %get3A_601 = vector.shape_cast %get3A_600 : vector<1x16xf32> to vector<16xf32>
    %get3A_602 = arith.constant 1 : i32
    %get3A_603 = arith.index_cast %get3A_602 : i32 to index
    %get3A_604 = arith.constant 64 : index
    %get3A_605 = tpu.vector_load %arg4[%get3A_603, %get3A_604] {strides = array<i32>} : memref<4x512xf32, #tpu.memory_space<vmem>>, vector<1x16xf32>,
    %get3A_606 = vector.shape_cast %get3A_605 : vector<1x16xf32> to vector<16xf32>
    %get3A_607 = arith.constant 2 : i32
    %get3A_608 = arith.index_cast %get3A_607 : i32 to index
    %get3A_609 = arith.constant 64 : index
    %get3A_610 = tpu.vector_load %arg4[%get3A_608, %get3A_609] {strides = array<i32>} : memref<4x512xf32, #tpu.memory_space<vmem>>, vector<1x16xf32>,
    %get3A_611 = vector.shape_cast %get3A_610 : vector<1x16xf32> to vector<16xf32>
    %get3A_612 = arith.constant 3 : i32
    %get3A_613 = arith.index_cast %get3A_612 : i32 to index
    %get3A_614 = arith.constant 64 : index
    %get3A_615 = tpu.vector_load %arg4[%get3A_613, %get3A_614] {strides = array<i32>} : memref<4x512xf32, #tpu.memory_space<vmem>>, vector<1x16xf32>,
    %get3A_616 = vector.shape_cast %get3A_615 : vector<1x16xf32> to vector<16xf32>
    %max3A_617 = arith.maximumf %get3A_601, %get3A_606 : vector<16xf32>
    %max3A_618 = arith.maximumf %get3A_611, %get3A_616 : vector<16xf32>
    %max3A_619 = arith.maximumf %max3A_617, %max3A_618 : vector<16xf32>
    %eq3A_620 = arith.cmpf oeq, %get3A_601, %max3A_619 : vector<16xf32>
    %eq3A_621 = arith.cmpf oeq, %get3A_606, %max3A_619 : vector<16xf32>
    %eq3A_622 = arith.cmpf oeq, %get3A_611, %max3A_619 : vector<16xf32>
    %jit3A_623 = arith.constant 2 : i32
    %jit3A_624 = arith.constant 3 : i32
    %broadcast_in_dim3A_625 = vector.broadcast %jit3A_623 : i32 to vector<16xi32>
    %broadcast_in_dim3A_626 = vector.broadcast %jit3A_624 : i32 to vector<16xi32>
    %select_n3A_627 = arith.select %eq3A_622, %broadcast_in_dim3A_625, %broadcast_in_dim3A_626 : vector<16xi1>, vector<16xi32>
    %jit3A_628 = arith.constant 1 : i32
    %broadcast_in_dim3A_629 = vector.broadcast %jit3A_628 : i32 to vector<16xi32>
    %select_n3A_630 = arith.select %eq3A_621, %broadcast_in_dim3A_629, %select_n3A_627 : vector<16xi1>, vector<16xi32>
    %jit3A_631 = arith.constant 0 : i32
    %broadcast_in_dim3A_632 = vector.broadcast %jit3A_631 : i32 to vector<16xi32>
    %select_n3A_633 = arith.select %eq3A_620, %broadcast_in_dim3A_632, %select_n3A_630 : vector<16xi1>, vector<16xi32>
    %eq3A_634 = arith.constant 0 : i32
    %eq3A_635 = vector.broadcast %eq3A_634 : i32 to vector<16xi32>
    %eq3A_636 = arith.cmpi eq, %select_n3A_633, %eq3A_635 : vector<16xi32>
    %jit3A_637 = arith.constant 0xFF800000 : f32
    %broadcast_in_dim3A_638 = vector.broadcast %jit3A_637 : f32 to vector<16xf32>
    %select_n3A_639 = arith.select %eq3A_636, %broadcast_in_dim3A_638, %get3A_601 : vector<16xi1>, vector<16xf32>
    %eq3A_640 = arith.constant 1 : i32
    %eq3A_641 = vector.broadcast %eq3A_640 : i32 to vector<16xi32>
    %eq3A_642 = arith.cmpi eq, %select_n3A_633, %eq3A_641 : vector<16xi32>
    %jit3A_643 = arith.constant 0xFF800000 : f32
    %broadcast_in_dim3A_644 = vector.broadcast %jit3A_643 : f32 to vector<16xf32>
    %select_n3A_645 = arith.select %eq3A_642, %broadcast_in_dim3A_644, %get3A_606 : vector<16xi1>, vector<16xf32>
    %eq3A_646 = arith.constant 2 : i32
    %eq3A_647 = vector.broadcast %eq3A_646 : i32 to vector<16xi32>
    %eq3A_648 = arith.cmpi eq, %select_n3A_633, %eq3A_647 : vector<16xi32>
    %jit3A_649 = arith.constant 0xFF800000 : f32
    %broadcast_in_dim3A_650 = vector.broadcast %jit3A_649 : f32 to vector<16xf32>
    %select_n3A_651 = arith.select %eq3A_648, %broadcast_in_dim3A_650, %get3A_611 : vector<16xi1>, vector<16xf32>
    %eq3A_652 = arith.constant 3 : i32
    %eq3A_653 = vector.broadcast %eq3A_652 : i32 to vector<16xi32>
    %eq3A_654 = arith.cmpi eq, %select_n3A_633, %eq3A_653 : vector<16xi32>
    %jit3A_655 = arith.constant 0xFF800000 : f32
    %broadcast_in_dim3A_656 = vector.broadcast %jit3A_655 : f32 to vector<16xf32>
    %select_n3A_657 = arith.select %eq3A_654, %broadcast_in_dim3A_656, %get3A_616 : vector<16xi1>, vector<16xf32>
    %max3A_658 = arith.maximumf %select_n3A_639, %select_n3A_645 : vector<16xf32>
    %max3A_659 = arith.maximumf %select_n3A_651, %select_n3A_657 : vector<16xf32>
    %max3A_660 = arith.maximumf %max3A_658, %max3A_659 : vector<16xf32>
    %eq3A_661 = arith.cmpf oeq, %select_n3A_639, %max3A_660 : vector<16xf32>
    %eq3A_662 = arith.cmpf oeq, %select_n3A_645, %max3A_660 : vector<16xf32>
    %eq3A_663 = arith.cmpf oeq, %select_n3A_651, %max3A_660 : vector<16xf32>
    %jit3A_664 = arith.constant 2 : i32
    %jit3A_665 = arith.constant 3 : i32
    %broadcast_in_dim3A_666 = vector.broadcast %jit3A_664 : i32 to vector<16xi32>
    %broadcast_in_dim3A_667 = vector.broadcast %jit3A_665 : i32 to vector<16xi32>
    %select_n3A_668 = arith.select %eq3A_663, %broadcast_in_dim3A_666, %broadcast_in_dim3A_667 : vector<16xi1>, vector<16xi32>
    %jit3A_669 = arith.constant 1 : i32
    %broadcast_in_dim3A_670 = vector.broadcast %jit3A_669 : i32 to vector<16xi32>
    %select_n3A_671 = arith.select %eq3A_662, %broadcast_in_dim3A_670, %select_n3A_668 : vector<16xi1>, vector<16xi32>
    %jit3A_672 = arith.constant 0 : i32
    %broadcast_in_dim3A_673 = vector.broadcast %jit3A_672 : i32 to vector<16xi32>
    %select_n3A_674 = arith.select %eq3A_661, %broadcast_in_dim3A_673, %select_n3A_671 : vector<16xi1>, vector<16xi32>
    %sub3A_675 = arith.subf %max3A_660, %max3A_619 : vector<16xf32>
    %exp3A_676 = math.exp %sub3A_675 : vector<16xf32>
    %add3A_677 = arith.constant 1.000000e+00 : f32
    %add3A_678 = vector.broadcast %add3A_677 : f32 to vector<16xf32>
    %add3A_679 = arith.addf %add3A_678, %exp3A_676 : vector<16xf32>
    %div3A_680 = arith.constant 1.000000e+00 : f32
    %div3A_681 = vector.broadcast %div3A_680 : f32 to vector<16xf32>
    %div3A_682 = arith.divf %div3A_681, %add3A_679 : vector<16xf32>
    %mul3A_683 = arith.mulf %exp3A_676, %div3A_682 : vector<16xf32>
    %eq3A_684 = arith.constant 0 : i32
    %eq3A_685 = vector.broadcast %eq3A_684 : i32 to vector<16xi32>
    %eq3A_686 = arith.cmpi eq, %select_n3A_633, %eq3A_685 : vector<16xi32>
    %eq3A_687 = arith.constant 0 : i32
    %eq3A_688 = vector.broadcast %eq3A_687 : i32 to vector<16xi32>
    %eq3A_689 = arith.cmpi eq, %select_n3A_674, %eq3A_688 : vector<16xi32>
    %jit3A_690 = arith.constant 0.000000e+00 : f32
    %broadcast_in_dim3A_691 = vector.broadcast %jit3A_690 : f32 to vector<16xf32>
    %select_n3A_692 = arith.select %eq3A_689, %mul3A_683, %broadcast_in_dim3A_691 : vector<16xi1>, vector<16xf32>
    %select_n3A_693 = arith.select %eq3A_686, %div3A_682, %select_n3A_692 : vector<16xi1>, vector<16xf32>
    %swap3A_694 = arith.constant 0 : i32
    %swap3A_695 = arith.index_cast %swap3A_694 : i32 to index
    %swap3A_696 = arith.constant 64 : index
    %swap3A_697 = tpu.vector_load %arg5[%swap3A_695, %swap3A_696] {strides = array<i32>} : memref<4x512xf32, #tpu.memory_space<vmem>>, vector<1x16xf32>,
    %swap3A_698 = vector.shape_cast %swap3A_697 : vector<1x16xf32> to vector<16xf32>
    %swap3A_699 = vector.shape_cast %select_n3A_693 : vector<16xf32> to vector<1x16xf32>
    tpu.vector_store %arg5[%swap3A_695, %swap3A_696], %swap3A_699 {strides = array<i32>} : memref<4x512xf32, #tpu.memory_space<vmem>>, vector<1x16xf32>,
    %eq3A_700 = arith.constant 1 : i32
    %eq3A_701 = vector.broadcast %eq3A_700 : i32 to vector<16xi32>
    %eq3A_702 = arith.cmpi eq, %select_n3A_633, %eq3A_701 : vector<16xi32>
    %eq3A_703 = arith.constant 1 : i32
    %eq3A_704 = vector.broadcast %eq3A_703 : i32 to vector<16xi32>
    %eq3A_705 = arith.cmpi eq, %select_n3A_674, %eq3A_704 : vector<16xi32>
    %jit3A_706 = arith.constant 0.000000e+00 : f32
    %broadcast_in_dim3A_707 = vector.broadcast %jit3A_706 : f32 to vector<16xf32>
    %select_n3A_708 = arith.select %eq3A_705, %mul3A_683, %broadcast_in_dim3A_707 : vector<16xi1>, vector<16xf32>
    %select_n3A_709 = arith.select %eq3A_702, %div3A_682, %select_n3A_708 : vector<16xi1>, vector<16xf32>
    %swap3A_710 = arith.constant 1 : i32
    %swap3A_711 = arith.index_cast %swap3A_710 : i32 to index
    %swap3A_712 = arith.constant 64 : index
    %swap3A_713 = tpu.vector_load %arg5[%swap3A_711, %swap3A_712] {strides = array<i32>} : memref<4x512xf32, #tpu.memory_space<vmem>>, vector<1x16xf32>,
    %swap3A_714 = vector.shape_cast %swap3A_713 : vector<1x16xf32> to vector<16xf32>
    %swap3A_715 = vector.shape_cast %select_n3A_709 : vector<16xf32> to vector<1x16xf32>
    tpu.vector_store %arg5[%swap3A_711, %swap3A_712], %swap3A_715 {strides = array<i32>} : memref<4x512xf32, #tpu.memory_space<vmem>>, vector<1x16xf32>,
    %eq3A_716 = arith.constant 2 : i32
    %eq3A_717 = vector.broadcast %eq3A_716 : i32 to vector<16xi32>
    %eq3A_718 = arith.cmpi eq, %select_n3A_633, %eq3A_717 : vector<16xi32>
    %eq3A_719 = arith.constant 2 : i32
    %eq3A_720 = vector.broadcast %eq3A_719 : i32 to vector<16xi32>
    %eq3A_721 = arith.cmpi eq, %select_n3A_674, %eq3A_720 : vector<16xi32>
    %jit3A_722 = arith.constant 0.000000e+00 : f32
    %broadcast_in_dim3A_723 = vector.broadcast %jit3A_722 : f32 to vector<16xf32>
    %select_n3A_724 = arith.select %eq3A_721, %mul3A_683, %broadcast_in_dim3A_723 : vector<16xi1>, vector<16xf32>
    %select_n3A_725 = arith.select %eq3A_718, %div3A_682, %select_n3A_724 : vector<16xi1>, vector<16xf32>
    %swap3A_726 = arith.constant 2 : i32
    %swap3A_727 = arith.index_cast %swap3A_726 : i32 to index
    %swap3A_728 = arith.constant 64 : index
    %swap3A_729 = tpu.vector_load %arg5[%swap3A_727, %swap3A_728] {strides = array<i32>} : memref<4x512xf32, #tpu.memory_space<vmem>>, vector<1x16xf32>,
    %swap3A_730 = vector.shape_cast %swap3A_729 : vector<1x16xf32> to vector<16xf32>
    %swap3A_731 = vector.shape_cast %select_n3A_725 : vector<16xf32> to vector<1x16xf32>
    tpu.vector_store %arg5[%swap3A_727, %swap3A_728], %swap3A_731 {strides = array<i32>} : memref<4x512xf32, #tpu.memory_space<vmem>>, vector<1x16xf32>,
    %eq3A_732 = arith.constant 3 : i32
    %eq3A_733 = vector.broadcast %eq3A_732 : i32 to vector<16xi32>
    %eq3A_734 = arith.cmpi eq, %select_n3A_633, %eq3A_733 : vector<16xi32>
    %eq3A_735 = arith.constant 3 : i32
    %eq3A_736 = vector.broadcast %eq3A_735 : i32 to vector<16xi32>
    %eq3A_737 = arith.cmpi eq, %select_n3A_674, %eq3A_736 : vector<16xi32>
    %jit3A_738 = arith.constant 0.000000e+00 : f32
    %broadcast_in_dim3A_739 = vector.broadcast %jit3A_738 : f32 to vector<16xf32>
    %select_n3A_740 = arith.select %eq3A_737, %mul3A_683, %broadcast_in_dim3A_739 : vector<16xi1>, vector<16xf32>
    %select_n3A_741 = arith.select %eq3A_734, %div3A_682, %select_n3A_740 : vector<16xi1>, vector<16xf32>
    %swap3A_742 = arith.constant 3 : i32
    %swap3A_743 = arith.index_cast %swap3A_742 : i32 to index
    %swap3A_744 = arith.constant 64 : index
    %swap3A_745 = tpu.vector_load %arg5[%swap3A_743, %swap3A_744] {strides = array<i32>} : memref<4x512xf32, #tpu.memory_space<vmem>>, vector<1x16xf32>,
    %swap3A_746 = vector.shape_cast %swap3A_745 : vector<1x16xf32> to vector<16xf32>
    %swap3A_747 = vector.shape_cast %select_n3A_741 : vector<16xf32> to vector<1x16xf32>
    tpu.vector_store %arg5[%swap3A_743, %swap3A_744], %swap3A_747 {strides = array<i32>} : memref<4x512xf32, #tpu.memory_space<vmem>>, vector<1x16xf32>,
    %get3A_748 = arith.constant 0 : i32
    %get3A_749 = arith.index_cast %get3A_748 : i32 to index
    %get3A_750 = arith.constant 80 : index
    %get3A_751 = tpu.vector_load %arg4[%get3A_749, %get3A_750] {strides = array<i32>} : memref<4x512xf32, #tpu.memory_space<vmem>>, vector<1x16xf32>,
    %get3A_752 = vector.shape_cast %get3A_751 : vector<1x16xf32> to vector<16xf32>
    %get3A_753 = arith.constant 1 : i32
    %get3A_754 = arith.index_cast %get3A_753 : i32 to index
    %get3A_755 = arith.constant 80 : index
    %get3A_756 = tpu.vector_load %arg4[%get3A_754, %get3A_755] {strides = array<i32>} : memref<4x512xf32, #tpu.memory_space<vmem>>, vector<1x16xf32>,
    %get3A_757 = vector.shape_cast %get3A_756 : vector<1x16xf32> to vector<16xf32>
    %get3A_758 = arith.constant 2 : i32
    %get3A_759 = arith.index_cast %get3A_758 : i32 to index
    %get3A_760 = arith.constant 80 : index
    %get3A_761 = tpu.vector_load %arg4[%get3A_759, %get3A_760] {strides = array<i32>} : memref<4x512xf32, #tpu.memory_space<vmem>>, vector<1x16xf32>,
    %get3A_762 = vector.shape_cast %get3A_761 : vector<1x16xf32> to vector<16xf32>
    %get3A_763 = arith.constant 3 : i32
    %get3A_764 = arith.index_cast %get3A_763 : i32 to index
    %get3A_765 = arith.constant 80 : index
    %get3A_766 = tpu.vector_load %arg4[%get3A_764, %get3A_765] {strides = array<i32>} : memref<4x512xf32, #tpu.memory_space<vmem>>, vector<1x16xf32>,
    %get3A_767 = vector.shape_cast %get3A_766 : vector<1x16xf32> to vector<16xf32>
    %max3A_768 = arith.maximumf %get3A_752, %get3A_757 : vector<16xf32>
    %max3A_769 = arith.maximumf %get3A_762, %get3A_767 : vector<16xf32>
    %max3A_770 = arith.maximumf %max3A_768, %max3A_769 : vector<16xf32>
    %eq3A_771 = arith.cmpf oeq, %get3A_752, %max3A_770 : vector<16xf32>
    %eq3A_772 = arith.cmpf oeq, %get3A_757, %max3A_770 : vector<16xf32>
    %eq3A_773 = arith.cmpf oeq, %get3A_762, %max3A_770 : vector<16xf32>
    %jit3A_774 = arith.constant 2 : i32
    %jit3A_775 = arith.constant 3 : i32
    %broadcast_in_dim3A_776 = vector.broadcast %jit3A_774 : i32 to vector<16xi32>
    %broadcast_in_dim3A_777 = vector.broadcast %jit3A_775 : i32 to vector<16xi32>
    %select_n3A_778 = arith.select %eq3A_773, %broadcast_in_dim3A_776, %broadcast_in_dim3A_777 : vector<16xi1>, vector<16xi32>
    %jit3A_779 = arith.constant 1 : i32
    %broadcast_in_dim3A_780 = vector.broadcast %jit3A_779 : i32 to vector<16xi32>
    %select_n3A_781 = arith.select %eq3A_772, %broadcast_in_dim3A_780, %select_n3A_778 : vector<16xi1>, vector<16xi32>
    %jit3A_782 = arith.constant 0 : i32
    %broadcast_in_dim3A_783 = vector.broadcast %jit3A_782 : i32 to vector<16xi32>
    %select_n3A_784 = arith.select %eq3A_771, %broadcast_in_dim3A_783, %select_n3A_781 : vector<16xi1>, vector<16xi32>
    %eq3A_785 = arith.constant 0 : i32
    %eq3A_786 = vector.broadcast %eq3A_785 : i32 to vector<16xi32>
    %eq3A_787 = arith.cmpi eq, %select_n3A_784, %eq3A_786 : vector<16xi32>
    %jit3A_788 = arith.constant 0xFF800000 : f32
    %broadcast_in_dim3A_789 = vector.broadcast %jit3A_788 : f32 to vector<16xf32>
    %select_n3A_790 = arith.select %eq3A_787, %broadcast_in_dim3A_789, %get3A_752 : vector<16xi1>, vector<16xf32>
    %eq3A_791 = arith.constant 1 : i32
    %eq3A_792 = vector.broadcast %eq3A_791 : i32 to vector<16xi32>
    %eq3A_793 = arith.cmpi eq, %select_n3A_784, %eq3A_792 : vector<16xi32>
    %jit3A_794 = arith.constant 0xFF800000 : f32
    %broadcast_in_dim3A_795 = vector.broadcast %jit3A_794 : f32 to vector<16xf32>
    %select_n3A_796 = arith.select %eq3A_793, %broadcast_in_dim3A_795, %get3A_757 : vector<16xi1>, vector<16xf32>
    %eq3A_797 = arith.constant 2 : i32
    %eq3A_798 = vector.broadcast %eq3A_797 : i32 to vector<16xi32>
    %eq3A_799 = arith.cmpi eq, %select_n3A_784, %eq3A_798 : vector<16xi32>
    %jit3A_800 = arith.constant 0xFF800000 : f32
    %broadcast_in_dim3A_801 = vector.broadcast %jit3A_800 : f32 to vector<16xf32>
    %select_n3A_802 = arith.select %eq3A_799, %broadcast_in_dim3A_801, %get3A_762 : vector<16xi1>, vector<16xf32>
    %eq3A_803 = arith.constant 3 : i32
    %eq3A_804 = vector.broadcast %eq3A_803 : i32 to vector<16xi32>
    %eq3A_805 = arith.cmpi eq, %select_n3A_784, %eq3A_804 : vector<16xi32>
    %jit3A_806 = arith.constant 0xFF800000 : f32
    %broadcast_in_dim3A_807 = vector.broadcast %jit3A_806 : f32 to vector<16xf32>
    %select_n3A_808 = arith.select %eq3A_805, %broadcast_in_dim3A_807, %get3A_767 : vector<16xi1>, vector<16xf32>
    %max3A_809 = arith.maximumf %select_n3A_790, %select_n3A_796 : vector<16xf32>
    %max3A_810 = arith.maximumf %select_n3A_802, %select_n3A_808 : vector<16xf32>
    %max3A_811 = arith.maximumf %max3A_809, %max3A_810 : vector<16xf32>
    %eq3A_812 = arith.cmpf oeq, %select_n3A_790, %max3A_811 : vector<16xf32>
    %eq3A_813 = arith.cmpf oeq, %select_n3A_796, %max3A_811 : vector<16xf32>
    %eq3A_814 = arith.cmpf oeq, %select_n3A_802, %max3A_811 : vector<16xf32>
    %jit3A_815 = arith.constant 2 : i32
    %jit3A_816 = arith.constant 3 : i32
    %broadcast_in_dim3A_817 = vector.broadcast %jit3A_815 : i32 to vector<16xi32>
    %broadcast_in_dim3A_818 = vector.broadcast %jit3A_816 : i32 to vector<16xi32>
    %select_n3A_819 = arith.select %eq3A_814, %broadcast_in_dim3A_817, %broadcast_in_dim3A_818 : vector<16xi1>, vector<16xi32>
    %jit3A_820 = arith.constant 1 : i32
    %broadcast_in_dim3A_821 = vector.broadcast %jit3A_820 : i32 to vector<16xi32>
    %select_n3A_822 = arith.select %eq3A_813, %broadcast_in_dim3A_821, %select_n3A_819 : vector<16xi1>, vector<16xi32>
    %jit3A_823 = arith.constant 0 : i32
    %broadcast_in_dim3A_824 = vector.broadcast %jit3A_823 : i32 to vector<16xi32>
    %select_n3A_825 = arith.select %eq3A_812, %broadcast_in_dim3A_824, %select_n3A_822 : vector<16xi1>, vector<16xi32>
    %sub3A_826 = arith.subf %max3A_811, %max3A_770 : vector<16xf32>
    %exp3A_827 = math.exp %sub3A_826 : vector<16xf32>
    %add3A_828 = arith.constant 1.000000e+00 : f32
    %add3A_829 = vector.broadcast %add3A_828 : f32 to vector<16xf32>
    %add3A_830 = arith.addf %add3A_829, %exp3A_827 : vector<16xf32>
    %div3A_831 = arith.constant 1.000000e+00 : f32
    %div3A_832 = vector.broadcast %div3A_831 : f32 to vector<16xf32>
    %div3A_833 = arith.divf %div3A_832, %add3A_830 : vector<16xf32>
    %mul3A_834 = arith.mulf %exp3A_827, %div3A_833 : vector<16xf32>
    %eq3A_835 = arith.constant 0 : i32
    %eq3A_836 = vector.broadcast %eq3A_835 : i32 to vector<16xi32>
    %eq3A_837 = arith.cmpi eq, %select_n3A_784, %eq3A_836 : vector<16xi32>
    %eq3A_838 = arith.constant 0 : i32
    %eq3A_839 = vector.broadcast %eq3A_838 : i32 to vector<16xi32>
    %eq3A_840 = arith.cmpi eq, %select_n3A_825, %eq3A_839 : vector<16xi32>
    %jit3A_841 = arith.constant 0.000000e+00 : f32
    %broadcast_in_dim3A_842 = vector.broadcast %jit3A_841 : f32 to vector<16xf32>
    %select_n3A_843 = arith.select %eq3A_840, %mul3A_834, %broadcast_in_dim3A_842 : vector<16xi1>, vector<16xf32>
    %select_n3A_844 = arith.select %eq3A_837, %div3A_833, %select_n3A_843 : vector<16xi1>, vector<16xf32>
    %swap3A_845 = arith.constant 0 : i32
    %swap3A_846 = arith.index_cast %swap3A_845 : i32 to index
    %swap3A_847 = arith.constant 80 : index
    %swap3A_848 = tpu.vector_load %arg5[%swap3A_846, %swap3A_847] {strides = array<i32>} : memref<4x512xf32, #tpu.memory_space<vmem>>, vector<1x16xf32>,
    %swap3A_849 = vector.shape_cast %swap3A_848 : vector<1x16xf32> to vector<16xf32>
    %swap3A_850 = vector.shape_cast %select_n3A_844 : vector<16xf32> to vector<1x16xf32>
    tpu.vector_store %arg5[%swap3A_846, %swap3A_847], %swap3A_850 {strides = array<i32>} : memref<4x512xf32, #tpu.memory_space<vmem>>, vector<1x16xf32>,
    %eq3A_851 = arith.constant 1 : i32
    %eq3A_852 = vector.broadcast %eq3A_851 : i32 to vector<16xi32>
    %eq3A_853 = arith.cmpi eq, %select_n3A_784, %eq3A_852 : vector<16xi32>
    %eq3A_854 = arith.constant 1 : i32
    %eq3A_855 = vector.broadcast %eq3A_854 : i32 to vector<16xi32>
    %eq3A_856 = arith.cmpi eq, %select_n3A_825, %eq3A_855 : vector<16xi32>
    %jit3A_857 = arith.constant 0.000000e+00 : f32
    %broadcast_in_dim3A_858 = vector.broadcast %jit3A_857 : f32 to vector<16xf32>
    %select_n3A_859 = arith.select %eq3A_856, %mul3A_834, %broadcast_in_dim3A_858 : vector<16xi1>, vector<16xf32>
    %select_n3A_860 = arith.select %eq3A_853, %div3A_833, %select_n3A_859 : vector<16xi1>, vector<16xf32>
    %swap3A_861 = arith.constant 1 : i32
    %swap3A_862 = arith.index_cast %swap3A_861 : i32 to index
    %swap3A_863 = arith.constant 80 : index
    %swap3A_864 = tpu.vector_load %arg5[%swap3A_862, %swap3A_863] {strides = array<i32>} : memref<4x512xf32, #tpu.memory_space<vmem>>, vector<1x16xf32>,
    %swap3A_865 = vector.shape_cast %swap3A_864 : vector<1x16xf32> to vector<16xf32>
    %swap3A_866 = vector.shape_cast %select_n3A_860 : vector<16xf32> to vector<1x16xf32>
    tpu.vector_store %arg5[%swap3A_862, %swap3A_863], %swap3A_866 {strides = array<i32>} : memref<4x512xf32, #tpu.memory_space<vmem>>, vector<1x16xf32>,
    %eq3A_867 = arith.constant 2 : i32
    %eq3A_868 = vector.broadcast %eq3A_867 : i32 to vector<16xi32>
    %eq3A_869 = arith.cmpi eq, %select_n3A_784, %eq3A_868 : vector<16xi32>
    %eq3A_870 = arith.constant 2 : i32
    %eq3A_871 = vector.broadcast %eq3A_870 : i32 to vector<16xi32>
    %eq3A_872 = arith.cmpi eq, %select_n3A_825, %eq3A_871 : vector<16xi32>
    %jit3A_873 = arith.constant 0.000000e+00 : f32
    %broadcast_in_dim3A_874 = vector.broadcast %jit3A_873 : f32 to vector<16xf32>
    %select_n3A_875 = arith.select %eq3A_872, %mul3A_834, %broadcast_in_dim3A_874 : vector<16xi1>, vector<16xf32>
    %select_n3A_876 = arith.select %eq3A_869, %div3A_833, %select_n3A_875 : vector<16xi1>, vector<16xf32>
    %swap3A_877 = arith.constant 2 : i32
    %swap3A_878 = arith.index_cast %swap3A_877 : i32 to index
    %swap3A_879 = arith.constant 80 : index
    %swap3A_880 = tpu.vector_load %arg5[%swap3A_878, %swap3A_879] {strides = array<i32>} : memref<4x512xf32, #tpu.memory_space<vmem>>, vector<1x16xf32>,
    %swap3A_881 = vector.shape_cast %swap3A_880 : vector<1x16xf32> to vector<16xf32>
    %swap3A_882 = vector.shape_cast %select_n3A_876 : vector<16xf32> to vector<1x16xf32>
    tpu.vector_store %arg5[%swap3A_878, %swap3A_879], %swap3A_882 {strides = array<i32>} : memref<4x512xf32, #tpu.memory_space<vmem>>, vector<1x16xf32>,
    %eq3A_883 = arith.constant 3 : i32
    %eq3A_884 = vector.broadcast %eq3A_883 : i32 to vector<16xi32>
    %eq3A_885 = arith.cmpi eq, %select_n3A_784, %eq3A_884 : vector<16xi32>
    %eq3A_886 = arith.constant 3 : i32
    %eq3A_887 = vector.broadcast %eq3A_886 : i32 to vector<16xi32>
    %eq3A_888 = arith.cmpi eq, %select_n3A_825, %eq3A_887 : vector<16xi32>
    %jit3A_889 = arith.constant 0.000000e+00 : f32
    %broadcast_in_dim3A_890 = vector.broadcast %jit3A_889 : f32 to vector<16xf32>
    %select_n3A_891 = arith.select %eq3A_888, %mul3A_834, %broadcast_in_dim3A_890 : vector<16xi1>, vector<16xf32>
    %select_n3A_892 = arith.select %eq3A_885, %div3A_833, %select_n3A_891 : vector<16xi1>, vector<16xf32>
    %swap3A_893 = arith.constant 3 : i32
    %swap3A_894 = arith.index_cast %swap3A_893 : i32 to index
    %swap3A_895 = arith.constant 80 : index
    %swap3A_896 = tpu.vector_load %arg5[%swap3A_894, %swap3A_895] {strides = array<i32>} : memref<4x512xf32, #tpu.memory_space<vmem>>, vector<1x16xf32>,
    %swap3A_897 = vector.shape_cast %swap3A_896 : vector<1x16xf32> to vector<16xf32>
    %swap3A_898 = vector.shape_cast %select_n3A_892 : vector<16xf32> to vector<1x16xf32>
    tpu.vector_store %arg5[%swap3A_894, %swap3A_895], %swap3A_898 {strides = array<i32>} : memref<4x512xf32, #tpu.memory_space<vmem>>, vector<1x16xf32>,
    %get3A_899 = arith.constant 0 : i32
    %get3A_900 = arith.index_cast %get3A_899 : i32 to index
    %get3A_901 = arith.constant 96 : index
    %get3A_902 = tpu.vector_load %arg4[%get3A_900, %get3A_901] {strides = array<i32>} : memref<4x512xf32, #tpu.memory_space<vmem>>, vector<1x16xf32>,
    %get3A_903 = vector.shape_cast %get3A_902 : vector<1x16xf32> to vector<16xf32>
    %get3A_904 = arith.constant 1 : i32
    %get3A_905 = arith.index_cast %get3A_904 : i32 to index
    %get3A_906 = arith.constant 96 : index
    %get3A_907 = tpu.vector_load %arg4[%get3A_905, %get3A_906] {strides = array<i32>} : memref<4x512xf32, #tpu.memory_space<vmem>>, vector<1x16xf32>,
    %get3A_908 = vector.shape_cast %get3A_907 : vector<1x16xf32> to vector<16xf32>
    %get3A_909 = arith.constant 2 : i32
    %get3A_910 = arith.index_cast %get3A_909 : i32 to index
    %get3A_911 = arith.constant 96 : index
    %get3A_912 = tpu.vector_load %arg4[%get3A_910, %get3A_911] {strides = array<i32>} : memref<4x512xf32, #tpu.memory_space<vmem>>, vector<1x16xf32>,
    %get3A_913 = vector.shape_cast %get3A_912 : vector<1x16xf32> to vector<16xf32>
    %get3A_914 = arith.constant 3 : i32
    %get3A_915 = arith.index_cast %get3A_914 : i32 to index
    %get3A_916 = arith.constant 96 : index
    %get3A_917 = tpu.vector_load %arg4[%get3A_915, %get3A_916] {strides = array<i32>} : memref<4x512xf32, #tpu.memory_space<vmem>>, vector<1x16xf32>,
    %get3A_918 = vector.shape_cast %get3A_917 : vector<1x16xf32> to vector<16xf32>
    %max3A_919 = arith.maximumf %get3A_903, %get3A_908 : vector<16xf32>
    %max3A_920 = arith.maximumf %get3A_913, %get3A_918 : vector<16xf32>
    %max3A_921 = arith.maximumf %max3A_919, %max3A_920 : vector<16xf32>
    %eq3A_922 = arith.cmpf oeq, %get3A_903, %max3A_921 : vector<16xf32>
    %eq3A_923 = arith.cmpf oeq, %get3A_908, %max3A_921 : vector<16xf32>
    %eq3A_924 = arith.cmpf oeq, %get3A_913, %max3A_921 : vector<16xf32>
    %jit3A_925 = arith.constant 2 : i32
    %jit3A_926 = arith.constant 3 : i32
    %broadcast_in_dim3A_927 = vector.broadcast %jit3A_925 : i32 to vector<16xi32>
    %broadcast_in_dim3A_928 = vector.broadcast %jit3A_926 : i32 to vector<16xi32>
    %select_n3A_929 = arith.select %eq3A_924, %broadcast_in_dim3A_927, %broadcast_in_dim3A_928 : vector<16xi1>, vector<16xi32>
    %jit3A_930 = arith.constant 1 : i32
    %broadcast_in_dim3A_931 = vector.broadcast %jit3A_930 : i32 to vector<16xi32>
    %select_n3A_932 = arith.select %eq3A_923, %broadcast_in_dim3A_931, %select_n3A_929 : vector<16xi1>, vector<16xi32>
    %jit3A_933 = arith.constant 0 : i32
    %broadcast_in_dim3A_934 = vector.broadcast %jit3A_933 : i32 to vector<16xi32>
    %select_n3A_935 = arith.select %eq3A_922, %broadcast_in_dim3A_934, %select_n3A_932 : vector<16xi1>, vector<16xi32>
    %eq3A_936 = arith.constant 0 : i32
    %eq3A_937 = vector.broadcast %eq3A_936 : i32 to vector<16xi32>
    %eq3A_938 = arith.cmpi eq, %select_n3A_935, %eq3A_937 : vector<16xi32>
    %jit3A_939 = arith.constant 0xFF800000 : f32
    %broadcast_in_dim3A_940 = vector.broadcast %jit3A_939 : f32 to vector<16xf32>
    %select_n3A_941 = arith.select %eq3A_938, %broadcast_in_dim3A_940, %get3A_903 : vector<16xi1>, vector<16xf32>
    %eq3A_942 = arith.constant 1 : i32
    %eq3A_943 = vector.broadcast %eq3A_942 : i32 to vector<16xi32>
    %eq3A_944 = arith.cmpi eq, %select_n3A_935, %eq3A_943 : vector<16xi32>
    %jit3A_945 = arith.constant 0xFF800000 : f32
    %broadcast_in_dim3A_946 = vector.broadcast %jit3A_945 : f32 to vector<16xf32>
    %select_n3A_947 = arith.select %eq3A_944, %broadcast_in_dim3A_946, %get3A_908 : vector<16xi1>, vector<16xf32>
    %eq3A_948 = arith.constant 2 : i32
    %eq3A_949 = vector.broadcast %eq3A_948 : i32 to vector<16xi32>
    %eq3A_950 = arith.cmpi eq, %select_n3A_935, %eq3A_949 : vector<16xi32>
    %jit3A_951 = arith.constant 0xFF800000 : f32
    %broadcast_in_dim3A_952 = vector.broadcast %jit3A_951 : f32 to vector<16xf32>
    %select_n3A_953 = arith.select %eq3A_950, %broadcast_in_dim3A_952, %get3A_913 : vector<16xi1>, vector<16xf32>
    %eq3A_954 = arith.constant 3 : i32
    %eq3A_955 = vector.broadcast %eq3A_954 : i32 to vector<16xi32>
    %eq3A_956 = arith.cmpi eq, %select_n3A_935, %eq3A_955 : vector<16xi32>
    %jit3A_957 = arith.constant 0xFF800000 : f32
    %broadcast_in_dim3A_958 = vector.broadcast %jit3A_957 : f32 to vector<16xf32>
    %select_n3A_959 = arith.select %eq3A_956, %broadcast_in_dim3A_958, %get3A_918 : vector<16xi1>, vector<16xf32>
    %max3A_960 = arith.maximumf %select_n3A_941, %select_n3A_947 : vector<16xf32>
    %max3A_961 = arith.maximumf %select_n3A_953, %select_n3A_959 : vector<16xf32>
    %max3A_962 = arith.maximumf %max3A_960, %max3A_961 : vector<16xf32>
    %eq3A_963 = arith.cmpf oeq, %select_n3A_941, %max3A_962 : vector<16xf32>
    %eq3A_964 = arith.cmpf oeq, %select_n3A_947, %max3A_962 : vector<16xf32>
    %eq3A_965 = arith.cmpf oeq, %select_n3A_953, %max3A_962 : vector<16xf32>
    %jit3A_966 = arith.constant 2 : i32
    %jit3A_967 = arith.constant 3 : i32
    %broadcast_in_dim3A_968 = vector.broadcast %jit3A_966 : i32 to vector<16xi32>
    %broadcast_in_dim3A_969 = vector.broadcast %jit3A_967 : i32 to vector<16xi32>
    %select_n3A_970 = arith.select %eq3A_965, %broadcast_in_dim3A_968, %broadcast_in_dim3A_969 : vector<16xi1>, vector<16xi32>
    %jit3A_971 = arith.constant 1 : i32
    %broadcast_in_dim3A_972 = vector.broadcast %jit3A_971 : i32 to vector<16xi32>
    %select_n3A_973 = arith.select %eq3A_964, %broadcast_in_dim3A_972, %select_n3A_970 : vector<16xi1>, vector<16xi32>
    %jit3A_974 = arith.constant 0 : i32
    %broadcast_in_dim3A_975 = vector.broadcast %jit3A_974 : i32 to vector<16xi32>
    %select_n3A_976 = arith.select %eq3A_963, %broadcast_in_dim3A_975, %select_n3A_973 : vector<16xi1>, vector<16xi32>
    %sub3A_977 = arith.subf %max3A_962, %max3A_921 : vector<16xf32>
    %exp3A_978 = math.exp %sub3A_977 : vector<16xf32>
    %add3A_979 = arith.constant 1.000000e+00 : f32
    %add3A_980 = vector.broadcast %add3A_979 : f32 to vector<16xf32>
    %add3A_981 = arith.addf %add3A_980, %exp3A_978 : vector<16xf32>
    %div3A_982 = arith.constant 1.000000e+00 : f32
    %div3A_983 = vector.broadcast %div3A_982 : f32 to vector<16xf32>
    %div3A_984 = arith.divf %div3A_983, %add3A_981 : vector<16xf32>
    %mul3A_985 = arith.mulf %exp3A_978, %div3A_984 : vector<16xf32>
    %eq3A_986 = arith.constant 0 : i32
    %eq3A_987 = vector.broadcast %eq3A_986 : i32 to vector<16xi32>
    %eq3A_988 = arith.cmpi eq, %select_n3A_935, %eq3A_987 : vector<16xi32>
    %eq3A_989 = arith.constant 0 : i32
    %eq3A_990 = vector.broadcast %eq3A_989 : i32 to vector<16xi32>
    %eq3A_991 = arith.cmpi eq, %select_n3A_976, %eq3A_990 : vector<16xi32>
    %jit3A_992 = arith.constant 0.000000e+00 : f32
    %broadcast_in_dim3A_993 = vector.broadcast %jit3A_992 : f32 to vector<16xf32>
    %select_n3A_994 = arith.select %eq3A_991, %mul3A_985, %broadcast_in_dim3A_993 : vector<16xi1>, vector<16xf32>
    %select_n3A_995 = arith.select %eq3A_988, %div3A_984, %select_n3A_994 : vector<16xi1>, vector<16xf32>
    %swap3A_996 = arith.constant 0 : i32
    %swap3A_997 = arith.index_cast %swap3A_996 : i32 to index
    %swap3A_998 = arith.constant 96 : index
    %swap3A_999 = tpu.vector_load %arg5[%swap3A_997, %swap3A_998] {strides = array<i32>} : memref<4x512xf32, #tpu.memory_space<vmem>>, vector<1x16xf32>,
    %swap3A_1000 = vector.shape_cast %swap3A_999 : vector<1x16xf32> to vector<16xf32>
    %swap3A_1001 = vector.shape_cast %select_n3A_995 : vector<16xf32> to vector<1x16xf32>
    tpu.vector_store %arg5[%swap3A_997, %swap3A_998], %swap3A_1001 {strides = array<i32>} : memref<4x512xf32, #tpu.memory_space<vmem>>, vector<1x16xf32>,
    %eq3A_1002 = arith.constant 1 : i32
    %eq3A_1003 = vector.broadcast %eq3A_1002 : i32 to vector<16xi32>
    %eq3A_1004 = arith.cmpi eq, %select_n3A_935, %eq3A_1003 : vector<16xi32>
    %eq3A_1005 = arith.constant 1 : i32
    %eq3A_1006 = vector.broadcast %eq3A_1005 : i32 to vector<16xi32>
    %eq3A_1007 = arith.cmpi eq, %select_n3A_976, %eq3A_1006 : vector<16xi32>
    %jit3A_1008 = arith.constant 0.000000e+00 : f32
    %broadcast_in_dim3A_1009 = vector.broadcast %jit3A_1008 : f32 to vector<16xf32>
    %select_n3A_1010 = arith.select %eq3A_1007, %mul3A_985, %broadcast_in_dim3A_1009 : vector<16xi1>, vector<16xf32>
    %select_n3A_1011 = arith.select %eq3A_1004, %div3A_984, %select_n3A_1010 : vector<16xi1>, vector<16xf32>
    %swap3A_1012 = arith.constant 1 : i32
    %swap3A_1013 = arith.index_cast %swap3A_1012 : i32 to index
    %swap3A_1014 = arith.constant 96 : index
    %swap3A_1015 = tpu.vector_load %arg5[%swap3A_1013, %swap3A_1014] {strides = array<i32>} : memref<4x512xf32, #tpu.memory_space<vmem>>, vector<1x16xf32>,
    %swap3A_1016 = vector.shape_cast %swap3A_1015 : vector<1x16xf32> to vector<16xf32>
    %swap3A_1017 = vector.shape_cast %select_n3A_1011 : vector<16xf32> to vector<1x16xf32>
    tpu.vector_store %arg5[%swap3A_1013, %swap3A_1014], %swap3A_1017 {strides = array<i32>} : memref<4x512xf32, #tpu.memory_space<vmem>>, vector<1x16xf32>,
    %eq3A_1018 = arith.constant 2 : i32
    %eq3A_1019 = vector.broadcast %eq3A_1018 : i32 to vector<16xi32>
    %eq3A_1020 = arith.cmpi eq, %select_n3A_935, %eq3A_1019 : vector<16xi32>
    %eq3A_1021 = arith.constant 2 : i32
    %eq3A_1022 = vector.broadcast %eq3A_1021 : i32 to vector<16xi32>
    %eq3A_1023 = arith.cmpi eq, %select_n3A_976, %eq3A_1022 : vector<16xi32>
    %jit3A_1024 = arith.constant 0.000000e+00 : f32
    %broadcast_in_dim3A_1025 = vector.broadcast %jit3A_1024 : f32 to vector<16xf32>
    %select_n3A_1026 = arith.select %eq3A_1023, %mul3A_985, %broadcast_in_dim3A_1025 : vector<16xi1>, vector<16xf32>
    %select_n3A_1027 = arith.select %eq3A_1020, %div3A_984, %select_n3A_1026 : vector<16xi1>, vector<16xf32>
    %swap3A_1028 = arith.constant 2 : i32
    %swap3A_1029 = arith.index_cast %swap3A_1028 : i32 to index
    %swap3A_1030 = arith.constant 96 : index
    %swap3A_1031 = tpu.vector_load %arg5[%swap3A_1029, %swap3A_1030] {strides = array<i32>} : memref<4x512xf32, #tpu.memory_space<vmem>>, vector<1x16xf32>,
    %swap3A_1032 = vector.shape_cast %swap3A_1031 : vector<1x16xf32> to vector<16xf32>
    %swap3A_1033 = vector.shape_cast %select_n3A_1027 : vector<16xf32> to vector<1x16xf32>
    tpu.vector_store %arg5[%swap3A_1029, %swap3A_1030], %swap3A_1033 {strides = array<i32>} : memref<4x512xf32, #tpu.memory_space<vmem>>, vector<1x16xf32>,
    %eq3A_1034 = arith.constant 3 : i32
    %eq3A_1035 = vector.broadcast %eq3A_1034 : i32 to vector<16xi32>
    %eq3A_1036 = arith.cmpi eq, %select_n3A_935, %eq3A_1035 : vector<16xi32>
    %eq3A_1037 = arith.constant 3 : i32
    %eq3A_1038 = vector.broadcast %eq3A_1037 : i32 to vector<16xi32>
    %eq3A_1039 = arith.cmpi eq, %select_n3A_976, %eq3A_1038 : vector<16xi32>
    %jit3A_1040 = arith.constant 0.000000e+00 : f32
    %broadcast_in_dim3A_1041 = vector.broadcast %jit3A_1040 : f32 to vector<16xf32>
    %select_n3A_1042 = arith.select %eq3A_1039, %mul3A_985, %broadcast_in_dim3A_1041 : vector<16xi1>, vector<16xf32>
    %select_n3A_1043 = arith.select %eq3A_1036, %div3A_984, %select_n3A_1042 : vector<16xi1>, vector<16xf32>
    %swap3A_1044 = arith.constant 3 : i32
    %swap3A_1045 = arith.index_cast %swap3A_1044 : i32 to index
    %swap3A_1046 = arith.constant 96 : index
    %swap3A_1047 = tpu.vector_load %arg5[%swap3A_1045, %swap3A_1046] {strides = array<i32>} : memref<4x512xf32, #tpu.memory_space<vmem>>, vector<1x16xf32>,
    %swap3A_1048 = vector.shape_cast %swap3A_1047 : vector<1x16xf32> to vector<16xf32>
    %swap3A_1049 = vector.shape_cast %select_n3A_1043 : vector<16xf32> to vector<1x16xf32>
    tpu.vector_store %arg5[%swap3A_1045, %swap3A_1046], %swap3A_1049 {strides = array<i32>} : memref<4x512xf32, #tpu.memory_space<vmem>>, vector<1x16xf32>,
    %get3A_1050 = arith.constant 0 : i32
    %get3A_1051 = arith.index_cast %get3A_1050 : i32 to index
    %get3A_1052 = arith.constant 112 : index
    %get3A_1053 = tpu.vector_load %arg4[%get3A_1051, %get3A_1052] {strides = array<i32>} : memref<4x512xf32, #tpu.memory_space<vmem>>, vector<1x16xf32>,
    %get3A_1054 = vector.shape_cast %get3A_1053 : vector<1x16xf32> to vector<16xf32>
    %get3A_1055 = arith.constant 1 : i32
    %get3A_1056 = arith.index_cast %get3A_1055 : i32 to index
    %get3A_1057 = arith.constant 112 : index
    %get3A_1058 = tpu.vector_load %arg4[%get3A_1056, %get3A_1057] {strides = array<i32>} : memref<4x512xf32, #tpu.memory_space<vmem>>, vector<1x16xf32>,
    %get3A_1059 = vector.shape_cast %get3A_1058 : vector<1x16xf32> to vector<16xf32>
    %get3A_1060 = arith.constant 2 : i32
    %get3A_1061 = arith.index_cast %get3A_1060 : i32 to index
    %get3A_1062 = arith.constant 112 : index
    %get3A_1063 = tpu.vector_load %arg4[%get3A_1061, %get3A_1062] {strides = array<i32>} : memref<4x512xf32, #tpu.memory_space<vmem>>, vector<1x16xf32>,
    %get3A_1064 = vector.shape_cast %get3A_1063 : vector<1x16xf32> to vector<16xf32>
    %get3A_1065 = arith.constant 3 : i32
    %get3A_1066 = arith.index_cast %get3A_1065 : i32 to index
    %get3A_1067 = arith.constant 112 : index
    %get3A_1068 = tpu.vector_load %arg4[%get3A_1066, %get3A_1067] {strides = array<i32>} : memref<4x512xf32, #tpu.memory_space<vmem>>, vector<1x16xf32>,
    %get3A_1069 = vector.shape_cast %get3A_1068 : vector<1x16xf32> to vector<16xf32>
    %max3A_1070 = arith.maximumf %get3A_1054, %get3A_1059 : vector<16xf32>
    %max3A_1071 = arith.maximumf %get3A_1064, %get3A_1069 : vector<16xf32>
    %max3A_1072 = arith.maximumf %max3A_1070, %max3A_1071 : vector<16xf32>
    %eq3A_1073 = arith.cmpf oeq, %get3A_1054, %max3A_1072 : vector<16xf32>
    %eq3A_1074 = arith.cmpf oeq, %get3A_1059, %max3A_1072 : vector<16xf32>
    %eq3A_1075 = arith.cmpf oeq, %get3A_1064, %max3A_1072 : vector<16xf32>
    %jit3A_1076 = arith.constant 2 : i32
    %jit3A_1077 = arith.constant 3 : i32
    %broadcast_in_dim3A_1078 = vector.broadcast %jit3A_1076 : i32 to vector<16xi32>
    %broadcast_in_dim3A_1079 = vector.broadcast %jit3A_1077 : i32 to vector<16xi32>
    %select_n3A_1080 = arith.select %eq3A_1075, %broadcast_in_dim3A_1078, %broadcast_in_dim3A_1079 : vector<16xi1>, vector<16xi32>
    %jit3A_1081 = arith.constant 1 : i32
    %broadcast_in_dim3A_1082 = vector.broadcast %jit3A_1081 : i32 to vector<16xi32>
    %select_n3A_1083 = arith.select %eq3A_1074, %broadcast_in_dim3A_1082, %select_n3A_1080 : vector<16xi1>, vector<16xi32>
    %jit3A_1084 = arith.constant 0 : i32
    %broadcast_in_dim3A_1085 = vector.broadcast %jit3A_1084 : i32 to vector<16xi32>
    %select_n3A_1086 = arith.select %eq3A_1073, %broadcast_in_dim3A_1085, %select_n3A_1083 : vector<16xi1>, vector<16xi32>
    %eq3A_1087 = arith.constant 0 : i32
    %eq3A_1088 = vector.broadcast %eq3A_1087 : i32 to vector<16xi32>
    %eq3A_1089 = arith.cmpi eq, %select_n3A_1086, %eq3A_1088 : vector<16xi32>
    %jit3A_1090 = arith.constant 0xFF800000 : f32
    %broadcast_in_dim3A_1091 = vector.broadcast %jit3A_1090 : f32 to vector<16xf32>
    %select_n3A_1092 = arith.select %eq3A_1089, %broadcast_in_dim3A_1091, %get3A_1054 : vector<16xi1>, vector<16xf32>
    %eq3A_1093 = arith.constant 1 : i32
    %eq3A_1094 = vector.broadcast %eq3A_1093 : i32 to vector<16xi32>
    %eq3A_1095 = arith.cmpi eq, %select_n3A_1086, %eq3A_1094 : vector<16xi32>
    %jit3A_1096 = arith.constant 0xFF800000 : f32
    %broadcast_in_dim3A_1097 = vector.broadcast %jit3A_1096 : f32 to vector<16xf32>
    %select_n3A_1098 = arith.select %eq3A_1095, %broadcast_in_dim3A_1097, %get3A_1059 : vector<16xi1>, vector<16xf32>
    %eq3A_1099 = arith.constant 2 : i32
    %eq3A_1100 = vector.broadcast %eq3A_1099 : i32 to vector<16xi32>
    %eq3A_1101 = arith.cmpi eq, %select_n3A_1086, %eq3A_1100 : vector<16xi32>
    %jit3A_1102 = arith.constant 0xFF800000 : f32
    %broadcast_in_dim3A_1103 = vector.broadcast %jit3A_1102 : f32 to vector<16xf32>
    %select_n3A_1104 = arith.select %eq3A_1101, %broadcast_in_dim3A_1103, %get3A_1064 : vector<16xi1>, vector<16xf32>
    %eq3A_1105 = arith.constant 3 : i32
    %eq3A_1106 = vector.broadcast %eq3A_1105 : i32 to vector<16xi32>
    %eq3A_1107 = arith.cmpi eq, %select_n3A_1086, %eq3A_1106 : vector<16xi32>
    %jit3A_1108 = arith.constant 0xFF800000 : f32
    %broadcast_in_dim3A_1109 = vector.broadcast %jit3A_1108 : f32 to vector<16xf32>
    %select_n3A_1110 = arith.select %eq3A_1107, %broadcast_in_dim3A_1109, %get3A_1069 : vector<16xi1>, vector<16xf32>
    %max3A_1111 = arith.maximumf %select_n3A_1092, %select_n3A_1098 : vector<16xf32>
    %max3A_1112 = arith.maximumf %select_n3A_1104, %select_n3A_1110 : vector<16xf32>
    %max3A_1113 = arith.maximumf %max3A_1111, %max3A_1112 : vector<16xf32>
    %eq3A_1114 = arith.cmpf oeq, %select_n3A_1092, %max3A_1113 : vector<16xf32>
    %eq3A_1115 = arith.cmpf oeq, %select_n3A_1098, %max3A_1113 : vector<16xf32>
    %eq3A_1116 = arith.cmpf oeq, %select_n3A_1104, %max3A_1113 : vector<16xf32>
    %jit3A_1117 = arith.constant 2 : i32
    %jit3A_1118 = arith.constant 3 : i32
    %broadcast_in_dim3A_1119 = vector.broadcast %jit3A_1117 : i32 to vector<16xi32>
    %broadcast_in_dim3A_1120 = vector.broadcast %jit3A_1118 : i32 to vector<16xi32>
    %select_n3A_1121 = arith.select %eq3A_1116, %broadcast_in_dim3A_1119, %broadcast_in_dim3A_1120 : vector<16xi1>, vector<16xi32>
    %jit3A_1122 = arith.constant 1 : i32
    %broadcast_in_dim3A_1123 = vector.broadcast %jit3A_1122 : i32 to vector<16xi32>
    %select_n3A_1124 = arith.select %eq3A_1115, %broadcast_in_dim3A_1123, %select_n3A_1121 : vector<16xi1>, vector<16xi32>
    %jit3A_1125 = arith.constant 0 : i32
    %broadcast_in_dim3A_1126 = vector.broadcast %jit3A_1125 : i32 to vector<16xi32>
    %select_n3A_1127 = arith.select %eq3A_1114, %broadcast_in_dim3A_1126, %select_n3A_1124 : vector<16xi1>, vector<16xi32>
    %sub3A_1128 = arith.subf %max3A_1113, %max3A_1072 : vector<16xf32>
    %exp3A_1129 = math.exp %sub3A_1128 : vector<16xf32>
    %add3A_1130 = arith.constant 1.000000e+00 : f32
    %add3A_1131 = vector.broadcast %add3A_1130 : f32 to vector<16xf32>
    %add3A_1132 = arith.addf %add3A_1131, %exp3A_1129 : vector<16xf32>
    %div3A_1133 = arith.constant 1.000000e+00 : f32
    %div3A_1134 = vector.broadcast %div3A_1133 : f32 to vector<16xf32>
    %div3A_1135 = arith.divf %div3A_1134, %add3A_1132 : vector<16xf32>
    %mul3A_1136 = arith.mulf %exp3A_1129, %div3A_1135 : vector<16xf32>
    %eq3A_1137 = arith.constant 0 : i32
    %eq3A_1138 = vector.broadcast %eq3A_1137 : i32 to vector<16xi32>
    %eq3A_1139 = arith.cmpi eq, %select_n3A_1086, %eq3A_1138 : vector<16xi32>
    %eq3A_1140 = arith.constant 0 : i32
    %eq3A_1141 = vector.broadcast %eq3A_1140 : i32 to vector<16xi32>
    %eq3A_1142 = arith.cmpi eq, %select_n3A_1127, %eq3A_1141 : vector<16xi32>
    %jit3A_1143 = arith.constant 0.000000e+00 : f32
    %broadcast_in_dim3A_1144 = vector.broadcast %jit3A_1143 : f32 to vector<16xf32>
    %select_n3A_1145 = arith.select %eq3A_1142, %mul3A_1136, %broadcast_in_dim3A_1144 : vector<16xi1>, vector<16xf32>
    %select_n3A_1146 = arith.select %eq3A_1139, %div3A_1135, %select_n3A_1145 : vector<16xi1>, vector<16xf32>
    %swap3A_1147 = arith.constant 0 : i32
    %swap3A_1148 = arith.index_cast %swap3A_1147 : i32 to index
    %swap3A_1149 = arith.constant 112 : index
    %swap3A_1150 = tpu.vector_load %arg5[%swap3A_1148, %swap3A_1149] {strides = array<i32>} : memref<4x512xf32, #tpu.memory_space<vmem>>, vector<1x16xf32>,
    %swap3A_1151 = vector.shape_cast %swap3A_1150 : vector<1x16xf32> to vector<16xf32>
    %swap3A_1152 = vector.shape_cast %select_n3A_1146 : vector<16xf32> to vector<1x16xf32>
    tpu.vector_store %arg5[%swap3A_1148, %swap3A_1149], %swap3A_1152 {strides = array<i32>} : memref<4x512xf32, #tpu.memory_space<vmem>>, vector<1x16xf32>,
    %eq3A_1153 = arith.constant 1 : i32
    %eq3A_1154 = vector.broadcast %eq3A_1153 : i32 to vector<16xi32>
    %eq3A_1155 = arith.cmpi eq, %select_n3A_1086, %eq3A_1154 : vector<16xi32>
    %eq3A_1156 = arith.constant 1 : i32
    %eq3A_1157 = vector.broadcast %eq3A_1156 : i32 to vector<16xi32>
    %eq3A_1158 = arith.cmpi eq, %select_n3A_1127, %eq3A_1157 : vector<16xi32>
    %jit3A_1159 = arith.constant 0.000000e+00 : f32
    %broadcast_in_dim3A_1160 = vector.broadcast %jit3A_1159 : f32 to vector<16xf32>
    %select_n3A_1161 = arith.select %eq3A_1158, %mul3A_1136, %broadcast_in_dim3A_1160 : vector<16xi1>, vector<16xf32>
    %select_n3A_1162 = arith.select %eq3A_1155, %div3A_1135, %select_n3A_1161 : vector<16xi1>, vector<16xf32>
    %swap3A_1163 = arith.constant 1 : i32
    %swap3A_1164 = arith.index_cast %swap3A_1163 : i32 to index
    %swap3A_1165 = arith.constant 112 : index
    %swap3A_1166 = tpu.vector_load %arg5[%swap3A_1164, %swap3A_1165] {strides = array<i32>} : memref<4x512xf32, #tpu.memory_space<vmem>>, vector<1x16xf32>,
    %swap3A_1167 = vector.shape_cast %swap3A_1166 : vector<1x16xf32> to vector<16xf32>
    %swap3A_1168 = vector.shape_cast %select_n3A_1162 : vector<16xf32> to vector<1x16xf32>
    tpu.vector_store %arg5[%swap3A_1164, %swap3A_1165], %swap3A_1168 {strides = array<i32>} : memref<4x512xf32, #tpu.memory_space<vmem>>, vector<1x16xf32>,
    %eq3A_1169 = arith.constant 2 : i32
    %eq3A_1170 = vector.broadcast %eq3A_1169 : i32 to vector<16xi32>
    %eq3A_1171 = arith.cmpi eq, %select_n3A_1086, %eq3A_1170 : vector<16xi32>
    %eq3A_1172 = arith.constant 2 : i32
    %eq3A_1173 = vector.broadcast %eq3A_1172 : i32 to vector<16xi32>
    %eq3A_1174 = arith.cmpi eq, %select_n3A_1127, %eq3A_1173 : vector<16xi32>
    %jit3A_1175 = arith.constant 0.000000e+00 : f32
    %broadcast_in_dim3A_1176 = vector.broadcast %jit3A_1175 : f32 to vector<16xf32>
    %select_n3A_1177 = arith.select %eq3A_1174, %mul3A_1136, %broadcast_in_dim3A_1176 : vector<16xi1>, vector<16xf32>
    %select_n3A_1178 = arith.select %eq3A_1171, %div3A_1135, %select_n3A_1177 : vector<16xi1>, vector<16xf32>
    %swap3A_1179 = arith.constant 2 : i32
    %swap3A_1180 = arith.index_cast %swap3A_1179 : i32 to index
    %swap3A_1181 = arith.constant 112 : index
    %swap3A_1182 = tpu.vector_load %arg5[%swap3A_1180, %swap3A_1181] {strides = array<i32>} : memref<4x512xf32, #tpu.memory_space<vmem>>, vector<1x16xf32>,
    %swap3A_1183 = vector.shape_cast %swap3A_1182 : vector<1x16xf32> to vector<16xf32>
    %swap3A_1184 = vector.shape_cast %select_n3A_1178 : vector<16xf32> to vector<1x16xf32>
    tpu.vector_store %arg5[%swap3A_1180, %swap3A_1181], %swap3A_1184 {strides = array<i32>} : memref<4x512xf32, #tpu.memory_space<vmem>>, vector<1x16xf32>,
    %eq3A_1185 = arith.constant 3 : i32
    %eq3A_1186 = vector.broadcast %eq3A_1185 : i32 to vector<16xi32>
    %eq3A_1187 = arith.cmpi eq, %select_n3A_1086, %eq3A_1186 : vector<16xi32>
    %eq3A_1188 = arith.constant 3 : i32
    %eq3A_1189 = vector.broadcast %eq3A_1188 : i32 to vector<16xi32>
    %eq3A_1190 = arith.cmpi eq, %select_n3A_1127, %eq3A_1189 : vector<16xi32>
    %jit3A_1191 = arith.constant 0.000000e+00 : f32
    %broadcast_in_dim3A_1192 = vector.broadcast %jit3A_1191 : f32 to vector<16xf32>
    %select_n3A_1193 = arith.select %eq3A_1190, %mul3A_1136, %broadcast_in_dim3A_1192 : vector<16xi1>, vector<16xf32>
    %select_n3A_1194 = arith.select %eq3A_1187, %div3A_1135, %select_n3A_1193 : vector<16xi1>, vector<16xf32>
    %swap3A_1195 = arith.constant 3 : i32
    %swap3A_1196 = arith.index_cast %swap3A_1195 : i32 to index
    %swap3A_1197 = arith.constant 112 : index
    %swap3A_1198 = tpu.vector_load %arg5[%swap3A_1196, %swap3A_1197] {strides = array<i32>} : memref<4x512xf32, #tpu.memory_space<vmem>>, vector<1x16xf32>,
    %swap3A_1199 = vector.shape_cast %swap3A_1198 : vector<1x16xf32> to vector<16xf32>
    %swap3A_1200 = vector.shape_cast %select_n3A_1194 : vector<16xf32> to vector<1x16xf32>
    tpu.vector_store %arg5[%swap3A_1196, %swap3A_1197], %swap3A_1200 {strides = array<i32>} : memref<4x512xf32, #tpu.memory_space<vmem>>, vector<1x16xf32>,
    %get3A_1201 = arith.constant 0 : i32
    %get3A_1202 = arith.index_cast %get3A_1201 : i32 to index
    %get3A_1203 = arith.constant 128 : index
    %get3A_1204 = tpu.vector_load %arg4[%get3A_1202, %get3A_1203] {strides = array<i32>} : memref<4x512xf32, #tpu.memory_space<vmem>>, vector<1x16xf32>,
    %get3A_1205 = vector.shape_cast %get3A_1204 : vector<1x16xf32> to vector<16xf32>
    %get3A_1206 = arith.constant 1 : i32
    %get3A_1207 = arith.index_cast %get3A_1206 : i32 to index
    %get3A_1208 = arith.constant 128 : index
    %get3A_1209 = tpu.vector_load %arg4[%get3A_1207, %get3A_1208] {strides = array<i32>} : memref<4x512xf32, #tpu.memory_space<vmem>>, vector<1x16xf32>,
    %get3A_1210 = vector.shape_cast %get3A_1209 : vector<1x16xf32> to vector<16xf32>
    %get3A_1211 = arith.constant 2 : i32
    %get3A_1212 = arith.index_cast %get3A_1211 : i32 to index
    %get3A_1213 = arith.constant 128 : index
    %get3A_1214 = tpu.vector_load %arg4[%get3A_1212, %get3A_1213] {strides = array<i32>} : memref<4x512xf32, #tpu.memory_space<vmem>>, vector<1x16xf32>,
    %get3A_1215 = vector.shape_cast %get3A_1214 : vector<1x16xf32> to vector<16xf32>
    %get3A_1216 = arith.constant 3 : i32
    %get3A_1217 = arith.index_cast %get3A_1216 : i32 to index
    %get3A_1218 = arith.constant 128 : index
    %get3A_1219 = tpu.vector_load %arg4[%get3A_1217, %get3A_1218] {strides = array<i32>} : memref<4x512xf32, #tpu.memory_space<vmem>>, vector<1x16xf32>,
    %get3A_1220 = vector.shape_cast %get3A_1219 : vector<1x16xf32> to vector<16xf32>
    %max3A_1221 = arith.maximumf %get3A_1205, %get3A_1210 : vector<16xf32>
    %max3A_1222 = arith.maximumf %get3A_1215, %get3A_1220 : vector<16xf32>
    %max3A_1223 = arith.maximumf %max3A_1221, %max3A_1222 : vector<16xf32>
    %eq3A_1224 = arith.cmpf oeq, %get3A_1205, %max3A_1223 : vector<16xf32>
    %eq3A_1225 = arith.cmpf oeq, %get3A_1210, %max3A_1223 : vector<16xf32>
    %eq3A_1226 = arith.cmpf oeq, %get3A_1215, %max3A_1223 : vector<16xf32>
    %jit3A_1227 = arith.constant 2 : i32
    %jit3A_1228 = arith.constant 3 : i32
    %broadcast_in_dim3A_1229 = vector.broadcast %jit3A_1227 : i32 to vector<16xi32>
    %broadcast_in_dim3A_1230 = vector.broadcast %jit3A_1228 : i32 to vector<16xi32>
    %select_n3A_1231 = arith.select %eq3A_1226, %broadcast_in_dim3A_1229, %broadcast_in_dim3A_1230 : vector<16xi1>, vector<16xi32>
    %jit3A_1232 = arith.constant 1 : i32
    %broadcast_in_dim3A_1233 = vector.broadcast %jit3A_1232 : i32 to vector<16xi32>
    %select_n3A_1234 = arith.select %eq3A_1225, %broadcast_in_dim3A_1233, %select_n3A_1231 : vector<16xi1>, vector<16xi32>
    %jit3A_1235 = arith.constant 0 : i32
    %broadcast_in_dim3A_1236 = vector.broadcast %jit3A_1235 : i32 to vector<16xi32>
    %select_n3A_1237 = arith.select %eq3A_1224, %broadcast_in_dim3A_1236, %select_n3A_1234 : vector<16xi1>, vector<16xi32>
    %eq3A_1238 = arith.constant 0 : i32
    %eq3A_1239 = vector.broadcast %eq3A_1238 : i32 to vector<16xi32>
    %eq3A_1240 = arith.cmpi eq, %select_n3A_1237, %eq3A_1239 : vector<16xi32>
    %jit3A_1241 = arith.constant 0xFF800000 : f32
    %broadcast_in_dim3A_1242 = vector.broadcast %jit3A_1241 : f32 to vector<16xf32>
    %select_n3A_1243 = arith.select %eq3A_1240, %broadcast_in_dim3A_1242, %get3A_1205 : vector<16xi1>, vector<16xf32>
    %eq3A_1244 = arith.constant 1 : i32
    %eq3A_1245 = vector.broadcast %eq3A_1244 : i32 to vector<16xi32>
    %eq3A_1246 = arith.cmpi eq, %select_n3A_1237, %eq3A_1245 : vector<16xi32>
    %jit3A_1247 = arith.constant 0xFF800000 : f32
    %broadcast_in_dim3A_1248 = vector.broadcast %jit3A_1247 : f32 to vector<16xf32>
    %select_n3A_1249 = arith.select %eq3A_1246, %broadcast_in_dim3A_1248, %get3A_1210 : vector<16xi1>, vector<16xf32>
    %eq3A_1250 = arith.constant 2 : i32
    %eq3A_1251 = vector.broadcast %eq3A_1250 : i32 to vector<16xi32>
    %eq3A_1252 = arith.cmpi eq, %select_n3A_1237, %eq3A_1251 : vector<16xi32>
    %jit3A_1253 = arith.constant 0xFF800000 : f32
    %broadcast_in_dim3A_1254 = vector.broadcast %jit3A_1253 : f32 to vector<16xf32>
    %select_n3A_1255 = arith.select %eq3A_1252, %broadcast_in_dim3A_1254, %get3A_1215 : vector<16xi1>, vector<16xf32>
    %eq3A_1256 = arith.constant 3 : i32
    %eq3A_1257 = vector.broadcast %eq3A_1256 : i32 to vector<16xi32>
    %eq3A_1258 = arith.cmpi eq, %select_n3A_1237, %eq3A_1257 : vector<16xi32>
    %jit3A_1259 = arith.constant 0xFF800000 : f32
    %broadcast_in_dim3A_1260 = vector.broadcast %jit3A_1259 : f32 to vector<16xf32>
    %select_n3A_1261 = arith.select %eq3A_1258, %broadcast_in_dim3A_1260, %get3A_1220 : vector<16xi1>, vector<16xf32>
    %max3A_1262 = arith.maximumf %select_n3A_1243, %select_n3A_1249 : vector<16xf32>
    %max3A_1263 = arith.maximumf %select_n3A_1255, %select_n3A_1261 : vector<16xf32>
    %max3A_1264 = arith.maximumf %max3A_1262, %max3A_1263 : vector<16xf32>
    %eq3A_1265 = arith.cmpf oeq, %select_n3A_1243, %max3A_1264 : vector<16xf32>
    %eq3A_1266 = arith.cmpf oeq, %select_n3A_1249, %max3A_1264 : vector<16xf32>
    %eq3A_1267 = arith.cmpf oeq, %select_n3A_1255, %max3A_1264 : vector<16xf32>
    %jit3A_1268 = arith.constant 2 : i32
    %jit3A_1269 = arith.constant 3 : i32
    %broadcast_in_dim3A_1270 = vector.broadcast %jit3A_1268 : i32 to vector<16xi32>
    %broadcast_in_dim3A_1271 = vector.broadcast %jit3A_1269 : i32 to vector<16xi32>
    %select_n3A_1272 = arith.select %eq3A_1267, %broadcast_in_dim3A_1270, %broadcast_in_dim3A_1271 : vector<16xi1>, vector<16xi32>
    %jit3A_1273 = arith.constant 1 : i32
    %broadcast_in_dim3A_1274 = vector.broadcast %jit3A_1273 : i32 to vector<16xi32>
    %select_n3A_1275 = arith.select %eq3A_1266, %broadcast_in_dim3A_1274, %select_n3A_1272 : vector<16xi1>, vector<16xi32>
    %jit3A_1276 = arith.constant 0 : i32
    %broadcast_in_dim3A_1277 = vector.broadcast %jit3A_1276 : i32 to vector<16xi32>
    %select_n3A_1278 = arith.select %eq3A_1265, %broadcast_in_dim3A_1277, %select_n3A_1275 : vector<16xi1>, vector<16xi32>
    %sub3A_1279 = arith.subf %max3A_1264, %max3A_1223 : vector<16xf32>
    %exp3A_1280 = math.exp %sub3A_1279 : vector<16xf32>
    %add3A_1281 = arith.constant 1.000000e+00 : f32
    %add3A_1282 = vector.broadcast %add3A_1281 : f32 to vector<16xf32>
    %add3A_1283 = arith.addf %add3A_1282, %exp3A_1280 : vector<16xf32>
    %div3A_1284 = arith.constant 1.000000e+00 : f32
    %div3A_1285 = vector.broadcast %div3A_1284 : f32 to vector<16xf32>
    %div3A_1286 = arith.divf %div3A_1285, %add3A_1283 : vector<16xf32>
    %mul3A_1287 = arith.mulf %exp3A_1280, %div3A_1286 : vector<16xf32>
    %eq3A_1288 = arith.constant 0 : i32
    %eq3A_1289 = vector.broadcast %eq3A_1288 : i32 to vector<16xi32>
    %eq3A_1290 = arith.cmpi eq, %select_n3A_1237, %eq3A_1289 : vector<16xi32>
    %eq3A_1291 = arith.constant 0 : i32
    %eq3A_1292 = vector.broadcast %eq3A_1291 : i32 to vector<16xi32>
    %eq3A_1293 = arith.cmpi eq, %select_n3A_1278, %eq3A_1292 : vector<16xi32>
    %jit3A_1294 = arith.constant 0.000000e+00 : f32
    %broadcast_in_dim3A_1295 = vector.broadcast %jit3A_1294 : f32 to vector<16xf32>
    %select_n3A_1296 = arith.select %eq3A_1293, %mul3A_1287, %broadcast_in_dim3A_1295 : vector<16xi1>, vector<16xf32>
    %select_n3A_1297 = arith.select %eq3A_1290, %div3A_1286, %select_n3A_1296 : vector<16xi1>, vector<16xf32>
    %swap3A_1298 = arith.constant 0 : i32
    %swap3A_1299 = arith.index_cast %swap3A_1298 : i32 to index
    %swap3A_1300 = arith.constant 128 : index
    %swap3A_1301 = tpu.vector_load %arg5[%swap3A_1299, %swap3A_1300] {strides = array<i32>} : memref<4x512xf32, #tpu.memory_space<vmem>>, vector<1x16xf32>,
    %swap3A_1302 = vector.shape_cast %swap3A_1301 : vector<1x16xf32> to vector<16xf32>
    %swap3A_1303 = vector.shape_cast %select_n3A_1297 : vector<16xf32> to vector<1x16xf32>
    tpu.vector_store %arg5[%swap3A_1299, %swap3A_1300], %swap3A_1303 {strides = array<i32>} : memref<4x512xf32, #tpu.memory_space<vmem>>, vector<1x16xf32>,
    %eq3A_1304 = arith.constant 1 : i32
    %eq3A_1305 = vector.broadcast %eq3A_1304 : i32 to vector<16xi32>
    %eq3A_1306 = arith.cmpi eq, %select_n3A_1237, %eq3A_1305 : vector<16xi32>
    %eq3A_1307 = arith.constant 1 : i32
    %eq3A_1308 = vector.broadcast %eq3A_1307 : i32 to vector<16xi32>
    %eq3A_1309 = arith.cmpi eq, %select_n3A_1278, %eq3A_1308 : vector<16xi32>
    %jit3A_1310 = arith.constant 0.000000e+00 : f32
    %broadcast_in_dim3A_1311 = vector.broadcast %jit3A_1310 : f32 to vector<16xf32>
    %select_n3A_1312 = arith.select %eq3A_1309, %mul3A_1287, %broadcast_in_dim3A_1311 : vector<16xi1>, vector<16xf32>
    %select_n3A_1313 = arith.select %eq3A_1306, %div3A_1286, %select_n3A_1312 : vector<16xi1>, vector<16xf32>
    %swap3A_1314 = arith.constant 1 : i32
    %swap3A_1315 = arith.index_cast %swap3A_1314 : i32 to index
    %swap3A_1316 = arith.constant 128 : index
    %swap3A_1317 = tpu.vector_load %arg5[%swap3A_1315, %swap3A_1316] {strides = array<i32>} : memref<4x512xf32, #tpu.memory_space<vmem>>, vector<1x16xf32>,
    %swap3A_1318 = vector.shape_cast %swap3A_1317 : vector<1x16xf32> to vector<16xf32>
    %swap3A_1319 = vector.shape_cast %select_n3A_1313 : vector<16xf32> to vector<1x16xf32>
    tpu.vector_store %arg5[%swap3A_1315, %swap3A_1316], %swap3A_1319 {strides = array<i32>} : memref<4x512xf32, #tpu.memory_space<vmem>>, vector<1x16xf32>,
    %eq3A_1320 = arith.constant 2 : i32
    %eq3A_1321 = vector.broadcast %eq3A_1320 : i32 to vector<16xi32>
    %eq3A_1322 = arith.cmpi eq, %select_n3A_1237, %eq3A_1321 : vector<16xi32>
    %eq3A_1323 = arith.constant 2 : i32
    %eq3A_1324 = vector.broadcast %eq3A_1323 : i32 to vector<16xi32>
    %eq3A_1325 = arith.cmpi eq, %select_n3A_1278, %eq3A_1324 : vector<16xi32>
    %jit3A_1326 = arith.constant 0.000000e+00 : f32
    %broadcast_in_dim3A_1327 = vector.broadcast %jit3A_1326 : f32 to vector<16xf32>
    %select_n3A_1328 = arith.select %eq3A_1325, %mul3A_1287, %broadcast_in_dim3A_1327 : vector<16xi1>, vector<16xf32>
    %select_n3A_1329 = arith.select %eq3A_1322, %div3A_1286, %select_n3A_1328 : vector<16xi1>, vector<16xf32>
    %swap3A_1330 = arith.constant 2 : i32
    %swap3A_1331 = arith.index_cast %swap3A_1330 : i32 to index
    %swap3A_1332 = arith.constant 128 : index
    %swap3A_1333 = tpu.vector_load %arg5[%swap3A_1331, %swap3A_1332] {strides = array<i32>} : memref<4x512xf32, #tpu.memory_space<vmem>>, vector<1x16xf32>,
    %swap3A_1334 = vector.shape_cast %swap3A_1333 : vector<1x16xf32> to vector<16xf32>
    %swap3A_1335 = vector.shape_cast %select_n3A_1329 : vector<16xf32> to vector<1x16xf32>
    tpu.vector_store %arg5[%swap3A_1331, %swap3A_1332], %swap3A_1335 {strides = array<i32>} : memref<4x512xf32, #tpu.memory_space<vmem>>, vector<1x16xf32>,
    %eq3A_1336 = arith.constant 3 : i32
    %eq3A_1337 = vector.broadcast %eq3A_1336 : i32 to vector<16xi32>
    %eq3A_1338 = arith.cmpi eq, %select_n3A_1237, %eq3A_1337 : vector<16xi32>
    %eq3A_1339 = arith.constant 3 : i32
    %eq3A_1340 = vector.broadcast %eq3A_1339 : i32 to vector<16xi32>
    %eq3A_1341 = arith.cmpi eq, %select_n3A_1278, %eq3A_1340 : vector<16xi32>
    %jit3A_1342 = arith.constant 0.000000e+00 : f32
    %broadcast_in_dim3A_1343 = vector.broadcast %jit3A_1342 : f32 to vector<16xf32>
    %select_n3A_1344 = arith.select %eq3A_1341, %mul3A_1287, %broadcast_in_dim3A_1343 : vector<16xi1>, vector<16xf32>
    %select_n3A_1345 = arith.select %eq3A_1338, %div3A_1286, %select_n3A_1344 : vector<16xi1>, vector<16xf32>
    %swap3A_1346 = arith.constant 3 : i32
    %swap3A_1347 = arith.index_cast %swap3A_1346 : i32 to index
    %swap3A_1348 = arith.constant 128 : index
    %swap3A_1349 = tpu.vector_load %arg5[%swap3A_1347, %swap3A_1348] {strides = array<i32>} : memref<4x512xf32, #tpu.memory_space<vmem>>, vector<1x16xf32>,
    %swap3A_1350 = vector.shape_cast %swap3A_1349 : vector<1x16xf32> to vector<16xf32>
    %swap3A_1351 = vector.shape_cast %select_n3A_1345 : vector<16xf32> to vector<1x16xf32>
    tpu.vector_store %arg5[%swap3A_1347, %swap3A_1348], %swap3A_1351 {strides = array<i32>} : memref<4x512xf32, #tpu.memory_space<vmem>>, vector<1x16xf32>,
    %get3A_1352 = arith.constant 0 : i32
    %get3A_1353 = arith.index_cast %get3A_1352 : i32 to index
    %get3A_1354 = arith.constant 144 : index
    %get3A_1355 = tpu.vector_load %arg4[%get3A_1353, %get3A_1354] {strides = array<i32>} : memref<4x512xf32, #tpu.memory_space<vmem>>, vector<1x16xf32>,
    %get3A_1356 = vector.shape_cast %get3A_1355 : vector<1x16xf32> to vector<16xf32>
    %get3A_1357 = arith.constant 1 : i32
    %get3A_1358 = arith.index_cast %get3A_1357 : i32 to index
    %get3A_1359 = arith.constant 144 : index
    %get3A_1360 = tpu.vector_load %arg4[%get3A_1358, %get3A_1359] {strides = array<i32>} : memref<4x512xf32, #tpu.memory_space<vmem>>, vector<1x16xf32>,
    %get3A_1361 = vector.shape_cast %get3A_1360 : vector<1x16xf32> to vector<16xf32>
    %get3A_1362 = arith.constant 2 : i32
    %get3A_1363 = arith.index_cast %get3A_1362 : i32 to index
    %get3A_1364 = arith.constant 144 : index
    %get3A_1365 = tpu.vector_load %arg4[%get3A_1363, %get3A_1364] {strides = array<i32>} : memref<4x512xf32, #tpu.memory_space<vmem>>, vector<1x16xf32>,
    %get3A_1366 = vector.shape_cast %get3A_1365 : vector<1x16xf32> to vector<16xf32>
    %get3A_1367 = arith.constant 3 : i32
    %get3A_1368 = arith.index_cast %get3A_1367 : i32 to index
    %get3A_1369 = arith.constant 144 : index
    %get3A_1370 = tpu.vector_load %arg4[%get3A_1368, %get3A_1369] {strides = array<i32>} : memref<4x512xf32, #tpu.memory_space<vmem>>, vector<1x16xf32>,
    %get3A_1371 = vector.shape_cast %get3A_1370 : vector<1x16xf32> to vector<16xf32>
    %max3A_1372 = arith.maximumf %get3A_1356, %get3A_1361 : vector<16xf32>
    %max3A_1373 = arith.maximumf %get3A_1366, %get3A_1371 : vector<16xf32>
    %max3A_1374 = arith.maximumf %max3A_1372, %max3A_1373 : vector<16xf32>
    %eq3A_1375 = arith.cmpf oeq, %get3A_1356, %max3A_1374 : vector<16xf32>
    %eq3A_1376 = arith.cmpf oeq, %get3A_1361, %max3A_1374 : vector<16xf32>
    %eq3A_1377 = arith.cmpf oeq, %get3A_1366, %max3A_1374 : vector<16xf32>
    %jit3A_1378 = arith.constant 2 : i32
    %jit3A_1379 = arith.constant 3 : i32
    %broadcast_in_dim3A_1380 = vector.broadcast %jit3A_1378 : i32 to vector<16xi32>
    %broadcast_in_dim3A_1381 = vector.broadcast %jit3A_1379 : i32 to vector<16xi32>
    %select_n3A_1382 = arith.select %eq3A_1377, %broadcast_in_dim3A_1380, %broadcast_in_dim3A_1381 : vector<16xi1>, vector<16xi32>
    %jit3A_1383 = arith.constant 1 : i32
    %broadcast_in_dim3A_1384 = vector.broadcast %jit3A_1383 : i32 to vector<16xi32>
    %select_n3A_1385 = arith.select %eq3A_1376, %broadcast_in_dim3A_1384, %select_n3A_1382 : vector<16xi1>, vector<16xi32>
    %jit3A_1386 = arith.constant 0 : i32
    %broadcast_in_dim3A_1387 = vector.broadcast %jit3A_1386 : i32 to vector<16xi32>
    %select_n3A_1388 = arith.select %eq3A_1375, %broadcast_in_dim3A_1387, %select_n3A_1385 : vector<16xi1>, vector<16xi32>
    %eq3A_1389 = arith.constant 0 : i32
    %eq3A_1390 = vector.broadcast %eq3A_1389 : i32 to vector<16xi32>
    %eq3A_1391 = arith.cmpi eq, %select_n3A_1388, %eq3A_1390 : vector<16xi32>
    %jit3A_1392 = arith.constant 0xFF800000 : f32
    %broadcast_in_dim3A_1393 = vector.broadcast %jit3A_1392 : f32 to vector<16xf32>
    %select_n3A_1394 = arith.select %eq3A_1391, %broadcast_in_dim3A_1393, %get3A_1356 : vector<16xi1>, vector<16xf32>
    %eq3A_1395 = arith.constant 1 : i32
    %eq3A_1396 = vector.broadcast %eq3A_1395 : i32 to vector<16xi32>
    %eq3A_1397 = arith.cmpi eq, %select_n3A_1388, %eq3A_1396 : vector<16xi32>
    %jit3A_1398 = arith.constant 0xFF800000 : f32
    %broadcast_in_dim3A_1399 = vector.broadcast %jit3A_1398 : f32 to vector<16xf32>
    %select_n3A_1400 = arith.select %eq3A_1397, %broadcast_in_dim3A_1399, %get3A_1361 : vector<16xi1>, vector<16xf32>
    %eq3A_1401 = arith.constant 2 : i32
    %eq3A_1402 = vector.broadcast %eq3A_1401 : i32 to vector<16xi32>
    %eq3A_1403 = arith.cmpi eq, %select_n3A_1388, %eq3A_1402 : vector<16xi32>
    %jit3A_1404 = arith.constant 0xFF800000 : f32
    %broadcast_in_dim3A_1405 = vector.broadcast %jit3A_1404 : f32 to vector<16xf32>
    %select_n3A_1406 = arith.select %eq3A_1403, %broadcast_in_dim3A_1405, %get3A_1366 : vector<16xi1>, vector<16xf32>
    %eq3A_1407 = arith.constant 3 : i32
    %eq3A_1408 = vector.broadcast %eq3A_1407 : i32 to vector<16xi32>
    %eq3A_1409 = arith.cmpi eq, %select_n3A_1388, %eq3A_1408 : vector<16xi32>
    %jit3A_1410 = arith.constant 0xFF800000 : f32
    %broadcast_in_dim3A_1411 = vector.broadcast %jit3A_1410 : f32 to vector<16xf32>
    %select_n3A_1412 = arith.select %eq3A_1409, %broadcast_in_dim3A_1411, %get3A_1371 : vector<16xi1>, vector<16xf32>
    %max3A_1413 = arith.maximumf %select_n3A_1394, %select_n3A_1400 : vector<16xf32>
    %max3A_1414 = arith.maximumf %select_n3A_1406, %select_n3A_1412 : vector<16xf32>
    %max3A_1415 = arith.maximumf %max3A_1413, %max3A_1414 : vector<16xf32>
    %eq3A_1416 = arith.cmpf oeq, %select_n3A_1394, %max3A_1415 : vector<16xf32>
    %eq3A_1417 = arith.cmpf oeq, %select_n3A_1400, %max3A_1415 : vector<16xf32>
    %eq3A_1418 = arith.cmpf oeq, %select_n3A_1406, %max3A_1415 : vector<16xf32>
    %jit3A_1419 = arith.constant 2 : i32
    %jit3A_1420 = arith.constant 3 : i32
    %broadcast_in_dim3A_1421 = vector.broadcast %jit3A_1419 : i32 to vector<16xi32>
    %broadcast_in_dim3A_1422 = vector.broadcast %jit3A_1420 : i32 to vector<16xi32>
    %select_n3A_1423 = arith.select %eq3A_1418, %broadcast_in_dim3A_1421, %broadcast_in_dim3A_1422 : vector<16xi1>, vector<16xi32>
    %jit3A_1424 = arith.constant 1 : i32
    %broadcast_in_dim3A_1425 = vector.broadcast %jit3A_1424 : i32 to vector<16xi32>
    %select_n3A_1426 = arith.select %eq3A_1417, %broadcast_in_dim3A_1425, %select_n3A_1423 : vector<16xi1>, vector<16xi32>
    %jit3A_1427 = arith.constant 0 : i32
    %broadcast_in_dim3A_1428 = vector.broadcast %jit3A_1427 : i32 to vector<16xi32>
    %select_n3A_1429 = arith.select %eq3A_1416, %broadcast_in_dim3A_1428, %select_n3A_1426 : vector<16xi1>, vector<16xi32>
    %sub3A_1430 = arith.subf %max3A_1415, %max3A_1374 : vector<16xf32>
    %exp3A_1431 = math.exp %sub3A_1430 : vector<16xf32>
    %add3A_1432 = arith.constant 1.000000e+00 : f32
    %add3A_1433 = vector.broadcast %add3A_1432 : f32 to vector<16xf32>
    %add3A_1434 = arith.addf %add3A_1433, %exp3A_1431 : vector<16xf32>
    %div3A_1435 = arith.constant 1.000000e+00 : f32
    %div3A_1436 = vector.broadcast %div3A_1435 : f32 to vector<16xf32>
    %div3A_1437 = arith.divf %div3A_1436, %add3A_1434 : vector<16xf32>
    %mul3A_1438 = arith.mulf %exp3A_1431, %div3A_1437 : vector<16xf32>
    %eq3A_1439 = arith.constant 0 : i32
    %eq3A_1440 = vector.broadcast %eq3A_1439 : i32 to vector<16xi32>
    %eq3A_1441 = arith.cmpi eq, %select_n3A_1388, %eq3A_1440 : vector<16xi32>
    %eq3A_1442 = arith.constant 0 : i32
    %eq3A_1443 = vector.broadcast %eq3A_1442 : i32 to vector<16xi32>
    %eq3A_1444 = arith.cmpi eq, %select_n3A_1429, %eq3A_1443 : vector<16xi32>
    %jit3A_1445 = arith.constant 0.000000e+00 : f32
    %broadcast_in_dim3A_1446 = vector.broadcast %jit3A_1445 : f32 to vector<16xf32>
    %select_n3A_1447 = arith.select %eq3A_1444, %mul3A_1438, %broadcast_in_dim3A_1446 : vector<16xi1>, vector<16xf32>
    %select_n3A_1448 = arith.select %eq3A_1441, %div3A_1437, %select_n3A_1447 : vector<16xi1>, vector<16xf32>
    %swap3A_1449 = arith.constant 0 : i32
    %swap3A_1450 = arith.index_cast %swap3A_1449 : i32 to index
    %swap3A_1451 = arith.constant 144 : index
    %swap3A_1452 = tpu.vector_load %arg5[%swap3A_1450, %swap3A_1451] {strides = array<i32>} : memref<4x512xf32, #tpu.memory_space<vmem>>, vector<1x16xf32>,
    %swap3A_1453 = vector.shape_cast %swap3A_1452 : vector<1x16xf32> to vector<16xf32>
    %swap3A_1454 = vector.shape_cast %select_n3A_1448 : vector<16xf32> to vector<1x16xf32>
    tpu.vector_store %arg5[%swap3A_1450, %swap3A_1451], %swap3A_1454 {strides = array<i32>} : memref<4x512xf32, #tpu.memory_space<vmem>>, vector<1x16xf32>,
    %eq3A_1455 = arith.constant 1 : i32
    %eq3A_1456 = vector.broadcast %eq3A_1455 : i32 to vector<16xi32>
    %eq3A_1457 = arith.cmpi eq, %select_n3A_1388, %eq3A_1456 : vector<16xi32>
    %eq3A_1458 = arith.constant 1 : i32
    %eq3A_1459 = vector.broadcast %eq3A_1458 : i32 to vector<16xi32>
    %eq3A_1460 = arith.cmpi eq, %select_n3A_1429, %eq3A_1459 : vector<16xi32>
    %jit3A_1461 = arith.constant 0.000000e+00 : f32
    %broadcast_in_dim3A_1462 = vector.broadcast %jit3A_1461 : f32 to vector<16xf32>
    %select_n3A_1463 = arith.select %eq3A_1460, %mul3A_1438, %broadcast_in_dim3A_1462 : vector<16xi1>, vector<16xf32>
    %select_n3A_1464 = arith.select %eq3A_1457, %div3A_1437, %select_n3A_1463 : vector<16xi1>, vector<16xf32>
    %swap3A_1465 = arith.constant 1 : i32
    %swap3A_1466 = arith.index_cast %swap3A_1465 : i32 to index
    %swap3A_1467 = arith.constant 144 : index
    %swap3A_1468 = tpu.vector_load %arg5[%swap3A_1466, %swap3A_1467] {strides = array<i32>} : memref<4x512xf32, #tpu.memory_space<vmem>>, vector<1x16xf32>,
    %swap3A_1469 = vector.shape_cast %swap3A_1468 : vector<1x16xf32> to vector<16xf32>
    %swap3A_1470 = vector.shape_cast %select_n3A_1464 : vector<16xf32> to vector<1x16xf32>
    tpu.vector_store %arg5[%swap3A_1466, %swap3A_1467], %swap3A_1470 {strides = array<i32>} : memref<4x512xf32, #tpu.memory_space<vmem>>, vector<1x16xf32>,
    %eq3A_1471 = arith.constant 2 : i32
    %eq3A_1472 = vector.broadcast %eq3A_1471 : i32 to vector<16xi32>
    %eq3A_1473 = arith.cmpi eq, %select_n3A_1388, %eq3A_1472 : vector<16xi32>
    %eq3A_1474 = arith.constant 2 : i32
    %eq3A_1475 = vector.broadcast %eq3A_1474 : i32 to vector<16xi32>
    %eq3A_1476 = arith.cmpi eq, %select_n3A_1429, %eq3A_1475 : vector<16xi32>
    %jit3A_1477 = arith.constant 0.000000e+00 : f32
    %broadcast_in_dim3A_1478 = vector.broadcast %jit3A_1477 : f32 to vector<16xf32>
    %select_n3A_1479 = arith.select %eq3A_1476, %mul3A_1438, %broadcast_in_dim3A_1478 : vector<16xi1>, vector<16xf32>
    %select_n3A_1480 = arith.select %eq3A_1473, %div3A_1437, %select_n3A_1479 : vector<16xi1>, vector<16xf32>
    %swap3A_1481 = arith.constant 2 : i32
    %swap3A_1482 = arith.index_cast %swap3A_1481 : i32 to index
    %swap3A_1483 = arith.constant 144 : index
    %swap3A_1484 = tpu.vector_load %arg5[%swap3A_1482, %swap3A_1483] {strides = array<i32>} : memref<4x512xf32, #tpu.memory_space<vmem>>, vector<1x16xf32>,
    %swap3A_1485 = vector.shape_cast %swap3A_1484 : vector<1x16xf32> to vector<16xf32>
    %swap3A_1486 = vector.shape_cast %select_n3A_1480 : vector<16xf32> to vector<1x16xf32>
    tpu.vector_store %arg5[%swap3A_1482, %swap3A_1483], %swap3A_1486 {strides = array<i32>} : memref<4x512xf32, #tpu.memory_space<vmem>>, vector<1x16xf32>,
    %eq3A_1487 = arith.constant 3 : i32
    %eq3A_1488 = vector.broadcast %eq3A_1487 : i32 to vector<16xi32>
    %eq3A_1489 = arith.cmpi eq, %select_n3A_1388, %eq3A_1488 : vector<16xi32>
    %eq3A_1490 = arith.constant 3 : i32
    %eq3A_1491 = vector.broadcast %eq3A_1490 : i32 to vector<16xi32>
    %eq3A_1492 = arith.cmpi eq, %select_n3A_1429, %eq3A_1491 : vector<16xi32>
    %jit3A_1493 = arith.constant 0.000000e+00 : f32
    %broadcast_in_dim3A_1494 = vector.broadcast %jit3A_1493 : f32 to vector<16xf32>
    %select_n3A_1495 = arith.select %eq3A_1492, %mul3A_1438, %broadcast_in_dim3A_1494 : vector<16xi1>, vector<16xf32>
    %select_n3A_1496 = arith.select %eq3A_1489, %div3A_1437, %select_n3A_1495 : vector<16xi1>, vector<16xf32>
    %swap3A_1497 = arith.constant 3 : i32
    %swap3A_1498 = arith.index_cast %swap3A_1497 : i32 to index
    %swap3A_1499 = arith.constant 144 : index
    %swap3A_1500 = tpu.vector_load %arg5[%swap3A_1498, %swap3A_1499] {strides = array<i32>} : memref<4x512xf32, #tpu.memory_space<vmem>>, vector<1x16xf32>,
    %swap3A_1501 = vector.shape_cast %swap3A_1500 : vector<1x16xf32> to vector<16xf32>
    %swap3A_1502 = vector.shape_cast %select_n3A_1496 : vector<16xf32> to vector<1x16xf32>
    tpu.vector_store %arg5[%swap3A_1498, %swap3A_1499], %swap3A_1502 {strides = array<i32>} : memref<4x512xf32, #tpu.memory_space<vmem>>, vector<1x16xf32>,
    %get3A_1503 = arith.constant 0 : i32
    %get3A_1504 = arith.index_cast %get3A_1503 : i32 to index
    %get3A_1505 = arith.constant 160 : index
    %get3A_1506 = tpu.vector_load %arg4[%get3A_1504, %get3A_1505] {strides = array<i32>} : memref<4x512xf32, #tpu.memory_space<vmem>>, vector<1x16xf32>,
    %get3A_1507 = vector.shape_cast %get3A_1506 : vector<1x16xf32> to vector<16xf32>
    %get3A_1508 = arith.constant 1 : i32
    %get3A_1509 = arith.index_cast %get3A_1508 : i32 to index
    %get3A_1510 = arith.constant 160 : index
    %get3A_1511 = tpu.vector_load %arg4[%get3A_1509, %get3A_1510] {strides = array<i32>} : memref<4x512xf32, #tpu.memory_space<vmem>>, vector<1x16xf32>,
    %get3A_1512 = vector.shape_cast %get3A_1511 : vector<1x16xf32> to vector<16xf32>
    %get3A_1513 = arith.constant 2 : i32
    %get3A_1514 = arith.index_cast %get3A_1513 : i32 to index
    %get3A_1515 = arith.constant 160 : index
    %get3A_1516 = tpu.vector_load %arg4[%get3A_1514, %get3A_1515] {strides = array<i32>} : memref<4x512xf32, #tpu.memory_space<vmem>>, vector<1x16xf32>,
    %get3A_1517 = vector.shape_cast %get3A_1516 : vector<1x16xf32> to vector<16xf32>
    %get3A_1518 = arith.constant 3 : i32
    %get3A_1519 = arith.index_cast %get3A_1518 : i32 to index
    %get3A_1520 = arith.constant 160 : index
    %get3A_1521 = tpu.vector_load %arg4[%get3A_1519, %get3A_1520] {strides = array<i32>} : memref<4x512xf32, #tpu.memory_space<vmem>>, vector<1x16xf32>,
    %get3A_1522 = vector.shape_cast %get3A_1521 : vector<1x16xf32> to vector<16xf32>
    %max3A_1523 = arith.maximumf %get3A_1507, %get3A_1512 : vector<16xf32>
    %max3A_1524 = arith.maximumf %get3A_1517, %get3A_1522 : vector<16xf32>
    %max3A_1525 = arith.maximumf %max3A_1523, %max3A_1524 : vector<16xf32>
    %eq3A_1526 = arith.cmpf oeq, %get3A_1507, %max3A_1525 : vector<16xf32>
    %eq3A_1527 = arith.cmpf oeq, %get3A_1512, %max3A_1525 : vector<16xf32>
    %eq3A_1528 = arith.cmpf oeq, %get3A_1517, %max3A_1525 : vector<16xf32>
    %jit3A_1529 = arith.constant 2 : i32
    %jit3A_1530 = arith.constant 3 : i32
    %broadcast_in_dim3A_1531 = vector.broadcast %jit3A_1529 : i32 to vector<16xi32>
    %broadcast_in_dim3A_1532 = vector.broadcast %jit3A_1530 : i32 to vector<16xi32>
    %select_n3A_1533 = arith.select %eq3A_1528, %broadcast_in_dim3A_1531, %broadcast_in_dim3A_1532 : vector<16xi1>, vector<16xi32>
    %jit3A_1534 = arith.constant 1 : i32
    %broadcast_in_dim3A_1535 = vector.broadcast %jit3A_1534 : i32 to vector<16xi32>
    %select_n3A_1536 = arith.select %eq3A_1527, %broadcast_in_dim3A_1535, %select_n3A_1533 : vector<16xi1>, vector<16xi32>
    %jit3A_1537 = arith.constant 0 : i32
    %broadcast_in_dim3A_1538 = vector.broadcast %jit3A_1537 : i32 to vector<16xi32>
    %select_n3A_1539 = arith.select %eq3A_1526, %broadcast_in_dim3A_1538, %select_n3A_1536 : vector<16xi1>, vector<16xi32>
    %eq3A_1540 = arith.constant 0 : i32
    %eq3A_1541 = vector.broadcast %eq3A_1540 : i32 to vector<16xi32>
    %eq3A_1542 = arith.cmpi eq, %select_n3A_1539, %eq3A_1541 : vector<16xi32>
    %jit3A_1543 = arith.constant 0xFF800000 : f32
    %broadcast_in_dim3A_1544 = vector.broadcast %jit3A_1543 : f32 to vector<16xf32>
    %select_n3A_1545 = arith.select %eq3A_1542, %broadcast_in_dim3A_1544, %get3A_1507 : vector<16xi1>, vector<16xf32>
    %eq3A_1546 = arith.constant 1 : i32
    %eq3A_1547 = vector.broadcast %eq3A_1546 : i32 to vector<16xi32>
    %eq3A_1548 = arith.cmpi eq, %select_n3A_1539, %eq3A_1547 : vector<16xi32>
    %jit3A_1549 = arith.constant 0xFF800000 : f32
    %broadcast_in_dim3A_1550 = vector.broadcast %jit3A_1549 : f32 to vector<16xf32>
    %select_n3A_1551 = arith.select %eq3A_1548, %broadcast_in_dim3A_1550, %get3A_1512 : vector<16xi1>, vector<16xf32>
    %eq3A_1552 = arith.constant 2 : i32
    %eq3A_1553 = vector.broadcast %eq3A_1552 : i32 to vector<16xi32>
    %eq3A_1554 = arith.cmpi eq, %select_n3A_1539, %eq3A_1553 : vector<16xi32>
    %jit3A_1555 = arith.constant 0xFF800000 : f32
    %broadcast_in_dim3A_1556 = vector.broadcast %jit3A_1555 : f32 to vector<16xf32>
    %select_n3A_1557 = arith.select %eq3A_1554, %broadcast_in_dim3A_1556, %get3A_1517 : vector<16xi1>, vector<16xf32>
    %eq3A_1558 = arith.constant 3 : i32
    %eq3A_1559 = vector.broadcast %eq3A_1558 : i32 to vector<16xi32>
    %eq3A_1560 = arith.cmpi eq, %select_n3A_1539, %eq3A_1559 : vector<16xi32>
    %jit3A_1561 = arith.constant 0xFF800000 : f32
    %broadcast_in_dim3A_1562 = vector.broadcast %jit3A_1561 : f32 to vector<16xf32>
    %select_n3A_1563 = arith.select %eq3A_1560, %broadcast_in_dim3A_1562, %get3A_1522 : vector<16xi1>, vector<16xf32>
    %max3A_1564 = arith.maximumf %select_n3A_1545, %select_n3A_1551 : vector<16xf32>
    %max3A_1565 = arith.maximumf %select_n3A_1557, %select_n3A_1563 : vector<16xf32>
    %max3A_1566 = arith.maximumf %max3A_1564, %max3A_1565 : vector<16xf32>
    %eq3A_1567 = arith.cmpf oeq, %select_n3A_1545, %max3A_1566 : vector<16xf32>
    %eq3A_1568 = arith.cmpf oeq, %select_n3A_1551, %max3A_1566 : vector<16xf32>
    %eq3A_1569 = arith.cmpf oeq, %select_n3A_1557, %max3A_1566 : vector<16xf32>
    %jit3A_1570 = arith.constant 2 : i32
    %jit3A_1571 = arith.constant 3 : i32
    %broadcast_in_dim3A_1572 = vector.broadcast %jit3A_1570 : i32 to vector<16xi32>
    %broadcast_in_dim3A_1573 = vector.broadcast %jit3A_1571 : i32 to vector<16xi32>
    %select_n3A_1574 = arith.select %eq3A_1569, %broadcast_in_dim3A_1572, %broadcast_in_dim3A_1573 : vector<16xi1>, vector<16xi32>
    %jit3A_1575 = arith.constant 1 : i32
    %broadcast_in_dim3A_1576 = vector.broadcast %jit3A_1575 : i32 to vector<16xi32>
    %select_n3A_1577 = arith.select %eq3A_1568, %broadcast_in_dim3A_1576, %select_n3A_1574 : vector<16xi1>, vector<16xi32>
    %jit3A_1578 = arith.constant 0 : i32
    %broadcast_in_dim3A_1579 = vector.broadcast %jit3A_1578 : i32 to vector<16xi32>
    %select_n3A_1580 = arith.select %eq3A_1567, %broadcast_in_dim3A_1579, %select_n3A_1577 : vector<16xi1>, vector<16xi32>
    %sub3A_1581 = arith.subf %max3A_1566, %max3A_1525 : vector<16xf32>
    %exp3A_1582 = math.exp %sub3A_1581 : vector<16xf32>
    %add3A_1583 = arith.constant 1.000000e+00 : f32
    %add3A_1584 = vector.broadcast %add3A_1583 : f32 to vector<16xf32>
    %add3A_1585 = arith.addf %add3A_1584, %exp3A_1582 : vector<16xf32>
    %div3A_1586 = arith.constant 1.000000e+00 : f32
    %div3A_1587 = vector.broadcast %div3A_1586 : f32 to vector<16xf32>
    %div3A_1588 = arith.divf %div3A_1587, %add3A_1585 : vector<16xf32>
    %mul3A_1589 = arith.mulf %exp3A_1582, %div3A_1588 : vector<16xf32>
    %eq3A_1590 = arith.constant 0 : i32
    %eq3A_1591 = vector.broadcast %eq3A_1590 : i32 to vector<16xi32>
    %eq3A_1592 = arith.cmpi eq, %select_n3A_1539, %eq3A_1591 : vector<16xi32>
    %eq3A_1593 = arith.constant 0 : i32
    %eq3A_1594 = vector.broadcast %eq3A_1593 : i32 to vector<16xi32>
    %eq3A_1595 = arith.cmpi eq, %select_n3A_1580, %eq3A_1594 : vector<16xi32>
    %jit3A_1596 = arith.constant 0.000000e+00 : f32
    %broadcast_in_dim3A_1597 = vector.broadcast %jit3A_1596 : f32 to vector<16xf32>
    %select_n3A_1598 = arith.select %eq3A_1595, %mul3A_1589, %broadcast_in_dim3A_1597 : vector<16xi1>, vector<16xf32>
    %select_n3A_1599 = arith.select %eq3A_1592, %div3A_1588, %select_n3A_1598 : vector<16xi1>, vector<16xf32>
    %swap3A_1600 = arith.constant 0 : i32
    %swap3A_1601 = arith.index_cast %swap3A_1600 : i32 to index
    %swap3A_1602 = arith.constant 160 : index
    %swap3A_1603 = tpu.vector_load %arg5[%swap3A_1601, %swap3A_1602] {strides = array<i32>} : memref<4x512xf32, #tpu.memory_space<vmem>>, vector<1x16xf32>,
    %swap3A_1604 = vector.shape_cast %swap3A_1603 : vector<1x16xf32> to vector<16xf32>
    %swap3A_1605 = vector.shape_cast %select_n3A_1599 : vector<16xf32> to vector<1x16xf32>
    tpu.vector_store %arg5[%swap3A_1601, %swap3A_1602], %swap3A_1605 {strides = array<i32>} : memref<4x512xf32, #tpu.memory_space<vmem>>, vector<1x16xf32>,
    %eq3A_1606 = arith.constant 1 : i32
    %eq3A_1607 = vector.broadcast %eq3A_1606 : i32 to vector<16xi32>
    %eq3A_1608 = arith.cmpi eq, %select_n3A_1539, %eq3A_1607 : vector<16xi32>
    %eq3A_1609 = arith.constant 1 : i32
    %eq3A_1610 = vector.broadcast %eq3A_1609 : i32 to vector<16xi32>
    %eq3A_1611 = arith.cmpi eq, %select_n3A_1580, %eq3A_1610 : vector<16xi32>
    %jit3A_1612 = arith.constant 0.000000e+00 : f32
    %broadcast_in_dim3A_1613 = vector.broadcast %jit3A_1612 : f32 to vector<16xf32>
    %select_n3A_1614 = arith.select %eq3A_1611, %mul3A_1589, %broadcast_in_dim3A_1613 : vector<16xi1>, vector<16xf32>
    %select_n3A_1615 = arith.select %eq3A_1608, %div3A_1588, %select_n3A_1614 : vector<16xi1>, vector<16xf32>
    %swap3A_1616 = arith.constant 1 : i32
    %swap3A_1617 = arith.index_cast %swap3A_1616 : i32 to index
    %swap3A_1618 = arith.constant 160 : index
    %swap3A_1619 = tpu.vector_load %arg5[%swap3A_1617, %swap3A_1618] {strides = array<i32>} : memref<4x512xf32, #tpu.memory_space<vmem>>, vector<1x16xf32>,
    %swap3A_1620 = vector.shape_cast %swap3A_1619 : vector<1x16xf32> to vector<16xf32>
    %swap3A_1621 = vector.shape_cast %select_n3A_1615 : vector<16xf32> to vector<1x16xf32>
    tpu.vector_store %arg5[%swap3A_1617, %swap3A_1618], %swap3A_1621 {strides = array<i32>} : memref<4x512xf32, #tpu.memory_space<vmem>>, vector<1x16xf32>,
    %eq3A_1622 = arith.constant 2 : i32
    %eq3A_1623 = vector.broadcast %eq3A_1622 : i32 to vector<16xi32>
    %eq3A_1624 = arith.cmpi eq, %select_n3A_1539, %eq3A_1623 : vector<16xi32>
    %eq3A_1625 = arith.constant 2 : i32
    %eq3A_1626 = vector.broadcast %eq3A_1625 : i32 to vector<16xi32>
    %eq3A_1627 = arith.cmpi eq, %select_n3A_1580, %eq3A_1626 : vector<16xi32>
    %jit3A_1628 = arith.constant 0.000000e+00 : f32
    %broadcast_in_dim3A_1629 = vector.broadcast %jit3A_1628 : f32 to vector<16xf32>
    %select_n3A_1630 = arith.select %eq3A_1627, %mul3A_1589, %broadcast_in_dim3A_1629 : vector<16xi1>, vector<16xf32>
    %select_n3A_1631 = arith.select %eq3A_1624, %div3A_1588, %select_n3A_1630 : vector<16xi1>, vector<16xf32>
    %swap3A_1632 = arith.constant 2 : i32
    %swap3A_1633 = arith.index_cast %swap3A_1632 : i32 to index
    %swap3A_1634 = arith.constant 160 : index
    %swap3A_1635 = tpu.vector_load %arg5[%swap3A_1633, %swap3A_1634] {strides = array<i32>} : memref<4x512xf32, #tpu.memory_space<vmem>>, vector<1x16xf32>,
    %swap3A_1636 = vector.shape_cast %swap3A_1635 : vector<1x16xf32> to vector<16xf32>
    %swap3A_1637 = vector.shape_cast %select_n3A_1631 : vector<16xf32> to vector<1x16xf32>
    tpu.vector_store %arg5[%swap3A_1633, %swap3A_1634], %swap3A_1637 {strides = array<i32>} : memref<4x512xf32, #tpu.memory_space<vmem>>, vector<1x16xf32>,
    %eq3A_1638 = arith.constant 3 : i32
    %eq3A_1639 = vector.broadcast %eq3A_1638 : i32 to vector<16xi32>
    %eq3A_1640 = arith.cmpi eq, %select_n3A_1539, %eq3A_1639 : vector<16xi32>
    %eq3A_1641 = arith.constant 3 : i32
    %eq3A_1642 = vector.broadcast %eq3A_1641 : i32 to vector<16xi32>
    %eq3A_1643 = arith.cmpi eq, %select_n3A_1580, %eq3A_1642 : vector<16xi32>
    %jit3A_1644 = arith.constant 0.000000e+00 : f32
    %broadcast_in_dim3A_1645 = vector.broadcast %jit3A_1644 : f32 to vector<16xf32>
    %select_n3A_1646 = arith.select %eq3A_1643, %mul3A_1589, %broadcast_in_dim3A_1645 : vector<16xi1>, vector<16xf32>
    %select_n3A_1647 = arith.select %eq3A_1640, %div3A_1588, %select_n3A_1646 : vector<16xi1>, vector<16xf32>
    %swap3A_1648 = arith.constant 3 : i32
    %swap3A_1649 = arith.index_cast %swap3A_1648 : i32 to index
    %swap3A_1650 = arith.constant 160 : index
    %swap3A_1651 = tpu.vector_load %arg5[%swap3A_1649, %swap3A_1650] {strides = array<i32>} : memref<4x512xf32, #tpu.memory_space<vmem>>, vector<1x16xf32>,
    %swap3A_1652 = vector.shape_cast %swap3A_1651 : vector<1x16xf32> to vector<16xf32>
    %swap3A_1653 = vector.shape_cast %select_n3A_1647 : vector<16xf32> to vector<1x16xf32>
    tpu.vector_store %arg5[%swap3A_1649, %swap3A_1650], %swap3A_1653 {strides = array<i32>} : memref<4x512xf32, #tpu.memory_space<vmem>>, vector<1x16xf32>,
    %get3A_1654 = arith.constant 0 : i32
    %get3A_1655 = arith.index_cast %get3A_1654 : i32 to index
    %get3A_1656 = arith.constant 176 : index
    %get3A_1657 = tpu.vector_load %arg4[%get3A_1655, %get3A_1656] {strides = array<i32>} : memref<4x512xf32, #tpu.memory_space<vmem>>, vector<1x16xf32>,
    %get3A_1658 = vector.shape_cast %get3A_1657 : vector<1x16xf32> to vector<16xf32>
    %get3A_1659 = arith.constant 1 : i32
    %get3A_1660 = arith.index_cast %get3A_1659 : i32 to index
    %get3A_1661 = arith.constant 176 : index
    %get3A_1662 = tpu.vector_load %arg4[%get3A_1660, %get3A_1661] {strides = array<i32>} : memref<4x512xf32, #tpu.memory_space<vmem>>, vector<1x16xf32>,
    %get3A_1663 = vector.shape_cast %get3A_1662 : vector<1x16xf32> to vector<16xf32>
    %get3A_1664 = arith.constant 2 : i32
    %get3A_1665 = arith.index_cast %get3A_1664 : i32 to index
    %get3A_1666 = arith.constant 176 : index
    %get3A_1667 = tpu.vector_load %arg4[%get3A_1665, %get3A_1666] {strides = array<i32>} : memref<4x512xf32, #tpu.memory_space<vmem>>, vector<1x16xf32>,
    %get3A_1668 = vector.shape_cast %get3A_1667 : vector<1x16xf32> to vector<16xf32>
    %get3A_1669 = arith.constant 3 : i32
    %get3A_1670 = arith.index_cast %get3A_1669 : i32 to index
    %get3A_1671 = arith.constant 176 : index
    %get3A_1672 = tpu.vector_load %arg4[%get3A_1670, %get3A_1671] {strides = array<i32>} : memref<4x512xf32, #tpu.memory_space<vmem>>, vector<1x16xf32>,
    %get3A_1673 = vector.shape_cast %get3A_1672 : vector<1x16xf32> to vector<16xf32>
    %max3A_1674 = arith.maximumf %get3A_1658, %get3A_1663 : vector<16xf32>
    %max3A_1675 = arith.maximumf %get3A_1668, %get3A_1673 : vector<16xf32>
    %max3A_1676 = arith.maximumf %max3A_1674, %max3A_1675 : vector<16xf32>
    %eq3A_1677 = arith.cmpf oeq, %get3A_1658, %max3A_1676 : vector<16xf32>
    %eq3A_1678 = arith.cmpf oeq, %get3A_1663, %max3A_1676 : vector<16xf32>
    %eq3A_1679 = arith.cmpf oeq, %get3A_1668, %max3A_1676 : vector<16xf32>
    %jit3A_1680 = arith.constant 2 : i32
    %jit3A_1681 = arith.constant 3 : i32
    %broadcast_in_dim3A_1682 = vector.broadcast %jit3A_1680 : i32 to vector<16xi32>
    %broadcast_in_dim3A_1683 = vector.broadcast %jit3A_1681 : i32 to vector<16xi32>
    %select_n3A_1684 = arith.select %eq3A_1679, %broadcast_in_dim3A_1682, %broadcast_in_dim3A_1683 : vector<16xi1>, vector<16xi32>
    %jit3A_1685 = arith.constant 1 : i32
    %broadcast_in_dim3A_1686 = vector.broadcast %jit3A_1685 : i32 to vector<16xi32>
    %select_n3A_1687 = arith.select %eq3A_1678, %broadcast_in_dim3A_1686, %select_n3A_1684 : vector<16xi1>, vector<16xi32>
    %jit3A_1688 = arith.constant 0 : i32
    %broadcast_in_dim3A_1689 = vector.broadcast %jit3A_1688 : i32 to vector<16xi32>
    %select_n3A_1690 = arith.select %eq3A_1677, %broadcast_in_dim3A_1689, %select_n3A_1687 : vector<16xi1>, vector<16xi32>
    %eq3A_1691 = arith.constant 0 : i32
    %eq3A_1692 = vector.broadcast %eq3A_1691 : i32 to vector<16xi32>
    %eq3A_1693 = arith.cmpi eq, %select_n3A_1690, %eq3A_1692 : vector<16xi32>
    %jit3A_1694 = arith.constant 0xFF800000 : f32
    %broadcast_in_dim3A_1695 = vector.broadcast %jit3A_1694 : f32 to vector<16xf32>
    %select_n3A_1696 = arith.select %eq3A_1693, %broadcast_in_dim3A_1695, %get3A_1658 : vector<16xi1>, vector<16xf32>
    %eq3A_1697 = arith.constant 1 : i32
    %eq3A_1698 = vector.broadcast %eq3A_1697 : i32 to vector<16xi32>
    %eq3A_1699 = arith.cmpi eq, %select_n3A_1690, %eq3A_1698 : vector<16xi32>
    %jit3A_1700 = arith.constant 0xFF800000 : f32
    %broadcast_in_dim3A_1701 = vector.broadcast %jit3A_1700 : f32 to vector<16xf32>
    %select_n3A_1702 = arith.select %eq3A_1699, %broadcast_in_dim3A_1701, %get3A_1663 : vector<16xi1>, vector<16xf32>
    %eq3A_1703 = arith.constant 2 : i32
    %eq3A_1704 = vector.broadcast %eq3A_1703 : i32 to vector<16xi32>
    %eq3A_1705 = arith.cmpi eq, %select_n3A_1690, %eq3A_1704 : vector<16xi32>
    %jit3A_1706 = arith.constant 0xFF800000 : f32
    %broadcast_in_dim3A_1707 = vector.broadcast %jit3A_1706 : f32 to vector<16xf32>
    %select_n3A_1708 = arith.select %eq3A_1705, %broadcast_in_dim3A_1707, %get3A_1668 : vector<16xi1>, vector<16xf32>
    %eq3A_1709 = arith.constant 3 : i32
    %eq3A_1710 = vector.broadcast %eq3A_1709 : i32 to vector<16xi32>
    %eq3A_1711 = arith.cmpi eq, %select_n3A_1690, %eq3A_1710 : vector<16xi32>
    %jit3A_1712 = arith.constant 0xFF800000 : f32
    %broadcast_in_dim3A_1713 = vector.broadcast %jit3A_1712 : f32 to vector<16xf32>
    %select_n3A_1714 = arith.select %eq3A_1711, %broadcast_in_dim3A_1713, %get3A_1673 : vector<16xi1>, vector<16xf32>
    %max3A_1715 = arith.maximumf %select_n3A_1696, %select_n3A_1702 : vector<16xf32>
    %max3A_1716 = arith.maximumf %select_n3A_1708, %select_n3A_1714 : vector<16xf32>
    %max3A_1717 = arith.maximumf %max3A_1715, %max3A_1716 : vector<16xf32>
    %eq3A_1718 = arith.cmpf oeq, %select_n3A_1696, %max3A_1717 : vector<16xf32>
    %eq3A_1719 = arith.cmpf oeq, %select_n3A_1702, %max3A_1717 : vector<16xf32>
    %eq3A_1720 = arith.cmpf oeq, %select_n3A_1708, %max3A_1717 : vector<16xf32>
    %jit3A_1721 = arith.constant 2 : i32
    %jit3A_1722 = arith.constant 3 : i32
    %broadcast_in_dim3A_1723 = vector.broadcast %jit3A_1721 : i32 to vector<16xi32>
    %broadcast_in_dim3A_1724 = vector.broadcast %jit3A_1722 : i32 to vector<16xi32>
    %select_n3A_1725 = arith.select %eq3A_1720, %broadcast_in_dim3A_1723, %broadcast_in_dim3A_1724 : vector<16xi1>, vector<16xi32>
    %jit3A_1726 = arith.constant 1 : i32
    %broadcast_in_dim3A_1727 = vector.broadcast %jit3A_1726 : i32 to vector<16xi32>
    %select_n3A_1728 = arith.select %eq3A_1719, %broadcast_in_dim3A_1727, %select_n3A_1725 : vector<16xi1>, vector<16xi32>
    %jit3A_1729 = arith.constant 0 : i32
    %broadcast_in_dim3A_1730 = vector.broadcast %jit3A_1729 : i32 to vector<16xi32>
    %select_n3A_1731 = arith.select %eq3A_1718, %broadcast_in_dim3A_1730, %select_n3A_1728 : vector<16xi1>, vector<16xi32>
    %sub3A_1732 = arith.subf %max3A_1717, %max3A_1676 : vector<16xf32>
    %exp3A_1733 = math.exp %sub3A_1732 : vector<16xf32>
    %add3A_1734 = arith.constant 1.000000e+00 : f32
    %add3A_1735 = vector.broadcast %add3A_1734 : f32 to vector<16xf32>
    %add3A_1736 = arith.addf %add3A_1735, %exp3A_1733 : vector<16xf32>
    %div3A_1737 = arith.constant 1.000000e+00 : f32
    %div3A_1738 = vector.broadcast %div3A_1737 : f32 to vector<16xf32>
    %div3A_1739 = arith.divf %div3A_1738, %add3A_1736 : vector<16xf32>
    %mul3A_1740 = arith.mulf %exp3A_1733, %div3A_1739 : vector<16xf32>
    %eq3A_1741 = arith.constant 0 : i32
    %eq3A_1742 = vector.broadcast %eq3A_1741 : i32 to vector<16xi32>
    %eq3A_1743 = arith.cmpi eq, %select_n3A_1690, %eq3A_1742 : vector<16xi32>
    %eq3A_1744 = arith.constant 0 : i32
    %eq3A_1745 = vector.broadcast %eq3A_1744 : i32 to vector<16xi32>
    %eq3A_1746 = arith.cmpi eq, %select_n3A_1731, %eq3A_1745 : vector<16xi32>
    %jit3A_1747 = arith.constant 0.000000e+00 : f32
    %broadcast_in_dim3A_1748 = vector.broadcast %jit3A_1747 : f32 to vector<16xf32>
    %select_n3A_1749 = arith.select %eq3A_1746, %mul3A_1740, %broadcast_in_dim3A_1748 : vector<16xi1>, vector<16xf32>
    %select_n3A_1750 = arith.select %eq3A_1743, %div3A_1739, %select_n3A_1749 : vector<16xi1>, vector<16xf32>
    %swap3A_1751 = arith.constant 0 : i32
    %swap3A_1752 = arith.index_cast %swap3A_1751 : i32 to index
    %swap3A_1753 = arith.constant 176 : index
    %swap3A_1754 = tpu.vector_load %arg5[%swap3A_1752, %swap3A_1753] {strides = array<i32>} : memref<4x512xf32, #tpu.memory_space<vmem>>, vector<1x16xf32>,
    %swap3A_1755 = vector.shape_cast %swap3A_1754 : vector<1x16xf32> to vector<16xf32>
    %swap3A_1756 = vector.shape_cast %select_n3A_1750 : vector<16xf32> to vector<1x16xf32>
    tpu.vector_store %arg5[%swap3A_1752, %swap3A_1753], %swap3A_1756 {strides = array<i32>} : memref<4x512xf32, #tpu.memory_space<vmem>>, vector<1x16xf32>,
    %eq3A_1757 = arith.constant 1 : i32
    %eq3A_1758 = vector.broadcast %eq3A_1757 : i32 to vector<16xi32>
    %eq3A_1759 = arith.cmpi eq, %select_n3A_1690, %eq3A_1758 : vector<16xi32>
    %eq3A_1760 = arith.constant 1 : i32
    %eq3A_1761 = vector.broadcast %eq3A_1760 : i32 to vector<16xi32>
    %eq3A_1762 = arith.cmpi eq, %select_n3A_1731, %eq3A_1761 : vector<16xi32>
    %jit3A_1763 = arith.constant 0.000000e+00 : f32
    %broadcast_in_dim3A_1764 = vector.broadcast %jit3A_1763 : f32 to vector<16xf32>
    %select_n3A_1765 = arith.select %eq3A_1762, %mul3A_1740, %broadcast_in_dim3A_1764 : vector<16xi1>, vector<16xf32>
    %select_n3A_1766 = arith.select %eq3A_1759, %div3A_1739, %select_n3A_1765 : vector<16xi1>, vector<16xf32>
    %swap3A_1767 = arith.constant 1 : i32
    %swap3A_1768 = arith.index_cast %swap3A_1767 : i32 to index
    %swap3A_1769 = arith.constant 176 : index
    %swap3A_1770 = tpu.vector_load %arg5[%swap3A_1768, %swap3A_1769] {strides = array<i32>} : memref<4x512xf32, #tpu.memory_space<vmem>>, vector<1x16xf32>,
    %swap3A_1771 = vector.shape_cast %swap3A_1770 : vector<1x16xf32> to vector<16xf32>
    %swap3A_1772 = vector.shape_cast %select_n3A_1766 : vector<16xf32> to vector<1x16xf32>
    tpu.vector_store %arg5[%swap3A_1768, %swap3A_1769], %swap3A_1772 {strides = array<i32>} : memref<4x512xf32, #tpu.memory_space<vmem>>, vector<1x16xf32>,
    %eq3A_1773 = arith.constant 2 : i32
    %eq3A_1774 = vector.broadcast %eq3A_1773 : i32 to vector<16xi32>
    %eq3A_1775 = arith.cmpi eq, %select_n3A_1690, %eq3A_1774 : vector<16xi32>
    %eq3A_1776 = arith.constant 2 : i32
    %eq3A_1777 = vector.broadcast %eq3A_1776 : i32 to vector<16xi32>
    %eq3A_1778 = arith.cmpi eq, %select_n3A_1731, %eq3A_1777 : vector<16xi32>
    %jit3A_1779 = arith.constant 0.000000e+00 : f32
    %broadcast_in_dim3A_1780 = vector.broadcast %jit3A_1779 : f32 to vector<16xf32>
    %select_n3A_1781 = arith.select %eq3A_1778, %mul3A_1740, %broadcast_in_dim3A_1780 : vector<16xi1>, vector<16xf32>
    %select_n3A_1782 = arith.select %eq3A_1775, %div3A_1739, %select_n3A_1781 : vector<16xi1>, vector<16xf32>
    %swap3A_1783 = arith.constant 2 : i32
    %swap3A_1784 = arith.index_cast %swap3A_1783 : i32 to index
    %swap3A_1785 = arith.constant 176 : index
    %swap3A_1786 = tpu.vector_load %arg5[%swap3A_1784, %swap3A_1785] {strides = array<i32>} : memref<4x512xf32, #tpu.memory_space<vmem>>, vector<1x16xf32>,
    %swap3A_1787 = vector.shape_cast %swap3A_1786 : vector<1x16xf32> to vector<16xf32>
    %swap3A_1788 = vector.shape_cast %select_n3A_1782 : vector<16xf32> to vector<1x16xf32>
    tpu.vector_store %arg5[%swap3A_1784, %swap3A_1785], %swap3A_1788 {strides = array<i32>} : memref<4x512xf32, #tpu.memory_space<vmem>>, vector<1x16xf32>,
    %eq3A_1789 = arith.constant 3 : i32
    %eq3A_1790 = vector.broadcast %eq3A_1789 : i32 to vector<16xi32>
    %eq3A_1791 = arith.cmpi eq, %select_n3A_1690, %eq3A_1790 : vector<16xi32>
    %eq3A_1792 = arith.constant 3 : i32
    %eq3A_1793 = vector.broadcast %eq3A_1792 : i32 to vector<16xi32>
    %eq3A_1794 = arith.cmpi eq, %select_n3A_1731, %eq3A_1793 : vector<16xi32>
    %jit3A_1795 = arith.constant 0.000000e+00 : f32
    %broadcast_in_dim3A_1796 = vector.broadcast %jit3A_1795 : f32 to vector<16xf32>
    %select_n3A_1797 = arith.select %eq3A_1794, %mul3A_1740, %broadcast_in_dim3A_1796 : vector<16xi1>, vector<16xf32>
    %select_n3A_1798 = arith.select %eq3A_1791, %div3A_1739, %select_n3A_1797 : vector<16xi1>, vector<16xf32>
    %swap3A_1799 = arith.constant 3 : i32
    %swap3A_1800 = arith.index_cast %swap3A_1799 : i32 to index
    %swap3A_1801 = arith.constant 176 : index
    %swap3A_1802 = tpu.vector_load %arg5[%swap3A_1800, %swap3A_1801] {strides = array<i32>} : memref<4x512xf32, #tpu.memory_space<vmem>>, vector<1x16xf32>,
    %swap3A_1803 = vector.shape_cast %swap3A_1802 : vector<1x16xf32> to vector<16xf32>
    %swap3A_1804 = vector.shape_cast %select_n3A_1798 : vector<16xf32> to vector<1x16xf32>
    tpu.vector_store %arg5[%swap3A_1800, %swap3A_1801], %swap3A_1804 {strides = array<i32>} : memref<4x512xf32, #tpu.memory_space<vmem>>, vector<1x16xf32>,
    %get3A_1805 = arith.constant 0 : i32
    %get3A_1806 = arith.index_cast %get3A_1805 : i32 to index
    %get3A_1807 = arith.constant 192 : index
    %get3A_1808 = tpu.vector_load %arg4[%get3A_1806, %get3A_1807] {strides = array<i32>} : memref<4x512xf32, #tpu.memory_space<vmem>>, vector<1x16xf32>,
    %get3A_1809 = vector.shape_cast %get3A_1808 : vector<1x16xf32> to vector<16xf32>
    %get3A_1810 = arith.constant 1 : i32
    %get3A_1811 = arith.index_cast %get3A_1810 : i32 to index
    %get3A_1812 = arith.constant 192 : index
    %get3A_1813 = tpu.vector_load %arg4[%get3A_1811, %get3A_1812] {strides = array<i32>} : memref<4x512xf32, #tpu.memory_space<vmem>>, vector<1x16xf32>,
    %get3A_1814 = vector.shape_cast %get3A_1813 : vector<1x16xf32> to vector<16xf32>
    %get3A_1815 = arith.constant 2 : i32
    %get3A_1816 = arith.index_cast %get3A_1815 : i32 to index
    %get3A_1817 = arith.constant 192 : index
    %get3A_1818 = tpu.vector_load %arg4[%get3A_1816, %get3A_1817] {strides = array<i32>} : memref<4x512xf32, #tpu.memory_space<vmem>>, vector<1x16xf32>,
    %get3A_1819 = vector.shape_cast %get3A_1818 : vector<1x16xf32> to vector<16xf32>
    %get3A_1820 = arith.constant 3 : i32
    %get3A_1821 = arith.index_cast %get3A_1820 : i32 to index
    %get3A_1822 = arith.constant 192 : index
    %get3A_1823 = tpu.vector_load %arg4[%get3A_1821, %get3A_1822] {strides = array<i32>} : memref<4x512xf32, #tpu.memory_space<vmem>>, vector<1x16xf32>,
    %get3A_1824 = vector.shape_cast %get3A_1823 : vector<1x16xf32> to vector<16xf32>
    %max3A_1825 = arith.maximumf %get3A_1809, %get3A_1814 : vector<16xf32>
    %max3A_1826 = arith.maximumf %get3A_1819, %get3A_1824 : vector<16xf32>
    %max3A_1827 = arith.maximumf %max3A_1825, %max3A_1826 : vector<16xf32>
    %eq3A_1828 = arith.cmpf oeq, %get3A_1809, %max3A_1827 : vector<16xf32>
    %eq3A_1829 = arith.cmpf oeq, %get3A_1814, %max3A_1827 : vector<16xf32>
    %eq3A_1830 = arith.cmpf oeq, %get3A_1819, %max3A_1827 : vector<16xf32>
    %jit3A_1831 = arith.constant 2 : i32
    %jit3A_1832 = arith.constant 3 : i32
    %broadcast_in_dim3A_1833 = vector.broadcast %jit3A_1831 : i32 to vector<16xi32>
    %broadcast_in_dim3A_1834 = vector.broadcast %jit3A_1832 : i32 to vector<16xi32>
    %select_n3A_1835 = arith.select %eq3A_1830, %broadcast_in_dim3A_1833, %broadcast_in_dim3A_1834 : vector<16xi1>, vector<16xi32>
    %jit3A_1836 = arith.constant 1 : i32
    %broadcast_in_dim3A_1837 = vector.broadcast %jit3A_1836 : i32 to vector<16xi32>
    %select_n3A_1838 = arith.select %eq3A_1829, %broadcast_in_dim3A_1837, %select_n3A_1835 : vector<16xi1>, vector<16xi32>
    %jit3A_1839 = arith.constant 0 : i32
    %broadcast_in_dim3A_1840 = vector.broadcast %jit3A_1839 : i32 to vector<16xi32>
    %select_n3A_1841 = arith.select %eq3A_1828, %broadcast_in_dim3A_1840, %select_n3A_1838 : vector<16xi1>, vector<16xi32>
    %eq3A_1842 = arith.constant 0 : i32
    %eq3A_1843 = vector.broadcast %eq3A_1842 : i32 to vector<16xi32>
    %eq3A_1844 = arith.cmpi eq, %select_n3A_1841, %eq3A_1843 : vector<16xi32>
    %jit3A_1845 = arith.constant 0xFF800000 : f32
    %broadcast_in_dim3A_1846 = vector.broadcast %jit3A_1845 : f32 to vector<16xf32>
    %select_n3A_1847 = arith.select %eq3A_1844, %broadcast_in_dim3A_1846, %get3A_1809 : vector<16xi1>, vector<16xf32>
    %eq3A_1848 = arith.constant 1 : i32
    %eq3A_1849 = vector.broadcast %eq3A_1848 : i32 to vector<16xi32>
    %eq3A_1850 = arith.cmpi eq, %select_n3A_1841, %eq3A_1849 : vector<16xi32>
    %jit3A_1851 = arith.constant 0xFF800000 : f32
    %broadcast_in_dim3A_1852 = vector.broadcast %jit3A_1851 : f32 to vector<16xf32>
    %select_n3A_1853 = arith.select %eq3A_1850, %broadcast_in_dim3A_1852, %get3A_1814 : vector<16xi1>, vector<16xf32>
    %eq3A_1854 = arith.constant 2 : i32
    %eq3A_1855 = vector.broadcast %eq3A_1854 : i32 to vector<16xi32>
    %eq3A_1856 = arith.cmpi eq, %select_n3A_1841, %eq3A_1855 : vector<16xi32>
    %jit3A_1857 = arith.constant 0xFF800000 : f32
    %broadcast_in_dim3A_1858 = vector.broadcast %jit3A_1857 : f32 to vector<16xf32>
    %select_n3A_1859 = arith.select %eq3A_1856, %broadcast_in_dim3A_1858, %get3A_1819 : vector<16xi1>, vector<16xf32>
    %eq3A_1860 = arith.constant 3 : i32
    %eq3A_1861 = vector.broadcast %eq3A_1860 : i32 to vector<16xi32>
    %eq3A_1862 = arith.cmpi eq, %select_n3A_1841, %eq3A_1861 : vector<16xi32>
    %jit3A_1863 = arith.constant 0xFF800000 : f32
    %broadcast_in_dim3A_1864 = vector.broadcast %jit3A_1863 : f32 to vector<16xf32>
    %select_n3A_1865 = arith.select %eq3A_1862, %broadcast_in_dim3A_1864, %get3A_1824 : vector<16xi1>, vector<16xf32>
    %max3A_1866 = arith.maximumf %select_n3A_1847, %select_n3A_1853 : vector<16xf32>
    %max3A_1867 = arith.maximumf %select_n3A_1859, %select_n3A_1865 : vector<16xf32>
    %max3A_1868 = arith.maximumf %max3A_1866, %max3A_1867 : vector<16xf32>
    %eq3A_1869 = arith.cmpf oeq, %select_n3A_1847, %max3A_1868 : vector<16xf32>
    %eq3A_1870 = arith.cmpf oeq, %select_n3A_1853, %max3A_1868 : vector<16xf32>
    %eq3A_1871 = arith.cmpf oeq, %select_n3A_1859, %max3A_1868 : vector<16xf32>
    %jit3A_1872 = arith.constant 2 : i32
    %jit3A_1873 = arith.constant 3 : i32
    %broadcast_in_dim3A_1874 = vector.broadcast %jit3A_1872 : i32 to vector<16xi32>
    %broadcast_in_dim3A_1875 = vector.broadcast %jit3A_1873 : i32 to vector<16xi32>
    %select_n3A_1876 = arith.select %eq3A_1871, %broadcast_in_dim3A_1874, %broadcast_in_dim3A_1875 : vector<16xi1>, vector<16xi32>
    %jit3A_1877 = arith.constant 1 : i32
    %broadcast_in_dim3A_1878 = vector.broadcast %jit3A_1877 : i32 to vector<16xi32>
    %select_n3A_1879 = arith.select %eq3A_1870, %broadcast_in_dim3A_1878, %select_n3A_1876 : vector<16xi1>, vector<16xi32>
    %jit3A_1880 = arith.constant 0 : i32
    %broadcast_in_dim3A_1881 = vector.broadcast %jit3A_1880 : i32 to vector<16xi32>
    %select_n3A_1882 = arith.select %eq3A_1869, %broadcast_in_dim3A_1881, %select_n3A_1879 : vector<16xi1>, vector<16xi32>
    %sub3A_1883 = arith.subf %max3A_1868, %max3A_1827 : vector<16xf32>
    %exp3A_1884 = math.exp %sub3A_1883 : vector<16xf32>
    %add3A_1885 = arith.constant 1.000000e+00 : f32
    %add3A_1886 = vector.broadcast %add3A_1885 : f32 to vector<16xf32>
    %add3A_1887 = arith.addf %add3A_1886, %exp3A_1884 : vector<16xf32>
    %div3A_1888 = arith.constant 1.000000e+00 : f32
    %div3A_1889 = vector.broadcast %div3A_1888 : f32 to vector<16xf32>
    %div3A_1890 = arith.divf %div3A_1889, %add3A_1887 : vector<16xf32>
    %mul3A_1891 = arith.mulf %exp3A_1884, %div3A_1890 : vector<16xf32>
    %eq3A_1892 = arith.constant 0 : i32
    %eq3A_1893 = vector.broadcast %eq3A_1892 : i32 to vector<16xi32>
    %eq3A_1894 = arith.cmpi eq, %select_n3A_1841, %eq3A_1893 : vector<16xi32>
    %eq3A_1895 = arith.constant 0 : i32
    %eq3A_1896 = vector.broadcast %eq3A_1895 : i32 to vector<16xi32>
    %eq3A_1897 = arith.cmpi eq, %select_n3A_1882, %eq3A_1896 : vector<16xi32>
    %jit3A_1898 = arith.constant 0.000000e+00 : f32
    %broadcast_in_dim3A_1899 = vector.broadcast %jit3A_1898 : f32 to vector<16xf32>
    %select_n3A_1900 = arith.select %eq3A_1897, %mul3A_1891, %broadcast_in_dim3A_1899 : vector<16xi1>, vector<16xf32>
    %select_n3A_1901 = arith.select %eq3A_1894, %div3A_1890, %select_n3A_1900 : vector<16xi1>, vector<16xf32>
    %swap3A_1902 = arith.constant 0 : i32
    %swap3A_1903 = arith.index_cast %swap3A_1902 : i32 to index
    %swap3A_1904 = arith.constant 192 : index
    %swap3A_1905 = tpu.vector_load %arg5[%swap3A_1903, %swap3A_1904] {strides = array<i32>} : memref<4x512xf32, #tpu.memory_space<vmem>>, vector<1x16xf32>,
    %swap3A_1906 = vector.shape_cast %swap3A_1905 : vector<1x16xf32> to vector<16xf32>
    %swap3A_1907 = vector.shape_cast %select_n3A_1901 : vector<16xf32> to vector<1x16xf32>
    tpu.vector_store %arg5[%swap3A_1903, %swap3A_1904], %swap3A_1907 {strides = array<i32>} : memref<4x512xf32, #tpu.memory_space<vmem>>, vector<1x16xf32>,
    %eq3A_1908 = arith.constant 1 : i32
    %eq3A_1909 = vector.broadcast %eq3A_1908 : i32 to vector<16xi32>
    %eq3A_1910 = arith.cmpi eq, %select_n3A_1841, %eq3A_1909 : vector<16xi32>
    %eq3A_1911 = arith.constant 1 : i32
    %eq3A_1912 = vector.broadcast %eq3A_1911 : i32 to vector<16xi32>
    %eq3A_1913 = arith.cmpi eq, %select_n3A_1882, %eq3A_1912 : vector<16xi32>
    %jit3A_1914 = arith.constant 0.000000e+00 : f32
    %broadcast_in_dim3A_1915 = vector.broadcast %jit3A_1914 : f32 to vector<16xf32>
    %select_n3A_1916 = arith.select %eq3A_1913, %mul3A_1891, %broadcast_in_dim3A_1915 : vector<16xi1>, vector<16xf32>
    %select_n3A_1917 = arith.select %eq3A_1910, %div3A_1890, %select_n3A_1916 : vector<16xi1>, vector<16xf32>
    %swap3A_1918 = arith.constant 1 : i32
    %swap3A_1919 = arith.index_cast %swap3A_1918 : i32 to index
    %swap3A_1920 = arith.constant 192 : index
    %swap3A_1921 = tpu.vector_load %arg5[%swap3A_1919, %swap3A_1920] {strides = array<i32>} : memref<4x512xf32, #tpu.memory_space<vmem>>, vector<1x16xf32>,
    %swap3A_1922 = vector.shape_cast %swap3A_1921 : vector<1x16xf32> to vector<16xf32>
    %swap3A_1923 = vector.shape_cast %select_n3A_1917 : vector<16xf32> to vector<1x16xf32>
    tpu.vector_store %arg5[%swap3A_1919, %swap3A_1920], %swap3A_1923 {strides = array<i32>} : memref<4x512xf32, #tpu.memory_space<vmem>>, vector<1x16xf32>,
    %eq3A_1924 = arith.constant 2 : i32
    %eq3A_1925 = vector.broadcast %eq3A_1924 : i32 to vector<16xi32>
    %eq3A_1926 = arith.cmpi eq, %select_n3A_1841, %eq3A_1925 : vector<16xi32>
    %eq3A_1927 = arith.constant 2 : i32
    %eq3A_1928 = vector.broadcast %eq3A_1927 : i32 to vector<16xi32>
    %eq3A_1929 = arith.cmpi eq, %select_n3A_1882, %eq3A_1928 : vector<16xi32>
    %jit3A_1930 = arith.constant 0.000000e+00 : f32
    %broadcast_in_dim3A_1931 = vector.broadcast %jit3A_1930 : f32 to vector<16xf32>
    %select_n3A_1932 = arith.select %eq3A_1929, %mul3A_1891, %broadcast_in_dim3A_1931 : vector<16xi1>, vector<16xf32>
    %select_n3A_1933 = arith.select %eq3A_1926, %div3A_1890, %select_n3A_1932 : vector<16xi1>, vector<16xf32>
    %swap3A_1934 = arith.constant 2 : i32
    %swap3A_1935 = arith.index_cast %swap3A_1934 : i32 to index
    %swap3A_1936 = arith.constant 192 : index
    %swap3A_1937 = tpu.vector_load %arg5[%swap3A_1935, %swap3A_1936] {strides = array<i32>} : memref<4x512xf32, #tpu.memory_space<vmem>>, vector<1x16xf32>,
    %swap3A_1938 = vector.shape_cast %swap3A_1937 : vector<1x16xf32> to vector<16xf32>
    %swap3A_1939 = vector.shape_cast %select_n3A_1933 : vector<16xf32> to vector<1x16xf32>
    tpu.vector_store %arg5[%swap3A_1935, %swap3A_1936], %swap3A_1939 {strides = array<i32>} : memref<4x512xf32, #tpu.memory_space<vmem>>, vector<1x16xf32>,
    %eq3A_1940 = arith.constant 3 : i32
    %eq3A_1941 = vector.broadcast %eq3A_1940 : i32 to vector<16xi32>
    %eq3A_1942 = arith.cmpi eq, %select_n3A_1841, %eq3A_1941 : vector<16xi32>
    %eq3A_1943 = arith.constant 3 : i32
    %eq3A_1944 = vector.broadcast %eq3A_1943 : i32 to vector<16xi32>
    %eq3A_1945 = arith.cmpi eq, %select_n3A_1882, %eq3A_1944 : vector<16xi32>
    %jit3A_1946 = arith.constant 0.000000e+00 : f32
    %broadcast_in_dim3A_1947 = vector.broadcast %jit3A_1946 : f32 to vector<16xf32>
    %select_n3A_1948 = arith.select %eq3A_1945, %mul3A_1891, %broadcast_in_dim3A_1947 : vector<16xi1>, vector<16xf32>
    %select_n3A_1949 = arith.select %eq3A_1942, %div3A_1890, %select_n3A_1948 : vector<16xi1>, vector<16xf32>
    %swap3A_1950 = arith.constant 3 : i32
    %swap3A_1951 = arith.index_cast %swap3A_1950 : i32 to index
    %swap3A_1952 = arith.constant 192 : index
    %swap3A_1953 = tpu.vector_load %arg5[%swap3A_1951, %swap3A_1952] {strides = array<i32>} : memref<4x512xf32, #tpu.memory_space<vmem>>, vector<1x16xf32>,
    %swap3A_1954 = vector.shape_cast %swap3A_1953 : vector<1x16xf32> to vector<16xf32>
    %swap3A_1955 = vector.shape_cast %select_n3A_1949 : vector<16xf32> to vector<1x16xf32>
    tpu.vector_store %arg5[%swap3A_1951, %swap3A_1952], %swap3A_1955 {strides = array<i32>} : memref<4x512xf32, #tpu.memory_space<vmem>>, vector<1x16xf32>,
    %get3A_1956 = arith.constant 0 : i32
    %get3A_1957 = arith.index_cast %get3A_1956 : i32 to index
    %get3A_1958 = arith.constant 208 : index
    %get3A_1959 = tpu.vector_load %arg4[%get3A_1957, %get3A_1958] {strides = array<i32>} : memref<4x512xf32, #tpu.memory_space<vmem>>, vector<1x16xf32>,
    %get3A_1960 = vector.shape_cast %get3A_1959 : vector<1x16xf32> to vector<16xf32>
    %get3A_1961 = arith.constant 1 : i32
    %get3A_1962 = arith.index_cast %get3A_1961 : i32 to index
    %get3A_1963 = arith.constant 208 : index
    %get3A_1964 = tpu.vector_load %arg4[%get3A_1962, %get3A_1963] {strides = array<i32>} : memref<4x512xf32, #tpu.memory_space<vmem>>, vector<1x16xf32>,
    %get3A_1965 = vector.shape_cast %get3A_1964 : vector<1x16xf32> to vector<16xf32>
    %get3A_1966 = arith.constant 2 : i32
    %get3A_1967 = arith.index_cast %get3A_1966 : i32 to index
    %get3A_1968 = arith.constant 208 : index
    %get3A_1969 = tpu.vector_load %arg4[%get3A_1967, %get3A_1968] {strides = array<i32>} : memref<4x512xf32, #tpu.memory_space<vmem>>, vector<1x16xf32>,
    %get3A_1970 = vector.shape_cast %get3A_1969 : vector<1x16xf32> to vector<16xf32>
    %get3A_1971 = arith.constant 3 : i32
    %get3A_1972 = arith.index_cast %get3A_1971 : i32 to index
    %get3A_1973 = arith.constant 208 : index
    %get3A_1974 = tpu.vector_load %arg4[%get3A_1972, %get3A_1973] {strides = array<i32>} : memref<4x512xf32, #tpu.memory_space<vmem>>, vector<1x16xf32>,
    %get3A_1975 = vector.shape_cast %get3A_1974 : vector<1x16xf32> to vector<16xf32>
    %max3A_1976 = arith.maximumf %get3A_1960, %get3A_1965 : vector<16xf32>
    %max3A_1977 = arith.maximumf %get3A_1970, %get3A_1975 : vector<16xf32>
    %max3A_1978 = arith.maximumf %max3A_1976, %max3A_1977 : vector<16xf32>
    %eq3A_1979 = arith.cmpf oeq, %get3A_1960, %max3A_1978 : vector<16xf32>
    %eq3A_1980 = arith.cmpf oeq, %get3A_1965, %max3A_1978 : vector<16xf32>
    %eq3A_1981 = arith.cmpf oeq, %get3A_1970, %max3A_1978 : vector<16xf32>
    %jit3A_1982 = arith.constant 2 : i32
    %jit3A_1983 = arith.constant 3 : i32
    %broadcast_in_dim3A_1984 = vector.broadcast %jit3A_1982 : i32 to vector<16xi32>
    %broadcast_in_dim3A_1985 = vector.broadcast %jit3A_1983 : i32 to vector<16xi32>
    %select_n3A_1986 = arith.select %eq3A_1981, %broadcast_in_dim3A_1984, %broadcast_in_dim3A_1985 : vector<16xi1>, vector<16xi32>
    %jit3A_1987 = arith.constant 1 : i32
    %broadcast_in_dim3A_1988 = vector.broadcast %jit3A_1987 : i32 to vector<16xi32>
    %select_n3A_1989 = arith.select %eq3A_1980, %broadcast_in_dim3A_1988, %select_n3A_1986 : vector<16xi1>, vector<16xi32>
    %jit3A_1990 = arith.constant 0 : i32
    %broadcast_in_dim3A_1991 = vector.broadcast %jit3A_1990 : i32 to vector<16xi32>
    %select_n3A_1992 = arith.select %eq3A_1979, %broadcast_in_dim3A_1991, %select_n3A_1989 : vector<16xi1>, vector<16xi32>
    %eq3A_1993 = arith.constant 0 : i32
    %eq3A_1994 = vector.broadcast %eq3A_1993 : i32 to vector<16xi32>
    %eq3A_1995 = arith.cmpi eq, %select_n3A_1992, %eq3A_1994 : vector<16xi32>
    %jit3A_1996 = arith.constant 0xFF800000 : f32
    %broadcast_in_dim3A_1997 = vector.broadcast %jit3A_1996 : f32 to vector<16xf32>
    %select_n3A_1998 = arith.select %eq3A_1995, %broadcast_in_dim3A_1997, %get3A_1960 : vector<16xi1>, vector<16xf32>
    %eq3A_1999 = arith.constant 1 : i32
    %eq3A_2000 = vector.broadcast %eq3A_1999 : i32 to vector<16xi32>
    %eq3A_2001 = arith.cmpi eq, %select_n3A_1992, %eq3A_2000 : vector<16xi32>
    %jit3A_2002 = arith.constant 0xFF800000 : f32
    %broadcast_in_dim3A_2003 = vector.broadcast %jit3A_2002 : f32 to vector<16xf32>
    %select_n3A_2004 = arith.select %eq3A_2001, %broadcast_in_dim3A_2003, %get3A_1965 : vector<16xi1>, vector<16xf32>
    %eq3A_2005 = arith.constant 2 : i32
    %eq3A_2006 = vector.broadcast %eq3A_2005 : i32 to vector<16xi32>
    %eq3A_2007 = arith.cmpi eq, %select_n3A_1992, %eq3A_2006 : vector<16xi32>
    %jit3A_2008 = arith.constant 0xFF800000 : f32
    %broadcast_in_dim3A_2009 = vector.broadcast %jit3A_2008 : f32 to vector<16xf32>
    %select_n3A_2010 = arith.select %eq3A_2007, %broadcast_in_dim3A_2009, %get3A_1970 : vector<16xi1>, vector<16xf32>
    %eq3A_2011 = arith.constant 3 : i32
    %eq3A_2012 = vector.broadcast %eq3A_2011 : i32 to vector<16xi32>
    %eq3A_2013 = arith.cmpi eq, %select_n3A_1992, %eq3A_2012 : vector<16xi32>
    %jit3A_2014 = arith.constant 0xFF800000 : f32
    %broadcast_in_dim3A_2015 = vector.broadcast %jit3A_2014 : f32 to vector<16xf32>
    %select_n3A_2016 = arith.select %eq3A_2013, %broadcast_in_dim3A_2015, %get3A_1975 : vector<16xi1>, vector<16xf32>
    %max3A_2017 = arith.maximumf %select_n3A_1998, %select_n3A_2004 : vector<16xf32>
    %max3A_2018 = arith.maximumf %select_n3A_2010, %select_n3A_2016 : vector<16xf32>
    %max3A_2019 = arith.maximumf %max3A_2017, %max3A_2018 : vector<16xf32>
    %eq3A_2020 = arith.cmpf oeq, %select_n3A_1998, %max3A_2019 : vector<16xf32>
    %eq3A_2021 = arith.cmpf oeq, %select_n3A_2004, %max3A_2019 : vector<16xf32>
    %eq3A_2022 = arith.cmpf oeq, %select_n3A_2010, %max3A_2019 : vector<16xf32>
    %jit3A_2023 = arith.constant 2 : i32
    %jit3A_2024 = arith.constant 3 : i32
    %broadcast_in_dim3A_2025 = vector.broadcast %jit3A_2023 : i32 to vector<16xi32>
    %broadcast_in_dim3A_2026 = vector.broadcast %jit3A_2024 : i32 to vector<16xi32>
    %select_n3A_2027 = arith.select %eq3A_2022, %broadcast_in_dim3A_2025, %broadcast_in_dim3A_2026 : vector<16xi1>, vector<16xi32>
    %jit3A_2028 = arith.constant 1 : i32
    %broadcast_in_dim3A_2029 = vector.broadcast %jit3A_2028 : i32 to vector<16xi32>
    %select_n3A_2030 = arith.select %eq3A_2021, %broadcast_in_dim3A_2029, %select_n3A_2027 : vector<16xi1>, vector<16xi32>
    %jit3A_2031 = arith.constant 0 : i32
    %broadcast_in_dim3A_2032 = vector.broadcast %jit3A_2031 : i32 to vector<16xi32>
    %select_n3A_2033 = arith.select %eq3A_2020, %broadcast_in_dim3A_2032, %select_n3A_2030 : vector<16xi1>, vector<16xi32>
    %sub3A_2034 = arith.subf %max3A_2019, %max3A_1978 : vector<16xf32>
    %exp3A_2035 = math.exp %sub3A_2034 : vector<16xf32>
    %add3A_2036 = arith.constant 1.000000e+00 : f32
    %add3A_2037 = vector.broadcast %add3A_2036 : f32 to vector<16xf32>
    %add3A_2038 = arith.addf %add3A_2037, %exp3A_2035 : vector<16xf32>
    %div3A_2039 = arith.constant 1.000000e+00 : f32
    %div3A_2040 = vector.broadcast %div3A_2039 : f32 to vector<16xf32>
    %div3A_2041 = arith.divf %div3A_2040, %add3A_2038 : vector<16xf32>
    %mul3A_2042 = arith.mulf %exp3A_2035, %div3A_2041 : vector<16xf32>
    %eq3A_2043 = arith.constant 0 : i32
    %eq3A_2044 = vector.broadcast %eq3A_2043 : i32 to vector<16xi32>
    %eq3A_2045 = arith.cmpi eq, %select_n3A_1992, %eq3A_2044 : vector<16xi32>
    %eq3A_2046 = arith.constant 0 : i32
    %eq3A_2047 = vector.broadcast %eq3A_2046 : i32 to vector<16xi32>
    %eq3A_2048 = arith.cmpi eq, %select_n3A_2033, %eq3A_2047 : vector<16xi32>
    %jit3A_2049 = arith.constant 0.000000e+00 : f32
    %broadcast_in_dim3A_2050 = vector.broadcast %jit3A_2049 : f32 to vector<16xf32>
    %select_n3A_2051 = arith.select %eq3A_2048, %mul3A_2042, %broadcast_in_dim3A_2050 : vector<16xi1>, vector<16xf32>
    %select_n3A_2052 = arith.select %eq3A_2045, %div3A_2041, %select_n3A_2051 : vector<16xi1>, vector<16xf32>
    %swap3A_2053 = arith.constant 0 : i32
    %swap3A_2054 = arith.index_cast %swap3A_2053 : i32 to index
    %swap3A_2055 = arith.constant 208 : index
    %swap3A_2056 = tpu.vector_load %arg5[%swap3A_2054, %swap3A_2055] {strides = array<i32>} : memref<4x512xf32, #tpu.memory_space<vmem>>, vector<1x16xf32>,
    %swap3A_2057 = vector.shape_cast %swap3A_2056 : vector<1x16xf32> to vector<16xf32>
    %swap3A_2058 = vector.shape_cast %select_n3A_2052 : vector<16xf32> to vector<1x16xf32>
    tpu.vector_store %arg5[%swap3A_2054, %swap3A_2055], %swap3A_2058 {strides = array<i32>} : memref<4x512xf32, #tpu.memory_space<vmem>>, vector<1x16xf32>,
    %eq3A_2059 = arith.constant 1 : i32
    %eq3A_2060 = vector.broadcast %eq3A_2059 : i32 to vector<16xi32>
    %eq3A_2061 = arith.cmpi eq, %select_n3A_1992, %eq3A_2060 : vector<16xi32>
    %eq3A_2062 = arith.constant 1 : i32
    %eq3A_2063 = vector.broadcast %eq3A_2062 : i32 to vector<16xi32>
    %eq3A_2064 = arith.cmpi eq, %select_n3A_2033, %eq3A_2063 : vector<16xi32>
    %jit3A_2065 = arith.constant 0.000000e+00 : f32
    %broadcast_in_dim3A_2066 = vector.broadcast %jit3A_2065 : f32 to vector<16xf32>
    %select_n3A_2067 = arith.select %eq3A_2064, %mul3A_2042, %broadcast_in_dim3A_2066 : vector<16xi1>, vector<16xf32>
    %select_n3A_2068 = arith.select %eq3A_2061, %div3A_2041, %select_n3A_2067 : vector<16xi1>, vector<16xf32>
    %swap3A_2069 = arith.constant 1 : i32
    %swap3A_2070 = arith.index_cast %swap3A_2069 : i32 to index
    %swap3A_2071 = arith.constant 208 : index
    %swap3A_2072 = tpu.vector_load %arg5[%swap3A_2070, %swap3A_2071] {strides = array<i32>} : memref<4x512xf32, #tpu.memory_space<vmem>>, vector<1x16xf32>,
    %swap3A_2073 = vector.shape_cast %swap3A_2072 : vector<1x16xf32> to vector<16xf32>
    %swap3A_2074 = vector.shape_cast %select_n3A_2068 : vector<16xf32> to vector<1x16xf32>
    tpu.vector_store %arg5[%swap3A_2070, %swap3A_2071], %swap3A_2074 {strides = array<i32>} : memref<4x512xf32, #tpu.memory_space<vmem>>, vector<1x16xf32>,
    %eq3A_2075 = arith.constant 2 : i32
    %eq3A_2076 = vector.broadcast %eq3A_2075 : i32 to vector<16xi32>
    %eq3A_2077 = arith.cmpi eq, %select_n3A_1992, %eq3A_2076 : vector<16xi32>
    %eq3A_2078 = arith.constant 2 : i32
    %eq3A_2079 = vector.broadcast %eq3A_2078 : i32 to vector<16xi32>
    %eq3A_2080 = arith.cmpi eq, %select_n3A_2033, %eq3A_2079 : vector<16xi32>
    %jit3A_2081 = arith.constant 0.000000e+00 : f32
    %broadcast_in_dim3A_2082 = vector.broadcast %jit3A_2081 : f32 to vector<16xf32>
    %select_n3A_2083 = arith.select %eq3A_2080, %mul3A_2042, %broadcast_in_dim3A_2082 : vector<16xi1>, vector<16xf32>
    %select_n3A_2084 = arith.select %eq3A_2077, %div3A_2041, %select_n3A_2083 : vector<16xi1>, vector<16xf32>
    %swap3A_2085 = arith.constant 2 : i32
    %swap3A_2086 = arith.index_cast %swap3A_2085 : i32 to index
    %swap3A_2087 = arith.constant 208 : index
    %swap3A_2088 = tpu.vector_load %arg5[%swap3A_2086, %swap3A_2087] {strides = array<i32>} : memref<4x512xf32, #tpu.memory_space<vmem>>, vector<1x16xf32>,
    %swap3A_2089 = vector.shape_cast %swap3A_2088 : vector<1x16xf32> to vector<16xf32>
    %swap3A_2090 = vector.shape_cast %select_n3A_2084 : vector<16xf32> to vector<1x16xf32>
    tpu.vector_store %arg5[%swap3A_2086, %swap3A_2087], %swap3A_2090 {strides = array<i32>} : memref<4x512xf32, #tpu.memory_space<vmem>>, vector<1x16xf32>,
    %eq3A_2091 = arith.constant 3 : i32
    %eq3A_2092 = vector.broadcast %eq3A_2091 : i32 to vector<16xi32>
    %eq3A_2093 = arith.cmpi eq, %select_n3A_1992, %eq3A_2092 : vector<16xi32>
    %eq3A_2094 = arith.constant 3 : i32
    %eq3A_2095 = vector.broadcast %eq3A_2094 : i32 to vector<16xi32>
    %eq3A_2096 = arith.cmpi eq, %select_n3A_2033, %eq3A_2095 : vector<16xi32>
    %jit3A_2097 = arith.constant 0.000000e+00 : f32
    %broadcast_in_dim3A_2098 = vector.broadcast %jit3A_2097 : f32 to vector<16xf32>
    %select_n3A_2099 = arith.select %eq3A_2096, %mul3A_2042, %broadcast_in_dim3A_2098 : vector<16xi1>, vector<16xf32>
    %select_n3A_2100 = arith.select %eq3A_2093, %div3A_2041, %select_n3A_2099 : vector<16xi1>, vector<16xf32>
    %swap3A_2101 = arith.constant 3 : i32
    %swap3A_2102 = arith.index_cast %swap3A_2101 : i32 to index
    %swap3A_2103 = arith.constant 208 : index
    %swap3A_2104 = tpu.vector_load %arg5[%swap3A_2102, %swap3A_2103] {strides = array<i32>} : memref<4x512xf32, #tpu.memory_space<vmem>>, vector<1x16xf32>,
    %swap3A_2105 = vector.shape_cast %swap3A_2104 : vector<1x16xf32> to vector<16xf32>
    %swap3A_2106 = vector.shape_cast %select_n3A_2100 : vector<16xf32> to vector<1x16xf32>
    tpu.vector_store %arg5[%swap3A_2102, %swap3A_2103], %swap3A_2106 {strides = array<i32>} : memref<4x512xf32, #tpu.memory_space<vmem>>, vector<1x16xf32>,
    %get3A_2107 = arith.constant 0 : i32
    %get3A_2108 = arith.index_cast %get3A_2107 : i32 to index
    %get3A_2109 = arith.constant 224 : index
    %get3A_2110 = tpu.vector_load %arg4[%get3A_2108, %get3A_2109] {strides = array<i32>} : memref<4x512xf32, #tpu.memory_space<vmem>>, vector<1x16xf32>,
    %get3A_2111 = vector.shape_cast %get3A_2110 : vector<1x16xf32> to vector<16xf32>
    %get3A_2112 = arith.constant 1 : i32
    %get3A_2113 = arith.index_cast %get3A_2112 : i32 to index
    %get3A_2114 = arith.constant 224 : index
    %get3A_2115 = tpu.vector_load %arg4[%get3A_2113, %get3A_2114] {strides = array<i32>} : memref<4x512xf32, #tpu.memory_space<vmem>>, vector<1x16xf32>,
    %get3A_2116 = vector.shape_cast %get3A_2115 : vector<1x16xf32> to vector<16xf32>
    %get3A_2117 = arith.constant 2 : i32
    %get3A_2118 = arith.index_cast %get3A_2117 : i32 to index
    %get3A_2119 = arith.constant 224 : index
    %get3A_2120 = tpu.vector_load %arg4[%get3A_2118, %get3A_2119] {strides = array<i32>} : memref<4x512xf32, #tpu.memory_space<vmem>>, vector<1x16xf32>,
    %get3A_2121 = vector.shape_cast %get3A_2120 : vector<1x16xf32> to vector<16xf32>
    %get3A_2122 = arith.constant 3 : i32
    %get3A_2123 = arith.index_cast %get3A_2122 : i32 to index
    %get3A_2124 = arith.constant 224 : index
    %get3A_2125 = tpu.vector_load %arg4[%get3A_2123, %get3A_2124] {strides = array<i32>} : memref<4x512xf32, #tpu.memory_space<vmem>>, vector<1x16xf32>,
    %get3A_2126 = vector.shape_cast %get3A_2125 : vector<1x16xf32> to vector<16xf32>
    %max3A_2127 = arith.maximumf %get3A_2111, %get3A_2116 : vector<16xf32>
    %max3A_2128 = arith.maximumf %get3A_2121, %get3A_2126 : vector<16xf32>
    %max3A_2129 = arith.maximumf %max3A_2127, %max3A_2128 : vector<16xf32>
    %eq3A_2130 = arith.cmpf oeq, %get3A_2111, %max3A_2129 : vector<16xf32>
    %eq3A_2131 = arith.cmpf oeq, %get3A_2116, %max3A_2129 : vector<16xf32>
    %eq3A_2132 = arith.cmpf oeq, %get3A_2121, %max3A_2129 : vector<16xf32>
    %jit3A_2133 = arith.constant 2 : i32
    %jit3A_2134 = arith.constant 3 : i32
    %broadcast_in_dim3A_2135 = vector.broadcast %jit3A_2133 : i32 to vector<16xi32>
    %broadcast_in_dim3A_2136 = vector.broadcast %jit3A_2134 : i32 to vector<16xi32>
    %select_n3A_2137 = arith.select %eq3A_2132, %broadcast_in_dim3A_2135, %broadcast_in_dim3A_2136 : vector<16xi1>, vector<16xi32>
    %jit3A_2138 = arith.constant 1 : i32
    %broadcast_in_dim3A_2139 = vector.broadcast %jit3A_2138 : i32 to vector<16xi32>
    %select_n3A_2140 = arith.select %eq3A_2131, %broadcast_in_dim3A_2139, %select_n3A_2137 : vector<16xi1>, vector<16xi32>
    %jit3A_2141 = arith.constant 0 : i32
    %broadcast_in_dim3A_2142 = vector.broadcast %jit3A_2141 : i32 to vector<16xi32>
    %select_n3A_2143 = arith.select %eq3A_2130, %broadcast_in_dim3A_2142, %select_n3A_2140 : vector<16xi1>, vector<16xi32>
    %eq3A_2144 = arith.constant 0 : i32
    %eq3A_2145 = vector.broadcast %eq3A_2144 : i32 to vector<16xi32>
    %eq3A_2146 = arith.cmpi eq, %select_n3A_2143, %eq3A_2145 : vector<16xi32>
    %jit3A_2147 = arith.constant 0xFF800000 : f32
    %broadcast_in_dim3A_2148 = vector.broadcast %jit3A_2147 : f32 to vector<16xf32>
    %select_n3A_2149 = arith.select %eq3A_2146, %broadcast_in_dim3A_2148, %get3A_2111 : vector<16xi1>, vector<16xf32>
    %eq3A_2150 = arith.constant 1 : i32
    %eq3A_2151 = vector.broadcast %eq3A_2150 : i32 to vector<16xi32>
    %eq3A_2152 = arith.cmpi eq, %select_n3A_2143, %eq3A_2151 : vector<16xi32>
    %jit3A_2153 = arith.constant 0xFF800000 : f32
    %broadcast_in_dim3A_2154 = vector.broadcast %jit3A_2153 : f32 to vector<16xf32>
    %select_n3A_2155 = arith.select %eq3A_2152, %broadcast_in_dim3A_2154, %get3A_2116 : vector<16xi1>, vector<16xf32>
    %eq3A_2156 = arith.constant 2 : i32
    %eq3A_2157 = vector.broadcast %eq3A_2156 : i32 to vector<16xi32>
    %eq3A_2158 = arith.cmpi eq, %select_n3A_2143, %eq3A_2157 : vector<16xi32>
    %jit3A_2159 = arith.constant 0xFF800000 : f32
    %broadcast_in_dim3A_2160 = vector.broadcast %jit3A_2159 : f32 to vector<16xf32>
    %select_n3A_2161 = arith.select %eq3A_2158, %broadcast_in_dim3A_2160, %get3A_2121 : vector<16xi1>, vector<16xf32>
    %eq3A_2162 = arith.constant 3 : i32
    %eq3A_2163 = vector.broadcast %eq3A_2162 : i32 to vector<16xi32>
    %eq3A_2164 = arith.cmpi eq, %select_n3A_2143, %eq3A_2163 : vector<16xi32>
    %jit3A_2165 = arith.constant 0xFF800000 : f32
    %broadcast_in_dim3A_2166 = vector.broadcast %jit3A_2165 : f32 to vector<16xf32>
    %select_n3A_2167 = arith.select %eq3A_2164, %broadcast_in_dim3A_2166, %get3A_2126 : vector<16xi1>, vector<16xf32>
    %max3A_2168 = arith.maximumf %select_n3A_2149, %select_n3A_2155 : vector<16xf32>
    %max3A_2169 = arith.maximumf %select_n3A_2161, %select_n3A_2167 : vector<16xf32>
    %max3A_2170 = arith.maximumf %max3A_2168, %max3A_2169 : vector<16xf32>
    %eq3A_2171 = arith.cmpf oeq, %select_n3A_2149, %max3A_2170 : vector<16xf32>
    %eq3A_2172 = arith.cmpf oeq, %select_n3A_2155, %max3A_2170 : vector<16xf32>
    %eq3A_2173 = arith.cmpf oeq, %select_n3A_2161, %max3A_2170 : vector<16xf32>
    %jit3A_2174 = arith.constant 2 : i32
    %jit3A_2175 = arith.constant 3 : i32
    %broadcast_in_dim3A_2176 = vector.broadcast %jit3A_2174 : i32 to vector<16xi32>
    %broadcast_in_dim3A_2177 = vector.broadcast %jit3A_2175 : i32 to vector<16xi32>
    %select_n3A_2178 = arith.select %eq3A_2173, %broadcast_in_dim3A_2176, %broadcast_in_dim3A_2177 : vector<16xi1>, vector<16xi32>
    %jit3A_2179 = arith.constant 1 : i32
    %broadcast_in_dim3A_2180 = vector.broadcast %jit3A_2179 : i32 to vector<16xi32>
    %select_n3A_2181 = arith.select %eq3A_2172, %broadcast_in_dim3A_2180, %select_n3A_2178 : vector<16xi1>, vector<16xi32>
    %jit3A_2182 = arith.constant 0 : i32
    %broadcast_in_dim3A_2183 = vector.broadcast %jit3A_2182 : i32 to vector<16xi32>
    %select_n3A_2184 = arith.select %eq3A_2171, %broadcast_in_dim3A_2183, %select_n3A_2181 : vector<16xi1>, vector<16xi32>
    %sub3A_2185 = arith.subf %max3A_2170, %max3A_2129 : vector<16xf32>
    %exp3A_2186 = math.exp %sub3A_2185 : vector<16xf32>
    %add3A_2187 = arith.constant 1.000000e+00 : f32
    %add3A_2188 = vector.broadcast %add3A_2187 : f32 to vector<16xf32>
    %add3A_2189 = arith.addf %add3A_2188, %exp3A_2186 : vector<16xf32>
    %div3A_2190 = arith.constant 1.000000e+00 : f32
    %div3A_2191 = vector.broadcast %div3A_2190 : f32 to vector<16xf32>
    %div3A_2192 = arith.divf %div3A_2191, %add3A_2189 : vector<16xf32>
    %mul3A_2193 = arith.mulf %exp3A_2186, %div3A_2192 : vector<16xf32>
    %eq3A_2194 = arith.constant 0 : i32
    %eq3A_2195 = vector.broadcast %eq3A_2194 : i32 to vector<16xi32>
    %eq3A_2196 = arith.cmpi eq, %select_n3A_2143, %eq3A_2195 : vector<16xi32>
    %eq3A_2197 = arith.constant 0 : i32
    %eq3A_2198 = vector.broadcast %eq3A_2197 : i32 to vector<16xi32>
    %eq3A_2199 = arith.cmpi eq, %select_n3A_2184, %eq3A_2198 : vector<16xi32>
    %jit3A_2200 = arith.constant 0.000000e+00 : f32
    %broadcast_in_dim3A_2201 = vector.broadcast %jit3A_2200 : f32 to vector<16xf32>
    %select_n3A_2202 = arith.select %eq3A_2199, %mul3A_2193, %broadcast_in_dim3A_2201 : vector<16xi1>, vector<16xf32>
    %select_n3A_2203 = arith.select %eq3A_2196, %div3A_2192, %select_n3A_2202 : vector<16xi1>, vector<16xf32>
    %swap3A_2204 = arith.constant 0 : i32
    %swap3A_2205 = arith.index_cast %swap3A_2204 : i32 to index
    %swap3A_2206 = arith.constant 224 : index
    %swap3A_2207 = tpu.vector_load %arg5[%swap3A_2205, %swap3A_2206] {strides = array<i32>} : memref<4x512xf32, #tpu.memory_space<vmem>>, vector<1x16xf32>,
    %swap3A_2208 = vector.shape_cast %swap3A_2207 : vector<1x16xf32> to vector<16xf32>
    %swap3A_2209 = vector.shape_cast %select_n3A_2203 : vector<16xf32> to vector<1x16xf32>
    tpu.vector_store %arg5[%swap3A_2205, %swap3A_2206], %swap3A_2209 {strides = array<i32>} : memref<4x512xf32, #tpu.memory_space<vmem>>, vector<1x16xf32>,
    %eq3A_2210 = arith.constant 1 : i32
    %eq3A_2211 = vector.broadcast %eq3A_2210 : i32 to vector<16xi32>
    %eq3A_2212 = arith.cmpi eq, %select_n3A_2143, %eq3A_2211 : vector<16xi32>
    %eq3A_2213 = arith.constant 1 : i32
    %eq3A_2214 = vector.broadcast %eq3A_2213 : i32 to vector<16xi32>
    %eq3A_2215 = arith.cmpi eq, %select_n3A_2184, %eq3A_2214 : vector<16xi32>
    %jit3A_2216 = arith.constant 0.000000e+00 : f32
    %broadcast_in_dim3A_2217 = vector.broadcast %jit3A_2216 : f32 to vector<16xf32>
    %select_n3A_2218 = arith.select %eq3A_2215, %mul3A_2193, %broadcast_in_dim3A_2217 : vector<16xi1>, vector<16xf32>
    %select_n3A_2219 = arith.select %eq3A_2212, %div3A_2192, %select_n3A_2218 : vector<16xi1>, vector<16xf32>
    %swap3A_2220 = arith.constant 1 : i32
    %swap3A_2221 = arith.index_cast %swap3A_2220 : i32 to index
    %swap3A_2222 = arith.constant 224 : index
    %swap3A_2223 = tpu.vector_load %arg5[%swap3A_2221, %swap3A_2222] {strides = array<i32>} : memref<4x512xf32, #tpu.memory_space<vmem>>, vector<1x16xf32>,
    %swap3A_2224 = vector.shape_cast %swap3A_2223 : vector<1x16xf32> to vector<16xf32>
    %swap3A_2225 = vector.shape_cast %select_n3A_2219 : vector<16xf32> to vector<1x16xf32>
    tpu.vector_store %arg5[%swap3A_2221, %swap3A_2222], %swap3A_2225 {strides = array<i32>} : memref<4x512xf32, #tpu.memory_space<vmem>>, vector<1x16xf32>,
    %eq3A_2226 = arith.constant 2 : i32
    %eq3A_2227 = vector.broadcast %eq3A_2226 : i32 to vector<16xi32>
    %eq3A_2228 = arith.cmpi eq, %select_n3A_2143, %eq3A_2227 : vector<16xi32>
    %eq3A_2229 = arith.constant 2 : i32
    %eq3A_2230 = vector.broadcast %eq3A_2229 : i32 to vector<16xi32>
    %eq3A_2231 = arith.cmpi eq, %select_n3A_2184, %eq3A_2230 : vector<16xi32>
    %jit3A_2232 = arith.constant 0.000000e+00 : f32
    %broadcast_in_dim3A_2233 = vector.broadcast %jit3A_2232 : f32 to vector<16xf32>
    %select_n3A_2234 = arith.select %eq3A_2231, %mul3A_2193, %broadcast_in_dim3A_2233 : vector<16xi1>, vector<16xf32>
    %select_n3A_2235 = arith.select %eq3A_2228, %div3A_2192, %select_n3A_2234 : vector<16xi1>, vector<16xf32>
    %swap3A_2236 = arith.constant 2 : i32
    %swap3A_2237 = arith.index_cast %swap3A_2236 : i32 to index
    %swap3A_2238 = arith.constant 224 : index
    %swap3A_2239 = tpu.vector_load %arg5[%swap3A_2237, %swap3A_2238] {strides = array<i32>} : memref<4x512xf32, #tpu.memory_space<vmem>>, vector<1x16xf32>,
    %swap3A_2240 = vector.shape_cast %swap3A_2239 : vector<1x16xf32> to vector<16xf32>
    %swap3A_2241 = vector.shape_cast %select_n3A_2235 : vector<16xf32> to vector<1x16xf32>
    tpu.vector_store %arg5[%swap3A_2237, %swap3A_2238], %swap3A_2241 {strides = array<i32>} : memref<4x512xf32, #tpu.memory_space<vmem>>, vector<1x16xf32>,
    %eq3A_2242 = arith.constant 3 : i32
    %eq3A_2243 = vector.broadcast %eq3A_2242 : i32 to vector<16xi32>
    %eq3A_2244 = arith.cmpi eq, %select_n3A_2143, %eq3A_2243 : vector<16xi32>
    %eq3A_2245 = arith.constant 3 : i32
    %eq3A_2246 = vector.broadcast %eq3A_2245 : i32 to vector<16xi32>
    %eq3A_2247 = arith.cmpi eq, %select_n3A_2184, %eq3A_2246 : vector<16xi32>
    %jit3A_2248 = arith.constant 0.000000e+00 : f32
    %broadcast_in_dim3A_2249 = vector.broadcast %jit3A_2248 : f32 to vector<16xf32>
    %select_n3A_2250 = arith.select %eq3A_2247, %mul3A_2193, %broadcast_in_dim3A_2249 : vector<16xi1>, vector<16xf32>
    %select_n3A_2251 = arith.select %eq3A_2244, %div3A_2192, %select_n3A_2250 : vector<16xi1>, vector<16xf32>
    %swap3A_2252 = arith.constant 3 : i32
    %swap3A_2253 = arith.index_cast %swap3A_2252 : i32 to index
    %swap3A_2254 = arith.constant 224 : index
    %swap3A_2255 = tpu.vector_load %arg5[%swap3A_2253, %swap3A_2254] {strides = array<i32>} : memref<4x512xf32, #tpu.memory_space<vmem>>, vector<1x16xf32>,
    %swap3A_2256 = vector.shape_cast %swap3A_2255 : vector<1x16xf32> to vector<16xf32>
    %swap3A_2257 = vector.shape_cast %select_n3A_2251 : vector<16xf32> to vector<1x16xf32>
    tpu.vector_store %arg5[%swap3A_2253, %swap3A_2254], %swap3A_2257 {strides = array<i32>} : memref<4x512xf32, #tpu.memory_space<vmem>>, vector<1x16xf32>,
    %get3A_2258 = arith.constant 0 : i32
    %get3A_2259 = arith.index_cast %get3A_2258 : i32 to index
    %get3A_2260 = arith.constant 240 : index
    %get3A_2261 = tpu.vector_load %arg4[%get3A_2259, %get3A_2260] {strides = array<i32>} : memref<4x512xf32, #tpu.memory_space<vmem>>, vector<1x16xf32>,
    %get3A_2262 = vector.shape_cast %get3A_2261 : vector<1x16xf32> to vector<16xf32>
    %get3A_2263 = arith.constant 1 : i32
    %get3A_2264 = arith.index_cast %get3A_2263 : i32 to index
    %get3A_2265 = arith.constant 240 : index
    %get3A_2266 = tpu.vector_load %arg4[%get3A_2264, %get3A_2265] {strides = array<i32>} : memref<4x512xf32, #tpu.memory_space<vmem>>, vector<1x16xf32>,
    %get3A_2267 = vector.shape_cast %get3A_2266 : vector<1x16xf32> to vector<16xf32>
    %get3A_2268 = arith.constant 2 : i32
    %get3A_2269 = arith.index_cast %get3A_2268 : i32 to index
    %get3A_2270 = arith.constant 240 : index
    %get3A_2271 = tpu.vector_load %arg4[%get3A_2269, %get3A_2270] {strides = array<i32>} : memref<4x512xf32, #tpu.memory_space<vmem>>, vector<1x16xf32>,
    %get3A_2272 = vector.shape_cast %get3A_2271 : vector<1x16xf32> to vector<16xf32>
    %get3A_2273 = arith.constant 3 : i32
    %get3A_2274 = arith.index_cast %get3A_2273 : i32 to index
    %get3A_2275 = arith.constant 240 : index
    %get3A_2276 = tpu.vector_load %arg4[%get3A_2274, %get3A_2275] {strides = array<i32>} : memref<4x512xf32, #tpu.memory_space<vmem>>, vector<1x16xf32>,
    %get3A_2277 = vector.shape_cast %get3A_2276 : vector<1x16xf32> to vector<16xf32>
    %max3A_2278 = arith.maximumf %get3A_2262, %get3A_2267 : vector<16xf32>
    %max3A_2279 = arith.maximumf %get3A_2272, %get3A_2277 : vector<16xf32>
    %max3A_2280 = arith.maximumf %max3A_2278, %max3A_2279 : vector<16xf32>
    %eq3A_2281 = arith.cmpf oeq, %get3A_2262, %max3A_2280 : vector<16xf32>
    %eq3A_2282 = arith.cmpf oeq, %get3A_2267, %max3A_2280 : vector<16xf32>
    %eq3A_2283 = arith.cmpf oeq, %get3A_2272, %max3A_2280 : vector<16xf32>
    %jit3A_2284 = arith.constant 2 : i32
    %jit3A_2285 = arith.constant 3 : i32
    %broadcast_in_dim3A_2286 = vector.broadcast %jit3A_2284 : i32 to vector<16xi32>
    %broadcast_in_dim3A_2287 = vector.broadcast %jit3A_2285 : i32 to vector<16xi32>
    %select_n3A_2288 = arith.select %eq3A_2283, %broadcast_in_dim3A_2286, %broadcast_in_dim3A_2287 : vector<16xi1>, vector<16xi32>
    %jit3A_2289 = arith.constant 1 : i32
    %broadcast_in_dim3A_2290 = vector.broadcast %jit3A_2289 : i32 to vector<16xi32>
    %select_n3A_2291 = arith.select %eq3A_2282, %broadcast_in_dim3A_2290, %select_n3A_2288 : vector<16xi1>, vector<16xi32>
    %jit3A_2292 = arith.constant 0 : i32
    %broadcast_in_dim3A_2293 = vector.broadcast %jit3A_2292 : i32 to vector<16xi32>
    %select_n3A_2294 = arith.select %eq3A_2281, %broadcast_in_dim3A_2293, %select_n3A_2291 : vector<16xi1>, vector<16xi32>
    %eq3A_2295 = arith.constant 0 : i32
    %eq3A_2296 = vector.broadcast %eq3A_2295 : i32 to vector<16xi32>
    %eq3A_2297 = arith.cmpi eq, %select_n3A_2294, %eq3A_2296 : vector<16xi32>
    %jit3A_2298 = arith.constant 0xFF800000 : f32
    %broadcast_in_dim3A_2299 = vector.broadcast %jit3A_2298 : f32 to vector<16xf32>
    %select_n3A_2300 = arith.select %eq3A_2297, %broadcast_in_dim3A_2299, %get3A_2262 : vector<16xi1>, vector<16xf32>
    %eq3A_2301 = arith.constant 1 : i32
    %eq3A_2302 = vector.broadcast %eq3A_2301 : i32 to vector<16xi32>
    %eq3A_2303 = arith.cmpi eq, %select_n3A_2294, %eq3A_2302 : vector<16xi32>
    %jit3A_2304 = arith.constant 0xFF800000 : f32
    %broadcast_in_dim3A_2305 = vector.broadcast %jit3A_2304 : f32 to vector<16xf32>
    %select_n3A_2306 = arith.select %eq3A_2303, %broadcast_in_dim3A_2305, %get3A_2267 : vector<16xi1>, vector<16xf32>
    %eq3A_2307 = arith.constant 2 : i32
    %eq3A_2308 = vector.broadcast %eq3A_2307 : i32 to vector<16xi32>
    %eq3A_2309 = arith.cmpi eq, %select_n3A_2294, %eq3A_2308 : vector<16xi32>
    %jit3A_2310 = arith.constant 0xFF800000 : f32
    %broadcast_in_dim3A_2311 = vector.broadcast %jit3A_2310 : f32 to vector<16xf32>
    %select_n3A_2312 = arith.select %eq3A_2309, %broadcast_in_dim3A_2311, %get3A_2272 : vector<16xi1>, vector<16xf32>
    %eq3A_2313 = arith.constant 3 : i32
    %eq3A_2314 = vector.broadcast %eq3A_2313 : i32 to vector<16xi32>
    %eq3A_2315 = arith.cmpi eq, %select_n3A_2294, %eq3A_2314 : vector<16xi32>
    %jit3A_2316 = arith.constant 0xFF800000 : f32
    %broadcast_in_dim3A_2317 = vector.broadcast %jit3A_2316 : f32 to vector<16xf32>
    %select_n3A_2318 = arith.select %eq3A_2315, %broadcast_in_dim3A_2317, %get3A_2277 : vector<16xi1>, vector<16xf32>
    %max3A_2319 = arith.maximumf %select_n3A_2300, %select_n3A_2306 : vector<16xf32>
    %max3A_2320 = arith.maximumf %select_n3A_2312, %select_n3A_2318 : vector<16xf32>
    %max3A_2321 = arith.maximumf %max3A_2319, %max3A_2320 : vector<16xf32>
    %eq3A_2322 = arith.cmpf oeq, %select_n3A_2300, %max3A_2321 : vector<16xf32>
    %eq3A_2323 = arith.cmpf oeq, %select_n3A_2306, %max3A_2321 : vector<16xf32>
    %eq3A_2324 = arith.cmpf oeq, %select_n3A_2312, %max3A_2321 : vector<16xf32>
    %jit3A_2325 = arith.constant 2 : i32
    %jit3A_2326 = arith.constant 3 : i32
    %broadcast_in_dim3A_2327 = vector.broadcast %jit3A_2325 : i32 to vector<16xi32>
    %broadcast_in_dim3A_2328 = vector.broadcast %jit3A_2326 : i32 to vector<16xi32>
    %select_n3A_2329 = arith.select %eq3A_2324, %broadcast_in_dim3A_2327, %broadcast_in_dim3A_2328 : vector<16xi1>, vector<16xi32>
    %jit3A_2330 = arith.constant 1 : i32
    %broadcast_in_dim3A_2331 = vector.broadcast %jit3A_2330 : i32 to vector<16xi32>
    %select_n3A_2332 = arith.select %eq3A_2323, %broadcast_in_dim3A_2331, %select_n3A_2329 : vector<16xi1>, vector<16xi32>
    %jit3A_2333 = arith.constant 0 : i32
    %broadcast_in_dim3A_2334 = vector.broadcast %jit3A_2333 : i32 to vector<16xi32>
    %select_n3A_2335 = arith.select %eq3A_2322, %broadcast_in_dim3A_2334, %select_n3A_2332 : vector<16xi1>, vector<16xi32>
    %sub3A_2336 = arith.subf %max3A_2321, %max3A_2280 : vector<16xf32>
    %exp3A_2337 = math.exp %sub3A_2336 : vector<16xf32>
    %add3A_2338 = arith.constant 1.000000e+00 : f32
    %add3A_2339 = vector.broadcast %add3A_2338 : f32 to vector<16xf32>
    %add3A_2340 = arith.addf %add3A_2339, %exp3A_2337 : vector<16xf32>
    %div3A_2341 = arith.constant 1.000000e+00 : f32
    %div3A_2342 = vector.broadcast %div3A_2341 : f32 to vector<16xf32>
    %div3A_2343 = arith.divf %div3A_2342, %add3A_2340 : vector<16xf32>
    %mul3A_2344 = arith.mulf %exp3A_2337, %div3A_2343 : vector<16xf32>
    %eq3A_2345 = arith.constant 0 : i32
    %eq3A_2346 = vector.broadcast %eq3A_2345 : i32 to vector<16xi32>
    %eq3A_2347 = arith.cmpi eq, %select_n3A_2294, %eq3A_2346 : vector<16xi32>
    %eq3A_2348 = arith.constant 0 : i32
    %eq3A_2349 = vector.broadcast %eq3A_2348 : i32 to vector<16xi32>
    %eq3A_2350 = arith.cmpi eq, %select_n3A_2335, %eq3A_2349 : vector<16xi32>
    %jit3A_2351 = arith.constant 0.000000e+00 : f32
    %broadcast_in_dim3A_2352 = vector.broadcast %jit3A_2351 : f32 to vector<16xf32>
    %select_n3A_2353 = arith.select %eq3A_2350, %mul3A_2344, %broadcast_in_dim3A_2352 : vector<16xi1>, vector<16xf32>
    %select_n3A_2354 = arith.select %eq3A_2347, %div3A_2343, %select_n3A_2353 : vector<16xi1>, vector<16xf32>
    %swap3A_2355 = arith.constant 0 : i32
    %swap3A_2356 = arith.index_cast %swap3A_2355 : i32 to index
    %swap3A_2357 = arith.constant 240 : index
    %swap3A_2358 = tpu.vector_load %arg5[%swap3A_2356, %swap3A_2357] {strides = array<i32>} : memref<4x512xf32, #tpu.memory_space<vmem>>, vector<1x16xf32>,
    %swap3A_2359 = vector.shape_cast %swap3A_2358 : vector<1x16xf32> to vector<16xf32>
    %swap3A_2360 = vector.shape_cast %select_n3A_2354 : vector<16xf32> to vector<1x16xf32>
    tpu.vector_store %arg5[%swap3A_2356, %swap3A_2357], %swap3A_2360 {strides = array<i32>} : memref<4x512xf32, #tpu.memory_space<vmem>>, vector<1x16xf32>,
    %eq3A_2361 = arith.constant 1 : i32
    %eq3A_2362 = vector.broadcast %eq3A_2361 : i32 to vector<16xi32>
    %eq3A_2363 = arith.cmpi eq, %select_n3A_2294, %eq3A_2362 : vector<16xi32>
    %eq3A_2364 = arith.constant 1 : i32
    %eq3A_2365 = vector.broadcast %eq3A_2364 : i32 to vector<16xi32>
    %eq3A_2366 = arith.cmpi eq, %select_n3A_2335, %eq3A_2365 : vector<16xi32>
    %jit3A_2367 = arith.constant 0.000000e+00 : f32
    %broadcast_in_dim3A_2368 = vector.broadcast %jit3A_2367 : f32 to vector<16xf32>
    %select_n3A_2369 = arith.select %eq3A_2366, %mul3A_2344, %broadcast_in_dim3A_2368 : vector<16xi1>, vector<16xf32>
    %select_n3A_2370 = arith.select %eq3A_2363, %div3A_2343, %select_n3A_2369 : vector<16xi1>, vector<16xf32>
    %swap3A_2371 = arith.constant 1 : i32
    %swap3A_2372 = arith.index_cast %swap3A_2371 : i32 to index
    %swap3A_2373 = arith.constant 240 : index
    %swap3A_2374 = tpu.vector_load %arg5[%swap3A_2372, %swap3A_2373] {strides = array<i32>} : memref<4x512xf32, #tpu.memory_space<vmem>>, vector<1x16xf32>,
    %swap3A_2375 = vector.shape_cast %swap3A_2374 : vector<1x16xf32> to vector<16xf32>
    %swap3A_2376 = vector.shape_cast %select_n3A_2370 : vector<16xf32> to vector<1x16xf32>
    tpu.vector_store %arg5[%swap3A_2372, %swap3A_2373], %swap3A_2376 {strides = array<i32>} : memref<4x512xf32, #tpu.memory_space<vmem>>, vector<1x16xf32>,
    %eq3A_2377 = arith.constant 2 : i32
    %eq3A_2378 = vector.broadcast %eq3A_2377 : i32 to vector<16xi32>
    %eq3A_2379 = arith.cmpi eq, %select_n3A_2294, %eq3A_2378 : vector<16xi32>
    %eq3A_2380 = arith.constant 2 : i32
    %eq3A_2381 = vector.broadcast %eq3A_2380 : i32 to vector<16xi32>
    %eq3A_2382 = arith.cmpi eq, %select_n3A_2335, %eq3A_2381 : vector<16xi32>
    %jit3A_2383 = arith.constant 0.000000e+00 : f32
    %broadcast_in_dim3A_2384 = vector.broadcast %jit3A_2383 : f32 to vector<16xf32>
    %select_n3A_2385 = arith.select %eq3A_2382, %mul3A_2344, %broadcast_in_dim3A_2384 : vector<16xi1>, vector<16xf32>
    %select_n3A_2386 = arith.select %eq3A_2379, %div3A_2343, %select_n3A_2385 : vector<16xi1>, vector<16xf32>
    %swap3A_2387 = arith.constant 2 : i32
    %swap3A_2388 = arith.index_cast %swap3A_2387 : i32 to index
    %swap3A_2389 = arith.constant 240 : index
    %swap3A_2390 = tpu.vector_load %arg5[%swap3A_2388, %swap3A_2389] {strides = array<i32>} : memref<4x512xf32, #tpu.memory_space<vmem>>, vector<1x16xf32>,
    %swap3A_2391 = vector.shape_cast %swap3A_2390 : vector<1x16xf32> to vector<16xf32>
    %swap3A_2392 = vector.shape_cast %select_n3A_2386 : vector<16xf32> to vector<1x16xf32>
    tpu.vector_store %arg5[%swap3A_2388, %swap3A_2389], %swap3A_2392 {strides = array<i32>} : memref<4x512xf32, #tpu.memory_space<vmem>>, vector<1x16xf32>,
    %eq3A_2393 = arith.constant 3 : i32
    %eq3A_2394 = vector.broadcast %eq3A_2393 : i32 to vector<16xi32>
    %eq3A_2395 = arith.cmpi eq, %select_n3A_2294, %eq3A_2394 : vector<16xi32>
    %eq3A_2396 = arith.constant 3 : i32
    %eq3A_2397 = vector.broadcast %eq3A_2396 : i32 to vector<16xi32>
    %eq3A_2398 = arith.cmpi eq, %select_n3A_2335, %eq3A_2397 : vector<16xi32>
    %jit3A_2399 = arith.constant 0.000000e+00 : f32
    %broadcast_in_dim3A_2400 = vector.broadcast %jit3A_2399 : f32 to vector<16xf32>
    %select_n3A_2401 = arith.select %eq3A_2398, %mul3A_2344, %broadcast_in_dim3A_2400 : vector<16xi1>, vector<16xf32>
    %select_n3A_2402 = arith.select %eq3A_2395, %div3A_2343, %select_n3A_2401 : vector<16xi1>, vector<16xf32>
    %swap3A_2403 = arith.constant 3 : i32
    %swap3A_2404 = arith.index_cast %swap3A_2403 : i32 to index
    %swap3A_2405 = arith.constant 240 : index
    %swap3A_2406 = tpu.vector_load %arg5[%swap3A_2404, %swap3A_2405] {strides = array<i32>} : memref<4x512xf32, #tpu.memory_space<vmem>>, vector<1x16xf32>,
    %swap3A_2407 = vector.shape_cast %swap3A_2406 : vector<1x16xf32> to vector<16xf32>
    %swap3A_2408 = vector.shape_cast %select_n3A_2402 : vector<16xf32> to vector<1x16xf32>
    tpu.vector_store %arg5[%swap3A_2404, %swap3A_2405], %swap3A_2408 {strides = array<i32>} : memref<4x512xf32, #tpu.memory_space<vmem>>, vector<1x16xf32>,
    %get3A_2409 = arith.constant 0 : i32
    %get3A_2410 = arith.index_cast %get3A_2409 : i32 to index
    %get3A_2411 = arith.constant 256 : index
    %get3A_2412 = tpu.vector_load %arg4[%get3A_2410, %get3A_2411] {strides = array<i32>} : memref<4x512xf32, #tpu.memory_space<vmem>>, vector<1x16xf32>,
    %get3A_2413 = vector.shape_cast %get3A_2412 : vector<1x16xf32> to vector<16xf32>
    %get3A_2414 = arith.constant 1 : i32
    %get3A_2415 = arith.index_cast %get3A_2414 : i32 to index
    %get3A_2416 = arith.constant 256 : index
    %get3A_2417 = tpu.vector_load %arg4[%get3A_2415, %get3A_2416] {strides = array<i32>} : memref<4x512xf32, #tpu.memory_space<vmem>>, vector<1x16xf32>,
    %get3A_2418 = vector.shape_cast %get3A_2417 : vector<1x16xf32> to vector<16xf32>
    %get3A_2419 = arith.constant 2 : i32
    %get3A_2420 = arith.index_cast %get3A_2419 : i32 to index
    %get3A_2421 = arith.constant 256 : index
    %get3A_2422 = tpu.vector_load %arg4[%get3A_2420, %get3A_2421] {strides = array<i32>} : memref<4x512xf32, #tpu.memory_space<vmem>>, vector<1x16xf32>,
    %get3A_2423 = vector.shape_cast %get3A_2422 : vector<1x16xf32> to vector<16xf32>
    %get3A_2424 = arith.constant 3 : i32
    %get3A_2425 = arith.index_cast %get3A_2424 : i32 to index
    %get3A_2426 = arith.constant 256 : index
    %get3A_2427 = tpu.vector_load %arg4[%get3A_2425, %get3A_2426] {strides = array<i32>} : memref<4x512xf32, #tpu.memory_space<vmem>>, vector<1x16xf32>,
    %get3A_2428 = vector.shape_cast %get3A_2427 : vector<1x16xf32> to vector<16xf32>
    %max3A_2429 = arith.maximumf %get3A_2413, %get3A_2418 : vector<16xf32>
    %max3A_2430 = arith.maximumf %get3A_2423, %get3A_2428 : vector<16xf32>
    %max3A_2431 = arith.maximumf %max3A_2429, %max3A_2430 : vector<16xf32>
    %eq3A_2432 = arith.cmpf oeq, %get3A_2413, %max3A_2431 : vector<16xf32>
    %eq3A_2433 = arith.cmpf oeq, %get3A_2418, %max3A_2431 : vector<16xf32>
    %eq3A_2434 = arith.cmpf oeq, %get3A_2423, %max3A_2431 : vector<16xf32>
    %jit3A_2435 = arith.constant 2 : i32
    %jit3A_2436 = arith.constant 3 : i32
    %broadcast_in_dim3A_2437 = vector.broadcast %jit3A_2435 : i32 to vector<16xi32>
    %broadcast_in_dim3A_2438 = vector.broadcast %jit3A_2436 : i32 to vector<16xi32>
    %select_n3A_2439 = arith.select %eq3A_2434, %broadcast_in_dim3A_2437, %broadcast_in_dim3A_2438 : vector<16xi1>, vector<16xi32>
    %jit3A_2440 = arith.constant 1 : i32
    %broadcast_in_dim3A_2441 = vector.broadcast %jit3A_2440 : i32 to vector<16xi32>
    %select_n3A_2442 = arith.select %eq3A_2433, %broadcast_in_dim3A_2441, %select_n3A_2439 : vector<16xi1>, vector<16xi32>
    %jit3A_2443 = arith.constant 0 : i32
    %broadcast_in_dim3A_2444 = vector.broadcast %jit3A_2443 : i32 to vector<16xi32>
    %select_n3A_2445 = arith.select %eq3A_2432, %broadcast_in_dim3A_2444, %select_n3A_2442 : vector<16xi1>, vector<16xi32>
    %eq3A_2446 = arith.constant 0 : i32
    %eq3A_2447 = vector.broadcast %eq3A_2446 : i32 to vector<16xi32>
    %eq3A_2448 = arith.cmpi eq, %select_n3A_2445, %eq3A_2447 : vector<16xi32>
    %jit3A_2449 = arith.constant 0xFF800000 : f32
    %broadcast_in_dim3A_2450 = vector.broadcast %jit3A_2449 : f32 to vector<16xf32>
    %select_n3A_2451 = arith.select %eq3A_2448, %broadcast_in_dim3A_2450, %get3A_2413 : vector<16xi1>, vector<16xf32>
    %eq3A_2452 = arith.constant 1 : i32
    %eq3A_2453 = vector.broadcast %eq3A_2452 : i32 to vector<16xi32>
    %eq3A_2454 = arith.cmpi eq, %select_n3A_2445, %eq3A_2453 : vector<16xi32>
    %jit3A_2455 = arith.constant 0xFF800000 : f32
    %broadcast_in_dim3A_2456 = vector.broadcast %jit3A_2455 : f32 to vector<16xf32>
    %select_n3A_2457 = arith.select %eq3A_2454, %broadcast_in_dim3A_2456, %get3A_2418 : vector<16xi1>, vector<16xf32>
    %eq3A_2458 = arith.constant 2 : i32
    %eq3A_2459 = vector.broadcast %eq3A_2458 : i32 to vector<16xi32>
    %eq3A_2460 = arith.cmpi eq, %select_n3A_2445, %eq3A_2459 : vector<16xi32>
    %jit3A_2461 = arith.constant 0xFF800000 : f32
    %broadcast_in_dim3A_2462 = vector.broadcast %jit3A_2461 : f32 to vector<16xf32>
    %select_n3A_2463 = arith.select %eq3A_2460, %broadcast_in_dim3A_2462, %get3A_2423 : vector<16xi1>, vector<16xf32>
    %eq3A_2464 = arith.constant 3 : i32
    %eq3A_2465 = vector.broadcast %eq3A_2464 : i32 to vector<16xi32>
    %eq3A_2466 = arith.cmpi eq, %select_n3A_2445, %eq3A_2465 : vector<16xi32>
    %jit3A_2467 = arith.constant 0xFF800000 : f32
    %broadcast_in_dim3A_2468 = vector.broadcast %jit3A_2467 : f32 to vector<16xf32>
    %select_n3A_2469 = arith.select %eq3A_2466, %broadcast_in_dim3A_2468, %get3A_2428 : vector<16xi1>, vector<16xf32>
    %max3A_2470 = arith.maximumf %select_n3A_2451, %select_n3A_2457 : vector<16xf32>
    %max3A_2471 = arith.maximumf %select_n3A_2463, %select_n3A_2469 : vector<16xf32>
    %max3A_2472 = arith.maximumf %max3A_2470, %max3A_2471 : vector<16xf32>
    %eq3A_2473 = arith.cmpf oeq, %select_n3A_2451, %max3A_2472 : vector<16xf32>
    %eq3A_2474 = arith.cmpf oeq, %select_n3A_2457, %max3A_2472 : vector<16xf32>
    %eq3A_2475 = arith.cmpf oeq, %select_n3A_2463, %max3A_2472 : vector<16xf32>
    %jit3A_2476 = arith.constant 2 : i32
    %jit3A_2477 = arith.constant 3 : i32
    %broadcast_in_dim3A_2478 = vector.broadcast %jit3A_2476 : i32 to vector<16xi32>
    %broadcast_in_dim3A_2479 = vector.broadcast %jit3A_2477 : i32 to vector<16xi32>
    %select_n3A_2480 = arith.select %eq3A_2475, %broadcast_in_dim3A_2478, %broadcast_in_dim3A_2479 : vector<16xi1>, vector<16xi32>
    %jit3A_2481 = arith.constant 1 : i32
    %broadcast_in_dim3A_2482 = vector.broadcast %jit3A_2481 : i32 to vector<16xi32>
    %select_n3A_2483 = arith.select %eq3A_2474, %broadcast_in_dim3A_2482, %select_n3A_2480 : vector<16xi1>, vector<16xi32>
    %jit3A_2484 = arith.constant 0 : i32
    %broadcast_in_dim3A_2485 = vector.broadcast %jit3A_2484 : i32 to vector<16xi32>
    %select_n3A_2486 = arith.select %eq3A_2473, %broadcast_in_dim3A_2485, %select_n3A_2483 : vector<16xi1>, vector<16xi32>
    %sub3A_2487 = arith.subf %max3A_2472, %max3A_2431 : vector<16xf32>
    %exp3A_2488 = math.exp %sub3A_2487 : vector<16xf32>
    %add3A_2489 = arith.constant 1.000000e+00 : f32
    %add3A_2490 = vector.broadcast %add3A_2489 : f32 to vector<16xf32>
    %add3A_2491 = arith.addf %add3A_2490, %exp3A_2488 : vector<16xf32>
    %div3A_2492 = arith.constant 1.000000e+00 : f32
    %div3A_2493 = vector.broadcast %div3A_2492 : f32 to vector<16xf32>
    %div3A_2494 = arith.divf %div3A_2493, %add3A_2491 : vector<16xf32>
    %mul3A_2495 = arith.mulf %exp3A_2488, %div3A_2494 : vector<16xf32>
    %eq3A_2496 = arith.constant 0 : i32
    %eq3A_2497 = vector.broadcast %eq3A_2496 : i32 to vector<16xi32>
    %eq3A_2498 = arith.cmpi eq, %select_n3A_2445, %eq3A_2497 : vector<16xi32>
    %eq3A_2499 = arith.constant 0 : i32
    %eq3A_2500 = vector.broadcast %eq3A_2499 : i32 to vector<16xi32>
    %eq3A_2501 = arith.cmpi eq, %select_n3A_2486, %eq3A_2500 : vector<16xi32>
    %jit3A_2502 = arith.constant 0.000000e+00 : f32
    %broadcast_in_dim3A_2503 = vector.broadcast %jit3A_2502 : f32 to vector<16xf32>
    %select_n3A_2504 = arith.select %eq3A_2501, %mul3A_2495, %broadcast_in_dim3A_2503 : vector<16xi1>, vector<16xf32>
    %select_n3A_2505 = arith.select %eq3A_2498, %div3A_2494, %select_n3A_2504 : vector<16xi1>, vector<16xf32>
    %swap3A_2506 = arith.constant 0 : i32
    %swap3A_2507 = arith.index_cast %swap3A_2506 : i32 to index
    %swap3A_2508 = arith.constant 256 : index
    %swap3A_2509 = tpu.vector_load %arg5[%swap3A_2507, %swap3A_2508] {strides = array<i32>} : memref<4x512xf32, #tpu.memory_space<vmem>>, vector<1x16xf32>,
    %swap3A_2510 = vector.shape_cast %swap3A_2509 : vector<1x16xf32> to vector<16xf32>
    %swap3A_2511 = vector.shape_cast %select_n3A_2505 : vector<16xf32> to vector<1x16xf32>
    tpu.vector_store %arg5[%swap3A_2507, %swap3A_2508], %swap3A_2511 {strides = array<i32>} : memref<4x512xf32, #tpu.memory_space<vmem>>, vector<1x16xf32>,
    %eq3A_2512 = arith.constant 1 : i32
    %eq3A_2513 = vector.broadcast %eq3A_2512 : i32 to vector<16xi32>
    %eq3A_2514 = arith.cmpi eq, %select_n3A_2445, %eq3A_2513 : vector<16xi32>
    %eq3A_2515 = arith.constant 1 : i32
    %eq3A_2516 = vector.broadcast %eq3A_2515 : i32 to vector<16xi32>
    %eq3A_2517 = arith.cmpi eq, %select_n3A_2486, %eq3A_2516 : vector<16xi32>
    %jit3A_2518 = arith.constant 0.000000e+00 : f32
    %broadcast_in_dim3A_2519 = vector.broadcast %jit3A_2518 : f32 to vector<16xf32>
    %select_n3A_2520 = arith.select %eq3A_2517, %mul3A_2495, %broadcast_in_dim3A_2519 : vector<16xi1>, vector<16xf32>
    %select_n3A_2521 = arith.select %eq3A_2514, %div3A_2494, %select_n3A_2520 : vector<16xi1>, vector<16xf32>
    %swap3A_2522 = arith.constant 1 : i32
    %swap3A_2523 = arith.index_cast %swap3A_2522 : i32 to index
    %swap3A_2524 = arith.constant 256 : index
    %swap3A_2525 = tpu.vector_load %arg5[%swap3A_2523, %swap3A_2524] {strides = array<i32>} : memref<4x512xf32, #tpu.memory_space<vmem>>, vector<1x16xf32>,
    %swap3A_2526 = vector.shape_cast %swap3A_2525 : vector<1x16xf32> to vector<16xf32>
    %swap3A_2527 = vector.shape_cast %select_n3A_2521 : vector<16xf32> to vector<1x16xf32>
    tpu.vector_store %arg5[%swap3A_2523, %swap3A_2524], %swap3A_2527 {strides = array<i32>} : memref<4x512xf32, #tpu.memory_space<vmem>>, vector<1x16xf32>,
    %eq3A_2528 = arith.constant 2 : i32
    %eq3A_2529 = vector.broadcast %eq3A_2528 : i32 to vector<16xi32>
    %eq3A_2530 = arith.cmpi eq, %select_n3A_2445, %eq3A_2529 : vector<16xi32>
    %eq3A_2531 = arith.constant 2 : i32
    %eq3A_2532 = vector.broadcast %eq3A_2531 : i32 to vector<16xi32>
    %eq3A_2533 = arith.cmpi eq, %select_n3A_2486, %eq3A_2532 : vector<16xi32>
    %jit3A_2534 = arith.constant 0.000000e+00 : f32
    %broadcast_in_dim3A_2535 = vector.broadcast %jit3A_2534 : f32 to vector<16xf32>
    %select_n3A_2536 = arith.select %eq3A_2533, %mul3A_2495, %broadcast_in_dim3A_2535 : vector<16xi1>, vector<16xf32>
    %select_n3A_2537 = arith.select %eq3A_2530, %div3A_2494, %select_n3A_2536 : vector<16xi1>, vector<16xf32>
    %swap3A_2538 = arith.constant 2 : i32
    %swap3A_2539 = arith.index_cast %swap3A_2538 : i32 to index
    %swap3A_2540 = arith.constant 256 : index
    %swap3A_2541 = tpu.vector_load %arg5[%swap3A_2539, %swap3A_2540] {strides = array<i32>} : memref<4x512xf32, #tpu.memory_space<vmem>>, vector<1x16xf32>,
    %swap3A_2542 = vector.shape_cast %swap3A_2541 : vector<1x16xf32> to vector<16xf32>
    %swap3A_2543 = vector.shape_cast %select_n3A_2537 : vector<16xf32> to vector<1x16xf32>
    tpu.vector_store %arg5[%swap3A_2539, %swap3A_2540], %swap3A_2543 {strides = array<i32>} : memref<4x512xf32, #tpu.memory_space<vmem>>, vector<1x16xf32>,
    %eq3A_2544 = arith.constant 3 : i32
    %eq3A_2545 = vector.broadcast %eq3A_2544 : i32 to vector<16xi32>
    %eq3A_2546 = arith.cmpi eq, %select_n3A_2445, %eq3A_2545 : vector<16xi32>
    %eq3A_2547 = arith.constant 3 : i32
    %eq3A_2548 = vector.broadcast %eq3A_2547 : i32 to vector<16xi32>
    %eq3A_2549 = arith.cmpi eq, %select_n3A_2486, %eq3A_2548 : vector<16xi32>
    %jit3A_2550 = arith.constant 0.000000e+00 : f32
    %broadcast_in_dim3A_2551 = vector.broadcast %jit3A_2550 : f32 to vector<16xf32>
    %select_n3A_2552 = arith.select %eq3A_2549, %mul3A_2495, %broadcast_in_dim3A_2551 : vector<16xi1>, vector<16xf32>
    %select_n3A_2553 = arith.select %eq3A_2546, %div3A_2494, %select_n3A_2552 : vector<16xi1>, vector<16xf32>
    %swap3A_2554 = arith.constant 3 : i32
    %swap3A_2555 = arith.index_cast %swap3A_2554 : i32 to index
    %swap3A_2556 = arith.constant 256 : index
    %swap3A_2557 = tpu.vector_load %arg5[%swap3A_2555, %swap3A_2556] {strides = array<i32>} : memref<4x512xf32, #tpu.memory_space<vmem>>, vector<1x16xf32>,
    %swap3A_2558 = vector.shape_cast %swap3A_2557 : vector<1x16xf32> to vector<16xf32>
    %swap3A_2559 = vector.shape_cast %select_n3A_2553 : vector<16xf32> to vector<1x16xf32>
    tpu.vector_store %arg5[%swap3A_2555, %swap3A_2556], %swap3A_2559 {strides = array<i32>} : memref<4x512xf32, #tpu.memory_space<vmem>>, vector<1x16xf32>,
    %get3A_2560 = arith.constant 0 : i32
    %get3A_2561 = arith.index_cast %get3A_2560 : i32 to index
    %get3A_2562 = arith.constant 272 : index
    %get3A_2563 = tpu.vector_load %arg4[%get3A_2561, %get3A_2562] {strides = array<i32>} : memref<4x512xf32, #tpu.memory_space<vmem>>, vector<1x16xf32>,
    %get3A_2564 = vector.shape_cast %get3A_2563 : vector<1x16xf32> to vector<16xf32>
    %get3A_2565 = arith.constant 1 : i32
    %get3A_2566 = arith.index_cast %get3A_2565 : i32 to index
    %get3A_2567 = arith.constant 272 : index
    %get3A_2568 = tpu.vector_load %arg4[%get3A_2566, %get3A_2567] {strides = array<i32>} : memref<4x512xf32, #tpu.memory_space<vmem>>, vector<1x16xf32>,
    %get3A_2569 = vector.shape_cast %get3A_2568 : vector<1x16xf32> to vector<16xf32>
    %get3A_2570 = arith.constant 2 : i32
    %get3A_2571 = arith.index_cast %get3A_2570 : i32 to index
    %get3A_2572 = arith.constant 272 : index
    %get3A_2573 = tpu.vector_load %arg4[%get3A_2571, %get3A_2572] {strides = array<i32>} : memref<4x512xf32, #tpu.memory_space<vmem>>, vector<1x16xf32>,
    %get3A_2574 = vector.shape_cast %get3A_2573 : vector<1x16xf32> to vector<16xf32>
    %get3A_2575 = arith.constant 3 : i32
    %get3A_2576 = arith.index_cast %get3A_2575 : i32 to index
    %get3A_2577 = arith.constant 272 : index
    %get3A_2578 = tpu.vector_load %arg4[%get3A_2576, %get3A_2577] {strides = array<i32>} : memref<4x512xf32, #tpu.memory_space<vmem>>, vector<1x16xf32>,
    %get3A_2579 = vector.shape_cast %get3A_2578 : vector<1x16xf32> to vector<16xf32>
    %max3A_2580 = arith.maximumf %get3A_2564, %get3A_2569 : vector<16xf32>
    %max3A_2581 = arith.maximumf %get3A_2574, %get3A_2579 : vector<16xf32>
    %max3A_2582 = arith.maximumf %max3A_2580, %max3A_2581 : vector<16xf32>
    %eq3A_2583 = arith.cmpf oeq, %get3A_2564, %max3A_2582 : vector<16xf32>
    %eq3A_2584 = arith.cmpf oeq, %get3A_2569, %max3A_2582 : vector<16xf32>
    %eq3A_2585 = arith.cmpf oeq, %get3A_2574, %max3A_2582 : vector<16xf32>
    %jit3A_2586 = arith.constant 2 : i32
    %jit3A_2587 = arith.constant 3 : i32
    %broadcast_in_dim3A_2588 = vector.broadcast %jit3A_2586 : i32 to vector<16xi32>
    %broadcast_in_dim3A_2589 = vector.broadcast %jit3A_2587 : i32 to vector<16xi32>
    %select_n3A_2590 = arith.select %eq3A_2585, %broadcast_in_dim3A_2588, %broadcast_in_dim3A_2589 : vector<16xi1>, vector<16xi32>
    %jit3A_2591 = arith.constant 1 : i32
    %broadcast_in_dim3A_2592 = vector.broadcast %jit3A_2591 : i32 to vector<16xi32>
    %select_n3A_2593 = arith.select %eq3A_2584, %broadcast_in_dim3A_2592, %select_n3A_2590 : vector<16xi1>, vector<16xi32>
    %jit3A_2594 = arith.constant 0 : i32
    %broadcast_in_dim3A_2595 = vector.broadcast %jit3A_2594 : i32 to vector<16xi32>
    %select_n3A_2596 = arith.select %eq3A_2583, %broadcast_in_dim3A_2595, %select_n3A_2593 : vector<16xi1>, vector<16xi32>
    %eq3A_2597 = arith.constant 0 : i32
    %eq3A_2598 = vector.broadcast %eq3A_2597 : i32 to vector<16xi32>
    %eq3A_2599 = arith.cmpi eq, %select_n3A_2596, %eq3A_2598 : vector<16xi32>
    %jit3A_2600 = arith.constant 0xFF800000 : f32
    %broadcast_in_dim3A_2601 = vector.broadcast %jit3A_2600 : f32 to vector<16xf32>
    %select_n3A_2602 = arith.select %eq3A_2599, %broadcast_in_dim3A_2601, %get3A_2564 : vector<16xi1>, vector<16xf32>
    %eq3A_2603 = arith.constant 1 : i32
    %eq3A_2604 = vector.broadcast %eq3A_2603 : i32 to vector<16xi32>
    %eq3A_2605 = arith.cmpi eq, %select_n3A_2596, %eq3A_2604 : vector<16xi32>
    %jit3A_2606 = arith.constant 0xFF800000 : f32
    %broadcast_in_dim3A_2607 = vector.broadcast %jit3A_2606 : f32 to vector<16xf32>
    %select_n3A_2608 = arith.select %eq3A_2605, %broadcast_in_dim3A_2607, %get3A_2569 : vector<16xi1>, vector<16xf32>
    %eq3A_2609 = arith.constant 2 : i32
    %eq3A_2610 = vector.broadcast %eq3A_2609 : i32 to vector<16xi32>
    %eq3A_2611 = arith.cmpi eq, %select_n3A_2596, %eq3A_2610 : vector<16xi32>
    %jit3A_2612 = arith.constant 0xFF800000 : f32
    %broadcast_in_dim3A_2613 = vector.broadcast %jit3A_2612 : f32 to vector<16xf32>
    %select_n3A_2614 = arith.select %eq3A_2611, %broadcast_in_dim3A_2613, %get3A_2574 : vector<16xi1>, vector<16xf32>
    %eq3A_2615 = arith.constant 3 : i32
    %eq3A_2616 = vector.broadcast %eq3A_2615 : i32 to vector<16xi32>
    %eq3A_2617 = arith.cmpi eq, %select_n3A_2596, %eq3A_2616 : vector<16xi32>
    %jit3A_2618 = arith.constant 0xFF800000 : f32
    %broadcast_in_dim3A_2619 = vector.broadcast %jit3A_2618 : f32 to vector<16xf32>
    %select_n3A_2620 = arith.select %eq3A_2617, %broadcast_in_dim3A_2619, %get3A_2579 : vector<16xi1>, vector<16xf32>
    %max3A_2621 = arith.maximumf %select_n3A_2602, %select_n3A_2608 : vector<16xf32>
    %max3A_2622 = arith.maximumf %select_n3A_2614, %select_n3A_2620 : vector<16xf32>
    %max3A_2623 = arith.maximumf %max3A_2621, %max3A_2622 : vector<16xf32>
    %eq3A_2624 = arith.cmpf oeq, %select_n3A_2602, %max3A_2623 : vector<16xf32>
    %eq3A_2625 = arith.cmpf oeq, %select_n3A_2608, %max3A_2623 : vector<16xf32>
    %eq3A_2626 = arith.cmpf oeq, %select_n3A_2614, %max3A_2623 : vector<16xf32>
    %jit3A_2627 = arith.constant 2 : i32
    %jit3A_2628 = arith.constant 3 : i32
    %broadcast_in_dim3A_2629 = vector.broadcast %jit3A_2627 : i32 to vector<16xi32>
    %broadcast_in_dim3A_2630 = vector.broadcast %jit3A_2628 : i32 to vector<16xi32>
    %select_n3A_2631 = arith.select %eq3A_2626, %broadcast_in_dim3A_2629, %broadcast_in_dim3A_2630 : vector<16xi1>, vector<16xi32>
    %jit3A_2632 = arith.constant 1 : i32
    %broadcast_in_dim3A_2633 = vector.broadcast %jit3A_2632 : i32 to vector<16xi32>
    %select_n3A_2634 = arith.select %eq3A_2625, %broadcast_in_dim3A_2633, %select_n3A_2631 : vector<16xi1>, vector<16xi32>
    %jit3A_2635 = arith.constant 0 : i32
    %broadcast_in_dim3A_2636 = vector.broadcast %jit3A_2635 : i32 to vector<16xi32>
    %select_n3A_2637 = arith.select %eq3A_2624, %broadcast_in_dim3A_2636, %select_n3A_2634 : vector<16xi1>, vector<16xi32>
    %sub3A_2638 = arith.subf %max3A_2623, %max3A_2582 : vector<16xf32>
    %exp3A_2639 = math.exp %sub3A_2638 : vector<16xf32>
    %add3A_2640 = arith.constant 1.000000e+00 : f32
    %add3A_2641 = vector.broadcast %add3A_2640 : f32 to vector<16xf32>
    %add3A_2642 = arith.addf %add3A_2641, %exp3A_2639 : vector<16xf32>
    %div3A_2643 = arith.constant 1.000000e+00 : f32
    %div3A_2644 = vector.broadcast %div3A_2643 : f32 to vector<16xf32>
    %div3A_2645 = arith.divf %div3A_2644, %add3A_2642 : vector<16xf32>
    %mul3A_2646 = arith.mulf %exp3A_2639, %div3A_2645 : vector<16xf32>
    %eq3A_2647 = arith.constant 0 : i32
    %eq3A_2648 = vector.broadcast %eq3A_2647 : i32 to vector<16xi32>
    %eq3A_2649 = arith.cmpi eq, %select_n3A_2596, %eq3A_2648 : vector<16xi32>
    %eq3A_2650 = arith.constant 0 : i32
    %eq3A_2651 = vector.broadcast %eq3A_2650 : i32 to vector<16xi32>
    %eq3A_2652 = arith.cmpi eq, %select_n3A_2637, %eq3A_2651 : vector<16xi32>
    %jit3A_2653 = arith.constant 0.000000e+00 : f32
    %broadcast_in_dim3A_2654 = vector.broadcast %jit3A_2653 : f32 to vector<16xf32>
    %select_n3A_2655 = arith.select %eq3A_2652, %mul3A_2646, %broadcast_in_dim3A_2654 : vector<16xi1>, vector<16xf32>
    %select_n3A_2656 = arith.select %eq3A_2649, %div3A_2645, %select_n3A_2655 : vector<16xi1>, vector<16xf32>
    %swap3A_2657 = arith.constant 0 : i32
    %swap3A_2658 = arith.index_cast %swap3A_2657 : i32 to index
    %swap3A_2659 = arith.constant 272 : index
    %swap3A_2660 = tpu.vector_load %arg5[%swap3A_2658, %swap3A_2659] {strides = array<i32>} : memref<4x512xf32, #tpu.memory_space<vmem>>, vector<1x16xf32>,
    %swap3A_2661 = vector.shape_cast %swap3A_2660 : vector<1x16xf32> to vector<16xf32>
    %swap3A_2662 = vector.shape_cast %select_n3A_2656 : vector<16xf32> to vector<1x16xf32>
    tpu.vector_store %arg5[%swap3A_2658, %swap3A_2659], %swap3A_2662 {strides = array<i32>} : memref<4x512xf32, #tpu.memory_space<vmem>>, vector<1x16xf32>,
    %eq3A_2663 = arith.constant 1 : i32
    %eq3A_2664 = vector.broadcast %eq3A_2663 : i32 to vector<16xi32>
    %eq3A_2665 = arith.cmpi eq, %select_n3A_2596, %eq3A_2664 : vector<16xi32>
    %eq3A_2666 = arith.constant 1 : i32
    %eq3A_2667 = vector.broadcast %eq3A_2666 : i32 to vector<16xi32>
    %eq3A_2668 = arith.cmpi eq, %select_n3A_2637, %eq3A_2667 : vector<16xi32>
    %jit3A_2669 = arith.constant 0.000000e+00 : f32
    %broadcast_in_dim3A_2670 = vector.broadcast %jit3A_2669 : f32 to vector<16xf32>
    %select_n3A_2671 = arith.select %eq3A_2668, %mul3A_2646, %broadcast_in_dim3A_2670 : vector<16xi1>, vector<16xf32>
    %select_n3A_2672 = arith.select %eq3A_2665, %div3A_2645, %select_n3A_2671 : vector<16xi1>, vector<16xf32>
    %swap3A_2673 = arith.constant 1 : i32
    %swap3A_2674 = arith.index_cast %swap3A_2673 : i32 to index
    %swap3A_2675 = arith.constant 272 : index
    %swap3A_2676 = tpu.vector_load %arg5[%swap3A_2674, %swap3A_2675] {strides = array<i32>} : memref<4x512xf32, #tpu.memory_space<vmem>>, vector<1x16xf32>,
    %swap3A_2677 = vector.shape_cast %swap3A_2676 : vector<1x16xf32> to vector<16xf32>
    %swap3A_2678 = vector.shape_cast %select_n3A_2672 : vector<16xf32> to vector<1x16xf32>
    tpu.vector_store %arg5[%swap3A_2674, %swap3A_2675], %swap3A_2678 {strides = array<i32>} : memref<4x512xf32, #tpu.memory_space<vmem>>, vector<1x16xf32>,
    %eq3A_2679 = arith.constant 2 : i32
    %eq3A_2680 = vector.broadcast %eq3A_2679 : i32 to vector<16xi32>
    %eq3A_2681 = arith.cmpi eq, %select_n3A_2596, %eq3A_2680 : vector<16xi32>
    %eq3A_2682 = arith.constant 2 : i32
    %eq3A_2683 = vector.broadcast %eq3A_2682 : i32 to vector<16xi32>
    %eq3A_2684 = arith.cmpi eq, %select_n3A_2637, %eq3A_2683 : vector<16xi32>
    %jit3A_2685 = arith.constant 0.000000e+00 : f32
    %broadcast_in_dim3A_2686 = vector.broadcast %jit3A_2685 : f32 to vector<16xf32>
    %select_n3A_2687 = arith.select %eq3A_2684, %mul3A_2646, %broadcast_in_dim3A_2686 : vector<16xi1>, vector<16xf32>
    %select_n3A_2688 = arith.select %eq3A_2681, %div3A_2645, %select_n3A_2687 : vector<16xi1>, vector<16xf32>
    %swap3A_2689 = arith.constant 2 : i32
    %swap3A_2690 = arith.index_cast %swap3A_2689 : i32 to index
    %swap3A_2691 = arith.constant 272 : index
    %swap3A_2692 = tpu.vector_load %arg5[%swap3A_2690, %swap3A_2691] {strides = array<i32>} : memref<4x512xf32, #tpu.memory_space<vmem>>, vector<1x16xf32>,
    %swap3A_2693 = vector.shape_cast %swap3A_2692 : vector<1x16xf32> to vector<16xf32>
    %swap3A_2694 = vector.shape_cast %select_n3A_2688 : vector<16xf32> to vector<1x16xf32>
    tpu.vector_store %arg5[%swap3A_2690, %swap3A_2691], %swap3A_2694 {strides = array<i32>} : memref<4x512xf32, #tpu.memory_space<vmem>>, vector<1x16xf32>,
    %eq3A_2695 = arith.constant 3 : i32
    %eq3A_2696 = vector.broadcast %eq3A_2695 : i32 to vector<16xi32>
    %eq3A_2697 = arith.cmpi eq, %select_n3A_2596, %eq3A_2696 : vector<16xi32>
    %eq3A_2698 = arith.constant 3 : i32
    %eq3A_2699 = vector.broadcast %eq3A_2698 : i32 to vector<16xi32>
    %eq3A_2700 = arith.cmpi eq, %select_n3A_2637, %eq3A_2699 : vector<16xi32>
    %jit3A_2701 = arith.constant 0.000000e+00 : f32
    %broadcast_in_dim3A_2702 = vector.broadcast %jit3A_2701 : f32 to vector<16xf32>
    %select_n3A_2703 = arith.select %eq3A_2700, %mul3A_2646, %broadcast_in_dim3A_2702 : vector<16xi1>, vector<16xf32>
    %select_n3A_2704 = arith.select %eq3A_2697, %div3A_2645, %select_n3A_2703 : vector<16xi1>, vector<16xf32>
    %swap3A_2705 = arith.constant 3 : i32
    %swap3A_2706 = arith.index_cast %swap3A_2705 : i32 to index
    %swap3A_2707 = arith.constant 272 : index
    %swap3A_2708 = tpu.vector_load %arg5[%swap3A_2706, %swap3A_2707] {strides = array<i32>} : memref<4x512xf32, #tpu.memory_space<vmem>>, vector<1x16xf32>,
    %swap3A_2709 = vector.shape_cast %swap3A_2708 : vector<1x16xf32> to vector<16xf32>
    %swap3A_2710 = vector.shape_cast %select_n3A_2704 : vector<16xf32> to vector<1x16xf32>
    tpu.vector_store %arg5[%swap3A_2706, %swap3A_2707], %swap3A_2710 {strides = array<i32>} : memref<4x512xf32, #tpu.memory_space<vmem>>, vector<1x16xf32>,
    %get3A_2711 = arith.constant 0 : i32
    %get3A_2712 = arith.index_cast %get3A_2711 : i32 to index
    %get3A_2713 = arith.constant 288 : index
    %get3A_2714 = tpu.vector_load %arg4[%get3A_2712, %get3A_2713] {strides = array<i32>} : memref<4x512xf32, #tpu.memory_space<vmem>>, vector<1x16xf32>,
    %get3A_2715 = vector.shape_cast %get3A_2714 : vector<1x16xf32> to vector<16xf32>
    %get3A_2716 = arith.constant 1 : i32
    %get3A_2717 = arith.index_cast %get3A_2716 : i32 to index
    %get3A_2718 = arith.constant 288 : index
    %get3A_2719 = tpu.vector_load %arg4[%get3A_2717, %get3A_2718] {strides = array<i32>} : memref<4x512xf32, #tpu.memory_space<vmem>>, vector<1x16xf32>,
    %get3A_2720 = vector.shape_cast %get3A_2719 : vector<1x16xf32> to vector<16xf32>
    %get3A_2721 = arith.constant 2 : i32
    %get3A_2722 = arith.index_cast %get3A_2721 : i32 to index
    %get3A_2723 = arith.constant 288 : index
    %get3A_2724 = tpu.vector_load %arg4[%get3A_2722, %get3A_2723] {strides = array<i32>} : memref<4x512xf32, #tpu.memory_space<vmem>>, vector<1x16xf32>,
    %get3A_2725 = vector.shape_cast %get3A_2724 : vector<1x16xf32> to vector<16xf32>
    %get3A_2726 = arith.constant 3 : i32
    %get3A_2727 = arith.index_cast %get3A_2726 : i32 to index
    %get3A_2728 = arith.constant 288 : index
    %get3A_2729 = tpu.vector_load %arg4[%get3A_2727, %get3A_2728] {strides = array<i32>} : memref<4x512xf32, #tpu.memory_space<vmem>>, vector<1x16xf32>,
    %get3A_2730 = vector.shape_cast %get3A_2729 : vector<1x16xf32> to vector<16xf32>
    %max3A_2731 = arith.maximumf %get3A_2715, %get3A_2720 : vector<16xf32>
    %max3A_2732 = arith.maximumf %get3A_2725, %get3A_2730 : vector<16xf32>
    %max3A_2733 = arith.maximumf %max3A_2731, %max3A_2732 : vector<16xf32>
    %eq3A_2734 = arith.cmpf oeq, %get3A_2715, %max3A_2733 : vector<16xf32>
    %eq3A_2735 = arith.cmpf oeq, %get3A_2720, %max3A_2733 : vector<16xf32>
    %eq3A_2736 = arith.cmpf oeq, %get3A_2725, %max3A_2733 : vector<16xf32>
    %jit3A_2737 = arith.constant 2 : i32
    %jit3A_2738 = arith.constant 3 : i32
    %broadcast_in_dim3A_2739 = vector.broadcast %jit3A_2737 : i32 to vector<16xi32>
    %broadcast_in_dim3A_2740 = vector.broadcast %jit3A_2738 : i32 to vector<16xi32>
    %select_n3A_2741 = arith.select %eq3A_2736, %broadcast_in_dim3A_2739, %broadcast_in_dim3A_2740 : vector<16xi1>, vector<16xi32>
    %jit3A_2742 = arith.constant 1 : i32
    %broadcast_in_dim3A_2743 = vector.broadcast %jit3A_2742 : i32 to vector<16xi32>
    %select_n3A_2744 = arith.select %eq3A_2735, %broadcast_in_dim3A_2743, %select_n3A_2741 : vector<16xi1>, vector<16xi32>
    %jit3A_2745 = arith.constant 0 : i32
    %broadcast_in_dim3A_2746 = vector.broadcast %jit3A_2745 : i32 to vector<16xi32>
    %select_n3A_2747 = arith.select %eq3A_2734, %broadcast_in_dim3A_2746, %select_n3A_2744 : vector<16xi1>, vector<16xi32>
    %eq3A_2748 = arith.constant 0 : i32
    %eq3A_2749 = vector.broadcast %eq3A_2748 : i32 to vector<16xi32>
    %eq3A_2750 = arith.cmpi eq, %select_n3A_2747, %eq3A_2749 : vector<16xi32>
    %jit3A_2751 = arith.constant 0xFF800000 : f32
    %broadcast_in_dim3A_2752 = vector.broadcast %jit3A_2751 : f32 to vector<16xf32>
    %select_n3A_2753 = arith.select %eq3A_2750, %broadcast_in_dim3A_2752, %get3A_2715 : vector<16xi1>, vector<16xf32>
    %eq3A_2754 = arith.constant 1 : i32
    %eq3A_2755 = vector.broadcast %eq3A_2754 : i32 to vector<16xi32>
    %eq3A_2756 = arith.cmpi eq, %select_n3A_2747, %eq3A_2755 : vector<16xi32>
    %jit3A_2757 = arith.constant 0xFF800000 : f32
    %broadcast_in_dim3A_2758 = vector.broadcast %jit3A_2757 : f32 to vector<16xf32>
    %select_n3A_2759 = arith.select %eq3A_2756, %broadcast_in_dim3A_2758, %get3A_2720 : vector<16xi1>, vector<16xf32>
    %eq3A_2760 = arith.constant 2 : i32
    %eq3A_2761 = vector.broadcast %eq3A_2760 : i32 to vector<16xi32>
    %eq3A_2762 = arith.cmpi eq, %select_n3A_2747, %eq3A_2761 : vector<16xi32>
    %jit3A_2763 = arith.constant 0xFF800000 : f32
    %broadcast_in_dim3A_2764 = vector.broadcast %jit3A_2763 : f32 to vector<16xf32>
    %select_n3A_2765 = arith.select %eq3A_2762, %broadcast_in_dim3A_2764, %get3A_2725 : vector<16xi1>, vector<16xf32>
    %eq3A_2766 = arith.constant 3 : i32
    %eq3A_2767 = vector.broadcast %eq3A_2766 : i32 to vector<16xi32>
    %eq3A_2768 = arith.cmpi eq, %select_n3A_2747, %eq3A_2767 : vector<16xi32>
    %jit3A_2769 = arith.constant 0xFF800000 : f32
    %broadcast_in_dim3A_2770 = vector.broadcast %jit3A_2769 : f32 to vector<16xf32>
    %select_n3A_2771 = arith.select %eq3A_2768, %broadcast_in_dim3A_2770, %get3A_2730 : vector<16xi1>, vector<16xf32>
    %max3A_2772 = arith.maximumf %select_n3A_2753, %select_n3A_2759 : vector<16xf32>
    %max3A_2773 = arith.maximumf %select_n3A_2765, %select_n3A_2771 : vector<16xf32>
    %max3A_2774 = arith.maximumf %max3A_2772, %max3A_2773 : vector<16xf32>
    %eq3A_2775 = arith.cmpf oeq, %select_n3A_2753, %max3A_2774 : vector<16xf32>
    %eq3A_2776 = arith.cmpf oeq, %select_n3A_2759, %max3A_2774 : vector<16xf32>
    %eq3A_2777 = arith.cmpf oeq, %select_n3A_2765, %max3A_2774 : vector<16xf32>
    %jit3A_2778 = arith.constant 2 : i32
    %jit3A_2779 = arith.constant 3 : i32
    %broadcast_in_dim3A_2780 = vector.broadcast %jit3A_2778 : i32 to vector<16xi32>
    %broadcast_in_dim3A_2781 = vector.broadcast %jit3A_2779 : i32 to vector<16xi32>
    %select_n3A_2782 = arith.select %eq3A_2777, %broadcast_in_dim3A_2780, %broadcast_in_dim3A_2781 : vector<16xi1>, vector<16xi32>
    %jit3A_2783 = arith.constant 1 : i32
    %broadcast_in_dim3A_2784 = vector.broadcast %jit3A_2783 : i32 to vector<16xi32>
    %select_n3A_2785 = arith.select %eq3A_2776, %broadcast_in_dim3A_2784, %select_n3A_2782 : vector<16xi1>, vector<16xi32>
    %jit3A_2786 = arith.constant 0 : i32
    %broadcast_in_dim3A_2787 = vector.broadcast %jit3A_2786 : i32 to vector<16xi32>
    %select_n3A_2788 = arith.select %eq3A_2775, %broadcast_in_dim3A_2787, %select_n3A_2785 : vector<16xi1>, vector<16xi32>
    %sub3A_2789 = arith.subf %max3A_2774, %max3A_2733 : vector<16xf32>
    %exp3A_2790 = math.exp %sub3A_2789 : vector<16xf32>
    %add3A_2791 = arith.constant 1.000000e+00 : f32
    %add3A_2792 = vector.broadcast %add3A_2791 : f32 to vector<16xf32>
    %add3A_2793 = arith.addf %add3A_2792, %exp3A_2790 : vector<16xf32>
    %div3A_2794 = arith.constant 1.000000e+00 : f32
    %div3A_2795 = vector.broadcast %div3A_2794 : f32 to vector<16xf32>
    %div3A_2796 = arith.divf %div3A_2795, %add3A_2793 : vector<16xf32>
    %mul3A_2797 = arith.mulf %exp3A_2790, %div3A_2796 : vector<16xf32>
    %eq3A_2798 = arith.constant 0 : i32
    %eq3A_2799 = vector.broadcast %eq3A_2798 : i32 to vector<16xi32>
    %eq3A_2800 = arith.cmpi eq, %select_n3A_2747, %eq3A_2799 : vector<16xi32>
    %eq3A_2801 = arith.constant 0 : i32
    %eq3A_2802 = vector.broadcast %eq3A_2801 : i32 to vector<16xi32>
    %eq3A_2803 = arith.cmpi eq, %select_n3A_2788, %eq3A_2802 : vector<16xi32>
    %jit3A_2804 = arith.constant 0.000000e+00 : f32
    %broadcast_in_dim3A_2805 = vector.broadcast %jit3A_2804 : f32 to vector<16xf32>
    %select_n3A_2806 = arith.select %eq3A_2803, %mul3A_2797, %broadcast_in_dim3A_2805 : vector<16xi1>, vector<16xf32>
    %select_n3A_2807 = arith.select %eq3A_2800, %div3A_2796, %select_n3A_2806 : vector<16xi1>, vector<16xf32>
    %swap3A_2808 = arith.constant 0 : i32
    %swap3A_2809 = arith.index_cast %swap3A_2808 : i32 to index
    %swap3A_2810 = arith.constant 288 : index
    %swap3A_2811 = tpu.vector_load %arg5[%swap3A_2809, %swap3A_2810] {strides = array<i32>} : memref<4x512xf32, #tpu.memory_space<vmem>>, vector<1x16xf32>,
    %swap3A_2812 = vector.shape_cast %swap3A_2811 : vector<1x16xf32> to vector<16xf32>
    %swap3A_2813 = vector.shape_cast %select_n3A_2807 : vector<16xf32> to vector<1x16xf32>
    tpu.vector_store %arg5[%swap3A_2809, %swap3A_2810], %swap3A_2813 {strides = array<i32>} : memref<4x512xf32, #tpu.memory_space<vmem>>, vector<1x16xf32>,
    %eq3A_2814 = arith.constant 1 : i32
    %eq3A_2815 = vector.broadcast %eq3A_2814 : i32 to vector<16xi32>
    %eq3A_2816 = arith.cmpi eq, %select_n3A_2747, %eq3A_2815 : vector<16xi32>
    %eq3A_2817 = arith.constant 1 : i32
    %eq3A_2818 = vector.broadcast %eq3A_2817 : i32 to vector<16xi32>
    %eq3A_2819 = arith.cmpi eq, %select_n3A_2788, %eq3A_2818 : vector<16xi32>
    %jit3A_2820 = arith.constant 0.000000e+00 : f32
    %broadcast_in_dim3A_2821 = vector.broadcast %jit3A_2820 : f32 to vector<16xf32>
    %select_n3A_2822 = arith.select %eq3A_2819, %mul3A_2797, %broadcast_in_dim3A_2821 : vector<16xi1>, vector<16xf32>
    %select_n3A_2823 = arith.select %eq3A_2816, %div3A_2796, %select_n3A_2822 : vector<16xi1>, vector<16xf32>
    %swap3A_2824 = arith.constant 1 : i32
    %swap3A_2825 = arith.index_cast %swap3A_2824 : i32 to index
    %swap3A_2826 = arith.constant 288 : index
    %swap3A_2827 = tpu.vector_load %arg5[%swap3A_2825, %swap3A_2826] {strides = array<i32>} : memref<4x512xf32, #tpu.memory_space<vmem>>, vector<1x16xf32>,
    %swap3A_2828 = vector.shape_cast %swap3A_2827 : vector<1x16xf32> to vector<16xf32>
    %swap3A_2829 = vector.shape_cast %select_n3A_2823 : vector<16xf32> to vector<1x16xf32>
    tpu.vector_store %arg5[%swap3A_2825, %swap3A_2826], %swap3A_2829 {strides = array<i32>} : memref<4x512xf32, #tpu.memory_space<vmem>>, vector<1x16xf32>,
    %eq3A_2830 = arith.constant 2 : i32
    %eq3A_2831 = vector.broadcast %eq3A_2830 : i32 to vector<16xi32>
    %eq3A_2832 = arith.cmpi eq, %select_n3A_2747, %eq3A_2831 : vector<16xi32>
    %eq3A_2833 = arith.constant 2 : i32
    %eq3A_2834 = vector.broadcast %eq3A_2833 : i32 to vector<16xi32>
    %eq3A_2835 = arith.cmpi eq, %select_n3A_2788, %eq3A_2834 : vector<16xi32>
    %jit3A_2836 = arith.constant 0.000000e+00 : f32
    %broadcast_in_dim3A_2837 = vector.broadcast %jit3A_2836 : f32 to vector<16xf32>
    %select_n3A_2838 = arith.select %eq3A_2835, %mul3A_2797, %broadcast_in_dim3A_2837 : vector<16xi1>, vector<16xf32>
    %select_n3A_2839 = arith.select %eq3A_2832, %div3A_2796, %select_n3A_2838 : vector<16xi1>, vector<16xf32>
    %swap3A_2840 = arith.constant 2 : i32
    %swap3A_2841 = arith.index_cast %swap3A_2840 : i32 to index
    %swap3A_2842 = arith.constant 288 : index
    %swap3A_2843 = tpu.vector_load %arg5[%swap3A_2841, %swap3A_2842] {strides = array<i32>} : memref<4x512xf32, #tpu.memory_space<vmem>>, vector<1x16xf32>,
    %swap3A_2844 = vector.shape_cast %swap3A_2843 : vector<1x16xf32> to vector<16xf32>
    %swap3A_2845 = vector.shape_cast %select_n3A_2839 : vector<16xf32> to vector<1x16xf32>
    tpu.vector_store %arg5[%swap3A_2841, %swap3A_2842], %swap3A_2845 {strides = array<i32>} : memref<4x512xf32, #tpu.memory_space<vmem>>, vector<1x16xf32>,
    %eq3A_2846 = arith.constant 3 : i32
    %eq3A_2847 = vector.broadcast %eq3A_2846 : i32 to vector<16xi32>
    %eq3A_2848 = arith.cmpi eq, %select_n3A_2747, %eq3A_2847 : vector<16xi32>
    %eq3A_2849 = arith.constant 3 : i32
    %eq3A_2850 = vector.broadcast %eq3A_2849 : i32 to vector<16xi32>
    %eq3A_2851 = arith.cmpi eq, %select_n3A_2788, %eq3A_2850 : vector<16xi32>
    %jit3A_2852 = arith.constant 0.000000e+00 : f32
    %broadcast_in_dim3A_2853 = vector.broadcast %jit3A_2852 : f32 to vector<16xf32>
    %select_n3A_2854 = arith.select %eq3A_2851, %mul3A_2797, %broadcast_in_dim3A_2853 : vector<16xi1>, vector<16xf32>
    %select_n3A_2855 = arith.select %eq3A_2848, %div3A_2796, %select_n3A_2854 : vector<16xi1>, vector<16xf32>
    %swap3A_2856 = arith.constant 3 : i32
    %swap3A_2857 = arith.index_cast %swap3A_2856 : i32 to index
    %swap3A_2858 = arith.constant 288 : index
    %swap3A_2859 = tpu.vector_load %arg5[%swap3A_2857, %swap3A_2858] {strides = array<i32>} : memref<4x512xf32, #tpu.memory_space<vmem>>, vector<1x16xf32>,
    %swap3A_2860 = vector.shape_cast %swap3A_2859 : vector<1x16xf32> to vector<16xf32>
    %swap3A_2861 = vector.shape_cast %select_n3A_2855 : vector<16xf32> to vector<1x16xf32>
    tpu.vector_store %arg5[%swap3A_2857, %swap3A_2858], %swap3A_2861 {strides = array<i32>} : memref<4x512xf32, #tpu.memory_space<vmem>>, vector<1x16xf32>,
    %get3A_2862 = arith.constant 0 : i32
    %get3A_2863 = arith.index_cast %get3A_2862 : i32 to index
    %get3A_2864 = arith.constant 304 : index
    %get3A_2865 = tpu.vector_load %arg4[%get3A_2863, %get3A_2864] {strides = array<i32>} : memref<4x512xf32, #tpu.memory_space<vmem>>, vector<1x16xf32>,
    %get3A_2866 = vector.shape_cast %get3A_2865 : vector<1x16xf32> to vector<16xf32>
    %get3A_2867 = arith.constant 1 : i32
    %get3A_2868 = arith.index_cast %get3A_2867 : i32 to index
    %get3A_2869 = arith.constant 304 : index
    %get3A_2870 = tpu.vector_load %arg4[%get3A_2868, %get3A_2869] {strides = array<i32>} : memref<4x512xf32, #tpu.memory_space<vmem>>, vector<1x16xf32>,
    %get3A_2871 = vector.shape_cast %get3A_2870 : vector<1x16xf32> to vector<16xf32>
    %get3A_2872 = arith.constant 2 : i32
    %get3A_2873 = arith.index_cast %get3A_2872 : i32 to index
    %get3A_2874 = arith.constant 304 : index
    %get3A_2875 = tpu.vector_load %arg4[%get3A_2873, %get3A_2874] {strides = array<i32>} : memref<4x512xf32, #tpu.memory_space<vmem>>, vector<1x16xf32>,
    %get3A_2876 = vector.shape_cast %get3A_2875 : vector<1x16xf32> to vector<16xf32>
    %get3A_2877 = arith.constant 3 : i32
    %get3A_2878 = arith.index_cast %get3A_2877 : i32 to index
    %get3A_2879 = arith.constant 304 : index
    %get3A_2880 = tpu.vector_load %arg4[%get3A_2878, %get3A_2879] {strides = array<i32>} : memref<4x512xf32, #tpu.memory_space<vmem>>, vector<1x16xf32>,
    %get3A_2881 = vector.shape_cast %get3A_2880 : vector<1x16xf32> to vector<16xf32>
    %max3A_2882 = arith.maximumf %get3A_2866, %get3A_2871 : vector<16xf32>
    %max3A_2883 = arith.maximumf %get3A_2876, %get3A_2881 : vector<16xf32>
    %max3A_2884 = arith.maximumf %max3A_2882, %max3A_2883 : vector<16xf32>
    %eq3A_2885 = arith.cmpf oeq, %get3A_2866, %max3A_2884 : vector<16xf32>
    %eq3A_2886 = arith.cmpf oeq, %get3A_2871, %max3A_2884 : vector<16xf32>
    %eq3A_2887 = arith.cmpf oeq, %get3A_2876, %max3A_2884 : vector<16xf32>
    %jit3A_2888 = arith.constant 2 : i32
    %jit3A_2889 = arith.constant 3 : i32
    %broadcast_in_dim3A_2890 = vector.broadcast %jit3A_2888 : i32 to vector<16xi32>
    %broadcast_in_dim3A_2891 = vector.broadcast %jit3A_2889 : i32 to vector<16xi32>
    %select_n3A_2892 = arith.select %eq3A_2887, %broadcast_in_dim3A_2890, %broadcast_in_dim3A_2891 : vector<16xi1>, vector<16xi32>
    %jit3A_2893 = arith.constant 1 : i32
    %broadcast_in_dim3A_2894 = vector.broadcast %jit3A_2893 : i32 to vector<16xi32>
    %select_n3A_2895 = arith.select %eq3A_2886, %broadcast_in_dim3A_2894, %select_n3A_2892 : vector<16xi1>, vector<16xi32>
    %jit3A_2896 = arith.constant 0 : i32
    %broadcast_in_dim3A_2897 = vector.broadcast %jit3A_2896 : i32 to vector<16xi32>
    %select_n3A_2898 = arith.select %eq3A_2885, %broadcast_in_dim3A_2897, %select_n3A_2895 : vector<16xi1>, vector<16xi32>
    %eq3A_2899 = arith.constant 0 : i32
    %eq3A_2900 = vector.broadcast %eq3A_2899 : i32 to vector<16xi32>
    %eq3A_2901 = arith.cmpi eq, %select_n3A_2898, %eq3A_2900 : vector<16xi32>
    %jit3A_2902 = arith.constant 0xFF800000 : f32
    %broadcast_in_dim3A_2903 = vector.broadcast %jit3A_2902 : f32 to vector<16xf32>
    %select_n3A_2904 = arith.select %eq3A_2901, %broadcast_in_dim3A_2903, %get3A_2866 : vector<16xi1>, vector<16xf32>
    %eq3A_2905 = arith.constant 1 : i32
    %eq3A_2906 = vector.broadcast %eq3A_2905 : i32 to vector<16xi32>
    %eq3A_2907 = arith.cmpi eq, %select_n3A_2898, %eq3A_2906 : vector<16xi32>
    %jit3A_2908 = arith.constant 0xFF800000 : f32
    %broadcast_in_dim3A_2909 = vector.broadcast %jit3A_2908 : f32 to vector<16xf32>
    %select_n3A_2910 = arith.select %eq3A_2907, %broadcast_in_dim3A_2909, %get3A_2871 : vector<16xi1>, vector<16xf32>
    %eq3A_2911 = arith.constant 2 : i32
    %eq3A_2912 = vector.broadcast %eq3A_2911 : i32 to vector<16xi32>
    %eq3A_2913 = arith.cmpi eq, %select_n3A_2898, %eq3A_2912 : vector<16xi32>
    %jit3A_2914 = arith.constant 0xFF800000 : f32
    %broadcast_in_dim3A_2915 = vector.broadcast %jit3A_2914 : f32 to vector<16xf32>
    %select_n3A_2916 = arith.select %eq3A_2913, %broadcast_in_dim3A_2915, %get3A_2876 : vector<16xi1>, vector<16xf32>
    %eq3A_2917 = arith.constant 3 : i32
    %eq3A_2918 = vector.broadcast %eq3A_2917 : i32 to vector<16xi32>
    %eq3A_2919 = arith.cmpi eq, %select_n3A_2898, %eq3A_2918 : vector<16xi32>
    %jit3A_2920 = arith.constant 0xFF800000 : f32
    %broadcast_in_dim3A_2921 = vector.broadcast %jit3A_2920 : f32 to vector<16xf32>
    %select_n3A_2922 = arith.select %eq3A_2919, %broadcast_in_dim3A_2921, %get3A_2881 : vector<16xi1>, vector<16xf32>
    %max3A_2923 = arith.maximumf %select_n3A_2904, %select_n3A_2910 : vector<16xf32>
    %max3A_2924 = arith.maximumf %select_n3A_2916, %select_n3A_2922 : vector<16xf32>
    %max3A_2925 = arith.maximumf %max3A_2923, %max3A_2924 : vector<16xf32>
    %eq3A_2926 = arith.cmpf oeq, %select_n3A_2904, %max3A_2925 : vector<16xf32>
    %eq3A_2927 = arith.cmpf oeq, %select_n3A_2910, %max3A_2925 : vector<16xf32>
    %eq3A_2928 = arith.cmpf oeq, %select_n3A_2916, %max3A_2925 : vector<16xf32>
    %jit3A_2929 = arith.constant 2 : i32
    %jit3A_2930 = arith.constant 3 : i32
    %broadcast_in_dim3A_2931 = vector.broadcast %jit3A_2929 : i32 to vector<16xi32>
    %broadcast_in_dim3A_2932 = vector.broadcast %jit3A_2930 : i32 to vector<16xi32>
    %select_n3A_2933 = arith.select %eq3A_2928, %broadcast_in_dim3A_2931, %broadcast_in_dim3A_2932 : vector<16xi1>, vector<16xi32>
    %jit3A_2934 = arith.constant 1 : i32
    %broadcast_in_dim3A_2935 = vector.broadcast %jit3A_2934 : i32 to vector<16xi32>
    %select_n3A_2936 = arith.select %eq3A_2927, %broadcast_in_dim3A_2935, %select_n3A_2933 : vector<16xi1>, vector<16xi32>
    %jit3A_2937 = arith.constant 0 : i32
    %broadcast_in_dim3A_2938 = vector.broadcast %jit3A_2937 : i32 to vector<16xi32>
    %select_n3A_2939 = arith.select %eq3A_2926, %broadcast_in_dim3A_2938, %select_n3A_2936 : vector<16xi1>, vector<16xi32>
    %sub3A_2940 = arith.subf %max3A_2925, %max3A_2884 : vector<16xf32>
    %exp3A_2941 = math.exp %sub3A_2940 : vector<16xf32>
    %add3A_2942 = arith.constant 1.000000e+00 : f32
    %add3A_2943 = vector.broadcast %add3A_2942 : f32 to vector<16xf32>
    %add3A_2944 = arith.addf %add3A_2943, %exp3A_2941 : vector<16xf32>
    %div3A_2945 = arith.constant 1.000000e+00 : f32
    %div3A_2946 = vector.broadcast %div3A_2945 : f32 to vector<16xf32>
    %div3A_2947 = arith.divf %div3A_2946, %add3A_2944 : vector<16xf32>
    %mul3A_2948 = arith.mulf %exp3A_2941, %div3A_2947 : vector<16xf32>
    %eq3A_2949 = arith.constant 0 : i32
    %eq3A_2950 = vector.broadcast %eq3A_2949 : i32 to vector<16xi32>
    %eq3A_2951 = arith.cmpi eq, %select_n3A_2898, %eq3A_2950 : vector<16xi32>
    %eq3A_2952 = arith.constant 0 : i32
    %eq3A_2953 = vector.broadcast %eq3A_2952 : i32 to vector<16xi32>
    %eq3A_2954 = arith.cmpi eq, %select_n3A_2939, %eq3A_2953 : vector<16xi32>
    %jit3A_2955 = arith.constant 0.000000e+00 : f32
    %broadcast_in_dim3A_2956 = vector.broadcast %jit3A_2955 : f32 to vector<16xf32>
    %select_n3A_2957 = arith.select %eq3A_2954, %mul3A_2948, %broadcast_in_dim3A_2956 : vector<16xi1>, vector<16xf32>
    %select_n3A_2958 = arith.select %eq3A_2951, %div3A_2947, %select_n3A_2957 : vector<16xi1>, vector<16xf32>
    %swap3A_2959 = arith.constant 0 : i32
    %swap3A_2960 = arith.index_cast %swap3A_2959 : i32 to index
    %swap3A_2961 = arith.constant 304 : index
    %swap3A_2962 = tpu.vector_load %arg5[%swap3A_2960, %swap3A_2961] {strides = array<i32>} : memref<4x512xf32, #tpu.memory_space<vmem>>, vector<1x16xf32>,
    %swap3A_2963 = vector.shape_cast %swap3A_2962 : vector<1x16xf32> to vector<16xf32>
    %swap3A_2964 = vector.shape_cast %select_n3A_2958 : vector<16xf32> to vector<1x16xf32>
    tpu.vector_store %arg5[%swap3A_2960, %swap3A_2961], %swap3A_2964 {strides = array<i32>} : memref<4x512xf32, #tpu.memory_space<vmem>>, vector<1x16xf32>,
    %eq3A_2965 = arith.constant 1 : i32
    %eq3A_2966 = vector.broadcast %eq3A_2965 : i32 to vector<16xi32>
    %eq3A_2967 = arith.cmpi eq, %select_n3A_2898, %eq3A_2966 : vector<16xi32>
    %eq3A_2968 = arith.constant 1 : i32
    %eq3A_2969 = vector.broadcast %eq3A_2968 : i32 to vector<16xi32>
    %eq3A_2970 = arith.cmpi eq, %select_n3A_2939, %eq3A_2969 : vector<16xi32>
    %jit3A_2971 = arith.constant 0.000000e+00 : f32
    %broadcast_in_dim3A_2972 = vector.broadcast %jit3A_2971 : f32 to vector<16xf32>
    %select_n3A_2973 = arith.select %eq3A_2970, %mul3A_2948, %broadcast_in_dim3A_2972 : vector<16xi1>, vector<16xf32>
    %select_n3A_2974 = arith.select %eq3A_2967, %div3A_2947, %select_n3A_2973 : vector<16xi1>, vector<16xf32>
    %swap3A_2975 = arith.constant 1 : i32
    %swap3A_2976 = arith.index_cast %swap3A_2975 : i32 to index
    %swap3A_2977 = arith.constant 304 : index
    %swap3A_2978 = tpu.vector_load %arg5[%swap3A_2976, %swap3A_2977] {strides = array<i32>} : memref<4x512xf32, #tpu.memory_space<vmem>>, vector<1x16xf32>,
    %swap3A_2979 = vector.shape_cast %swap3A_2978 : vector<1x16xf32> to vector<16xf32>
    %swap3A_2980 = vector.shape_cast %select_n3A_2974 : vector<16xf32> to vector<1x16xf32>
    tpu.vector_store %arg5[%swap3A_2976, %swap3A_2977], %swap3A_2980 {strides = array<i32>} : memref<4x512xf32, #tpu.memory_space<vmem>>, vector<1x16xf32>,
    %eq3A_2981 = arith.constant 2 : i32
    %eq3A_2982 = vector.broadcast %eq3A_2981 : i32 to vector<16xi32>
    %eq3A_2983 = arith.cmpi eq, %select_n3A_2898, %eq3A_2982 : vector<16xi32>
    %eq3A_2984 = arith.constant 2 : i32
    %eq3A_2985 = vector.broadcast %eq3A_2984 : i32 to vector<16xi32>
    %eq3A_2986 = arith.cmpi eq, %select_n3A_2939, %eq3A_2985 : vector<16xi32>
    %jit3A_2987 = arith.constant 0.000000e+00 : f32
    %broadcast_in_dim3A_2988 = vector.broadcast %jit3A_2987 : f32 to vector<16xf32>
    %select_n3A_2989 = arith.select %eq3A_2986, %mul3A_2948, %broadcast_in_dim3A_2988 : vector<16xi1>, vector<16xf32>
    %select_n3A_2990 = arith.select %eq3A_2983, %div3A_2947, %select_n3A_2989 : vector<16xi1>, vector<16xf32>
    %swap3A_2991 = arith.constant 2 : i32
    %swap3A_2992 = arith.index_cast %swap3A_2991 : i32 to index
    %swap3A_2993 = arith.constant 304 : index
    %swap3A_2994 = tpu.vector_load %arg5[%swap3A_2992, %swap3A_2993] {strides = array<i32>} : memref<4x512xf32, #tpu.memory_space<vmem>>, vector<1x16xf32>,
    %swap3A_2995 = vector.shape_cast %swap3A_2994 : vector<1x16xf32> to vector<16xf32>
    %swap3A_2996 = vector.shape_cast %select_n3A_2990 : vector<16xf32> to vector<1x16xf32>
    tpu.vector_store %arg5[%swap3A_2992, %swap3A_2993], %swap3A_2996 {strides = array<i32>} : memref<4x512xf32, #tpu.memory_space<vmem>>, vector<1x16xf32>,
    %eq3A_2997 = arith.constant 3 : i32
    %eq3A_2998 = vector.broadcast %eq3A_2997 : i32 to vector<16xi32>
    %eq3A_2999 = arith.cmpi eq, %select_n3A_2898, %eq3A_2998 : vector<16xi32>
    %eq3A_3000 = arith.constant 3 : i32
    %eq3A_3001 = vector.broadcast %eq3A_3000 : i32 to vector<16xi32>
    %eq3A_3002 = arith.cmpi eq, %select_n3A_2939, %eq3A_3001 : vector<16xi32>
    %jit3A_3003 = arith.constant 0.000000e+00 : f32
    %broadcast_in_dim3A_3004 = vector.broadcast %jit3A_3003 : f32 to vector<16xf32>
    %select_n3A_3005 = arith.select %eq3A_3002, %mul3A_2948, %broadcast_in_dim3A_3004 : vector<16xi1>, vector<16xf32>
    %select_n3A_3006 = arith.select %eq3A_2999, %div3A_2947, %select_n3A_3005 : vector<16xi1>, vector<16xf32>
    %swap3A_3007 = arith.constant 3 : i32
    %swap3A_3008 = arith.index_cast %swap3A_3007 : i32 to index
    %swap3A_3009 = arith.constant 304 : index
    %swap3A_3010 = tpu.vector_load %arg5[%swap3A_3008, %swap3A_3009] {strides = array<i32>} : memref<4x512xf32, #tpu.memory_space<vmem>>, vector<1x16xf32>,
    %swap3A_3011 = vector.shape_cast %swap3A_3010 : vector<1x16xf32> to vector<16xf32>
    %swap3A_3012 = vector.shape_cast %select_n3A_3006 : vector<16xf32> to vector<1x16xf32>
    tpu.vector_store %arg5[%swap3A_3008, %swap3A_3009], %swap3A_3012 {strides = array<i32>} : memref<4x512xf32, #tpu.memory_space<vmem>>, vector<1x16xf32>,
    %get3A_3013 = arith.constant 0 : i32
    %get3A_3014 = arith.index_cast %get3A_3013 : i32 to index
    %get3A_3015 = arith.constant 320 : index
    %get3A_3016 = tpu.vector_load %arg4[%get3A_3014, %get3A_3015] {strides = array<i32>} : memref<4x512xf32, #tpu.memory_space<vmem>>, vector<1x16xf32>,
    %get3A_3017 = vector.shape_cast %get3A_3016 : vector<1x16xf32> to vector<16xf32>
    %get3A_3018 = arith.constant 1 : i32
    %get3A_3019 = arith.index_cast %get3A_3018 : i32 to index
    %get3A_3020 = arith.constant 320 : index
    %get3A_3021 = tpu.vector_load %arg4[%get3A_3019, %get3A_3020] {strides = array<i32>} : memref<4x512xf32, #tpu.memory_space<vmem>>, vector<1x16xf32>,
    %get3A_3022 = vector.shape_cast %get3A_3021 : vector<1x16xf32> to vector<16xf32>
    %get3A_3023 = arith.constant 2 : i32
    %get3A_3024 = arith.index_cast %get3A_3023 : i32 to index
    %get3A_3025 = arith.constant 320 : index
    %get3A_3026 = tpu.vector_load %arg4[%get3A_3024, %get3A_3025] {strides = array<i32>} : memref<4x512xf32, #tpu.memory_space<vmem>>, vector<1x16xf32>,
    %get3A_3027 = vector.shape_cast %get3A_3026 : vector<1x16xf32> to vector<16xf32>
    %get3A_3028 = arith.constant 3 : i32
    %get3A_3029 = arith.index_cast %get3A_3028 : i32 to index
    %get3A_3030 = arith.constant 320 : index
    %get3A_3031 = tpu.vector_load %arg4[%get3A_3029, %get3A_3030] {strides = array<i32>} : memref<4x512xf32, #tpu.memory_space<vmem>>, vector<1x16xf32>,
    %get3A_3032 = vector.shape_cast %get3A_3031 : vector<1x16xf32> to vector<16xf32>
    %max3A_3033 = arith.maximumf %get3A_3017, %get3A_3022 : vector<16xf32>
    %max3A_3034 = arith.maximumf %get3A_3027, %get3A_3032 : vector<16xf32>
    %max3A_3035 = arith.maximumf %max3A_3033, %max3A_3034 : vector<16xf32>
    %eq3A_3036 = arith.cmpf oeq, %get3A_3017, %max3A_3035 : vector<16xf32>
    %eq3A_3037 = arith.cmpf oeq, %get3A_3022, %max3A_3035 : vector<16xf32>
    %eq3A_3038 = arith.cmpf oeq, %get3A_3027, %max3A_3035 : vector<16xf32>
    %jit3A_3039 = arith.constant 2 : i32
    %jit3A_3040 = arith.constant 3 : i32
    %broadcast_in_dim3A_3041 = vector.broadcast %jit3A_3039 : i32 to vector<16xi32>
    %broadcast_in_dim3A_3042 = vector.broadcast %jit3A_3040 : i32 to vector<16xi32>
    %select_n3A_3043 = arith.select %eq3A_3038, %broadcast_in_dim3A_3041, %broadcast_in_dim3A_3042 : vector<16xi1>, vector<16xi32>
    %jit3A_3044 = arith.constant 1 : i32
    %broadcast_in_dim3A_3045 = vector.broadcast %jit3A_3044 : i32 to vector<16xi32>
    %select_n3A_3046 = arith.select %eq3A_3037, %broadcast_in_dim3A_3045, %select_n3A_3043 : vector<16xi1>, vector<16xi32>
    %jit3A_3047 = arith.constant 0 : i32
    %broadcast_in_dim3A_3048 = vector.broadcast %jit3A_3047 : i32 to vector<16xi32>
    %select_n3A_3049 = arith.select %eq3A_3036, %broadcast_in_dim3A_3048, %select_n3A_3046 : vector<16xi1>, vector<16xi32>
    %eq3A_3050 = arith.constant 0 : i32
    %eq3A_3051 = vector.broadcast %eq3A_3050 : i32 to vector<16xi32>
    %eq3A_3052 = arith.cmpi eq, %select_n3A_3049, %eq3A_3051 : vector<16xi32>
    %jit3A_3053 = arith.constant 0xFF800000 : f32
    %broadcast_in_dim3A_3054 = vector.broadcast %jit3A_3053 : f32 to vector<16xf32>
    %select_n3A_3055 = arith.select %eq3A_3052, %broadcast_in_dim3A_3054, %get3A_3017 : vector<16xi1>, vector<16xf32>
    %eq3A_3056 = arith.constant 1 : i32
    %eq3A_3057 = vector.broadcast %eq3A_3056 : i32 to vector<16xi32>
    %eq3A_3058 = arith.cmpi eq, %select_n3A_3049, %eq3A_3057 : vector<16xi32>
    %jit3A_3059 = arith.constant 0xFF800000 : f32
    %broadcast_in_dim3A_3060 = vector.broadcast %jit3A_3059 : f32 to vector<16xf32>
    %select_n3A_3061 = arith.select %eq3A_3058, %broadcast_in_dim3A_3060, %get3A_3022 : vector<16xi1>, vector<16xf32>
    %eq3A_3062 = arith.constant 2 : i32
    %eq3A_3063 = vector.broadcast %eq3A_3062 : i32 to vector<16xi32>
    %eq3A_3064 = arith.cmpi eq, %select_n3A_3049, %eq3A_3063 : vector<16xi32>
    %jit3A_3065 = arith.constant 0xFF800000 : f32
    %broadcast_in_dim3A_3066 = vector.broadcast %jit3A_3065 : f32 to vector<16xf32>
    %select_n3A_3067 = arith.select %eq3A_3064, %broadcast_in_dim3A_3066, %get3A_3027 : vector<16xi1>, vector<16xf32>
    %eq3A_3068 = arith.constant 3 : i32
    %eq3A_3069 = vector.broadcast %eq3A_3068 : i32 to vector<16xi32>
    %eq3A_3070 = arith.cmpi eq, %select_n3A_3049, %eq3A_3069 : vector<16xi32>
    %jit3A_3071 = arith.constant 0xFF800000 : f32
    %broadcast_in_dim3A_3072 = vector.broadcast %jit3A_3071 : f32 to vector<16xf32>
    %select_n3A_3073 = arith.select %eq3A_3070, %broadcast_in_dim3A_3072, %get3A_3032 : vector<16xi1>, vector<16xf32>
    %max3A_3074 = arith.maximumf %select_n3A_3055, %select_n3A_3061 : vector<16xf32>
    %max3A_3075 = arith.maximumf %select_n3A_3067, %select_n3A_3073 : vector<16xf32>
    %max3A_3076 = arith.maximumf %max3A_3074, %max3A_3075 : vector<16xf32>
    %eq3A_3077 = arith.cmpf oeq, %select_n3A_3055, %max3A_3076 : vector<16xf32>
    %eq3A_3078 = arith.cmpf oeq, %select_n3A_3061, %max3A_3076 : vector<16xf32>
    %eq3A_3079 = arith.cmpf oeq, %select_n3A_3067, %max3A_3076 : vector<16xf32>
    %jit3A_3080 = arith.constant 2 : i32
    %jit3A_3081 = arith.constant 3 : i32
    %broadcast_in_dim3A_3082 = vector.broadcast %jit3A_3080 : i32 to vector<16xi32>
    %broadcast_in_dim3A_3083 = vector.broadcast %jit3A_3081 : i32 to vector<16xi32>
    %select_n3A_3084 = arith.select %eq3A_3079, %broadcast_in_dim3A_3082, %broadcast_in_dim3A_3083 : vector<16xi1>, vector<16xi32>
    %jit3A_3085 = arith.constant 1 : i32
    %broadcast_in_dim3A_3086 = vector.broadcast %jit3A_3085 : i32 to vector<16xi32>
    %select_n3A_3087 = arith.select %eq3A_3078, %broadcast_in_dim3A_3086, %select_n3A_3084 : vector<16xi1>, vector<16xi32>
    %jit3A_3088 = arith.constant 0 : i32
    %broadcast_in_dim3A_3089 = vector.broadcast %jit3A_3088 : i32 to vector<16xi32>
    %select_n3A_3090 = arith.select %eq3A_3077, %broadcast_in_dim3A_3089, %select_n3A_3087 : vector<16xi1>, vector<16xi32>
    %sub3A_3091 = arith.subf %max3A_3076, %max3A_3035 : vector<16xf32>
    %exp3A_3092 = math.exp %sub3A_3091 : vector<16xf32>
    %add3A_3093 = arith.constant 1.000000e+00 : f32
    %add3A_3094 = vector.broadcast %add3A_3093 : f32 to vector<16xf32>
    %add3A_3095 = arith.addf %add3A_3094, %exp3A_3092 : vector<16xf32>
    %div3A_3096 = arith.constant 1.000000e+00 : f32
    %div3A_3097 = vector.broadcast %div3A_3096 : f32 to vector<16xf32>
    %div3A_3098 = arith.divf %div3A_3097, %add3A_3095 : vector<16xf32>
    %mul3A_3099 = arith.mulf %exp3A_3092, %div3A_3098 : vector<16xf32>
    %eq3A_3100 = arith.constant 0 : i32
    %eq3A_3101 = vector.broadcast %eq3A_3100 : i32 to vector<16xi32>
    %eq3A_3102 = arith.cmpi eq, %select_n3A_3049, %eq3A_3101 : vector<16xi32>
    %eq3A_3103 = arith.constant 0 : i32
    %eq3A_3104 = vector.broadcast %eq3A_3103 : i32 to vector<16xi32>
    %eq3A_3105 = arith.cmpi eq, %select_n3A_3090, %eq3A_3104 : vector<16xi32>
    %jit3A_3106 = arith.constant 0.000000e+00 : f32
    %broadcast_in_dim3A_3107 = vector.broadcast %jit3A_3106 : f32 to vector<16xf32>
    %select_n3A_3108 = arith.select %eq3A_3105, %mul3A_3099, %broadcast_in_dim3A_3107 : vector<16xi1>, vector<16xf32>
    %select_n3A_3109 = arith.select %eq3A_3102, %div3A_3098, %select_n3A_3108 : vector<16xi1>, vector<16xf32>
    %swap3A_3110 = arith.constant 0 : i32
    %swap3A_3111 = arith.index_cast %swap3A_3110 : i32 to index
    %swap3A_3112 = arith.constant 320 : index
    %swap3A_3113 = tpu.vector_load %arg5[%swap3A_3111, %swap3A_3112] {strides = array<i32>} : memref<4x512xf32, #tpu.memory_space<vmem>>, vector<1x16xf32>,
    %swap3A_3114 = vector.shape_cast %swap3A_3113 : vector<1x16xf32> to vector<16xf32>
    %swap3A_3115 = vector.shape_cast %select_n3A_3109 : vector<16xf32> to vector<1x16xf32>
    tpu.vector_store %arg5[%swap3A_3111, %swap3A_3112], %swap3A_3115 {strides = array<i32>} : memref<4x512xf32, #tpu.memory_space<vmem>>, vector<1x16xf32>,
    %eq3A_3116 = arith.constant 1 : i32
    %eq3A_3117 = vector.broadcast %eq3A_3116 : i32 to vector<16xi32>
    %eq3A_3118 = arith.cmpi eq, %select_n3A_3049, %eq3A_3117 : vector<16xi32>
    %eq3A_3119 = arith.constant 1 : i32
    %eq3A_3120 = vector.broadcast %eq3A_3119 : i32 to vector<16xi32>
    %eq3A_3121 = arith.cmpi eq, %select_n3A_3090, %eq3A_3120 : vector<16xi32>
    %jit3A_3122 = arith.constant 0.000000e+00 : f32
    %broadcast_in_dim3A_3123 = vector.broadcast %jit3A_3122 : f32 to vector<16xf32>
    %select_n3A_3124 = arith.select %eq3A_3121, %mul3A_3099, %broadcast_in_dim3A_3123 : vector<16xi1>, vector<16xf32>
    %select_n3A_3125 = arith.select %eq3A_3118, %div3A_3098, %select_n3A_3124 : vector<16xi1>, vector<16xf32>
    %swap3A_3126 = arith.constant 1 : i32
    %swap3A_3127 = arith.index_cast %swap3A_3126 : i32 to index
    %swap3A_3128 = arith.constant 320 : index
    %swap3A_3129 = tpu.vector_load %arg5[%swap3A_3127, %swap3A_3128] {strides = array<i32>} : memref<4x512xf32, #tpu.memory_space<vmem>>, vector<1x16xf32>,
    %swap3A_3130 = vector.shape_cast %swap3A_3129 : vector<1x16xf32> to vector<16xf32>
    %swap3A_3131 = vector.shape_cast %select_n3A_3125 : vector<16xf32> to vector<1x16xf32>
    tpu.vector_store %arg5[%swap3A_3127, %swap3A_3128], %swap3A_3131 {strides = array<i32>} : memref<4x512xf32, #tpu.memory_space<vmem>>, vector<1x16xf32>,
    %eq3A_3132 = arith.constant 2 : i32
    %eq3A_3133 = vector.broadcast %eq3A_3132 : i32 to vector<16xi32>
    %eq3A_3134 = arith.cmpi eq, %select_n3A_3049, %eq3A_3133 : vector<16xi32>
    %eq3A_3135 = arith.constant 2 : i32
    %eq3A_3136 = vector.broadcast %eq3A_3135 : i32 to vector<16xi32>
    %eq3A_3137 = arith.cmpi eq, %select_n3A_3090, %eq3A_3136 : vector<16xi32>
    %jit3A_3138 = arith.constant 0.000000e+00 : f32
    %broadcast_in_dim3A_3139 = vector.broadcast %jit3A_3138 : f32 to vector<16xf32>
    %select_n3A_3140 = arith.select %eq3A_3137, %mul3A_3099, %broadcast_in_dim3A_3139 : vector<16xi1>, vector<16xf32>
    %select_n3A_3141 = arith.select %eq3A_3134, %div3A_3098, %select_n3A_3140 : vector<16xi1>, vector<16xf32>
    %swap3A_3142 = arith.constant 2 : i32
    %swap3A_3143 = arith.index_cast %swap3A_3142 : i32 to index
    %swap3A_3144 = arith.constant 320 : index
    %swap3A_3145 = tpu.vector_load %arg5[%swap3A_3143, %swap3A_3144] {strides = array<i32>} : memref<4x512xf32, #tpu.memory_space<vmem>>, vector<1x16xf32>,
    %swap3A_3146 = vector.shape_cast %swap3A_3145 : vector<1x16xf32> to vector<16xf32>
    %swap3A_3147 = vector.shape_cast %select_n3A_3141 : vector<16xf32> to vector<1x16xf32>
    tpu.vector_store %arg5[%swap3A_3143, %swap3A_3144], %swap3A_3147 {strides = array<i32>} : memref<4x512xf32, #tpu.memory_space<vmem>>, vector<1x16xf32>,
    %eq3A_3148 = arith.constant 3 : i32
    %eq3A_3149 = vector.broadcast %eq3A_3148 : i32 to vector<16xi32>
    %eq3A_3150 = arith.cmpi eq, %select_n3A_3049, %eq3A_3149 : vector<16xi32>
    %eq3A_3151 = arith.constant 3 : i32
    %eq3A_3152 = vector.broadcast %eq3A_3151 : i32 to vector<16xi32>
    %eq3A_3153 = arith.cmpi eq, %select_n3A_3090, %eq3A_3152 : vector<16xi32>
    %jit3A_3154 = arith.constant 0.000000e+00 : f32
    %broadcast_in_dim3A_3155 = vector.broadcast %jit3A_3154 : f32 to vector<16xf32>
    %select_n3A_3156 = arith.select %eq3A_3153, %mul3A_3099, %broadcast_in_dim3A_3155 : vector<16xi1>, vector<16xf32>
    %select_n3A_3157 = arith.select %eq3A_3150, %div3A_3098, %select_n3A_3156 : vector<16xi1>, vector<16xf32>
    %swap3A_3158 = arith.constant 3 : i32
    %swap3A_3159 = arith.index_cast %swap3A_3158 : i32 to index
    %swap3A_3160 = arith.constant 320 : index
    %swap3A_3161 = tpu.vector_load %arg5[%swap3A_3159, %swap3A_3160] {strides = array<i32>} : memref<4x512xf32, #tpu.memory_space<vmem>>, vector<1x16xf32>,
    %swap3A_3162 = vector.shape_cast %swap3A_3161 : vector<1x16xf32> to vector<16xf32>
    %swap3A_3163 = vector.shape_cast %select_n3A_3157 : vector<16xf32> to vector<1x16xf32>
    tpu.vector_store %arg5[%swap3A_3159, %swap3A_3160], %swap3A_3163 {strides = array<i32>} : memref<4x512xf32, #tpu.memory_space<vmem>>, vector<1x16xf32>,
    %get3A_3164 = arith.constant 0 : i32
    %get3A_3165 = arith.index_cast %get3A_3164 : i32 to index
    %get3A_3166 = arith.constant 336 : index
    %get3A_3167 = tpu.vector_load %arg4[%get3A_3165, %get3A_3166] {strides = array<i32>} : memref<4x512xf32, #tpu.memory_space<vmem>>, vector<1x16xf32>,
    %get3A_3168 = vector.shape_cast %get3A_3167 : vector<1x16xf32> to vector<16xf32>
    %get3A_3169 = arith.constant 1 : i32
    %get3A_3170 = arith.index_cast %get3A_3169 : i32 to index
    %get3A_3171 = arith.constant 336 : index
    %get3A_3172 = tpu.vector_load %arg4[%get3A_3170, %get3A_3171] {strides = array<i32>} : memref<4x512xf32, #tpu.memory_space<vmem>>, vector<1x16xf32>,
    %get3A_3173 = vector.shape_cast %get3A_3172 : vector<1x16xf32> to vector<16xf32>
    %get3A_3174 = arith.constant 2 : i32
    %get3A_3175 = arith.index_cast %get3A_3174 : i32 to index
    %get3A_3176 = arith.constant 336 : index
    %get3A_3177 = tpu.vector_load %arg4[%get3A_3175, %get3A_3176] {strides = array<i32>} : memref<4x512xf32, #tpu.memory_space<vmem>>, vector<1x16xf32>,
    %get3A_3178 = vector.shape_cast %get3A_3177 : vector<1x16xf32> to vector<16xf32>
    %get3A_3179 = arith.constant 3 : i32
    %get3A_3180 = arith.index_cast %get3A_3179 : i32 to index
    %get3A_3181 = arith.constant 336 : index
    %get3A_3182 = tpu.vector_load %arg4[%get3A_3180, %get3A_3181] {strides = array<i32>} : memref<4x512xf32, #tpu.memory_space<vmem>>, vector<1x16xf32>,
    %get3A_3183 = vector.shape_cast %get3A_3182 : vector<1x16xf32> to vector<16xf32>
    %max3A_3184 = arith.maximumf %get3A_3168, %get3A_3173 : vector<16xf32>
    %max3A_3185 = arith.maximumf %get3A_3178, %get3A_3183 : vector<16xf32>
    %max3A_3186 = arith.maximumf %max3A_3184, %max3A_3185 : vector<16xf32>
    %eq3A_3187 = arith.cmpf oeq, %get3A_3168, %max3A_3186 : vector<16xf32>
    %eq3A_3188 = arith.cmpf oeq, %get3A_3173, %max3A_3186 : vector<16xf32>
    %eq3A_3189 = arith.cmpf oeq, %get3A_3178, %max3A_3186 : vector<16xf32>
    %jit3A_3190 = arith.constant 2 : i32
    %jit3A_3191 = arith.constant 3 : i32
    %broadcast_in_dim3A_3192 = vector.broadcast %jit3A_3190 : i32 to vector<16xi32>
    %broadcast_in_dim3A_3193 = vector.broadcast %jit3A_3191 : i32 to vector<16xi32>
    %select_n3A_3194 = arith.select %eq3A_3189, %broadcast_in_dim3A_3192, %broadcast_in_dim3A_3193 : vector<16xi1>, vector<16xi32>
    %jit3A_3195 = arith.constant 1 : i32
    %broadcast_in_dim3A_3196 = vector.broadcast %jit3A_3195 : i32 to vector<16xi32>
    %select_n3A_3197 = arith.select %eq3A_3188, %broadcast_in_dim3A_3196, %select_n3A_3194 : vector<16xi1>, vector<16xi32>
    %jit3A_3198 = arith.constant 0 : i32
    %broadcast_in_dim3A_3199 = vector.broadcast %jit3A_3198 : i32 to vector<16xi32>
    %select_n3A_3200 = arith.select %eq3A_3187, %broadcast_in_dim3A_3199, %select_n3A_3197 : vector<16xi1>, vector<16xi32>
    %eq3A_3201 = arith.constant 0 : i32
    %eq3A_3202 = vector.broadcast %eq3A_3201 : i32 to vector<16xi32>
    %eq3A_3203 = arith.cmpi eq, %select_n3A_3200, %eq3A_3202 : vector<16xi32>
    %jit3A_3204 = arith.constant 0xFF800000 : f32
    %broadcast_in_dim3A_3205 = vector.broadcast %jit3A_3204 : f32 to vector<16xf32>
    %select_n3A_3206 = arith.select %eq3A_3203, %broadcast_in_dim3A_3205, %get3A_3168 : vector<16xi1>, vector<16xf32>
    %eq3A_3207 = arith.constant 1 : i32
    %eq3A_3208 = vector.broadcast %eq3A_3207 : i32 to vector<16xi32>
    %eq3A_3209 = arith.cmpi eq, %select_n3A_3200, %eq3A_3208 : vector<16xi32>
    %jit3A_3210 = arith.constant 0xFF800000 : f32
    %broadcast_in_dim3A_3211 = vector.broadcast %jit3A_3210 : f32 to vector<16xf32>
    %select_n3A_3212 = arith.select %eq3A_3209, %broadcast_in_dim3A_3211, %get3A_3173 : vector<16xi1>, vector<16xf32>
    %eq3A_3213 = arith.constant 2 : i32
    %eq3A_3214 = vector.broadcast %eq3A_3213 : i32 to vector<16xi32>
    %eq3A_3215 = arith.cmpi eq, %select_n3A_3200, %eq3A_3214 : vector<16xi32>
    %jit3A_3216 = arith.constant 0xFF800000 : f32
    %broadcast_in_dim3A_3217 = vector.broadcast %jit3A_3216 : f32 to vector<16xf32>
    %select_n3A_3218 = arith.select %eq3A_3215, %broadcast_in_dim3A_3217, %get3A_3178 : vector<16xi1>, vector<16xf32>
    %eq3A_3219 = arith.constant 3 : i32
    %eq3A_3220 = vector.broadcast %eq3A_3219 : i32 to vector<16xi32>
    %eq3A_3221 = arith.cmpi eq, %select_n3A_3200, %eq3A_3220 : vector<16xi32>
    %jit3A_3222 = arith.constant 0xFF800000 : f32
    %broadcast_in_dim3A_3223 = vector.broadcast %jit3A_3222 : f32 to vector<16xf32>
    %select_n3A_3224 = arith.select %eq3A_3221, %broadcast_in_dim3A_3223, %get3A_3183 : vector<16xi1>, vector<16xf32>
    %max3A_3225 = arith.maximumf %select_n3A_3206, %select_n3A_3212 : vector<16xf32>
    %max3A_3226 = arith.maximumf %select_n3A_3218, %select_n3A_3224 : vector<16xf32>
    %max3A_3227 = arith.maximumf %max3A_3225, %max3A_3226 : vector<16xf32>
    %eq3A_3228 = arith.cmpf oeq, %select_n3A_3206, %max3A_3227 : vector<16xf32>
    %eq3A_3229 = arith.cmpf oeq, %select_n3A_3212, %max3A_3227 : vector<16xf32>
    %eq3A_3230 = arith.cmpf oeq, %select_n3A_3218, %max3A_3227 : vector<16xf32>
    %jit3A_3231 = arith.constant 2 : i32
    %jit3A_3232 = arith.constant 3 : i32
    %broadcast_in_dim3A_3233 = vector.broadcast %jit3A_3231 : i32 to vector<16xi32>
    %broadcast_in_dim3A_3234 = vector.broadcast %jit3A_3232 : i32 to vector<16xi32>
    %select_n3A_3235 = arith.select %eq3A_3230, %broadcast_in_dim3A_3233, %broadcast_in_dim3A_3234 : vector<16xi1>, vector<16xi32>
    %jit3A_3236 = arith.constant 1 : i32
    %broadcast_in_dim3A_3237 = vector.broadcast %jit3A_3236 : i32 to vector<16xi32>
    %select_n3A_3238 = arith.select %eq3A_3229, %broadcast_in_dim3A_3237, %select_n3A_3235 : vector<16xi1>, vector<16xi32>
    %jit3A_3239 = arith.constant 0 : i32
    %broadcast_in_dim3A_3240 = vector.broadcast %jit3A_3239 : i32 to vector<16xi32>
    %select_n3A_3241 = arith.select %eq3A_3228, %broadcast_in_dim3A_3240, %select_n3A_3238 : vector<16xi1>, vector<16xi32>
    %sub3A_3242 = arith.subf %max3A_3227, %max3A_3186 : vector<16xf32>
    %exp3A_3243 = math.exp %sub3A_3242 : vector<16xf32>
    %add3A_3244 = arith.constant 1.000000e+00 : f32
    %add3A_3245 = vector.broadcast %add3A_3244 : f32 to vector<16xf32>
    %add3A_3246 = arith.addf %add3A_3245, %exp3A_3243 : vector<16xf32>
    %div3A_3247 = arith.constant 1.000000e+00 : f32
    %div3A_3248 = vector.broadcast %div3A_3247 : f32 to vector<16xf32>
    %div3A_3249 = arith.divf %div3A_3248, %add3A_3246 : vector<16xf32>
    %mul3A_3250 = arith.mulf %exp3A_3243, %div3A_3249 : vector<16xf32>
    %eq3A_3251 = arith.constant 0 : i32
    %eq3A_3252 = vector.broadcast %eq3A_3251 : i32 to vector<16xi32>
    %eq3A_3253 = arith.cmpi eq, %select_n3A_3200, %eq3A_3252 : vector<16xi32>
    %eq3A_3254 = arith.constant 0 : i32
    %eq3A_3255 = vector.broadcast %eq3A_3254 : i32 to vector<16xi32>
    %eq3A_3256 = arith.cmpi eq, %select_n3A_3241, %eq3A_3255 : vector<16xi32>
    %jit3A_3257 = arith.constant 0.000000e+00 : f32
    %broadcast_in_dim3A_3258 = vector.broadcast %jit3A_3257 : f32 to vector<16xf32>
    %select_n3A_3259 = arith.select %eq3A_3256, %mul3A_3250, %broadcast_in_dim3A_3258 : vector<16xi1>, vector<16xf32>
    %select_n3A_3260 = arith.select %eq3A_3253, %div3A_3249, %select_n3A_3259 : vector<16xi1>, vector<16xf32>
    %swap3A_3261 = arith.constant 0 : i32
    %swap3A_3262 = arith.index_cast %swap3A_3261 : i32 to index
    %swap3A_3263 = arith.constant 336 : index
    %swap3A_3264 = tpu.vector_load %arg5[%swap3A_3262, %swap3A_3263] {strides = array<i32>} : memref<4x512xf32, #tpu.memory_space<vmem>>, vector<1x16xf32>,
    %swap3A_3265 = vector.shape_cast %swap3A_3264 : vector<1x16xf32> to vector<16xf32>
    %swap3A_3266 = vector.shape_cast %select_n3A_3260 : vector<16xf32> to vector<1x16xf32>
    tpu.vector_store %arg5[%swap3A_3262, %swap3A_3263], %swap3A_3266 {strides = array<i32>} : memref<4x512xf32, #tpu.memory_space<vmem>>, vector<1x16xf32>,
    %eq3A_3267 = arith.constant 1 : i32
    %eq3A_3268 = vector.broadcast %eq3A_3267 : i32 to vector<16xi32>
    %eq3A_3269 = arith.cmpi eq, %select_n3A_3200, %eq3A_3268 : vector<16xi32>
    %eq3A_3270 = arith.constant 1 : i32
    %eq3A_3271 = vector.broadcast %eq3A_3270 : i32 to vector<16xi32>
    %eq3A_3272 = arith.cmpi eq, %select_n3A_3241, %eq3A_3271 : vector<16xi32>
    %jit3A_3273 = arith.constant 0.000000e+00 : f32
    %broadcast_in_dim3A_3274 = vector.broadcast %jit3A_3273 : f32 to vector<16xf32>
    %select_n3A_3275 = arith.select %eq3A_3272, %mul3A_3250, %broadcast_in_dim3A_3274 : vector<16xi1>, vector<16xf32>
    %select_n3A_3276 = arith.select %eq3A_3269, %div3A_3249, %select_n3A_3275 : vector<16xi1>, vector<16xf32>
    %swap3A_3277 = arith.constant 1 : i32
    %swap3A_3278 = arith.index_cast %swap3A_3277 : i32 to index
    %swap3A_3279 = arith.constant 336 : index
    %swap3A_3280 = tpu.vector_load %arg5[%swap3A_3278, %swap3A_3279] {strides = array<i32>} : memref<4x512xf32, #tpu.memory_space<vmem>>, vector<1x16xf32>,
    %swap3A_3281 = vector.shape_cast %swap3A_3280 : vector<1x16xf32> to vector<16xf32>
    %swap3A_3282 = vector.shape_cast %select_n3A_3276 : vector<16xf32> to vector<1x16xf32>
    tpu.vector_store %arg5[%swap3A_3278, %swap3A_3279], %swap3A_3282 {strides = array<i32>} : memref<4x512xf32, #tpu.memory_space<vmem>>, vector<1x16xf32>,
    %eq3A_3283 = arith.constant 2 : i32
    %eq3A_3284 = vector.broadcast %eq3A_3283 : i32 to vector<16xi32>
    %eq3A_3285 = arith.cmpi eq, %select_n3A_3200, %eq3A_3284 : vector<16xi32>
    %eq3A_3286 = arith.constant 2 : i32
    %eq3A_3287 = vector.broadcast %eq3A_3286 : i32 to vector<16xi32>
    %eq3A_3288 = arith.cmpi eq, %select_n3A_3241, %eq3A_3287 : vector<16xi32>
    %jit3A_3289 = arith.constant 0.000000e+00 : f32
    %broadcast_in_dim3A_3290 = vector.broadcast %jit3A_3289 : f32 to vector<16xf32>
    %select_n3A_3291 = arith.select %eq3A_3288, %mul3A_3250, %broadcast_in_dim3A_3290 : vector<16xi1>, vector<16xf32>
    %select_n3A_3292 = arith.select %eq3A_3285, %div3A_3249, %select_n3A_3291 : vector<16xi1>, vector<16xf32>
    %swap3A_3293 = arith.constant 2 : i32
    %swap3A_3294 = arith.index_cast %swap3A_3293 : i32 to index
    %swap3A_3295 = arith.constant 336 : index
    %swap3A_3296 = tpu.vector_load %arg5[%swap3A_3294, %swap3A_3295] {strides = array<i32>} : memref<4x512xf32, #tpu.memory_space<vmem>>, vector<1x16xf32>,
    %swap3A_3297 = vector.shape_cast %swap3A_3296 : vector<1x16xf32> to vector<16xf32>
    %swap3A_3298 = vector.shape_cast %select_n3A_3292 : vector<16xf32> to vector<1x16xf32>
    tpu.vector_store %arg5[%swap3A_3294, %swap3A_3295], %swap3A_3298 {strides = array<i32>} : memref<4x512xf32, #tpu.memory_space<vmem>>, vector<1x16xf32>,
    %eq3A_3299 = arith.constant 3 : i32
    %eq3A_3300 = vector.broadcast %eq3A_3299 : i32 to vector<16xi32>
    %eq3A_3301 = arith.cmpi eq, %select_n3A_3200, %eq3A_3300 : vector<16xi32>
    %eq3A_3302 = arith.constant 3 : i32
    %eq3A_3303 = vector.broadcast %eq3A_3302 : i32 to vector<16xi32>
    %eq3A_3304 = arith.cmpi eq, %select_n3A_3241, %eq3A_3303 : vector<16xi32>
    %jit3A_3305 = arith.constant 0.000000e+00 : f32
    %broadcast_in_dim3A_3306 = vector.broadcast %jit3A_3305 : f32 to vector<16xf32>
    %select_n3A_3307 = arith.select %eq3A_3304, %mul3A_3250, %broadcast_in_dim3A_3306 : vector<16xi1>, vector<16xf32>
    %select_n3A_3308 = arith.select %eq3A_3301, %div3A_3249, %select_n3A_3307 : vector<16xi1>, vector<16xf32>
    %swap3A_3309 = arith.constant 3 : i32
    %swap3A_3310 = arith.index_cast %swap3A_3309 : i32 to index
    %swap3A_3311 = arith.constant 336 : index
    %swap3A_3312 = tpu.vector_load %arg5[%swap3A_3310, %swap3A_3311] {strides = array<i32>} : memref<4x512xf32, #tpu.memory_space<vmem>>, vector<1x16xf32>,
    %swap3A_3313 = vector.shape_cast %swap3A_3312 : vector<1x16xf32> to vector<16xf32>
    %swap3A_3314 = vector.shape_cast %select_n3A_3308 : vector<16xf32> to vector<1x16xf32>
    tpu.vector_store %arg5[%swap3A_3310, %swap3A_3311], %swap3A_3314 {strides = array<i32>} : memref<4x512xf32, #tpu.memory_space<vmem>>, vector<1x16xf32>,
    %get3A_3315 = arith.constant 0 : i32
    %get3A_3316 = arith.index_cast %get3A_3315 : i32 to index
    %get3A_3317 = arith.constant 352 : index
    %get3A_3318 = tpu.vector_load %arg4[%get3A_3316, %get3A_3317] {strides = array<i32>} : memref<4x512xf32, #tpu.memory_space<vmem>>, vector<1x16xf32>,
    %get3A_3319 = vector.shape_cast %get3A_3318 : vector<1x16xf32> to vector<16xf32>
    %get3A_3320 = arith.constant 1 : i32
    %get3A_3321 = arith.index_cast %get3A_3320 : i32 to index
    %get3A_3322 = arith.constant 352 : index
    %get3A_3323 = tpu.vector_load %arg4[%get3A_3321, %get3A_3322] {strides = array<i32>} : memref<4x512xf32, #tpu.memory_space<vmem>>, vector<1x16xf32>,
    %get3A_3324 = vector.shape_cast %get3A_3323 : vector<1x16xf32> to vector<16xf32>
    %get3A_3325 = arith.constant 2 : i32
    %get3A_3326 = arith.index_cast %get3A_3325 : i32 to index
    %get3A_3327 = arith.constant 352 : index
    %get3A_3328 = tpu.vector_load %arg4[%get3A_3326, %get3A_3327] {strides = array<i32>} : memref<4x512xf32, #tpu.memory_space<vmem>>, vector<1x16xf32>,
    %get3A_3329 = vector.shape_cast %get3A_3328 : vector<1x16xf32> to vector<16xf32>
    %get3A_3330 = arith.constant 3 : i32
    %get3A_3331 = arith.index_cast %get3A_3330 : i32 to index
    %get3A_3332 = arith.constant 352 : index
    %get3A_3333 = tpu.vector_load %arg4[%get3A_3331, %get3A_3332] {strides = array<i32>} : memref<4x512xf32, #tpu.memory_space<vmem>>, vector<1x16xf32>,
    %get3A_3334 = vector.shape_cast %get3A_3333 : vector<1x16xf32> to vector<16xf32>
    %max3A_3335 = arith.maximumf %get3A_3319, %get3A_3324 : vector<16xf32>
    %max3A_3336 = arith.maximumf %get3A_3329, %get3A_3334 : vector<16xf32>
    %max3A_3337 = arith.maximumf %max3A_3335, %max3A_3336 : vector<16xf32>
    %eq3A_3338 = arith.cmpf oeq, %get3A_3319, %max3A_3337 : vector<16xf32>
    %eq3A_3339 = arith.cmpf oeq, %get3A_3324, %max3A_3337 : vector<16xf32>
    %eq3A_3340 = arith.cmpf oeq, %get3A_3329, %max3A_3337 : vector<16xf32>
    %jit3A_3341 = arith.constant 2 : i32
    %jit3A_3342 = arith.constant 3 : i32
    %broadcast_in_dim3A_3343 = vector.broadcast %jit3A_3341 : i32 to vector<16xi32>
    %broadcast_in_dim3A_3344 = vector.broadcast %jit3A_3342 : i32 to vector<16xi32>
    %select_n3A_3345 = arith.select %eq3A_3340, %broadcast_in_dim3A_3343, %broadcast_in_dim3A_3344 : vector<16xi1>, vector<16xi32>
    %jit3A_3346 = arith.constant 1 : i32
    %broadcast_in_dim3A_3347 = vector.broadcast %jit3A_3346 : i32 to vector<16xi32>
    %select_n3A_3348 = arith.select %eq3A_3339, %broadcast_in_dim3A_3347, %select_n3A_3345 : vector<16xi1>, vector<16xi32>
    %jit3A_3349 = arith.constant 0 : i32
    %broadcast_in_dim3A_3350 = vector.broadcast %jit3A_3349 : i32 to vector<16xi32>
    %select_n3A_3351 = arith.select %eq3A_3338, %broadcast_in_dim3A_3350, %select_n3A_3348 : vector<16xi1>, vector<16xi32>
    %eq3A_3352 = arith.constant 0 : i32
    %eq3A_3353 = vector.broadcast %eq3A_3352 : i32 to vector<16xi32>
    %eq3A_3354 = arith.cmpi eq, %select_n3A_3351, %eq3A_3353 : vector<16xi32>
    %jit3A_3355 = arith.constant 0xFF800000 : f32
    %broadcast_in_dim3A_3356 = vector.broadcast %jit3A_3355 : f32 to vector<16xf32>
    %select_n3A_3357 = arith.select %eq3A_3354, %broadcast_in_dim3A_3356, %get3A_3319 : vector<16xi1>, vector<16xf32>
    %eq3A_3358 = arith.constant 1 : i32
    %eq3A_3359 = vector.broadcast %eq3A_3358 : i32 to vector<16xi32>
    %eq3A_3360 = arith.cmpi eq, %select_n3A_3351, %eq3A_3359 : vector<16xi32>
    %jit3A_3361 = arith.constant 0xFF800000 : f32
    %broadcast_in_dim3A_3362 = vector.broadcast %jit3A_3361 : f32 to vector<16xf32>
    %select_n3A_3363 = arith.select %eq3A_3360, %broadcast_in_dim3A_3362, %get3A_3324 : vector<16xi1>, vector<16xf32>
    %eq3A_3364 = arith.constant 2 : i32
    %eq3A_3365 = vector.broadcast %eq3A_3364 : i32 to vector<16xi32>
    %eq3A_3366 = arith.cmpi eq, %select_n3A_3351, %eq3A_3365 : vector<16xi32>
    %jit3A_3367 = arith.constant 0xFF800000 : f32
    %broadcast_in_dim3A_3368 = vector.broadcast %jit3A_3367 : f32 to vector<16xf32>
    %select_n3A_3369 = arith.select %eq3A_3366, %broadcast_in_dim3A_3368, %get3A_3329 : vector<16xi1>, vector<16xf32>
    %eq3A_3370 = arith.constant 3 : i32
    %eq3A_3371 = vector.broadcast %eq3A_3370 : i32 to vector<16xi32>
    %eq3A_3372 = arith.cmpi eq, %select_n3A_3351, %eq3A_3371 : vector<16xi32>
    %jit3A_3373 = arith.constant 0xFF800000 : f32
    %broadcast_in_dim3A_3374 = vector.broadcast %jit3A_3373 : f32 to vector<16xf32>
    %select_n3A_3375 = arith.select %eq3A_3372, %broadcast_in_dim3A_3374, %get3A_3334 : vector<16xi1>, vector<16xf32>
    %max3A_3376 = arith.maximumf %select_n3A_3357, %select_n3A_3363 : vector<16xf32>
    %max3A_3377 = arith.maximumf %select_n3A_3369, %select_n3A_3375 : vector<16xf32>
    %max3A_3378 = arith.maximumf %max3A_3376, %max3A_3377 : vector<16xf32>
    %eq3A_3379 = arith.cmpf oeq, %select_n3A_3357, %max3A_3378 : vector<16xf32>
    %eq3A_3380 = arith.cmpf oeq, %select_n3A_3363, %max3A_3378 : vector<16xf32>
    %eq3A_3381 = arith.cmpf oeq, %select_n3A_3369, %max3A_3378 : vector<16xf32>
    %jit3A_3382 = arith.constant 2 : i32
    %jit3A_3383 = arith.constant 3 : i32
    %broadcast_in_dim3A_3384 = vector.broadcast %jit3A_3382 : i32 to vector<16xi32>
    %broadcast_in_dim3A_3385 = vector.broadcast %jit3A_3383 : i32 to vector<16xi32>
    %select_n3A_3386 = arith.select %eq3A_3381, %broadcast_in_dim3A_3384, %broadcast_in_dim3A_3385 : vector<16xi1>, vector<16xi32>
    %jit3A_3387 = arith.constant 1 : i32
    %broadcast_in_dim3A_3388 = vector.broadcast %jit3A_3387 : i32 to vector<16xi32>
    %select_n3A_3389 = arith.select %eq3A_3380, %broadcast_in_dim3A_3388, %select_n3A_3386 : vector<16xi1>, vector<16xi32>
    %jit3A_3390 = arith.constant 0 : i32
    %broadcast_in_dim3A_3391 = vector.broadcast %jit3A_3390 : i32 to vector<16xi32>
    %select_n3A_3392 = arith.select %eq3A_3379, %broadcast_in_dim3A_3391, %select_n3A_3389 : vector<16xi1>, vector<16xi32>
    %sub3A_3393 = arith.subf %max3A_3378, %max3A_3337 : vector<16xf32>
    %exp3A_3394 = math.exp %sub3A_3393 : vector<16xf32>
    %add3A_3395 = arith.constant 1.000000e+00 : f32
    %add3A_3396 = vector.broadcast %add3A_3395 : f32 to vector<16xf32>
    %add3A_3397 = arith.addf %add3A_3396, %exp3A_3394 : vector<16xf32>
    %div3A_3398 = arith.constant 1.000000e+00 : f32
    %div3A_3399 = vector.broadcast %div3A_3398 : f32 to vector<16xf32>
    %div3A_3400 = arith.divf %div3A_3399, %add3A_3397 : vector<16xf32>
    %mul3A_3401 = arith.mulf %exp3A_3394, %div3A_3400 : vector<16xf32>
    %eq3A_3402 = arith.constant 0 : i32
    %eq3A_3403 = vector.broadcast %eq3A_3402 : i32 to vector<16xi32>
    %eq3A_3404 = arith.cmpi eq, %select_n3A_3351, %eq3A_3403 : vector<16xi32>
    %eq3A_3405 = arith.constant 0 : i32
    %eq3A_3406 = vector.broadcast %eq3A_3405 : i32 to vector<16xi32>
    %eq3A_3407 = arith.cmpi eq, %select_n3A_3392, %eq3A_3406 : vector<16xi32>
    %jit3A_3408 = arith.constant 0.000000e+00 : f32
    %broadcast_in_dim3A_3409 = vector.broadcast %jit3A_3408 : f32 to vector<16xf32>
    %select_n3A_3410 = arith.select %eq3A_3407, %mul3A_3401, %broadcast_in_dim3A_3409 : vector<16xi1>, vector<16xf32>
    %select_n3A_3411 = arith.select %eq3A_3404, %div3A_3400, %select_n3A_3410 : vector<16xi1>, vector<16xf32>
    %swap3A_3412 = arith.constant 0 : i32
    %swap3A_3413 = arith.index_cast %swap3A_3412 : i32 to index
    %swap3A_3414 = arith.constant 352 : index
    %swap3A_3415 = tpu.vector_load %arg5[%swap3A_3413, %swap3A_3414] {strides = array<i32>} : memref<4x512xf32, #tpu.memory_space<vmem>>, vector<1x16xf32>,
    %swap3A_3416 = vector.shape_cast %swap3A_3415 : vector<1x16xf32> to vector<16xf32>
    %swap3A_3417 = vector.shape_cast %select_n3A_3411 : vector<16xf32> to vector<1x16xf32>
    tpu.vector_store %arg5[%swap3A_3413, %swap3A_3414], %swap3A_3417 {strides = array<i32>} : memref<4x512xf32, #tpu.memory_space<vmem>>, vector<1x16xf32>,
    %eq3A_3418 = arith.constant 1 : i32
    %eq3A_3419 = vector.broadcast %eq3A_3418 : i32 to vector<16xi32>
    %eq3A_3420 = arith.cmpi eq, %select_n3A_3351, %eq3A_3419 : vector<16xi32>
    %eq3A_3421 = arith.constant 1 : i32
    %eq3A_3422 = vector.broadcast %eq3A_3421 : i32 to vector<16xi32>
    %eq3A_3423 = arith.cmpi eq, %select_n3A_3392, %eq3A_3422 : vector<16xi32>
    %jit3A_3424 = arith.constant 0.000000e+00 : f32
    %broadcast_in_dim3A_3425 = vector.broadcast %jit3A_3424 : f32 to vector<16xf32>
    %select_n3A_3426 = arith.select %eq3A_3423, %mul3A_3401, %broadcast_in_dim3A_3425 : vector<16xi1>, vector<16xf32>
    %select_n3A_3427 = arith.select %eq3A_3420, %div3A_3400, %select_n3A_3426 : vector<16xi1>, vector<16xf32>
    %swap3A_3428 = arith.constant 1 : i32
    %swap3A_3429 = arith.index_cast %swap3A_3428 : i32 to index
    %swap3A_3430 = arith.constant 352 : index
    %swap3A_3431 = tpu.vector_load %arg5[%swap3A_3429, %swap3A_3430] {strides = array<i32>} : memref<4x512xf32, #tpu.memory_space<vmem>>, vector<1x16xf32>,
    %swap3A_3432 = vector.shape_cast %swap3A_3431 : vector<1x16xf32> to vector<16xf32>
    %swap3A_3433 = vector.shape_cast %select_n3A_3427 : vector<16xf32> to vector<1x16xf32>
    tpu.vector_store %arg5[%swap3A_3429, %swap3A_3430], %swap3A_3433 {strides = array<i32>} : memref<4x512xf32, #tpu.memory_space<vmem>>, vector<1x16xf32>,
    %eq3A_3434 = arith.constant 2 : i32
    %eq3A_3435 = vector.broadcast %eq3A_3434 : i32 to vector<16xi32>
    %eq3A_3436 = arith.cmpi eq, %select_n3A_3351, %eq3A_3435 : vector<16xi32>
    %eq3A_3437 = arith.constant 2 : i32
    %eq3A_3438 = vector.broadcast %eq3A_3437 : i32 to vector<16xi32>
    %eq3A_3439 = arith.cmpi eq, %select_n3A_3392, %eq3A_3438 : vector<16xi32>
    %jit3A_3440 = arith.constant 0.000000e+00 : f32
    %broadcast_in_dim3A_3441 = vector.broadcast %jit3A_3440 : f32 to vector<16xf32>
    %select_n3A_3442 = arith.select %eq3A_3439, %mul3A_3401, %broadcast_in_dim3A_3441 : vector<16xi1>, vector<16xf32>
    %select_n3A_3443 = arith.select %eq3A_3436, %div3A_3400, %select_n3A_3442 : vector<16xi1>, vector<16xf32>
    %swap3A_3444 = arith.constant 2 : i32
    %swap3A_3445 = arith.index_cast %swap3A_3444 : i32 to index
    %swap3A_3446 = arith.constant 352 : index
    %swap3A_3447 = tpu.vector_load %arg5[%swap3A_3445, %swap3A_3446] {strides = array<i32>} : memref<4x512xf32, #tpu.memory_space<vmem>>, vector<1x16xf32>,
    %swap3A_3448 = vector.shape_cast %swap3A_3447 : vector<1x16xf32> to vector<16xf32>
    %swap3A_3449 = vector.shape_cast %select_n3A_3443 : vector<16xf32> to vector<1x16xf32>
    tpu.vector_store %arg5[%swap3A_3445, %swap3A_3446], %swap3A_3449 {strides = array<i32>} : memref<4x512xf32, #tpu.memory_space<vmem>>, vector<1x16xf32>,
    %eq3A_3450 = arith.constant 3 : i32
    %eq3A_3451 = vector.broadcast %eq3A_3450 : i32 to vector<16xi32>
    %eq3A_3452 = arith.cmpi eq, %select_n3A_3351, %eq3A_3451 : vector<16xi32>
    %eq3A_3453 = arith.constant 3 : i32
    %eq3A_3454 = vector.broadcast %eq3A_3453 : i32 to vector<16xi32>
    %eq3A_3455 = arith.cmpi eq, %select_n3A_3392, %eq3A_3454 : vector<16xi32>
    %jit3A_3456 = arith.constant 0.000000e+00 : f32
    %broadcast_in_dim3A_3457 = vector.broadcast %jit3A_3456 : f32 to vector<16xf32>
    %select_n3A_3458 = arith.select %eq3A_3455, %mul3A_3401, %broadcast_in_dim3A_3457 : vector<16xi1>, vector<16xf32>
    %select_n3A_3459 = arith.select %eq3A_3452, %div3A_3400, %select_n3A_3458 : vector<16xi1>, vector<16xf32>
    %swap3A_3460 = arith.constant 3 : i32
    %swap3A_3461 = arith.index_cast %swap3A_3460 : i32 to index
    %swap3A_3462 = arith.constant 352 : index
    %swap3A_3463 = tpu.vector_load %arg5[%swap3A_3461, %swap3A_3462] {strides = array<i32>} : memref<4x512xf32, #tpu.memory_space<vmem>>, vector<1x16xf32>,
    %swap3A_3464 = vector.shape_cast %swap3A_3463 : vector<1x16xf32> to vector<16xf32>
    %swap3A_3465 = vector.shape_cast %select_n3A_3459 : vector<16xf32> to vector<1x16xf32>
    tpu.vector_store %arg5[%swap3A_3461, %swap3A_3462], %swap3A_3465 {strides = array<i32>} : memref<4x512xf32, #tpu.memory_space<vmem>>, vector<1x16xf32>,
    %get3A_3466 = arith.constant 0 : i32
    %get3A_3467 = arith.index_cast %get3A_3466 : i32 to index
    %get3A_3468 = arith.constant 368 : index
    %get3A_3469 = tpu.vector_load %arg4[%get3A_3467, %get3A_3468] {strides = array<i32>} : memref<4x512xf32, #tpu.memory_space<vmem>>, vector<1x16xf32>,
    %get3A_3470 = vector.shape_cast %get3A_3469 : vector<1x16xf32> to vector<16xf32>
    %get3A_3471 = arith.constant 1 : i32
    %get3A_3472 = arith.index_cast %get3A_3471 : i32 to index
    %get3A_3473 = arith.constant 368 : index
    %get3A_3474 = tpu.vector_load %arg4[%get3A_3472, %get3A_3473] {strides = array<i32>} : memref<4x512xf32, #tpu.memory_space<vmem>>, vector<1x16xf32>,
    %get3A_3475 = vector.shape_cast %get3A_3474 : vector<1x16xf32> to vector<16xf32>
    %get3A_3476 = arith.constant 2 : i32
    %get3A_3477 = arith.index_cast %get3A_3476 : i32 to index
    %get3A_3478 = arith.constant 368 : index
    %get3A_3479 = tpu.vector_load %arg4[%get3A_3477, %get3A_3478] {strides = array<i32>} : memref<4x512xf32, #tpu.memory_space<vmem>>, vector<1x16xf32>,
    %get3A_3480 = vector.shape_cast %get3A_3479 : vector<1x16xf32> to vector<16xf32>
    %get3A_3481 = arith.constant 3 : i32
    %get3A_3482 = arith.index_cast %get3A_3481 : i32 to index
    %get3A_3483 = arith.constant 368 : index
    %get3A_3484 = tpu.vector_load %arg4[%get3A_3482, %get3A_3483] {strides = array<i32>} : memref<4x512xf32, #tpu.memory_space<vmem>>, vector<1x16xf32>,
    %get3A_3485 = vector.shape_cast %get3A_3484 : vector<1x16xf32> to vector<16xf32>
    %max3A_3486 = arith.maximumf %get3A_3470, %get3A_3475 : vector<16xf32>
    %max3A_3487 = arith.maximumf %get3A_3480, %get3A_3485 : vector<16xf32>
    %max3A_3488 = arith.maximumf %max3A_3486, %max3A_3487 : vector<16xf32>
    %eq3A_3489 = arith.cmpf oeq, %get3A_3470, %max3A_3488 : vector<16xf32>
    %eq3A_3490 = arith.cmpf oeq, %get3A_3475, %max3A_3488 : vector<16xf32>
    %eq3A_3491 = arith.cmpf oeq, %get3A_3480, %max3A_3488 : vector<16xf32>
    %jit3A_3492 = arith.constant 2 : i32
    %jit3A_3493 = arith.constant 3 : i32
    %broadcast_in_dim3A_3494 = vector.broadcast %jit3A_3492 : i32 to vector<16xi32>
    %broadcast_in_dim3A_3495 = vector.broadcast %jit3A_3493 : i32 to vector<16xi32>
    %select_n3A_3496 = arith.select %eq3A_3491, %broadcast_in_dim3A_3494, %broadcast_in_dim3A_3495 : vector<16xi1>, vector<16xi32>
    %jit3A_3497 = arith.constant 1 : i32
    %broadcast_in_dim3A_3498 = vector.broadcast %jit3A_3497 : i32 to vector<16xi32>
    %select_n3A_3499 = arith.select %eq3A_3490, %broadcast_in_dim3A_3498, %select_n3A_3496 : vector<16xi1>, vector<16xi32>
    %jit3A_3500 = arith.constant 0 : i32
    %broadcast_in_dim3A_3501 = vector.broadcast %jit3A_3500 : i32 to vector<16xi32>
    %select_n3A_3502 = arith.select %eq3A_3489, %broadcast_in_dim3A_3501, %select_n3A_3499 : vector<16xi1>, vector<16xi32>
    %eq3A_3503 = arith.constant 0 : i32
    %eq3A_3504 = vector.broadcast %eq3A_3503 : i32 to vector<16xi32>
    %eq3A_3505 = arith.cmpi eq, %select_n3A_3502, %eq3A_3504 : vector<16xi32>
    %jit3A_3506 = arith.constant 0xFF800000 : f32
    %broadcast_in_dim3A_3507 = vector.broadcast %jit3A_3506 : f32 to vector<16xf32>
    %select_n3A_3508 = arith.select %eq3A_3505, %broadcast_in_dim3A_3507, %get3A_3470 : vector<16xi1>, vector<16xf32>
    %eq3A_3509 = arith.constant 1 : i32
    %eq3A_3510 = vector.broadcast %eq3A_3509 : i32 to vector<16xi32>
    %eq3A_3511 = arith.cmpi eq, %select_n3A_3502, %eq3A_3510 : vector<16xi32>
    %jit3A_3512 = arith.constant 0xFF800000 : f32
    %broadcast_in_dim3A_3513 = vector.broadcast %jit3A_3512 : f32 to vector<16xf32>
    %select_n3A_3514 = arith.select %eq3A_3511, %broadcast_in_dim3A_3513, %get3A_3475 : vector<16xi1>, vector<16xf32>
    %eq3A_3515 = arith.constant 2 : i32
    %eq3A_3516 = vector.broadcast %eq3A_3515 : i32 to vector<16xi32>
    %eq3A_3517 = arith.cmpi eq, %select_n3A_3502, %eq3A_3516 : vector<16xi32>
    %jit3A_3518 = arith.constant 0xFF800000 : f32
    %broadcast_in_dim3A_3519 = vector.broadcast %jit3A_3518 : f32 to vector<16xf32>
    %select_n3A_3520 = arith.select %eq3A_3517, %broadcast_in_dim3A_3519, %get3A_3480 : vector<16xi1>, vector<16xf32>
    %eq3A_3521 = arith.constant 3 : i32
    %eq3A_3522 = vector.broadcast %eq3A_3521 : i32 to vector<16xi32>
    %eq3A_3523 = arith.cmpi eq, %select_n3A_3502, %eq3A_3522 : vector<16xi32>
    %jit3A_3524 = arith.constant 0xFF800000 : f32
    %broadcast_in_dim3A_3525 = vector.broadcast %jit3A_3524 : f32 to vector<16xf32>
    %select_n3A_3526 = arith.select %eq3A_3523, %broadcast_in_dim3A_3525, %get3A_3485 : vector<16xi1>, vector<16xf32>
    %max3A_3527 = arith.maximumf %select_n3A_3508, %select_n3A_3514 : vector<16xf32>
    %max3A_3528 = arith.maximumf %select_n3A_3520, %select_n3A_3526 : vector<16xf32>
    %max3A_3529 = arith.maximumf %max3A_3527, %max3A_3528 : vector<16xf32>
    %eq3A_3530 = arith.cmpf oeq, %select_n3A_3508, %max3A_3529 : vector<16xf32>
    %eq3A_3531 = arith.cmpf oeq, %select_n3A_3514, %max3A_3529 : vector<16xf32>
    %eq3A_3532 = arith.cmpf oeq, %select_n3A_3520, %max3A_3529 : vector<16xf32>
    %jit3A_3533 = arith.constant 2 : i32
    %jit3A_3534 = arith.constant 3 : i32
    %broadcast_in_dim3A_3535 = vector.broadcast %jit3A_3533 : i32 to vector<16xi32>
    %broadcast_in_dim3A_3536 = vector.broadcast %jit3A_3534 : i32 to vector<16xi32>
    %select_n3A_3537 = arith.select %eq3A_3532, %broadcast_in_dim3A_3535, %broadcast_in_dim3A_3536 : vector<16xi1>, vector<16xi32>
    %jit3A_3538 = arith.constant 1 : i32
    %broadcast_in_dim3A_3539 = vector.broadcast %jit3A_3538 : i32 to vector<16xi32>
    %select_n3A_3540 = arith.select %eq3A_3531, %broadcast_in_dim3A_3539, %select_n3A_3537 : vector<16xi1>, vector<16xi32>
    %jit3A_3541 = arith.constant 0 : i32
    %broadcast_in_dim3A_3542 = vector.broadcast %jit3A_3541 : i32 to vector<16xi32>
    %select_n3A_3543 = arith.select %eq3A_3530, %broadcast_in_dim3A_3542, %select_n3A_3540 : vector<16xi1>, vector<16xi32>
    %sub3A_3544 = arith.subf %max3A_3529, %max3A_3488 : vector<16xf32>
    %exp3A_3545 = math.exp %sub3A_3544 : vector<16xf32>
    %add3A_3546 = arith.constant 1.000000e+00 : f32
    %add3A_3547 = vector.broadcast %add3A_3546 : f32 to vector<16xf32>
    %add3A_3548 = arith.addf %add3A_3547, %exp3A_3545 : vector<16xf32>
    %div3A_3549 = arith.constant 1.000000e+00 : f32
    %div3A_3550 = vector.broadcast %div3A_3549 : f32 to vector<16xf32>
    %div3A_3551 = arith.divf %div3A_3550, %add3A_3548 : vector<16xf32>
    %mul3A_3552 = arith.mulf %exp3A_3545, %div3A_3551 : vector<16xf32>
    %eq3A_3553 = arith.constant 0 : i32
    %eq3A_3554 = vector.broadcast %eq3A_3553 : i32 to vector<16xi32>
    %eq3A_3555 = arith.cmpi eq, %select_n3A_3502, %eq3A_3554 : vector<16xi32>
    %eq3A_3556 = arith.constant 0 : i32
    %eq3A_3557 = vector.broadcast %eq3A_3556 : i32 to vector<16xi32>
    %eq3A_3558 = arith.cmpi eq, %select_n3A_3543, %eq3A_3557 : vector<16xi32>
    %jit3A_3559 = arith.constant 0.000000e+00 : f32
    %broadcast_in_dim3A_3560 = vector.broadcast %jit3A_3559 : f32 to vector<16xf32>
    %select_n3A_3561 = arith.select %eq3A_3558, %mul3A_3552, %broadcast_in_dim3A_3560 : vector<16xi1>, vector<16xf32>
    %select_n3A_3562 = arith.select %eq3A_3555, %div3A_3551, %select_n3A_3561 : vector<16xi1>, vector<16xf32>
    %swap3A_3563 = arith.constant 0 : i32
    %swap3A_3564 = arith.index_cast %swap3A_3563 : i32 to index
    %swap3A_3565 = arith.constant 368 : index
    %swap3A_3566 = tpu.vector_load %arg5[%swap3A_3564, %swap3A_3565] {strides = array<i32>} : memref<4x512xf32, #tpu.memory_space<vmem>>, vector<1x16xf32>,
    %swap3A_3567 = vector.shape_cast %swap3A_3566 : vector<1x16xf32> to vector<16xf32>
    %swap3A_3568 = vector.shape_cast %select_n3A_3562 : vector<16xf32> to vector<1x16xf32>
    tpu.vector_store %arg5[%swap3A_3564, %swap3A_3565], %swap3A_3568 {strides = array<i32>} : memref<4x512xf32, #tpu.memory_space<vmem>>, vector<1x16xf32>,
    %eq3A_3569 = arith.constant 1 : i32
    %eq3A_3570 = vector.broadcast %eq3A_3569 : i32 to vector<16xi32>
    %eq3A_3571 = arith.cmpi eq, %select_n3A_3502, %eq3A_3570 : vector<16xi32>
    %eq3A_3572 = arith.constant 1 : i32
    %eq3A_3573 = vector.broadcast %eq3A_3572 : i32 to vector<16xi32>
    %eq3A_3574 = arith.cmpi eq, %select_n3A_3543, %eq3A_3573 : vector<16xi32>
    %jit3A_3575 = arith.constant 0.000000e+00 : f32
    %broadcast_in_dim3A_3576 = vector.broadcast %jit3A_3575 : f32 to vector<16xf32>
    %select_n3A_3577 = arith.select %eq3A_3574, %mul3A_3552, %broadcast_in_dim3A_3576 : vector<16xi1>, vector<16xf32>
    %select_n3A_3578 = arith.select %eq3A_3571, %div3A_3551, %select_n3A_3577 : vector<16xi1>, vector<16xf32>
    %swap3A_3579 = arith.constant 1 : i32
    %swap3A_3580 = arith.index_cast %swap3A_3579 : i32 to index
    %swap3A_3581 = arith.constant 368 : index
    %swap3A_3582 = tpu.vector_load %arg5[%swap3A_3580, %swap3A_3581] {strides = array<i32>} : memref<4x512xf32, #tpu.memory_space<vmem>>, vector<1x16xf32>,
    %swap3A_3583 = vector.shape_cast %swap3A_3582 : vector<1x16xf32> to vector<16xf32>
    %swap3A_3584 = vector.shape_cast %select_n3A_3578 : vector<16xf32> to vector<1x16xf32>
    tpu.vector_store %arg5[%swap3A_3580, %swap3A_3581], %swap3A_3584 {strides = array<i32>} : memref<4x512xf32, #tpu.memory_space<vmem>>, vector<1x16xf32>,
    %eq3A_3585 = arith.constant 2 : i32
    %eq3A_3586 = vector.broadcast %eq3A_3585 : i32 to vector<16xi32>
    %eq3A_3587 = arith.cmpi eq, %select_n3A_3502, %eq3A_3586 : vector<16xi32>
    %eq3A_3588 = arith.constant 2 : i32
    %eq3A_3589 = vector.broadcast %eq3A_3588 : i32 to vector<16xi32>
    %eq3A_3590 = arith.cmpi eq, %select_n3A_3543, %eq3A_3589 : vector<16xi32>
    %jit3A_3591 = arith.constant 0.000000e+00 : f32
    %broadcast_in_dim3A_3592 = vector.broadcast %jit3A_3591 : f32 to vector<16xf32>
    %select_n3A_3593 = arith.select %eq3A_3590, %mul3A_3552, %broadcast_in_dim3A_3592 : vector<16xi1>, vector<16xf32>
    %select_n3A_3594 = arith.select %eq3A_3587, %div3A_3551, %select_n3A_3593 : vector<16xi1>, vector<16xf32>
    %swap3A_3595 = arith.constant 2 : i32
    %swap3A_3596 = arith.index_cast %swap3A_3595 : i32 to index
    %swap3A_3597 = arith.constant 368 : index
    %swap3A_3598 = tpu.vector_load %arg5[%swap3A_3596, %swap3A_3597] {strides = array<i32>} : memref<4x512xf32, #tpu.memory_space<vmem>>, vector<1x16xf32>,
    %swap3A_3599 = vector.shape_cast %swap3A_3598 : vector<1x16xf32> to vector<16xf32>
    %swap3A_3600 = vector.shape_cast %select_n3A_3594 : vector<16xf32> to vector<1x16xf32>
    tpu.vector_store %arg5[%swap3A_3596, %swap3A_3597], %swap3A_3600 {strides = array<i32>} : memref<4x512xf32, #tpu.memory_space<vmem>>, vector<1x16xf32>,
    %eq3A_3601 = arith.constant 3 : i32
    %eq3A_3602 = vector.broadcast %eq3A_3601 : i32 to vector<16xi32>
    %eq3A_3603 = arith.cmpi eq, %select_n3A_3502, %eq3A_3602 : vector<16xi32>
    %eq3A_3604 = arith.constant 3 : i32
    %eq3A_3605 = vector.broadcast %eq3A_3604 : i32 to vector<16xi32>
    %eq3A_3606 = arith.cmpi eq, %select_n3A_3543, %eq3A_3605 : vector<16xi32>
    %jit3A_3607 = arith.constant 0.000000e+00 : f32
    %broadcast_in_dim3A_3608 = vector.broadcast %jit3A_3607 : f32 to vector<16xf32>
    %select_n3A_3609 = arith.select %eq3A_3606, %mul3A_3552, %broadcast_in_dim3A_3608 : vector<16xi1>, vector<16xf32>
    %select_n3A_3610 = arith.select %eq3A_3603, %div3A_3551, %select_n3A_3609 : vector<16xi1>, vector<16xf32>
    %swap3A_3611 = arith.constant 3 : i32
    %swap3A_3612 = arith.index_cast %swap3A_3611 : i32 to index
    %swap3A_3613 = arith.constant 368 : index
    %swap3A_3614 = tpu.vector_load %arg5[%swap3A_3612, %swap3A_3613] {strides = array<i32>} : memref<4x512xf32, #tpu.memory_space<vmem>>, vector<1x16xf32>,
    %swap3A_3615 = vector.shape_cast %swap3A_3614 : vector<1x16xf32> to vector<16xf32>
    %swap3A_3616 = vector.shape_cast %select_n3A_3610 : vector<16xf32> to vector<1x16xf32>
    tpu.vector_store %arg5[%swap3A_3612, %swap3A_3613], %swap3A_3616 {strides = array<i32>} : memref<4x512xf32, #tpu.memory_space<vmem>>, vector<1x16xf32>,
    %get3A_3617 = arith.constant 0 : i32
    %get3A_3618 = arith.index_cast %get3A_3617 : i32 to index
    %get3A_3619 = arith.constant 384 : index
    %get3A_3620 = tpu.vector_load %arg4[%get3A_3618, %get3A_3619] {strides = array<i32>} : memref<4x512xf32, #tpu.memory_space<vmem>>, vector<1x16xf32>,
    %get3A_3621 = vector.shape_cast %get3A_3620 : vector<1x16xf32> to vector<16xf32>
    %get3A_3622 = arith.constant 1 : i32
    %get3A_3623 = arith.index_cast %get3A_3622 : i32 to index
    %get3A_3624 = arith.constant 384 : index
    %get3A_3625 = tpu.vector_load %arg4[%get3A_3623, %get3A_3624] {strides = array<i32>} : memref<4x512xf32, #tpu.memory_space<vmem>>, vector<1x16xf32>,
    %get3A_3626 = vector.shape_cast %get3A_3625 : vector<1x16xf32> to vector<16xf32>
    %get3A_3627 = arith.constant 2 : i32
    %get3A_3628 = arith.index_cast %get3A_3627 : i32 to index
    %get3A_3629 = arith.constant 384 : index
    %get3A_3630 = tpu.vector_load %arg4[%get3A_3628, %get3A_3629] {strides = array<i32>} : memref<4x512xf32, #tpu.memory_space<vmem>>, vector<1x16xf32>,
    %get3A_3631 = vector.shape_cast %get3A_3630 : vector<1x16xf32> to vector<16xf32>
    %get3A_3632 = arith.constant 3 : i32
    %get3A_3633 = arith.index_cast %get3A_3632 : i32 to index
    %get3A_3634 = arith.constant 384 : index
    %get3A_3635 = tpu.vector_load %arg4[%get3A_3633, %get3A_3634] {strides = array<i32>} : memref<4x512xf32, #tpu.memory_space<vmem>>, vector<1x16xf32>,
    %get3A_3636 = vector.shape_cast %get3A_3635 : vector<1x16xf32> to vector<16xf32>
    %max3A_3637 = arith.maximumf %get3A_3621, %get3A_3626 : vector<16xf32>
    %max3A_3638 = arith.maximumf %get3A_3631, %get3A_3636 : vector<16xf32>
    %max3A_3639 = arith.maximumf %max3A_3637, %max3A_3638 : vector<16xf32>
    %eq3A_3640 = arith.cmpf oeq, %get3A_3621, %max3A_3639 : vector<16xf32>
    %eq3A_3641 = arith.cmpf oeq, %get3A_3626, %max3A_3639 : vector<16xf32>
    %eq3A_3642 = arith.cmpf oeq, %get3A_3631, %max3A_3639 : vector<16xf32>
    %jit3A_3643 = arith.constant 2 : i32
    %jit3A_3644 = arith.constant 3 : i32
    %broadcast_in_dim3A_3645 = vector.broadcast %jit3A_3643 : i32 to vector<16xi32>
    %broadcast_in_dim3A_3646 = vector.broadcast %jit3A_3644 : i32 to vector<16xi32>
    %select_n3A_3647 = arith.select %eq3A_3642, %broadcast_in_dim3A_3645, %broadcast_in_dim3A_3646 : vector<16xi1>, vector<16xi32>
    %jit3A_3648 = arith.constant 1 : i32
    %broadcast_in_dim3A_3649 = vector.broadcast %jit3A_3648 : i32 to vector<16xi32>
    %select_n3A_3650 = arith.select %eq3A_3641, %broadcast_in_dim3A_3649, %select_n3A_3647 : vector<16xi1>, vector<16xi32>
    %jit3A_3651 = arith.constant 0 : i32
    %broadcast_in_dim3A_3652 = vector.broadcast %jit3A_3651 : i32 to vector<16xi32>
    %select_n3A_3653 = arith.select %eq3A_3640, %broadcast_in_dim3A_3652, %select_n3A_3650 : vector<16xi1>, vector<16xi32>
    %eq3A_3654 = arith.constant 0 : i32
    %eq3A_3655 = vector.broadcast %eq3A_3654 : i32 to vector<16xi32>
    %eq3A_3656 = arith.cmpi eq, %select_n3A_3653, %eq3A_3655 : vector<16xi32>
    %jit3A_3657 = arith.constant 0xFF800000 : f32
    %broadcast_in_dim3A_3658 = vector.broadcast %jit3A_3657 : f32 to vector<16xf32>
    %select_n3A_3659 = arith.select %eq3A_3656, %broadcast_in_dim3A_3658, %get3A_3621 : vector<16xi1>, vector<16xf32>
    %eq3A_3660 = arith.constant 1 : i32
    %eq3A_3661 = vector.broadcast %eq3A_3660 : i32 to vector<16xi32>
    %eq3A_3662 = arith.cmpi eq, %select_n3A_3653, %eq3A_3661 : vector<16xi32>
    %jit3A_3663 = arith.constant 0xFF800000 : f32
    %broadcast_in_dim3A_3664 = vector.broadcast %jit3A_3663 : f32 to vector<16xf32>
    %select_n3A_3665 = arith.select %eq3A_3662, %broadcast_in_dim3A_3664, %get3A_3626 : vector<16xi1>, vector<16xf32>
    %eq3A_3666 = arith.constant 2 : i32
    %eq3A_3667 = vector.broadcast %eq3A_3666 : i32 to vector<16xi32>
    %eq3A_3668 = arith.cmpi eq, %select_n3A_3653, %eq3A_3667 : vector<16xi32>
    %jit3A_3669 = arith.constant 0xFF800000 : f32
    %broadcast_in_dim3A_3670 = vector.broadcast %jit3A_3669 : f32 to vector<16xf32>
    %select_n3A_3671 = arith.select %eq3A_3668, %broadcast_in_dim3A_3670, %get3A_3631 : vector<16xi1>, vector<16xf32>
    %eq3A_3672 = arith.constant 3 : i32
    %eq3A_3673 = vector.broadcast %eq3A_3672 : i32 to vector<16xi32>
    %eq3A_3674 = arith.cmpi eq, %select_n3A_3653, %eq3A_3673 : vector<16xi32>
    %jit3A_3675 = arith.constant 0xFF800000 : f32
    %broadcast_in_dim3A_3676 = vector.broadcast %jit3A_3675 : f32 to vector<16xf32>
    %select_n3A_3677 = arith.select %eq3A_3674, %broadcast_in_dim3A_3676, %get3A_3636 : vector<16xi1>, vector<16xf32>
    %max3A_3678 = arith.maximumf %select_n3A_3659, %select_n3A_3665 : vector<16xf32>
    %max3A_3679 = arith.maximumf %select_n3A_3671, %select_n3A_3677 : vector<16xf32>
    %max3A_3680 = arith.maximumf %max3A_3678, %max3A_3679 : vector<16xf32>
    %eq3A_3681 = arith.cmpf oeq, %select_n3A_3659, %max3A_3680 : vector<16xf32>
    %eq3A_3682 = arith.cmpf oeq, %select_n3A_3665, %max3A_3680 : vector<16xf32>
    %eq3A_3683 = arith.cmpf oeq, %select_n3A_3671, %max3A_3680 : vector<16xf32>
    %jit3A_3684 = arith.constant 2 : i32
    %jit3A_3685 = arith.constant 3 : i32
    %broadcast_in_dim3A_3686 = vector.broadcast %jit3A_3684 : i32 to vector<16xi32>
    %broadcast_in_dim3A_3687 = vector.broadcast %jit3A_3685 : i32 to vector<16xi32>
    %select_n3A_3688 = arith.select %eq3A_3683, %broadcast_in_dim3A_3686, %broadcast_in_dim3A_3687 : vector<16xi1>, vector<16xi32>
    %jit3A_3689 = arith.constant 1 : i32
    %broadcast_in_dim3A_3690 = vector.broadcast %jit3A_3689 : i32 to vector<16xi32>
    %select_n3A_3691 = arith.select %eq3A_3682, %broadcast_in_dim3A_3690, %select_n3A_3688 : vector<16xi1>, vector<16xi32>
    %jit3A_3692 = arith.constant 0 : i32
    %broadcast_in_dim3A_3693 = vector.broadcast %jit3A_3692 : i32 to vector<16xi32>
    %select_n3A_3694 = arith.select %eq3A_3681, %broadcast_in_dim3A_3693, %select_n3A_3691 : vector<16xi1>, vector<16xi32>
    %sub3A_3695 = arith.subf %max3A_3680, %max3A_3639 : vector<16xf32>
    %exp3A_3696 = math.exp %sub3A_3695 : vector<16xf32>
    %add3A_3697 = arith.constant 1.000000e+00 : f32
    %add3A_3698 = vector.broadcast %add3A_3697 : f32 to vector<16xf32>
    %add3A_3699 = arith.addf %add3A_3698, %exp3A_3696 : vector<16xf32>
    %div3A_3700 = arith.constant 1.000000e+00 : f32
    %div3A_3701 = vector.broadcast %div3A_3700 : f32 to vector<16xf32>
    %div3A_3702 = arith.divf %div3A_3701, %add3A_3699 : vector<16xf32>
    %mul3A_3703 = arith.mulf %exp3A_3696, %div3A_3702 : vector<16xf32>
    %eq3A_3704 = arith.constant 0 : i32
    %eq3A_3705 = vector.broadcast %eq3A_3704 : i32 to vector<16xi32>
    %eq3A_3706 = arith.cmpi eq, %select_n3A_3653, %eq3A_3705 : vector<16xi32>
    %eq3A_3707 = arith.constant 0 : i32
    %eq3A_3708 = vector.broadcast %eq3A_3707 : i32 to vector<16xi32>
    %eq3A_3709 = arith.cmpi eq, %select_n3A_3694, %eq3A_3708 : vector<16xi32>
    %jit3A_3710 = arith.constant 0.000000e+00 : f32
    %broadcast_in_dim3A_3711 = vector.broadcast %jit3A_3710 : f32 to vector<16xf32>
    %select_n3A_3712 = arith.select %eq3A_3709, %mul3A_3703, %broadcast_in_dim3A_3711 : vector<16xi1>, vector<16xf32>
    %select_n3A_3713 = arith.select %eq3A_3706, %div3A_3702, %select_n3A_3712 : vector<16xi1>, vector<16xf32>
    %swap3A_3714 = arith.constant 0 : i32
    %swap3A_3715 = arith.index_cast %swap3A_3714 : i32 to index
    %swap3A_3716 = arith.constant 384 : index
    %swap3A_3717 = tpu.vector_load %arg5[%swap3A_3715, %swap3A_3716] {strides = array<i32>} : memref<4x512xf32, #tpu.memory_space<vmem>>, vector<1x16xf32>,
    %swap3A_3718 = vector.shape_cast %swap3A_3717 : vector<1x16xf32> to vector<16xf32>
    %swap3A_3719 = vector.shape_cast %select_n3A_3713 : vector<16xf32> to vector<1x16xf32>
    tpu.vector_store %arg5[%swap3A_3715, %swap3A_3716], %swap3A_3719 {strides = array<i32>} : memref<4x512xf32, #tpu.memory_space<vmem>>, vector<1x16xf32>,
    %eq3A_3720 = arith.constant 1 : i32
    %eq3A_3721 = vector.broadcast %eq3A_3720 : i32 to vector<16xi32>
    %eq3A_3722 = arith.cmpi eq, %select_n3A_3653, %eq3A_3721 : vector<16xi32>
    %eq3A_3723 = arith.constant 1 : i32
    %eq3A_3724 = vector.broadcast %eq3A_3723 : i32 to vector<16xi32>
    %eq3A_3725 = arith.cmpi eq, %select_n3A_3694, %eq3A_3724 : vector<16xi32>
    %jit3A_3726 = arith.constant 0.000000e+00 : f32
    %broadcast_in_dim3A_3727 = vector.broadcast %jit3A_3726 : f32 to vector<16xf32>
    %select_n3A_3728 = arith.select %eq3A_3725, %mul3A_3703, %broadcast_in_dim3A_3727 : vector<16xi1>, vector<16xf32>
    %select_n3A_3729 = arith.select %eq3A_3722, %div3A_3702, %select_n3A_3728 : vector<16xi1>, vector<16xf32>
    %swap3A_3730 = arith.constant 1 : i32
    %swap3A_3731 = arith.index_cast %swap3A_3730 : i32 to index
    %swap3A_3732 = arith.constant 384 : index
    %swap3A_3733 = tpu.vector_load %arg5[%swap3A_3731, %swap3A_3732] {strides = array<i32>} : memref<4x512xf32, #tpu.memory_space<vmem>>, vector<1x16xf32>,
    %swap3A_3734 = vector.shape_cast %swap3A_3733 : vector<1x16xf32> to vector<16xf32>
    %swap3A_3735 = vector.shape_cast %select_n3A_3729 : vector<16xf32> to vector<1x16xf32>
    tpu.vector_store %arg5[%swap3A_3731, %swap3A_3732], %swap3A_3735 {strides = array<i32>} : memref<4x512xf32, #tpu.memory_space<vmem>>, vector<1x16xf32>,
    %eq3A_3736 = arith.constant 2 : i32
    %eq3A_3737 = vector.broadcast %eq3A_3736 : i32 to vector<16xi32>
    %eq3A_3738 = arith.cmpi eq, %select_n3A_3653, %eq3A_3737 : vector<16xi32>
    %eq3A_3739 = arith.constant 2 : i32
    %eq3A_3740 = vector.broadcast %eq3A_3739 : i32 to vector<16xi32>
    %eq3A_3741 = arith.cmpi eq, %select_n3A_3694, %eq3A_3740 : vector<16xi32>
    %jit3A_3742 = arith.constant 0.000000e+00 : f32
    %broadcast_in_dim3A_3743 = vector.broadcast %jit3A_3742 : f32 to vector<16xf32>
    %select_n3A_3744 = arith.select %eq3A_3741, %mul3A_3703, %broadcast_in_dim3A_3743 : vector<16xi1>, vector<16xf32>
    %select_n3A_3745 = arith.select %eq3A_3738, %div3A_3702, %select_n3A_3744 : vector<16xi1>, vector<16xf32>
    %swap3A_3746 = arith.constant 2 : i32
    %swap3A_3747 = arith.index_cast %swap3A_3746 : i32 to index
    %swap3A_3748 = arith.constant 384 : index
    %swap3A_3749 = tpu.vector_load %arg5[%swap3A_3747, %swap3A_3748] {strides = array<i32>} : memref<4x512xf32, #tpu.memory_space<vmem>>, vector<1x16xf32>,
    %swap3A_3750 = vector.shape_cast %swap3A_3749 : vector<1x16xf32> to vector<16xf32>
    %swap3A_3751 = vector.shape_cast %select_n3A_3745 : vector<16xf32> to vector<1x16xf32>
    tpu.vector_store %arg5[%swap3A_3747, %swap3A_3748], %swap3A_3751 {strides = array<i32>} : memref<4x512xf32, #tpu.memory_space<vmem>>, vector<1x16xf32>,
    %eq3A_3752 = arith.constant 3 : i32
    %eq3A_3753 = vector.broadcast %eq3A_3752 : i32 to vector<16xi32>
    %eq3A_3754 = arith.cmpi eq, %select_n3A_3653, %eq3A_3753 : vector<16xi32>
    %eq3A_3755 = arith.constant 3 : i32
    %eq3A_3756 = vector.broadcast %eq3A_3755 : i32 to vector<16xi32>
    %eq3A_3757 = arith.cmpi eq, %select_n3A_3694, %eq3A_3756 : vector<16xi32>
    %jit3A_3758 = arith.constant 0.000000e+00 : f32
    %broadcast_in_dim3A_3759 = vector.broadcast %jit3A_3758 : f32 to vector<16xf32>
    %select_n3A_3760 = arith.select %eq3A_3757, %mul3A_3703, %broadcast_in_dim3A_3759 : vector<16xi1>, vector<16xf32>
    %select_n3A_3761 = arith.select %eq3A_3754, %div3A_3702, %select_n3A_3760 : vector<16xi1>, vector<16xf32>
    %swap3A_3762 = arith.constant 3 : i32
    %swap3A_3763 = arith.index_cast %swap3A_3762 : i32 to index
    %swap3A_3764 = arith.constant 384 : index
    %swap3A_3765 = tpu.vector_load %arg5[%swap3A_3763, %swap3A_3764] {strides = array<i32>} : memref<4x512xf32, #tpu.memory_space<vmem>>, vector<1x16xf32>,
    %swap3A_3766 = vector.shape_cast %swap3A_3765 : vector<1x16xf32> to vector<16xf32>
    %swap3A_3767 = vector.shape_cast %select_n3A_3761 : vector<16xf32> to vector<1x16xf32>
    tpu.vector_store %arg5[%swap3A_3763, %swap3A_3764], %swap3A_3767 {strides = array<i32>} : memref<4x512xf32, #tpu.memory_space<vmem>>, vector<1x16xf32>,
    %get3A_3768 = arith.constant 0 : i32
    %get3A_3769 = arith.index_cast %get3A_3768 : i32 to index
    %get3A_3770 = arith.constant 400 : index
    %get3A_3771 = tpu.vector_load %arg4[%get3A_3769, %get3A_3770] {strides = array<i32>} : memref<4x512xf32, #tpu.memory_space<vmem>>, vector<1x16xf32>,
    %get3A_3772 = vector.shape_cast %get3A_3771 : vector<1x16xf32> to vector<16xf32>
    %get3A_3773 = arith.constant 1 : i32
    %get3A_3774 = arith.index_cast %get3A_3773 : i32 to index
    %get3A_3775 = arith.constant 400 : index
    %get3A_3776 = tpu.vector_load %arg4[%get3A_3774, %get3A_3775] {strides = array<i32>} : memref<4x512xf32, #tpu.memory_space<vmem>>, vector<1x16xf32>,
    %get3A_3777 = vector.shape_cast %get3A_3776 : vector<1x16xf32> to vector<16xf32>
    %get3A_3778 = arith.constant 2 : i32
    %get3A_3779 = arith.index_cast %get3A_3778 : i32 to index
    %get3A_3780 = arith.constant 400 : index
    %get3A_3781 = tpu.vector_load %arg4[%get3A_3779, %get3A_3780] {strides = array<i32>} : memref<4x512xf32, #tpu.memory_space<vmem>>, vector<1x16xf32>,
    %get3A_3782 = vector.shape_cast %get3A_3781 : vector<1x16xf32> to vector<16xf32>
    %get3A_3783 = arith.constant 3 : i32
    %get3A_3784 = arith.index_cast %get3A_3783 : i32 to index
    %get3A_3785 = arith.constant 400 : index
    %get3A_3786 = tpu.vector_load %arg4[%get3A_3784, %get3A_3785] {strides = array<i32>} : memref<4x512xf32, #tpu.memory_space<vmem>>, vector<1x16xf32>,
    %get3A_3787 = vector.shape_cast %get3A_3786 : vector<1x16xf32> to vector<16xf32>
    %max3A_3788 = arith.maximumf %get3A_3772, %get3A_3777 : vector<16xf32>
    %max3A_3789 = arith.maximumf %get3A_3782, %get3A_3787 : vector<16xf32>
    %max3A_3790 = arith.maximumf %max3A_3788, %max3A_3789 : vector<16xf32>
    %eq3A_3791 = arith.cmpf oeq, %get3A_3772, %max3A_3790 : vector<16xf32>
    %eq3A_3792 = arith.cmpf oeq, %get3A_3777, %max3A_3790 : vector<16xf32>
    %eq3A_3793 = arith.cmpf oeq, %get3A_3782, %max3A_3790 : vector<16xf32>
    %jit3A_3794 = arith.constant 2 : i32
    %jit3A_3795 = arith.constant 3 : i32
    %broadcast_in_dim3A_3796 = vector.broadcast %jit3A_3794 : i32 to vector<16xi32>
    %broadcast_in_dim3A_3797 = vector.broadcast %jit3A_3795 : i32 to vector<16xi32>
    %select_n3A_3798 = arith.select %eq3A_3793, %broadcast_in_dim3A_3796, %broadcast_in_dim3A_3797 : vector<16xi1>, vector<16xi32>
    %jit3A_3799 = arith.constant 1 : i32
    %broadcast_in_dim3A_3800 = vector.broadcast %jit3A_3799 : i32 to vector<16xi32>
    %select_n3A_3801 = arith.select %eq3A_3792, %broadcast_in_dim3A_3800, %select_n3A_3798 : vector<16xi1>, vector<16xi32>
    %jit3A_3802 = arith.constant 0 : i32
    %broadcast_in_dim3A_3803 = vector.broadcast %jit3A_3802 : i32 to vector<16xi32>
    %select_n3A_3804 = arith.select %eq3A_3791, %broadcast_in_dim3A_3803, %select_n3A_3801 : vector<16xi1>, vector<16xi32>
    %eq3A_3805 = arith.constant 0 : i32
    %eq3A_3806 = vector.broadcast %eq3A_3805 : i32 to vector<16xi32>
    %eq3A_3807 = arith.cmpi eq, %select_n3A_3804, %eq3A_3806 : vector<16xi32>
    %jit3A_3808 = arith.constant 0xFF800000 : f32
    %broadcast_in_dim3A_3809 = vector.broadcast %jit3A_3808 : f32 to vector<16xf32>
    %select_n3A_3810 = arith.select %eq3A_3807, %broadcast_in_dim3A_3809, %get3A_3772 : vector<16xi1>, vector<16xf32>
    %eq3A_3811 = arith.constant 1 : i32
    %eq3A_3812 = vector.broadcast %eq3A_3811 : i32 to vector<16xi32>
    %eq3A_3813 = arith.cmpi eq, %select_n3A_3804, %eq3A_3812 : vector<16xi32>
    %jit3A_3814 = arith.constant 0xFF800000 : f32
    %broadcast_in_dim3A_3815 = vector.broadcast %jit3A_3814 : f32 to vector<16xf32>
    %select_n3A_3816 = arith.select %eq3A_3813, %broadcast_in_dim3A_3815, %get3A_3777 : vector<16xi1>, vector<16xf32>
    %eq3A_3817 = arith.constant 2 : i32
    %eq3A_3818 = vector.broadcast %eq3A_3817 : i32 to vector<16xi32>
    %eq3A_3819 = arith.cmpi eq, %select_n3A_3804, %eq3A_3818 : vector<16xi32>
    %jit3A_3820 = arith.constant 0xFF800000 : f32
    %broadcast_in_dim3A_3821 = vector.broadcast %jit3A_3820 : f32 to vector<16xf32>
    %select_n3A_3822 = arith.select %eq3A_3819, %broadcast_in_dim3A_3821, %get3A_3782 : vector<16xi1>, vector<16xf32>
    %eq3A_3823 = arith.constant 3 : i32
    %eq3A_3824 = vector.broadcast %eq3A_3823 : i32 to vector<16xi32>
    %eq3A_3825 = arith.cmpi eq, %select_n3A_3804, %eq3A_3824 : vector<16xi32>
    %jit3A_3826 = arith.constant 0xFF800000 : f32
    %broadcast_in_dim3A_3827 = vector.broadcast %jit3A_3826 : f32 to vector<16xf32>
    %select_n3A_3828 = arith.select %eq3A_3825, %broadcast_in_dim3A_3827, %get3A_3787 : vector<16xi1>, vector<16xf32>
    %max3A_3829 = arith.maximumf %select_n3A_3810, %select_n3A_3816 : vector<16xf32>
    %max3A_3830 = arith.maximumf %select_n3A_3822, %select_n3A_3828 : vector<16xf32>
    %max3A_3831 = arith.maximumf %max3A_3829, %max3A_3830 : vector<16xf32>
    %eq3A_3832 = arith.cmpf oeq, %select_n3A_3810, %max3A_3831 : vector<16xf32>
    %eq3A_3833 = arith.cmpf oeq, %select_n3A_3816, %max3A_3831 : vector<16xf32>
    %eq3A_3834 = arith.cmpf oeq, %select_n3A_3822, %max3A_3831 : vector<16xf32>
    %jit3A_3835 = arith.constant 2 : i32
    %jit3A_3836 = arith.constant 3 : i32
    %broadcast_in_dim3A_3837 = vector.broadcast %jit3A_3835 : i32 to vector<16xi32>
    %broadcast_in_dim3A_3838 = vector.broadcast %jit3A_3836 : i32 to vector<16xi32>
    %select_n3A_3839 = arith.select %eq3A_3834, %broadcast_in_dim3A_3837, %broadcast_in_dim3A_3838 : vector<16xi1>, vector<16xi32>
    %jit3A_3840 = arith.constant 1 : i32
    %broadcast_in_dim3A_3841 = vector.broadcast %jit3A_3840 : i32 to vector<16xi32>
    %select_n3A_3842 = arith.select %eq3A_3833, %broadcast_in_dim3A_3841, %select_n3A_3839 : vector<16xi1>, vector<16xi32>
    %jit3A_3843 = arith.constant 0 : i32
    %broadcast_in_dim3A_3844 = vector.broadcast %jit3A_3843 : i32 to vector<16xi32>
    %select_n3A_3845 = arith.select %eq3A_3832, %broadcast_in_dim3A_3844, %select_n3A_3842 : vector<16xi1>, vector<16xi32>
    %sub3A_3846 = arith.subf %max3A_3831, %max3A_3790 : vector<16xf32>
    %exp3A_3847 = math.exp %sub3A_3846 : vector<16xf32>
    %add3A_3848 = arith.constant 1.000000e+00 : f32
    %add3A_3849 = vector.broadcast %add3A_3848 : f32 to vector<16xf32>
    %add3A_3850 = arith.addf %add3A_3849, %exp3A_3847 : vector<16xf32>
    %div3A_3851 = arith.constant 1.000000e+00 : f32
    %div3A_3852 = vector.broadcast %div3A_3851 : f32 to vector<16xf32>
    %div3A_3853 = arith.divf %div3A_3852, %add3A_3850 : vector<16xf32>
    %mul3A_3854 = arith.mulf %exp3A_3847, %div3A_3853 : vector<16xf32>
    %eq3A_3855 = arith.constant 0 : i32
    %eq3A_3856 = vector.broadcast %eq3A_3855 : i32 to vector<16xi32>
    %eq3A_3857 = arith.cmpi eq, %select_n3A_3804, %eq3A_3856 : vector<16xi32>
    %eq3A_3858 = arith.constant 0 : i32
    %eq3A_3859 = vector.broadcast %eq3A_3858 : i32 to vector<16xi32>
    %eq3A_3860 = arith.cmpi eq, %select_n3A_3845, %eq3A_3859 : vector<16xi32>
    %jit3A_3861 = arith.constant 0.000000e+00 : f32
    %broadcast_in_dim3A_3862 = vector.broadcast %jit3A_3861 : f32 to vector<16xf32>
    %select_n3A_3863 = arith.select %eq3A_3860, %mul3A_3854, %broadcast_in_dim3A_3862 : vector<16xi1>, vector<16xf32>
    %select_n3A_3864 = arith.select %eq3A_3857, %div3A_3853, %select_n3A_3863 : vector<16xi1>, vector<16xf32>
    %swap3A_3865 = arith.constant 0 : i32
    %swap3A_3866 = arith.index_cast %swap3A_3865 : i32 to index
    %swap3A_3867 = arith.constant 400 : index
    %swap3A_3868 = tpu.vector_load %arg5[%swap3A_3866, %swap3A_3867] {strides = array<i32>} : memref<4x512xf32, #tpu.memory_space<vmem>>, vector<1x16xf32>,
    %swap3A_3869 = vector.shape_cast %swap3A_3868 : vector<1x16xf32> to vector<16xf32>
    %swap3A_3870 = vector.shape_cast %select_n3A_3864 : vector<16xf32> to vector<1x16xf32>
    tpu.vector_store %arg5[%swap3A_3866, %swap3A_3867], %swap3A_3870 {strides = array<i32>} : memref<4x512xf32, #tpu.memory_space<vmem>>, vector<1x16xf32>,
    %eq3A_3871 = arith.constant 1 : i32
    %eq3A_3872 = vector.broadcast %eq3A_3871 : i32 to vector<16xi32>
    %eq3A_3873 = arith.cmpi eq, %select_n3A_3804, %eq3A_3872 : vector<16xi32>
    %eq3A_3874 = arith.constant 1 : i32
    %eq3A_3875 = vector.broadcast %eq3A_3874 : i32 to vector<16xi32>
    %eq3A_3876 = arith.cmpi eq, %select_n3A_3845, %eq3A_3875 : vector<16xi32>
    %jit3A_3877 = arith.constant 0.000000e+00 : f32
    %broadcast_in_dim3A_3878 = vector.broadcast %jit3A_3877 : f32 to vector<16xf32>
    %select_n3A_3879 = arith.select %eq3A_3876, %mul3A_3854, %broadcast_in_dim3A_3878 : vector<16xi1>, vector<16xf32>
    %select_n3A_3880 = arith.select %eq3A_3873, %div3A_3853, %select_n3A_3879 : vector<16xi1>, vector<16xf32>
    %swap3A_3881 = arith.constant 1 : i32
    %swap3A_3882 = arith.index_cast %swap3A_3881 : i32 to index
    %swap3A_3883 = arith.constant 400 : index
    %swap3A_3884 = tpu.vector_load %arg5[%swap3A_3882, %swap3A_3883] {strides = array<i32>} : memref<4x512xf32, #tpu.memory_space<vmem>>, vector<1x16xf32>,
    %swap3A_3885 = vector.shape_cast %swap3A_3884 : vector<1x16xf32> to vector<16xf32>
    %swap3A_3886 = vector.shape_cast %select_n3A_3880 : vector<16xf32> to vector<1x16xf32>
    tpu.vector_store %arg5[%swap3A_3882, %swap3A_3883], %swap3A_3886 {strides = array<i32>} : memref<4x512xf32, #tpu.memory_space<vmem>>, vector<1x16xf32>,
    %eq3A_3887 = arith.constant 2 : i32
    %eq3A_3888 = vector.broadcast %eq3A_3887 : i32 to vector<16xi32>
    %eq3A_3889 = arith.cmpi eq, %select_n3A_3804, %eq3A_3888 : vector<16xi32>
    %eq3A_3890 = arith.constant 2 : i32
    %eq3A_3891 = vector.broadcast %eq3A_3890 : i32 to vector<16xi32>
    %eq3A_3892 = arith.cmpi eq, %select_n3A_3845, %eq3A_3891 : vector<16xi32>
    %jit3A_3893 = arith.constant 0.000000e+00 : f32
    %broadcast_in_dim3A_3894 = vector.broadcast %jit3A_3893 : f32 to vector<16xf32>
    %select_n3A_3895 = arith.select %eq3A_3892, %mul3A_3854, %broadcast_in_dim3A_3894 : vector<16xi1>, vector<16xf32>
    %select_n3A_3896 = arith.select %eq3A_3889, %div3A_3853, %select_n3A_3895 : vector<16xi1>, vector<16xf32>
    %swap3A_3897 = arith.constant 2 : i32
    %swap3A_3898 = arith.index_cast %swap3A_3897 : i32 to index
    %swap3A_3899 = arith.constant 400 : index
    %swap3A_3900 = tpu.vector_load %arg5[%swap3A_3898, %swap3A_3899] {strides = array<i32>} : memref<4x512xf32, #tpu.memory_space<vmem>>, vector<1x16xf32>,
    %swap3A_3901 = vector.shape_cast %swap3A_3900 : vector<1x16xf32> to vector<16xf32>
    %swap3A_3902 = vector.shape_cast %select_n3A_3896 : vector<16xf32> to vector<1x16xf32>
    tpu.vector_store %arg5[%swap3A_3898, %swap3A_3899], %swap3A_3902 {strides = array<i32>} : memref<4x512xf32, #tpu.memory_space<vmem>>, vector<1x16xf32>,
    %eq3A_3903 = arith.constant 3 : i32
    %eq3A_3904 = vector.broadcast %eq3A_3903 : i32 to vector<16xi32>
    %eq3A_3905 = arith.cmpi eq, %select_n3A_3804, %eq3A_3904 : vector<16xi32>
    %eq3A_3906 = arith.constant 3 : i32
    %eq3A_3907 = vector.broadcast %eq3A_3906 : i32 to vector<16xi32>
    %eq3A_3908 = arith.cmpi eq, %select_n3A_3845, %eq3A_3907 : vector<16xi32>
    %jit3A_3909 = arith.constant 0.000000e+00 : f32
    %broadcast_in_dim3A_3910 = vector.broadcast %jit3A_3909 : f32 to vector<16xf32>
    %select_n3A_3911 = arith.select %eq3A_3908, %mul3A_3854, %broadcast_in_dim3A_3910 : vector<16xi1>, vector<16xf32>
    %select_n3A_3912 = arith.select %eq3A_3905, %div3A_3853, %select_n3A_3911 : vector<16xi1>, vector<16xf32>
    %swap3A_3913 = arith.constant 3 : i32
    %swap3A_3914 = arith.index_cast %swap3A_3913 : i32 to index
    %swap3A_3915 = arith.constant 400 : index
    %swap3A_3916 = tpu.vector_load %arg5[%swap3A_3914, %swap3A_3915] {strides = array<i32>} : memref<4x512xf32, #tpu.memory_space<vmem>>, vector<1x16xf32>,
    %swap3A_3917 = vector.shape_cast %swap3A_3916 : vector<1x16xf32> to vector<16xf32>
    %swap3A_3918 = vector.shape_cast %select_n3A_3912 : vector<16xf32> to vector<1x16xf32>
    tpu.vector_store %arg5[%swap3A_3914, %swap3A_3915], %swap3A_3918 {strides = array<i32>} : memref<4x512xf32, #tpu.memory_space<vmem>>, vector<1x16xf32>,
    %get3A_3919 = arith.constant 0 : i32
    %get3A_3920 = arith.index_cast %get3A_3919 : i32 to index
    %get3A_3921 = arith.constant 416 : index
    %get3A_3922 = tpu.vector_load %arg4[%get3A_3920, %get3A_3921] {strides = array<i32>} : memref<4x512xf32, #tpu.memory_space<vmem>>, vector<1x16xf32>,
    %get3A_3923 = vector.shape_cast %get3A_3922 : vector<1x16xf32> to vector<16xf32>
    %get3A_3924 = arith.constant 1 : i32
    %get3A_3925 = arith.index_cast %get3A_3924 : i32 to index
    %get3A_3926 = arith.constant 416 : index
    %get3A_3927 = tpu.vector_load %arg4[%get3A_3925, %get3A_3926] {strides = array<i32>} : memref<4x512xf32, #tpu.memory_space<vmem>>, vector<1x16xf32>,
    %get3A_3928 = vector.shape_cast %get3A_3927 : vector<1x16xf32> to vector<16xf32>
    %get3A_3929 = arith.constant 2 : i32
    %get3A_3930 = arith.index_cast %get3A_3929 : i32 to index
    %get3A_3931 = arith.constant 416 : index
    %get3A_3932 = tpu.vector_load %arg4[%get3A_3930, %get3A_3931] {strides = array<i32>} : memref<4x512xf32, #tpu.memory_space<vmem>>, vector<1x16xf32>,
    %get3A_3933 = vector.shape_cast %get3A_3932 : vector<1x16xf32> to vector<16xf32>
    %get3A_3934 = arith.constant 3 : i32
    %get3A_3935 = arith.index_cast %get3A_3934 : i32 to index
    %get3A_3936 = arith.constant 416 : index
    %get3A_3937 = tpu.vector_load %arg4[%get3A_3935, %get3A_3936] {strides = array<i32>} : memref<4x512xf32, #tpu.memory_space<vmem>>, vector<1x16xf32>,
    %get3A_3938 = vector.shape_cast %get3A_3937 : vector<1x16xf32> to vector<16xf32>
    %max3A_3939 = arith.maximumf %get3A_3923, %get3A_3928 : vector<16xf32>
    %max3A_3940 = arith.maximumf %get3A_3933, %get3A_3938 : vector<16xf32>
    %max3A_3941 = arith.maximumf %max3A_3939, %max3A_3940 : vector<16xf32>
    %eq3A_3942 = arith.cmpf oeq, %get3A_3923, %max3A_3941 : vector<16xf32>
    %eq3A_3943 = arith.cmpf oeq, %get3A_3928, %max3A_3941 : vector<16xf32>
    %eq3A_3944 = arith.cmpf oeq, %get3A_3933, %max3A_3941 : vector<16xf32>
    %jit3A_3945 = arith.constant 2 : i32
    %jit3A_3946 = arith.constant 3 : i32
    %broadcast_in_dim3A_3947 = vector.broadcast %jit3A_3945 : i32 to vector<16xi32>
    %broadcast_in_dim3A_3948 = vector.broadcast %jit3A_3946 : i32 to vector<16xi32>
    %select_n3A_3949 = arith.select %eq3A_3944, %broadcast_in_dim3A_3947, %broadcast_in_dim3A_3948 : vector<16xi1>, vector<16xi32>
    %jit3A_3950 = arith.constant 1 : i32
    %broadcast_in_dim3A_3951 = vector.broadcast %jit3A_3950 : i32 to vector<16xi32>
    %select_n3A_3952 = arith.select %eq3A_3943, %broadcast_in_dim3A_3951, %select_n3A_3949 : vector<16xi1>, vector<16xi32>
    %jit3A_3953 = arith.constant 0 : i32
    %broadcast_in_dim3A_3954 = vector.broadcast %jit3A_3953 : i32 to vector<16xi32>
    %select_n3A_3955 = arith.select %eq3A_3942, %broadcast_in_dim3A_3954, %select_n3A_3952 : vector<16xi1>, vector<16xi32>
    %eq3A_3956 = arith.constant 0 : i32
    %eq3A_3957 = vector.broadcast %eq3A_3956 : i32 to vector<16xi32>
    %eq3A_3958 = arith.cmpi eq, %select_n3A_3955, %eq3A_3957 : vector<16xi32>
    %jit3A_3959 = arith.constant 0xFF800000 : f32
    %broadcast_in_dim3A_3960 = vector.broadcast %jit3A_3959 : f32 to vector<16xf32>
    %select_n3A_3961 = arith.select %eq3A_3958, %broadcast_in_dim3A_3960, %get3A_3923 : vector<16xi1>, vector<16xf32>
    %eq3A_3962 = arith.constant 1 : i32
    %eq3A_3963 = vector.broadcast %eq3A_3962 : i32 to vector<16xi32>
    %eq3A_3964 = arith.cmpi eq, %select_n3A_3955, %eq3A_3963 : vector<16xi32>
    %jit3A_3965 = arith.constant 0xFF800000 : f32
    %broadcast_in_dim3A_3966 = vector.broadcast %jit3A_3965 : f32 to vector<16xf32>
    %select_n3A_3967 = arith.select %eq3A_3964, %broadcast_in_dim3A_3966, %get3A_3928 : vector<16xi1>, vector<16xf32>
    %eq3A_3968 = arith.constant 2 : i32
    %eq3A_3969 = vector.broadcast %eq3A_3968 : i32 to vector<16xi32>
    %eq3A_3970 = arith.cmpi eq, %select_n3A_3955, %eq3A_3969 : vector<16xi32>
    %jit3A_3971 = arith.constant 0xFF800000 : f32
    %broadcast_in_dim3A_3972 = vector.broadcast %jit3A_3971 : f32 to vector<16xf32>
    %select_n3A_3973 = arith.select %eq3A_3970, %broadcast_in_dim3A_3972, %get3A_3933 : vector<16xi1>, vector<16xf32>
    %eq3A_3974 = arith.constant 3 : i32
    %eq3A_3975 = vector.broadcast %eq3A_3974 : i32 to vector<16xi32>
    %eq3A_3976 = arith.cmpi eq, %select_n3A_3955, %eq3A_3975 : vector<16xi32>
    %jit3A_3977 = arith.constant 0xFF800000 : f32
    %broadcast_in_dim3A_3978 = vector.broadcast %jit3A_3977 : f32 to vector<16xf32>
    %select_n3A_3979 = arith.select %eq3A_3976, %broadcast_in_dim3A_3978, %get3A_3938 : vector<16xi1>, vector<16xf32>
    %max3A_3980 = arith.maximumf %select_n3A_3961, %select_n3A_3967 : vector<16xf32>
    %max3A_3981 = arith.maximumf %select_n3A_3973, %select_n3A_3979 : vector<16xf32>
    %max3A_3982 = arith.maximumf %max3A_3980, %max3A_3981 : vector<16xf32>
    %eq3A_3983 = arith.cmpf oeq, %select_n3A_3961, %max3A_3982 : vector<16xf32>
    %eq3A_3984 = arith.cmpf oeq, %select_n3A_3967, %max3A_3982 : vector<16xf32>
    %eq3A_3985 = arith.cmpf oeq, %select_n3A_3973, %max3A_3982 : vector<16xf32>
    %jit3A_3986 = arith.constant 2 : i32
    %jit3A_3987 = arith.constant 3 : i32
    %broadcast_in_dim3A_3988 = vector.broadcast %jit3A_3986 : i32 to vector<16xi32>
    %broadcast_in_dim3A_3989 = vector.broadcast %jit3A_3987 : i32 to vector<16xi32>
    %select_n3A_3990 = arith.select %eq3A_3985, %broadcast_in_dim3A_3988, %broadcast_in_dim3A_3989 : vector<16xi1>, vector<16xi32>
    %jit3A_3991 = arith.constant 1 : i32
    %broadcast_in_dim3A_3992 = vector.broadcast %jit3A_3991 : i32 to vector<16xi32>
    %select_n3A_3993 = arith.select %eq3A_3984, %broadcast_in_dim3A_3992, %select_n3A_3990 : vector<16xi1>, vector<16xi32>
    %jit3A_3994 = arith.constant 0 : i32
    %broadcast_in_dim3A_3995 = vector.broadcast %jit3A_3994 : i32 to vector<16xi32>
    %select_n3A_3996 = arith.select %eq3A_3983, %broadcast_in_dim3A_3995, %select_n3A_3993 : vector<16xi1>, vector<16xi32>
    %sub3A_3997 = arith.subf %max3A_3982, %max3A_3941 : vector<16xf32>
    %exp3A_3998 = math.exp %sub3A_3997 : vector<16xf32>
    %add3A_3999 = arith.constant 1.000000e+00 : f32
    %add3A_4000 = vector.broadcast %add3A_3999 : f32 to vector<16xf32>
    %add3A_4001 = arith.addf %add3A_4000, %exp3A_3998 : vector<16xf32>
    %div3A_4002 = arith.constant 1.000000e+00 : f32
    %div3A_4003 = vector.broadcast %div3A_4002 : f32 to vector<16xf32>
    %div3A_4004 = arith.divf %div3A_4003, %add3A_4001 : vector<16xf32>
    %mul3A_4005 = arith.mulf %exp3A_3998, %div3A_4004 : vector<16xf32>
    %eq3A_4006 = arith.constant 0 : i32
    %eq3A_4007 = vector.broadcast %eq3A_4006 : i32 to vector<16xi32>
    %eq3A_4008 = arith.cmpi eq, %select_n3A_3955, %eq3A_4007 : vector<16xi32>
    %eq3A_4009 = arith.constant 0 : i32
    %eq3A_4010 = vector.broadcast %eq3A_4009 : i32 to vector<16xi32>
    %eq3A_4011 = arith.cmpi eq, %select_n3A_3996, %eq3A_4010 : vector<16xi32>
    %jit3A_4012 = arith.constant 0.000000e+00 : f32
    %broadcast_in_dim3A_4013 = vector.broadcast %jit3A_4012 : f32 to vector<16xf32>
    %select_n3A_4014 = arith.select %eq3A_4011, %mul3A_4005, %broadcast_in_dim3A_4013 : vector<16xi1>, vector<16xf32>
    %select_n3A_4015 = arith.select %eq3A_4008, %div3A_4004, %select_n3A_4014 : vector<16xi1>, vector<16xf32>
    %swap3A_4016 = arith.constant 0 : i32
    %swap3A_4017 = arith.index_cast %swap3A_4016 : i32 to index
    %swap3A_4018 = arith.constant 416 : index
    %swap3A_4019 = tpu.vector_load %arg5[%swap3A_4017, %swap3A_4018] {strides = array<i32>} : memref<4x512xf32, #tpu.memory_space<vmem>>, vector<1x16xf32>,
    %swap3A_4020 = vector.shape_cast %swap3A_4019 : vector<1x16xf32> to vector<16xf32>
    %swap3A_4021 = vector.shape_cast %select_n3A_4015 : vector<16xf32> to vector<1x16xf32>
    tpu.vector_store %arg5[%swap3A_4017, %swap3A_4018], %swap3A_4021 {strides = array<i32>} : memref<4x512xf32, #tpu.memory_space<vmem>>, vector<1x16xf32>,
    %eq3A_4022 = arith.constant 1 : i32
    %eq3A_4023 = vector.broadcast %eq3A_4022 : i32 to vector<16xi32>
    %eq3A_4024 = arith.cmpi eq, %select_n3A_3955, %eq3A_4023 : vector<16xi32>
    %eq3A_4025 = arith.constant 1 : i32
    %eq3A_4026 = vector.broadcast %eq3A_4025 : i32 to vector<16xi32>
    %eq3A_4027 = arith.cmpi eq, %select_n3A_3996, %eq3A_4026 : vector<16xi32>
    %jit3A_4028 = arith.constant 0.000000e+00 : f32
    %broadcast_in_dim3A_4029 = vector.broadcast %jit3A_4028 : f32 to vector<16xf32>
    %select_n3A_4030 = arith.select %eq3A_4027, %mul3A_4005, %broadcast_in_dim3A_4029 : vector<16xi1>, vector<16xf32>
    %select_n3A_4031 = arith.select %eq3A_4024, %div3A_4004, %select_n3A_4030 : vector<16xi1>, vector<16xf32>
    %swap3A_4032 = arith.constant 1 : i32
    %swap3A_4033 = arith.index_cast %swap3A_4032 : i32 to index
    %swap3A_4034 = arith.constant 416 : index
    %swap3A_4035 = tpu.vector_load %arg5[%swap3A_4033, %swap3A_4034] {strides = array<i32>} : memref<4x512xf32, #tpu.memory_space<vmem>>, vector<1x16xf32>,
    %swap3A_4036 = vector.shape_cast %swap3A_4035 : vector<1x16xf32> to vector<16xf32>
    %swap3A_4037 = vector.shape_cast %select_n3A_4031 : vector<16xf32> to vector<1x16xf32>
    tpu.vector_store %arg5[%swap3A_4033, %swap3A_4034], %swap3A_4037 {strides = array<i32>} : memref<4x512xf32, #tpu.memory_space<vmem>>, vector<1x16xf32>,
    %eq3A_4038 = arith.constant 2 : i32
    %eq3A_4039 = vector.broadcast %eq3A_4038 : i32 to vector<16xi32>
    %eq3A_4040 = arith.cmpi eq, %select_n3A_3955, %eq3A_4039 : vector<16xi32>
    %eq3A_4041 = arith.constant 2 : i32
    %eq3A_4042 = vector.broadcast %eq3A_4041 : i32 to vector<16xi32>
    %eq3A_4043 = arith.cmpi eq, %select_n3A_3996, %eq3A_4042 : vector<16xi32>
    %jit3A_4044 = arith.constant 0.000000e+00 : f32
    %broadcast_in_dim3A_4045 = vector.broadcast %jit3A_4044 : f32 to vector<16xf32>
    %select_n3A_4046 = arith.select %eq3A_4043, %mul3A_4005, %broadcast_in_dim3A_4045 : vector<16xi1>, vector<16xf32>
    %select_n3A_4047 = arith.select %eq3A_4040, %div3A_4004, %select_n3A_4046 : vector<16xi1>, vector<16xf32>
    %swap3A_4048 = arith.constant 2 : i32
    %swap3A_4049 = arith.index_cast %swap3A_4048 : i32 to index
    %swap3A_4050 = arith.constant 416 : index
    %swap3A_4051 = tpu.vector_load %arg5[%swap3A_4049, %swap3A_4050] {strides = array<i32>} : memref<4x512xf32, #tpu.memory_space<vmem>>, vector<1x16xf32>,
    %swap3A_4052 = vector.shape_cast %swap3A_4051 : vector<1x16xf32> to vector<16xf32>
    %swap3A_4053 = vector.shape_cast %select_n3A_4047 : vector<16xf32> to vector<1x16xf32>
    tpu.vector_store %arg5[%swap3A_4049, %swap3A_4050], %swap3A_4053 {strides = array<i32>} : memref<4x512xf32, #tpu.memory_space<vmem>>, vector<1x16xf32>,
    %eq3A_4054 = arith.constant 3 : i32
    %eq3A_4055 = vector.broadcast %eq3A_4054 : i32 to vector<16xi32>
    %eq3A_4056 = arith.cmpi eq, %select_n3A_3955, %eq3A_4055 : vector<16xi32>
    %eq3A_4057 = arith.constant 3 : i32
    %eq3A_4058 = vector.broadcast %eq3A_4057 : i32 to vector<16xi32>
    %eq3A_4059 = arith.cmpi eq, %select_n3A_3996, %eq3A_4058 : vector<16xi32>
    %jit3A_4060 = arith.constant 0.000000e+00 : f32
    %broadcast_in_dim3A_4061 = vector.broadcast %jit3A_4060 : f32 to vector<16xf32>
    %select_n3A_4062 = arith.select %eq3A_4059, %mul3A_4005, %broadcast_in_dim3A_4061 : vector<16xi1>, vector<16xf32>
    %select_n3A_4063 = arith.select %eq3A_4056, %div3A_4004, %select_n3A_4062 : vector<16xi1>, vector<16xf32>
    %swap3A_4064 = arith.constant 3 : i32
    %swap3A_4065 = arith.index_cast %swap3A_4064 : i32 to index
    %swap3A_4066 = arith.constant 416 : index
    %swap3A_4067 = tpu.vector_load %arg5[%swap3A_4065, %swap3A_4066] {strides = array<i32>} : memref<4x512xf32, #tpu.memory_space<vmem>>, vector<1x16xf32>,
    %swap3A_4068 = vector.shape_cast %swap3A_4067 : vector<1x16xf32> to vector<16xf32>
    %swap3A_4069 = vector.shape_cast %select_n3A_4063 : vector<16xf32> to vector<1x16xf32>
    tpu.vector_store %arg5[%swap3A_4065, %swap3A_4066], %swap3A_4069 {strides = array<i32>} : memref<4x512xf32, #tpu.memory_space<vmem>>, vector<1x16xf32>,
    %get3A_4070 = arith.constant 0 : i32
    %get3A_4071 = arith.index_cast %get3A_4070 : i32 to index
    %get3A_4072 = arith.constant 432 : index
    %get3A_4073 = tpu.vector_load %arg4[%get3A_4071, %get3A_4072] {strides = array<i32>} : memref<4x512xf32, #tpu.memory_space<vmem>>, vector<1x16xf32>,
    %get3A_4074 = vector.shape_cast %get3A_4073 : vector<1x16xf32> to vector<16xf32>
    %get3A_4075 = arith.constant 1 : i32
    %get3A_4076 = arith.index_cast %get3A_4075 : i32 to index
    %get3A_4077 = arith.constant 432 : index
    %get3A_4078 = tpu.vector_load %arg4[%get3A_4076, %get3A_4077] {strides = array<i32>} : memref<4x512xf32, #tpu.memory_space<vmem>>, vector<1x16xf32>,
    %get3A_4079 = vector.shape_cast %get3A_4078 : vector<1x16xf32> to vector<16xf32>
    %get3A_4080 = arith.constant 2 : i32
    %get3A_4081 = arith.index_cast %get3A_4080 : i32 to index
    %get3A_4082 = arith.constant 432 : index
    %get3A_4083 = tpu.vector_load %arg4[%get3A_4081, %get3A_4082] {strides = array<i32>} : memref<4x512xf32, #tpu.memory_space<vmem>>, vector<1x16xf32>,
    %get3A_4084 = vector.shape_cast %get3A_4083 : vector<1x16xf32> to vector<16xf32>
    %get3A_4085 = arith.constant 3 : i32
    %get3A_4086 = arith.index_cast %get3A_4085 : i32 to index
    %get3A_4087 = arith.constant 432 : index
    %get3A_4088 = tpu.vector_load %arg4[%get3A_4086, %get3A_4087] {strides = array<i32>} : memref<4x512xf32, #tpu.memory_space<vmem>>, vector<1x16xf32>,
    %get3A_4089 = vector.shape_cast %get3A_4088 : vector<1x16xf32> to vector<16xf32>
    %max3A_4090 = arith.maximumf %get3A_4074, %get3A_4079 : vector<16xf32>
    %max3A_4091 = arith.maximumf %get3A_4084, %get3A_4089 : vector<16xf32>
    %max3A_4092 = arith.maximumf %max3A_4090, %max3A_4091 : vector<16xf32>
    %eq3A_4093 = arith.cmpf oeq, %get3A_4074, %max3A_4092 : vector<16xf32>
    %eq3A_4094 = arith.cmpf oeq, %get3A_4079, %max3A_4092 : vector<16xf32>
    %eq3A_4095 = arith.cmpf oeq, %get3A_4084, %max3A_4092 : vector<16xf32>
    %jit3A_4096 = arith.constant 2 : i32
    %jit3A_4097 = arith.constant 3 : i32
    %broadcast_in_dim3A_4098 = vector.broadcast %jit3A_4096 : i32 to vector<16xi32>
    %broadcast_in_dim3A_4099 = vector.broadcast %jit3A_4097 : i32 to vector<16xi32>
    %select_n3A_4100 = arith.select %eq3A_4095, %broadcast_in_dim3A_4098, %broadcast_in_dim3A_4099 : vector<16xi1>, vector<16xi32>
    %jit3A_4101 = arith.constant 1 : i32
    %broadcast_in_dim3A_4102 = vector.broadcast %jit3A_4101 : i32 to vector<16xi32>
    %select_n3A_4103 = arith.select %eq3A_4094, %broadcast_in_dim3A_4102, %select_n3A_4100 : vector<16xi1>, vector<16xi32>
    %jit3A_4104 = arith.constant 0 : i32
    %broadcast_in_dim3A_4105 = vector.broadcast %jit3A_4104 : i32 to vector<16xi32>
    %select_n3A_4106 = arith.select %eq3A_4093, %broadcast_in_dim3A_4105, %select_n3A_4103 : vector<16xi1>, vector<16xi32>
    %eq3A_4107 = arith.constant 0 : i32
    %eq3A_4108 = vector.broadcast %eq3A_4107 : i32 to vector<16xi32>
    %eq3A_4109 = arith.cmpi eq, %select_n3A_4106, %eq3A_4108 : vector<16xi32>
    %jit3A_4110 = arith.constant 0xFF800000 : f32
    %broadcast_in_dim3A_4111 = vector.broadcast %jit3A_4110 : f32 to vector<16xf32>
    %select_n3A_4112 = arith.select %eq3A_4109, %broadcast_in_dim3A_4111, %get3A_4074 : vector<16xi1>, vector<16xf32>
    %eq3A_4113 = arith.constant 1 : i32
    %eq3A_4114 = vector.broadcast %eq3A_4113 : i32 to vector<16xi32>
    %eq3A_4115 = arith.cmpi eq, %select_n3A_4106, %eq3A_4114 : vector<16xi32>
    %jit3A_4116 = arith.constant 0xFF800000 : f32
    %broadcast_in_dim3A_4117 = vector.broadcast %jit3A_4116 : f32 to vector<16xf32>
    %select_n3A_4118 = arith.select %eq3A_4115, %broadcast_in_dim3A_4117, %get3A_4079 : vector<16xi1>, vector<16xf32>
    %eq3A_4119 = arith.constant 2 : i32
    %eq3A_4120 = vector.broadcast %eq3A_4119 : i32 to vector<16xi32>
    %eq3A_4121 = arith.cmpi eq, %select_n3A_4106, %eq3A_4120 : vector<16xi32>
    %jit3A_4122 = arith.constant 0xFF800000 : f32
    %broadcast_in_dim3A_4123 = vector.broadcast %jit3A_4122 : f32 to vector<16xf32>
    %select_n3A_4124 = arith.select %eq3A_4121, %broadcast_in_dim3A_4123, %get3A_4084 : vector<16xi1>, vector<16xf32>
    %eq3A_4125 = arith.constant 3 : i32
    %eq3A_4126 = vector.broadcast %eq3A_4125 : i32 to vector<16xi32>
    %eq3A_4127 = arith.cmpi eq, %select_n3A_4106, %eq3A_4126 : vector<16xi32>
    %jit3A_4128 = arith.constant 0xFF800000 : f32
    %broadcast_in_dim3A_4129 = vector.broadcast %jit3A_4128 : f32 to vector<16xf32>
    %select_n3A_4130 = arith.select %eq3A_4127, %broadcast_in_dim3A_4129, %get3A_4089 : vector<16xi1>, vector<16xf32>
    %max3A_4131 = arith.maximumf %select_n3A_4112, %select_n3A_4118 : vector<16xf32>
    %max3A_4132 = arith.maximumf %select_n3A_4124, %select_n3A_4130 : vector<16xf32>
    %max3A_4133 = arith.maximumf %max3A_4131, %max3A_4132 : vector<16xf32>
    %eq3A_4134 = arith.cmpf oeq, %select_n3A_4112, %max3A_4133 : vector<16xf32>
    %eq3A_4135 = arith.cmpf oeq, %select_n3A_4118, %max3A_4133 : vector<16xf32>
    %eq3A_4136 = arith.cmpf oeq, %select_n3A_4124, %max3A_4133 : vector<16xf32>
    %jit3A_4137 = arith.constant 2 : i32
    %jit3A_4138 = arith.constant 3 : i32
    %broadcast_in_dim3A_4139 = vector.broadcast %jit3A_4137 : i32 to vector<16xi32>
    %broadcast_in_dim3A_4140 = vector.broadcast %jit3A_4138 : i32 to vector<16xi32>
    %select_n3A_4141 = arith.select %eq3A_4136, %broadcast_in_dim3A_4139, %broadcast_in_dim3A_4140 : vector<16xi1>, vector<16xi32>
    %jit3A_4142 = arith.constant 1 : i32
    %broadcast_in_dim3A_4143 = vector.broadcast %jit3A_4142 : i32 to vector<16xi32>
    %select_n3A_4144 = arith.select %eq3A_4135, %broadcast_in_dim3A_4143, %select_n3A_4141 : vector<16xi1>, vector<16xi32>
    %jit3A_4145 = arith.constant 0 : i32
    %broadcast_in_dim3A_4146 = vector.broadcast %jit3A_4145 : i32 to vector<16xi32>
    %select_n3A_4147 = arith.select %eq3A_4134, %broadcast_in_dim3A_4146, %select_n3A_4144 : vector<16xi1>, vector<16xi32>
    %sub3A_4148 = arith.subf %max3A_4133, %max3A_4092 : vector<16xf32>
    %exp3A_4149 = math.exp %sub3A_4148 : vector<16xf32>
    %add3A_4150 = arith.constant 1.000000e+00 : f32
    %add3A_4151 = vector.broadcast %add3A_4150 : f32 to vector<16xf32>
    %add3A_4152 = arith.addf %add3A_4151, %exp3A_4149 : vector<16xf32>
    %div3A_4153 = arith.constant 1.000000e+00 : f32
    %div3A_4154 = vector.broadcast %div3A_4153 : f32 to vector<16xf32>
    %div3A_4155 = arith.divf %div3A_4154, %add3A_4152 : vector<16xf32>
    %mul3A_4156 = arith.mulf %exp3A_4149, %div3A_4155 : vector<16xf32>
    %eq3A_4157 = arith.constant 0 : i32
    %eq3A_4158 = vector.broadcast %eq3A_4157 : i32 to vector<16xi32>
    %eq3A_4159 = arith.cmpi eq, %select_n3A_4106, %eq3A_4158 : vector<16xi32>
    %eq3A_4160 = arith.constant 0 : i32
    %eq3A_4161 = vector.broadcast %eq3A_4160 : i32 to vector<16xi32>
    %eq3A_4162 = arith.cmpi eq, %select_n3A_4147, %eq3A_4161 : vector<16xi32>
    %jit3A_4163 = arith.constant 0.000000e+00 : f32
    %broadcast_in_dim3A_4164 = vector.broadcast %jit3A_4163 : f32 to vector<16xf32>
    %select_n3A_4165 = arith.select %eq3A_4162, %mul3A_4156, %broadcast_in_dim3A_4164 : vector<16xi1>, vector<16xf32>
    %select_n3A_4166 = arith.select %eq3A_4159, %div3A_4155, %select_n3A_4165 : vector<16xi1>, vector<16xf32>
    %swap3A_4167 = arith.constant 0 : i32
    %swap3A_4168 = arith.index_cast %swap3A_4167 : i32 to index
    %swap3A_4169 = arith.constant 432 : index
    %swap3A_4170 = tpu.vector_load %arg5[%swap3A_4168, %swap3A_4169] {strides = array<i32>} : memref<4x512xf32, #tpu.memory_space<vmem>>, vector<1x16xf32>,
    %swap3A_4171 = vector.shape_cast %swap3A_4170 : vector<1x16xf32> to vector<16xf32>
    %swap3A_4172 = vector.shape_cast %select_n3A_4166 : vector<16xf32> to vector<1x16xf32>
    tpu.vector_store %arg5[%swap3A_4168, %swap3A_4169], %swap3A_4172 {strides = array<i32>} : memref<4x512xf32, #tpu.memory_space<vmem>>, vector<1x16xf32>,
    %eq3A_4173 = arith.constant 1 : i32
    %eq3A_4174 = vector.broadcast %eq3A_4173 : i32 to vector<16xi32>
    %eq3A_4175 = arith.cmpi eq, %select_n3A_4106, %eq3A_4174 : vector<16xi32>
    %eq3A_4176 = arith.constant 1 : i32
    %eq3A_4177 = vector.broadcast %eq3A_4176 : i32 to vector<16xi32>
    %eq3A_4178 = arith.cmpi eq, %select_n3A_4147, %eq3A_4177 : vector<16xi32>
    %jit3A_4179 = arith.constant 0.000000e+00 : f32
    %broadcast_in_dim3A_4180 = vector.broadcast %jit3A_4179 : f32 to vector<16xf32>
    %select_n3A_4181 = arith.select %eq3A_4178, %mul3A_4156, %broadcast_in_dim3A_4180 : vector<16xi1>, vector<16xf32>
    %select_n3A_4182 = arith.select %eq3A_4175, %div3A_4155, %select_n3A_4181 : vector<16xi1>, vector<16xf32>
    %swap3A_4183 = arith.constant 1 : i32
    %swap3A_4184 = arith.index_cast %swap3A_4183 : i32 to index
    %swap3A_4185 = arith.constant 432 : index
    %swap3A_4186 = tpu.vector_load %arg5[%swap3A_4184, %swap3A_4185] {strides = array<i32>} : memref<4x512xf32, #tpu.memory_space<vmem>>, vector<1x16xf32>,
    %swap3A_4187 = vector.shape_cast %swap3A_4186 : vector<1x16xf32> to vector<16xf32>
    %swap3A_4188 = vector.shape_cast %select_n3A_4182 : vector<16xf32> to vector<1x16xf32>
    tpu.vector_store %arg5[%swap3A_4184, %swap3A_4185], %swap3A_4188 {strides = array<i32>} : memref<4x512xf32, #tpu.memory_space<vmem>>, vector<1x16xf32>,
    %eq3A_4189 = arith.constant 2 : i32
    %eq3A_4190 = vector.broadcast %eq3A_4189 : i32 to vector<16xi32>
    %eq3A_4191 = arith.cmpi eq, %select_n3A_4106, %eq3A_4190 : vector<16xi32>
    %eq3A_4192 = arith.constant 2 : i32
    %eq3A_4193 = vector.broadcast %eq3A_4192 : i32 to vector<16xi32>
    %eq3A_4194 = arith.cmpi eq, %select_n3A_4147, %eq3A_4193 : vector<16xi32>
    %jit3A_4195 = arith.constant 0.000000e+00 : f32
    %broadcast_in_dim3A_4196 = vector.broadcast %jit3A_4195 : f32 to vector<16xf32>
    %select_n3A_4197 = arith.select %eq3A_4194, %mul3A_4156, %broadcast_in_dim3A_4196 : vector<16xi1>, vector<16xf32>
    %select_n3A_4198 = arith.select %eq3A_4191, %div3A_4155, %select_n3A_4197 : vector<16xi1>, vector<16xf32>
    %swap3A_4199 = arith.constant 2 : i32
    %swap3A_4200 = arith.index_cast %swap3A_4199 : i32 to index
    %swap3A_4201 = arith.constant 432 : index
    %swap3A_4202 = tpu.vector_load %arg5[%swap3A_4200, %swap3A_4201] {strides = array<i32>} : memref<4x512xf32, #tpu.memory_space<vmem>>, vector<1x16xf32>,
    %swap3A_4203 = vector.shape_cast %swap3A_4202 : vector<1x16xf32> to vector<16xf32>
    %swap3A_4204 = vector.shape_cast %select_n3A_4198 : vector<16xf32> to vector<1x16xf32>
    tpu.vector_store %arg5[%swap3A_4200, %swap3A_4201], %swap3A_4204 {strides = array<i32>} : memref<4x512xf32, #tpu.memory_space<vmem>>, vector<1x16xf32>,
    %eq3A_4205 = arith.constant 3 : i32
    %eq3A_4206 = vector.broadcast %eq3A_4205 : i32 to vector<16xi32>
    %eq3A_4207 = arith.cmpi eq, %select_n3A_4106, %eq3A_4206 : vector<16xi32>
    %eq3A_4208 = arith.constant 3 : i32
    %eq3A_4209 = vector.broadcast %eq3A_4208 : i32 to vector<16xi32>
    %eq3A_4210 = arith.cmpi eq, %select_n3A_4147, %eq3A_4209 : vector<16xi32>
    %jit3A_4211 = arith.constant 0.000000e+00 : f32
    %broadcast_in_dim3A_4212 = vector.broadcast %jit3A_4211 : f32 to vector<16xf32>
    %select_n3A_4213 = arith.select %eq3A_4210, %mul3A_4156, %broadcast_in_dim3A_4212 : vector<16xi1>, vector<16xf32>
    %select_n3A_4214 = arith.select %eq3A_4207, %div3A_4155, %select_n3A_4213 : vector<16xi1>, vector<16xf32>
    %swap3A_4215 = arith.constant 3 : i32
    %swap3A_4216 = arith.index_cast %swap3A_4215 : i32 to index
    %swap3A_4217 = arith.constant 432 : index
    %swap3A_4218 = tpu.vector_load %arg5[%swap3A_4216, %swap3A_4217] {strides = array<i32>} : memref<4x512xf32, #tpu.memory_space<vmem>>, vector<1x16xf32>,
    %swap3A_4219 = vector.shape_cast %swap3A_4218 : vector<1x16xf32> to vector<16xf32>
    %swap3A_4220 = vector.shape_cast %select_n3A_4214 : vector<16xf32> to vector<1x16xf32>
    tpu.vector_store %arg5[%swap3A_4216, %swap3A_4217], %swap3A_4220 {strides = array<i32>} : memref<4x512xf32, #tpu.memory_space<vmem>>, vector<1x16xf32>,
    %get3A_4221 = arith.constant 0 : i32
    %get3A_4222 = arith.index_cast %get3A_4221 : i32 to index
    %get3A_4223 = arith.constant 448 : index
    %get3A_4224 = tpu.vector_load %arg4[%get3A_4222, %get3A_4223] {strides = array<i32>} : memref<4x512xf32, #tpu.memory_space<vmem>>, vector<1x16xf32>,
    %get3A_4225 = vector.shape_cast %get3A_4224 : vector<1x16xf32> to vector<16xf32>
    %get3A_4226 = arith.constant 1 : i32
    %get3A_4227 = arith.index_cast %get3A_4226 : i32 to index
    %get3A_4228 = arith.constant 448 : index
    %get3A_4229 = tpu.vector_load %arg4[%get3A_4227, %get3A_4228] {strides = array<i32>} : memref<4x512xf32, #tpu.memory_space<vmem>>, vector<1x16xf32>,
    %get3A_4230 = vector.shape_cast %get3A_4229 : vector<1x16xf32> to vector<16xf32>
    %get3A_4231 = arith.constant 2 : i32
    %get3A_4232 = arith.index_cast %get3A_4231 : i32 to index
    %get3A_4233 = arith.constant 448 : index
    %get3A_4234 = tpu.vector_load %arg4[%get3A_4232, %get3A_4233] {strides = array<i32>} : memref<4x512xf32, #tpu.memory_space<vmem>>, vector<1x16xf32>,
    %get3A_4235 = vector.shape_cast %get3A_4234 : vector<1x16xf32> to vector<16xf32>
    %get3A_4236 = arith.constant 3 : i32
    %get3A_4237 = arith.index_cast %get3A_4236 : i32 to index
    %get3A_4238 = arith.constant 448 : index
    %get3A_4239 = tpu.vector_load %arg4[%get3A_4237, %get3A_4238] {strides = array<i32>} : memref<4x512xf32, #tpu.memory_space<vmem>>, vector<1x16xf32>,
    %get3A_4240 = vector.shape_cast %get3A_4239 : vector<1x16xf32> to vector<16xf32>
    %max3A_4241 = arith.maximumf %get3A_4225, %get3A_4230 : vector<16xf32>
    %max3A_4242 = arith.maximumf %get3A_4235, %get3A_4240 : vector<16xf32>
    %max3A_4243 = arith.maximumf %max3A_4241, %max3A_4242 : vector<16xf32>
    %eq3A_4244 = arith.cmpf oeq, %get3A_4225, %max3A_4243 : vector<16xf32>
    %eq3A_4245 = arith.cmpf oeq, %get3A_4230, %max3A_4243 : vector<16xf32>
    %eq3A_4246 = arith.cmpf oeq, %get3A_4235, %max3A_4243 : vector<16xf32>
    %jit3A_4247 = arith.constant 2 : i32
    %jit3A_4248 = arith.constant 3 : i32
    %broadcast_in_dim3A_4249 = vector.broadcast %jit3A_4247 : i32 to vector<16xi32>
    %broadcast_in_dim3A_4250 = vector.broadcast %jit3A_4248 : i32 to vector<16xi32>
    %select_n3A_4251 = arith.select %eq3A_4246, %broadcast_in_dim3A_4249, %broadcast_in_dim3A_4250 : vector<16xi1>, vector<16xi32>
    %jit3A_4252 = arith.constant 1 : i32
    %broadcast_in_dim3A_4253 = vector.broadcast %jit3A_4252 : i32 to vector<16xi32>
    %select_n3A_4254 = arith.select %eq3A_4245, %broadcast_in_dim3A_4253, %select_n3A_4251 : vector<16xi1>, vector<16xi32>
    %jit3A_4255 = arith.constant 0 : i32
    %broadcast_in_dim3A_4256 = vector.broadcast %jit3A_4255 : i32 to vector<16xi32>
    %select_n3A_4257 = arith.select %eq3A_4244, %broadcast_in_dim3A_4256, %select_n3A_4254 : vector<16xi1>, vector<16xi32>
    %eq3A_4258 = arith.constant 0 : i32
    %eq3A_4259 = vector.broadcast %eq3A_4258 : i32 to vector<16xi32>
    %eq3A_4260 = arith.cmpi eq, %select_n3A_4257, %eq3A_4259 : vector<16xi32>
    %jit3A_4261 = arith.constant 0xFF800000 : f32
    %broadcast_in_dim3A_4262 = vector.broadcast %jit3A_4261 : f32 to vector<16xf32>
    %select_n3A_4263 = arith.select %eq3A_4260, %broadcast_in_dim3A_4262, %get3A_4225 : vector<16xi1>, vector<16xf32>
    %eq3A_4264 = arith.constant 1 : i32
    %eq3A_4265 = vector.broadcast %eq3A_4264 : i32 to vector<16xi32>
    %eq3A_4266 = arith.cmpi eq, %select_n3A_4257, %eq3A_4265 : vector<16xi32>
    %jit3A_4267 = arith.constant 0xFF800000 : f32
    %broadcast_in_dim3A_4268 = vector.broadcast %jit3A_4267 : f32 to vector<16xf32>
    %select_n3A_4269 = arith.select %eq3A_4266, %broadcast_in_dim3A_4268, %get3A_4230 : vector<16xi1>, vector<16xf32>
    %eq3A_4270 = arith.constant 2 : i32
    %eq3A_4271 = vector.broadcast %eq3A_4270 : i32 to vector<16xi32>
    %eq3A_4272 = arith.cmpi eq, %select_n3A_4257, %eq3A_4271 : vector<16xi32>
    %jit3A_4273 = arith.constant 0xFF800000 : f32
    %broadcast_in_dim3A_4274 = vector.broadcast %jit3A_4273 : f32 to vector<16xf32>
    %select_n3A_4275 = arith.select %eq3A_4272, %broadcast_in_dim3A_4274, %get3A_4235 : vector<16xi1>, vector<16xf32>
    %eq3A_4276 = arith.constant 3 : i32
    %eq3A_4277 = vector.broadcast %eq3A_4276 : i32 to vector<16xi32>
    %eq3A_4278 = arith.cmpi eq, %select_n3A_4257, %eq3A_4277 : vector<16xi32>
    %jit3A_4279 = arith.constant 0xFF800000 : f32
    %broadcast_in_dim3A_4280 = vector.broadcast %jit3A_4279 : f32 to vector<16xf32>
    %select_n3A_4281 = arith.select %eq3A_4278, %broadcast_in_dim3A_4280, %get3A_4240 : vector<16xi1>, vector<16xf32>
    %max3A_4282 = arith.maximumf %select_n3A_4263, %select_n3A_4269 : vector<16xf32>
    %max3A_4283 = arith.maximumf %select_n3A_4275, %select_n3A_4281 : vector<16xf32>
    %max3A_4284 = arith.maximumf %max3A_4282, %max3A_4283 : vector<16xf32>
    %eq3A_4285 = arith.cmpf oeq, %select_n3A_4263, %max3A_4284 : vector<16xf32>
    %eq3A_4286 = arith.cmpf oeq, %select_n3A_4269, %max3A_4284 : vector<16xf32>
    %eq3A_4287 = arith.cmpf oeq, %select_n3A_4275, %max3A_4284 : vector<16xf32>
    %jit3A_4288 = arith.constant 2 : i32
    %jit3A_4289 = arith.constant 3 : i32
    %broadcast_in_dim3A_4290 = vector.broadcast %jit3A_4288 : i32 to vector<16xi32>
    %broadcast_in_dim3A_4291 = vector.broadcast %jit3A_4289 : i32 to vector<16xi32>
    %select_n3A_4292 = arith.select %eq3A_4287, %broadcast_in_dim3A_4290, %broadcast_in_dim3A_4291 : vector<16xi1>, vector<16xi32>
    %jit3A_4293 = arith.constant 1 : i32
    %broadcast_in_dim3A_4294 = vector.broadcast %jit3A_4293 : i32 to vector<16xi32>
    %select_n3A_4295 = arith.select %eq3A_4286, %broadcast_in_dim3A_4294, %select_n3A_4292 : vector<16xi1>, vector<16xi32>
    %jit3A_4296 = arith.constant 0 : i32
    %broadcast_in_dim3A_4297 = vector.broadcast %jit3A_4296 : i32 to vector<16xi32>
    %select_n3A_4298 = arith.select %eq3A_4285, %broadcast_in_dim3A_4297, %select_n3A_4295 : vector<16xi1>, vector<16xi32>
    %sub3A_4299 = arith.subf %max3A_4284, %max3A_4243 : vector<16xf32>
    %exp3A_4300 = math.exp %sub3A_4299 : vector<16xf32>
    %add3A_4301 = arith.constant 1.000000e+00 : f32
    %add3A_4302 = vector.broadcast %add3A_4301 : f32 to vector<16xf32>
    %add3A_4303 = arith.addf %add3A_4302, %exp3A_4300 : vector<16xf32>
    %div3A_4304 = arith.constant 1.000000e+00 : f32
    %div3A_4305 = vector.broadcast %div3A_4304 : f32 to vector<16xf32>
    %div3A_4306 = arith.divf %div3A_4305, %add3A_4303 : vector<16xf32>
    %mul3A_4307 = arith.mulf %exp3A_4300, %div3A_4306 : vector<16xf32>
    %eq3A_4308 = arith.constant 0 : i32
    %eq3A_4309 = vector.broadcast %eq3A_4308 : i32 to vector<16xi32>
    %eq3A_4310 = arith.cmpi eq, %select_n3A_4257, %eq3A_4309 : vector<16xi32>
    %eq3A_4311 = arith.constant 0 : i32
    %eq3A_4312 = vector.broadcast %eq3A_4311 : i32 to vector<16xi32>
    %eq3A_4313 = arith.cmpi eq, %select_n3A_4298, %eq3A_4312 : vector<16xi32>
    %jit3A_4314 = arith.constant 0.000000e+00 : f32
    %broadcast_in_dim3A_4315 = vector.broadcast %jit3A_4314 : f32 to vector<16xf32>
    %select_n3A_4316 = arith.select %eq3A_4313, %mul3A_4307, %broadcast_in_dim3A_4315 : vector<16xi1>, vector<16xf32>
    %select_n3A_4317 = arith.select %eq3A_4310, %div3A_4306, %select_n3A_4316 : vector<16xi1>, vector<16xf32>
    %swap3A_4318 = arith.constant 0 : i32
    %swap3A_4319 = arith.index_cast %swap3A_4318 : i32 to index
    %swap3A_4320 = arith.constant 448 : index
    %swap3A_4321 = tpu.vector_load %arg5[%swap3A_4319, %swap3A_4320] {strides = array<i32>} : memref<4x512xf32, #tpu.memory_space<vmem>>, vector<1x16xf32>,
    %swap3A_4322 = vector.shape_cast %swap3A_4321 : vector<1x16xf32> to vector<16xf32>
    %swap3A_4323 = vector.shape_cast %select_n3A_4317 : vector<16xf32> to vector<1x16xf32>
    tpu.vector_store %arg5[%swap3A_4319, %swap3A_4320], %swap3A_4323 {strides = array<i32>} : memref<4x512xf32, #tpu.memory_space<vmem>>, vector<1x16xf32>,
    %eq3A_4324 = arith.constant 1 : i32
    %eq3A_4325 = vector.broadcast %eq3A_4324 : i32 to vector<16xi32>
    %eq3A_4326 = arith.cmpi eq, %select_n3A_4257, %eq3A_4325 : vector<16xi32>
    %eq3A_4327 = arith.constant 1 : i32
    %eq3A_4328 = vector.broadcast %eq3A_4327 : i32 to vector<16xi32>
    %eq3A_4329 = arith.cmpi eq, %select_n3A_4298, %eq3A_4328 : vector<16xi32>
    %jit3A_4330 = arith.constant 0.000000e+00 : f32
    %broadcast_in_dim3A_4331 = vector.broadcast %jit3A_4330 : f32 to vector<16xf32>
    %select_n3A_4332 = arith.select %eq3A_4329, %mul3A_4307, %broadcast_in_dim3A_4331 : vector<16xi1>, vector<16xf32>
    %select_n3A_4333 = arith.select %eq3A_4326, %div3A_4306, %select_n3A_4332 : vector<16xi1>, vector<16xf32>
    %swap3A_4334 = arith.constant 1 : i32
    %swap3A_4335 = arith.index_cast %swap3A_4334 : i32 to index
    %swap3A_4336 = arith.constant 448 : index
    %swap3A_4337 = tpu.vector_load %arg5[%swap3A_4335, %swap3A_4336] {strides = array<i32>} : memref<4x512xf32, #tpu.memory_space<vmem>>, vector<1x16xf32>,
    %swap3A_4338 = vector.shape_cast %swap3A_4337 : vector<1x16xf32> to vector<16xf32>
    %swap3A_4339 = vector.shape_cast %select_n3A_4333 : vector<16xf32> to vector<1x16xf32>
    tpu.vector_store %arg5[%swap3A_4335, %swap3A_4336], %swap3A_4339 {strides = array<i32>} : memref<4x512xf32, #tpu.memory_space<vmem>>, vector<1x16xf32>,
    %eq3A_4340 = arith.constant 2 : i32
    %eq3A_4341 = vector.broadcast %eq3A_4340 : i32 to vector<16xi32>
    %eq3A_4342 = arith.cmpi eq, %select_n3A_4257, %eq3A_4341 : vector<16xi32>
    %eq3A_4343 = arith.constant 2 : i32
    %eq3A_4344 = vector.broadcast %eq3A_4343 : i32 to vector<16xi32>
    %eq3A_4345 = arith.cmpi eq, %select_n3A_4298, %eq3A_4344 : vector<16xi32>
    %jit3A_4346 = arith.constant 0.000000e+00 : f32
    %broadcast_in_dim3A_4347 = vector.broadcast %jit3A_4346 : f32 to vector<16xf32>
    %select_n3A_4348 = arith.select %eq3A_4345, %mul3A_4307, %broadcast_in_dim3A_4347 : vector<16xi1>, vector<16xf32>
    %select_n3A_4349 = arith.select %eq3A_4342, %div3A_4306, %select_n3A_4348 : vector<16xi1>, vector<16xf32>
    %swap3A_4350 = arith.constant 2 : i32
    %swap3A_4351 = arith.index_cast %swap3A_4350 : i32 to index
    %swap3A_4352 = arith.constant 448 : index
    %swap3A_4353 = tpu.vector_load %arg5[%swap3A_4351, %swap3A_4352] {strides = array<i32>} : memref<4x512xf32, #tpu.memory_space<vmem>>, vector<1x16xf32>,
    %swap3A_4354 = vector.shape_cast %swap3A_4353 : vector<1x16xf32> to vector<16xf32>
    %swap3A_4355 = vector.shape_cast %select_n3A_4349 : vector<16xf32> to vector<1x16xf32>
    tpu.vector_store %arg5[%swap3A_4351, %swap3A_4352], %swap3A_4355 {strides = array<i32>} : memref<4x512xf32, #tpu.memory_space<vmem>>, vector<1x16xf32>,
    %eq3A_4356 = arith.constant 3 : i32
    %eq3A_4357 = vector.broadcast %eq3A_4356 : i32 to vector<16xi32>
    %eq3A_4358 = arith.cmpi eq, %select_n3A_4257, %eq3A_4357 : vector<16xi32>
    %eq3A_4359 = arith.constant 3 : i32
    %eq3A_4360 = vector.broadcast %eq3A_4359 : i32 to vector<16xi32>
    %eq3A_4361 = arith.cmpi eq, %select_n3A_4298, %eq3A_4360 : vector<16xi32>
    %jit3A_4362 = arith.constant 0.000000e+00 : f32
    %broadcast_in_dim3A_4363 = vector.broadcast %jit3A_4362 : f32 to vector<16xf32>
    %select_n3A_4364 = arith.select %eq3A_4361, %mul3A_4307, %broadcast_in_dim3A_4363 : vector<16xi1>, vector<16xf32>
    %select_n3A_4365 = arith.select %eq3A_4358, %div3A_4306, %select_n3A_4364 : vector<16xi1>, vector<16xf32>
    %swap3A_4366 = arith.constant 3 : i32
    %swap3A_4367 = arith.index_cast %swap3A_4366 : i32 to index
    %swap3A_4368 = arith.constant 448 : index
    %swap3A_4369 = tpu.vector_load %arg5[%swap3A_4367, %swap3A_4368] {strides = array<i32>} : memref<4x512xf32, #tpu.memory_space<vmem>>, vector<1x16xf32>,
    %swap3A_4370 = vector.shape_cast %swap3A_4369 : vector<1x16xf32> to vector<16xf32>
    %swap3A_4371 = vector.shape_cast %select_n3A_4365 : vector<16xf32> to vector<1x16xf32>
    tpu.vector_store %arg5[%swap3A_4367, %swap3A_4368], %swap3A_4371 {strides = array<i32>} : memref<4x512xf32, #tpu.memory_space<vmem>>, vector<1x16xf32>,
    %get3A_4372 = arith.constant 0 : i32
    %get3A_4373 = arith.index_cast %get3A_4372 : i32 to index
    %get3A_4374 = arith.constant 464 : index
    %get3A_4375 = tpu.vector_load %arg4[%get3A_4373, %get3A_4374] {strides = array<i32>} : memref<4x512xf32, #tpu.memory_space<vmem>>, vector<1x16xf32>,
    %get3A_4376 = vector.shape_cast %get3A_4375 : vector<1x16xf32> to vector<16xf32>
    %get3A_4377 = arith.constant 1 : i32
    %get3A_4378 = arith.index_cast %get3A_4377 : i32 to index
    %get3A_4379 = arith.constant 464 : index
    %get3A_4380 = tpu.vector_load %arg4[%get3A_4378, %get3A_4379] {strides = array<i32>} : memref<4x512xf32, #tpu.memory_space<vmem>>, vector<1x16xf32>,
    %get3A_4381 = vector.shape_cast %get3A_4380 : vector<1x16xf32> to vector<16xf32>
    %get3A_4382 = arith.constant 2 : i32
    %get3A_4383 = arith.index_cast %get3A_4382 : i32 to index
    %get3A_4384 = arith.constant 464 : index
    %get3A_4385 = tpu.vector_load %arg4[%get3A_4383, %get3A_4384] {strides = array<i32>} : memref<4x512xf32, #tpu.memory_space<vmem>>, vector<1x16xf32>,
    %get3A_4386 = vector.shape_cast %get3A_4385 : vector<1x16xf32> to vector<16xf32>
    %get3A_4387 = arith.constant 3 : i32
    %get3A_4388 = arith.index_cast %get3A_4387 : i32 to index
    %get3A_4389 = arith.constant 464 : index
    %get3A_4390 = tpu.vector_load %arg4[%get3A_4388, %get3A_4389] {strides = array<i32>} : memref<4x512xf32, #tpu.memory_space<vmem>>, vector<1x16xf32>,
    %get3A_4391 = vector.shape_cast %get3A_4390 : vector<1x16xf32> to vector<16xf32>
    %max3A_4392 = arith.maximumf %get3A_4376, %get3A_4381 : vector<16xf32>
    %max3A_4393 = arith.maximumf %get3A_4386, %get3A_4391 : vector<16xf32>
    %max3A_4394 = arith.maximumf %max3A_4392, %max3A_4393 : vector<16xf32>
    %eq3A_4395 = arith.cmpf oeq, %get3A_4376, %max3A_4394 : vector<16xf32>
    %eq3A_4396 = arith.cmpf oeq, %get3A_4381, %max3A_4394 : vector<16xf32>
    %eq3A_4397 = arith.cmpf oeq, %get3A_4386, %max3A_4394 : vector<16xf32>
    %jit3A_4398 = arith.constant 2 : i32
    %jit3A_4399 = arith.constant 3 : i32
    %broadcast_in_dim3A_4400 = vector.broadcast %jit3A_4398 : i32 to vector<16xi32>
    %broadcast_in_dim3A_4401 = vector.broadcast %jit3A_4399 : i32 to vector<16xi32>
    %select_n3A_4402 = arith.select %eq3A_4397, %broadcast_in_dim3A_4400, %broadcast_in_dim3A_4401 : vector<16xi1>, vector<16xi32>
    %jit3A_4403 = arith.constant 1 : i32
    %broadcast_in_dim3A_4404 = vector.broadcast %jit3A_4403 : i32 to vector<16xi32>
    %select_n3A_4405 = arith.select %eq3A_4396, %broadcast_in_dim3A_4404, %select_n3A_4402 : vector<16xi1>, vector<16xi32>
    %jit3A_4406 = arith.constant 0 : i32
    %broadcast_in_dim3A_4407 = vector.broadcast %jit3A_4406 : i32 to vector<16xi32>
    %select_n3A_4408 = arith.select %eq3A_4395, %broadcast_in_dim3A_4407, %select_n3A_4405 : vector<16xi1>, vector<16xi32>
    %eq3A_4409 = arith.constant 0 : i32
    %eq3A_4410 = vector.broadcast %eq3A_4409 : i32 to vector<16xi32>
    %eq3A_4411 = arith.cmpi eq, %select_n3A_4408, %eq3A_4410 : vector<16xi32>
    %jit3A_4412 = arith.constant 0xFF800000 : f32
    %broadcast_in_dim3A_4413 = vector.broadcast %jit3A_4412 : f32 to vector<16xf32>
    %select_n3A_4414 = arith.select %eq3A_4411, %broadcast_in_dim3A_4413, %get3A_4376 : vector<16xi1>, vector<16xf32>
    %eq3A_4415 = arith.constant 1 : i32
    %eq3A_4416 = vector.broadcast %eq3A_4415 : i32 to vector<16xi32>
    %eq3A_4417 = arith.cmpi eq, %select_n3A_4408, %eq3A_4416 : vector<16xi32>
    %jit3A_4418 = arith.constant 0xFF800000 : f32
    %broadcast_in_dim3A_4419 = vector.broadcast %jit3A_4418 : f32 to vector<16xf32>
    %select_n3A_4420 = arith.select %eq3A_4417, %broadcast_in_dim3A_4419, %get3A_4381 : vector<16xi1>, vector<16xf32>
    %eq3A_4421 = arith.constant 2 : i32
    %eq3A_4422 = vector.broadcast %eq3A_4421 : i32 to vector<16xi32>
    %eq3A_4423 = arith.cmpi eq, %select_n3A_4408, %eq3A_4422 : vector<16xi32>
    %jit3A_4424 = arith.constant 0xFF800000 : f32
    %broadcast_in_dim3A_4425 = vector.broadcast %jit3A_4424 : f32 to vector<16xf32>
    %select_n3A_4426 = arith.select %eq3A_4423, %broadcast_in_dim3A_4425, %get3A_4386 : vector<16xi1>, vector<16xf32>
    %eq3A_4427 = arith.constant 3 : i32
    %eq3A_4428 = vector.broadcast %eq3A_4427 : i32 to vector<16xi32>
    %eq3A_4429 = arith.cmpi eq, %select_n3A_4408, %eq3A_4428 : vector<16xi32>
    %jit3A_4430 = arith.constant 0xFF800000 : f32
    %broadcast_in_dim3A_4431 = vector.broadcast %jit3A_4430 : f32 to vector<16xf32>
    %select_n3A_4432 = arith.select %eq3A_4429, %broadcast_in_dim3A_4431, %get3A_4391 : vector<16xi1>, vector<16xf32>
    %max3A_4433 = arith.maximumf %select_n3A_4414, %select_n3A_4420 : vector<16xf32>
    %max3A_4434 = arith.maximumf %select_n3A_4426, %select_n3A_4432 : vector<16xf32>
    %max3A_4435 = arith.maximumf %max3A_4433, %max3A_4434 : vector<16xf32>
    %eq3A_4436 = arith.cmpf oeq, %select_n3A_4414, %max3A_4435 : vector<16xf32>
    %eq3A_4437 = arith.cmpf oeq, %select_n3A_4420, %max3A_4435 : vector<16xf32>
    %eq3A_4438 = arith.cmpf oeq, %select_n3A_4426, %max3A_4435 : vector<16xf32>
    %jit3A_4439 = arith.constant 2 : i32
    %jit3A_4440 = arith.constant 3 : i32
    %broadcast_in_dim3A_4441 = vector.broadcast %jit3A_4439 : i32 to vector<16xi32>
    %broadcast_in_dim3A_4442 = vector.broadcast %jit3A_4440 : i32 to vector<16xi32>
    %select_n3A_4443 = arith.select %eq3A_4438, %broadcast_in_dim3A_4441, %broadcast_in_dim3A_4442 : vector<16xi1>, vector<16xi32>
    %jit3A_4444 = arith.constant 1 : i32
    %broadcast_in_dim3A_4445 = vector.broadcast %jit3A_4444 : i32 to vector<16xi32>
    %select_n3A_4446 = arith.select %eq3A_4437, %broadcast_in_dim3A_4445, %select_n3A_4443 : vector<16xi1>, vector<16xi32>
    %jit3A_4447 = arith.constant 0 : i32
    %broadcast_in_dim3A_4448 = vector.broadcast %jit3A_4447 : i32 to vector<16xi32>
    %select_n3A_4449 = arith.select %eq3A_4436, %broadcast_in_dim3A_4448, %select_n3A_4446 : vector<16xi1>, vector<16xi32>
    %sub3A_4450 = arith.subf %max3A_4435, %max3A_4394 : vector<16xf32>
    %exp3A_4451 = math.exp %sub3A_4450 : vector<16xf32>
    %add3A_4452 = arith.constant 1.000000e+00 : f32
    %add3A_4453 = vector.broadcast %add3A_4452 : f32 to vector<16xf32>
    %add3A_4454 = arith.addf %add3A_4453, %exp3A_4451 : vector<16xf32>
    %div3A_4455 = arith.constant 1.000000e+00 : f32
    %div3A_4456 = vector.broadcast %div3A_4455 : f32 to vector<16xf32>
    %div3A_4457 = arith.divf %div3A_4456, %add3A_4454 : vector<16xf32>
    %mul3A_4458 = arith.mulf %exp3A_4451, %div3A_4457 : vector<16xf32>
    %eq3A_4459 = arith.constant 0 : i32
    %eq3A_4460 = vector.broadcast %eq3A_4459 : i32 to vector<16xi32>
    %eq3A_4461 = arith.cmpi eq, %select_n3A_4408, %eq3A_4460 : vector<16xi32>
    %eq3A_4462 = arith.constant 0 : i32
    %eq3A_4463 = vector.broadcast %eq3A_4462 : i32 to vector<16xi32>
    %eq3A_4464 = arith.cmpi eq, %select_n3A_4449, %eq3A_4463 : vector<16xi32>
    %jit3A_4465 = arith.constant 0.000000e+00 : f32
    %broadcast_in_dim3A_4466 = vector.broadcast %jit3A_4465 : f32 to vector<16xf32>
    %select_n3A_4467 = arith.select %eq3A_4464, %mul3A_4458, %broadcast_in_dim3A_4466 : vector<16xi1>, vector<16xf32>
    %select_n3A_4468 = arith.select %eq3A_4461, %div3A_4457, %select_n3A_4467 : vector<16xi1>, vector<16xf32>
    %swap3A_4469 = arith.constant 0 : i32
    %swap3A_4470 = arith.index_cast %swap3A_4469 : i32 to index
    %swap3A_4471 = arith.constant 464 : index
    %swap3A_4472 = tpu.vector_load %arg5[%swap3A_4470, %swap3A_4471] {strides = array<i32>} : memref<4x512xf32, #tpu.memory_space<vmem>>, vector<1x16xf32>,
    %swap3A_4473 = vector.shape_cast %swap3A_4472 : vector<1x16xf32> to vector<16xf32>
    %swap3A_4474 = vector.shape_cast %select_n3A_4468 : vector<16xf32> to vector<1x16xf32>
    tpu.vector_store %arg5[%swap3A_4470, %swap3A_4471], %swap3A_4474 {strides = array<i32>} : memref<4x512xf32, #tpu.memory_space<vmem>>, vector<1x16xf32>,
    %eq3A_4475 = arith.constant 1 : i32
    %eq3A_4476 = vector.broadcast %eq3A_4475 : i32 to vector<16xi32>
    %eq3A_4477 = arith.cmpi eq, %select_n3A_4408, %eq3A_4476 : vector<16xi32>
    %eq3A_4478 = arith.constant 1 : i32
    %eq3A_4479 = vector.broadcast %eq3A_4478 : i32 to vector<16xi32>
    %eq3A_4480 = arith.cmpi eq, %select_n3A_4449, %eq3A_4479 : vector<16xi32>
    %jit3A_4481 = arith.constant 0.000000e+00 : f32
    %broadcast_in_dim3A_4482 = vector.broadcast %jit3A_4481 : f32 to vector<16xf32>
    %select_n3A_4483 = arith.select %eq3A_4480, %mul3A_4458, %broadcast_in_dim3A_4482 : vector<16xi1>, vector<16xf32>
    %select_n3A_4484 = arith.select %eq3A_4477, %div3A_4457, %select_n3A_4483 : vector<16xi1>, vector<16xf32>
    %swap3A_4485 = arith.constant 1 : i32
    %swap3A_4486 = arith.index_cast %swap3A_4485 : i32 to index
    %swap3A_4487 = arith.constant 464 : index
    %swap3A_4488 = tpu.vector_load %arg5[%swap3A_4486, %swap3A_4487] {strides = array<i32>} : memref<4x512xf32, #tpu.memory_space<vmem>>, vector<1x16xf32>,
    %swap3A_4489 = vector.shape_cast %swap3A_4488 : vector<1x16xf32> to vector<16xf32>
    %swap3A_4490 = vector.shape_cast %select_n3A_4484 : vector<16xf32> to vector<1x16xf32>
    tpu.vector_store %arg5[%swap3A_4486, %swap3A_4487], %swap3A_4490 {strides = array<i32>} : memref<4x512xf32, #tpu.memory_space<vmem>>, vector<1x16xf32>,
    %eq3A_4491 = arith.constant 2 : i32
    %eq3A_4492 = vector.broadcast %eq3A_4491 : i32 to vector<16xi32>
    %eq3A_4493 = arith.cmpi eq, %select_n3A_4408, %eq3A_4492 : vector<16xi32>
    %eq3A_4494 = arith.constant 2 : i32
    %eq3A_4495 = vector.broadcast %eq3A_4494 : i32 to vector<16xi32>
    %eq3A_4496 = arith.cmpi eq, %select_n3A_4449, %eq3A_4495 : vector<16xi32>
    %jit3A_4497 = arith.constant 0.000000e+00 : f32
    %broadcast_in_dim3A_4498 = vector.broadcast %jit3A_4497 : f32 to vector<16xf32>
    %select_n3A_4499 = arith.select %eq3A_4496, %mul3A_4458, %broadcast_in_dim3A_4498 : vector<16xi1>, vector<16xf32>
    %select_n3A_4500 = arith.select %eq3A_4493, %div3A_4457, %select_n3A_4499 : vector<16xi1>, vector<16xf32>
    %swap3A_4501 = arith.constant 2 : i32
    %swap3A_4502 = arith.index_cast %swap3A_4501 : i32 to index
    %swap3A_4503 = arith.constant 464 : index
    %swap3A_4504 = tpu.vector_load %arg5[%swap3A_4502, %swap3A_4503] {strides = array<i32>} : memref<4x512xf32, #tpu.memory_space<vmem>>, vector<1x16xf32>,
    %swap3A_4505 = vector.shape_cast %swap3A_4504 : vector<1x16xf32> to vector<16xf32>
    %swap3A_4506 = vector.shape_cast %select_n3A_4500 : vector<16xf32> to vector<1x16xf32>
    tpu.vector_store %arg5[%swap3A_4502, %swap3A_4503], %swap3A_4506 {strides = array<i32>} : memref<4x512xf32, #tpu.memory_space<vmem>>, vector<1x16xf32>,
    %eq3A_4507 = arith.constant 3 : i32
    %eq3A_4508 = vector.broadcast %eq3A_4507 : i32 to vector<16xi32>
    %eq3A_4509 = arith.cmpi eq, %select_n3A_4408, %eq3A_4508 : vector<16xi32>
    %eq3A_4510 = arith.constant 3 : i32
    %eq3A_4511 = vector.broadcast %eq3A_4510 : i32 to vector<16xi32>
    %eq3A_4512 = arith.cmpi eq, %select_n3A_4449, %eq3A_4511 : vector<16xi32>
    %jit3A_4513 = arith.constant 0.000000e+00 : f32
    %broadcast_in_dim3A_4514 = vector.broadcast %jit3A_4513 : f32 to vector<16xf32>
    %select_n3A_4515 = arith.select %eq3A_4512, %mul3A_4458, %broadcast_in_dim3A_4514 : vector<16xi1>, vector<16xf32>
    %select_n3A_4516 = arith.select %eq3A_4509, %div3A_4457, %select_n3A_4515 : vector<16xi1>, vector<16xf32>
    %swap3A_4517 = arith.constant 3 : i32
    %swap3A_4518 = arith.index_cast %swap3A_4517 : i32 to index
    %swap3A_4519 = arith.constant 464 : index
    %swap3A_4520 = tpu.vector_load %arg5[%swap3A_4518, %swap3A_4519] {strides = array<i32>} : memref<4x512xf32, #tpu.memory_space<vmem>>, vector<1x16xf32>,
    %swap3A_4521 = vector.shape_cast %swap3A_4520 : vector<1x16xf32> to vector<16xf32>
    %swap3A_4522 = vector.shape_cast %select_n3A_4516 : vector<16xf32> to vector<1x16xf32>
    tpu.vector_store %arg5[%swap3A_4518, %swap3A_4519], %swap3A_4522 {strides = array<i32>} : memref<4x512xf32, #tpu.memory_space<vmem>>, vector<1x16xf32>,
    %get3A_4523 = arith.constant 0 : i32
    %get3A_4524 = arith.index_cast %get3A_4523 : i32 to index
    %get3A_4525 = arith.constant 480 : index
    %get3A_4526 = tpu.vector_load %arg4[%get3A_4524, %get3A_4525] {strides = array<i32>} : memref<4x512xf32, #tpu.memory_space<vmem>>, vector<1x16xf32>,
    %get3A_4527 = vector.shape_cast %get3A_4526 : vector<1x16xf32> to vector<16xf32>
    %get3A_4528 = arith.constant 1 : i32
    %get3A_4529 = arith.index_cast %get3A_4528 : i32 to index
    %get3A_4530 = arith.constant 480 : index
    %get3A_4531 = tpu.vector_load %arg4[%get3A_4529, %get3A_4530] {strides = array<i32>} : memref<4x512xf32, #tpu.memory_space<vmem>>, vector<1x16xf32>,
    %get3A_4532 = vector.shape_cast %get3A_4531 : vector<1x16xf32> to vector<16xf32>
    %get3A_4533 = arith.constant 2 : i32
    %get3A_4534 = arith.index_cast %get3A_4533 : i32 to index
    %get3A_4535 = arith.constant 480 : index
    %get3A_4536 = tpu.vector_load %arg4[%get3A_4534, %get3A_4535] {strides = array<i32>} : memref<4x512xf32, #tpu.memory_space<vmem>>, vector<1x16xf32>,
    %get3A_4537 = vector.shape_cast %get3A_4536 : vector<1x16xf32> to vector<16xf32>
    %get3A_4538 = arith.constant 3 : i32
    %get3A_4539 = arith.index_cast %get3A_4538 : i32 to index
    %get3A_4540 = arith.constant 480 : index
    %get3A_4541 = tpu.vector_load %arg4[%get3A_4539, %get3A_4540] {strides = array<i32>} : memref<4x512xf32, #tpu.memory_space<vmem>>, vector<1x16xf32>,
    %get3A_4542 = vector.shape_cast %get3A_4541 : vector<1x16xf32> to vector<16xf32>
    %max3A_4543 = arith.maximumf %get3A_4527, %get3A_4532 : vector<16xf32>
    %max3A_4544 = arith.maximumf %get3A_4537, %get3A_4542 : vector<16xf32>
    %max3A_4545 = arith.maximumf %max3A_4543, %max3A_4544 : vector<16xf32>
    %eq3A_4546 = arith.cmpf oeq, %get3A_4527, %max3A_4545 : vector<16xf32>
    %eq3A_4547 = arith.cmpf oeq, %get3A_4532, %max3A_4545 : vector<16xf32>
    %eq3A_4548 = arith.cmpf oeq, %get3A_4537, %max3A_4545 : vector<16xf32>
    %jit3A_4549 = arith.constant 2 : i32
    %jit3A_4550 = arith.constant 3 : i32
    %broadcast_in_dim3A_4551 = vector.broadcast %jit3A_4549 : i32 to vector<16xi32>
    %broadcast_in_dim3A_4552 = vector.broadcast %jit3A_4550 : i32 to vector<16xi32>
    %select_n3A_4553 = arith.select %eq3A_4548, %broadcast_in_dim3A_4551, %broadcast_in_dim3A_4552 : vector<16xi1>, vector<16xi32>
    %jit3A_4554 = arith.constant 1 : i32
    %broadcast_in_dim3A_4555 = vector.broadcast %jit3A_4554 : i32 to vector<16xi32>
    %select_n3A_4556 = arith.select %eq3A_4547, %broadcast_in_dim3A_4555, %select_n3A_4553 : vector<16xi1>, vector<16xi32>
    %jit3A_4557 = arith.constant 0 : i32
    %broadcast_in_dim3A_4558 = vector.broadcast %jit3A_4557 : i32 to vector<16xi32>
    %select_n3A_4559 = arith.select %eq3A_4546, %broadcast_in_dim3A_4558, %select_n3A_4556 : vector<16xi1>, vector<16xi32>
    %eq3A_4560 = arith.constant 0 : i32
    %eq3A_4561 = vector.broadcast %eq3A_4560 : i32 to vector<16xi32>
    %eq3A_4562 = arith.cmpi eq, %select_n3A_4559, %eq3A_4561 : vector<16xi32>
    %jit3A_4563 = arith.constant 0xFF800000 : f32
    %broadcast_in_dim3A_4564 = vector.broadcast %jit3A_4563 : f32 to vector<16xf32>
    %select_n3A_4565 = arith.select %eq3A_4562, %broadcast_in_dim3A_4564, %get3A_4527 : vector<16xi1>, vector<16xf32>
    %eq3A_4566 = arith.constant 1 : i32
    %eq3A_4567 = vector.broadcast %eq3A_4566 : i32 to vector<16xi32>
    %eq3A_4568 = arith.cmpi eq, %select_n3A_4559, %eq3A_4567 : vector<16xi32>
    %jit3A_4569 = arith.constant 0xFF800000 : f32
    %broadcast_in_dim3A_4570 = vector.broadcast %jit3A_4569 : f32 to vector<16xf32>
    %select_n3A_4571 = arith.select %eq3A_4568, %broadcast_in_dim3A_4570, %get3A_4532 : vector<16xi1>, vector<16xf32>
    %eq3A_4572 = arith.constant 2 : i32
    %eq3A_4573 = vector.broadcast %eq3A_4572 : i32 to vector<16xi32>
    %eq3A_4574 = arith.cmpi eq, %select_n3A_4559, %eq3A_4573 : vector<16xi32>
    %jit3A_4575 = arith.constant 0xFF800000 : f32
    %broadcast_in_dim3A_4576 = vector.broadcast %jit3A_4575 : f32 to vector<16xf32>
    %select_n3A_4577 = arith.select %eq3A_4574, %broadcast_in_dim3A_4576, %get3A_4537 : vector<16xi1>, vector<16xf32>
    %eq3A_4578 = arith.constant 3 : i32
    %eq3A_4579 = vector.broadcast %eq3A_4578 : i32 to vector<16xi32>
    %eq3A_4580 = arith.cmpi eq, %select_n3A_4559, %eq3A_4579 : vector<16xi32>
    %jit3A_4581 = arith.constant 0xFF800000 : f32
    %broadcast_in_dim3A_4582 = vector.broadcast %jit3A_4581 : f32 to vector<16xf32>
    %select_n3A_4583 = arith.select %eq3A_4580, %broadcast_in_dim3A_4582, %get3A_4542 : vector<16xi1>, vector<16xf32>
    %max3A_4584 = arith.maximumf %select_n3A_4565, %select_n3A_4571 : vector<16xf32>
    %max3A_4585 = arith.maximumf %select_n3A_4577, %select_n3A_4583 : vector<16xf32>
    %max3A_4586 = arith.maximumf %max3A_4584, %max3A_4585 : vector<16xf32>
    %eq3A_4587 = arith.cmpf oeq, %select_n3A_4565, %max3A_4586 : vector<16xf32>
    %eq3A_4588 = arith.cmpf oeq, %select_n3A_4571, %max3A_4586 : vector<16xf32>
    %eq3A_4589 = arith.cmpf oeq, %select_n3A_4577, %max3A_4586 : vector<16xf32>
    %jit3A_4590 = arith.constant 2 : i32
    %jit3A_4591 = arith.constant 3 : i32
    %broadcast_in_dim3A_4592 = vector.broadcast %jit3A_4590 : i32 to vector<16xi32>
    %broadcast_in_dim3A_4593 = vector.broadcast %jit3A_4591 : i32 to vector<16xi32>
    %select_n3A_4594 = arith.select %eq3A_4589, %broadcast_in_dim3A_4592, %broadcast_in_dim3A_4593 : vector<16xi1>, vector<16xi32>
    %jit3A_4595 = arith.constant 1 : i32
    %broadcast_in_dim3A_4596 = vector.broadcast %jit3A_4595 : i32 to vector<16xi32>
    %select_n3A_4597 = arith.select %eq3A_4588, %broadcast_in_dim3A_4596, %select_n3A_4594 : vector<16xi1>, vector<16xi32>
    %jit3A_4598 = arith.constant 0 : i32
    %broadcast_in_dim3A_4599 = vector.broadcast %jit3A_4598 : i32 to vector<16xi32>
    %select_n3A_4600 = arith.select %eq3A_4587, %broadcast_in_dim3A_4599, %select_n3A_4597 : vector<16xi1>, vector<16xi32>
    %sub3A_4601 = arith.subf %max3A_4586, %max3A_4545 : vector<16xf32>
    %exp3A_4602 = math.exp %sub3A_4601 : vector<16xf32>
    %add3A_4603 = arith.constant 1.000000e+00 : f32
    %add3A_4604 = vector.broadcast %add3A_4603 : f32 to vector<16xf32>
    %add3A_4605 = arith.addf %add3A_4604, %exp3A_4602 : vector<16xf32>
    %div3A_4606 = arith.constant 1.000000e+00 : f32
    %div3A_4607 = vector.broadcast %div3A_4606 : f32 to vector<16xf32>
    %div3A_4608 = arith.divf %div3A_4607, %add3A_4605 : vector<16xf32>
    %mul3A_4609 = arith.mulf %exp3A_4602, %div3A_4608 : vector<16xf32>
    %eq3A_4610 = arith.constant 0 : i32
    %eq3A_4611 = vector.broadcast %eq3A_4610 : i32 to vector<16xi32>
    %eq3A_4612 = arith.cmpi eq, %select_n3A_4559, %eq3A_4611 : vector<16xi32>
    %eq3A_4613 = arith.constant 0 : i32
    %eq3A_4614 = vector.broadcast %eq3A_4613 : i32 to vector<16xi32>
    %eq3A_4615 = arith.cmpi eq, %select_n3A_4600, %eq3A_4614 : vector<16xi32>
    %jit3A_4616 = arith.constant 0.000000e+00 : f32
    %broadcast_in_dim3A_4617 = vector.broadcast %jit3A_4616 : f32 to vector<16xf32>
    %select_n3A_4618 = arith.select %eq3A_4615, %mul3A_4609, %broadcast_in_dim3A_4617 : vector<16xi1>, vector<16xf32>
    %select_n3A_4619 = arith.select %eq3A_4612, %div3A_4608, %select_n3A_4618 : vector<16xi1>, vector<16xf32>
    %swap3A_4620 = arith.constant 0 : i32
    %swap3A_4621 = arith.index_cast %swap3A_4620 : i32 to index
    %swap3A_4622 = arith.constant 480 : index
    %swap3A_4623 = tpu.vector_load %arg5[%swap3A_4621, %swap3A_4622] {strides = array<i32>} : memref<4x512xf32, #tpu.memory_space<vmem>>, vector<1x16xf32>,
    %swap3A_4624 = vector.shape_cast %swap3A_4623 : vector<1x16xf32> to vector<16xf32>
    %swap3A_4625 = vector.shape_cast %select_n3A_4619 : vector<16xf32> to vector<1x16xf32>
    tpu.vector_store %arg5[%swap3A_4621, %swap3A_4622], %swap3A_4625 {strides = array<i32>} : memref<4x512xf32, #tpu.memory_space<vmem>>, vector<1x16xf32>,
    %eq3A_4626 = arith.constant 1 : i32
    %eq3A_4627 = vector.broadcast %eq3A_4626 : i32 to vector<16xi32>
    %eq3A_4628 = arith.cmpi eq, %select_n3A_4559, %eq3A_4627 : vector<16xi32>
    %eq3A_4629 = arith.constant 1 : i32
    %eq3A_4630 = vector.broadcast %eq3A_4629 : i32 to vector<16xi32>
    %eq3A_4631 = arith.cmpi eq, %select_n3A_4600, %eq3A_4630 : vector<16xi32>
    %jit3A_4632 = arith.constant 0.000000e+00 : f32
    %broadcast_in_dim3A_4633 = vector.broadcast %jit3A_4632 : f32 to vector<16xf32>
    %select_n3A_4634 = arith.select %eq3A_4631, %mul3A_4609, %broadcast_in_dim3A_4633 : vector<16xi1>, vector<16xf32>
    %select_n3A_4635 = arith.select %eq3A_4628, %div3A_4608, %select_n3A_4634 : vector<16xi1>, vector<16xf32>
    %swap3A_4636 = arith.constant 1 : i32
    %swap3A_4637 = arith.index_cast %swap3A_4636 : i32 to index
    %swap3A_4638 = arith.constant 480 : index
    %swap3A_4639 = tpu.vector_load %arg5[%swap3A_4637, %swap3A_4638] {strides = array<i32>} : memref<4x512xf32, #tpu.memory_space<vmem>>, vector<1x16xf32>,
    %swap3A_4640 = vector.shape_cast %swap3A_4639 : vector<1x16xf32> to vector<16xf32>
    %swap3A_4641 = vector.shape_cast %select_n3A_4635 : vector<16xf32> to vector<1x16xf32>
    tpu.vector_store %arg5[%swap3A_4637, %swap3A_4638], %swap3A_4641 {strides = array<i32>} : memref<4x512xf32, #tpu.memory_space<vmem>>, vector<1x16xf32>,
    %eq3A_4642 = arith.constant 2 : i32
    %eq3A_4643 = vector.broadcast %eq3A_4642 : i32 to vector<16xi32>
    %eq3A_4644 = arith.cmpi eq, %select_n3A_4559, %eq3A_4643 : vector<16xi32>
    %eq3A_4645 = arith.constant 2 : i32
    %eq3A_4646 = vector.broadcast %eq3A_4645 : i32 to vector<16xi32>
    %eq3A_4647 = arith.cmpi eq, %select_n3A_4600, %eq3A_4646 : vector<16xi32>
    %jit3A_4648 = arith.constant 0.000000e+00 : f32
    %broadcast_in_dim3A_4649 = vector.broadcast %jit3A_4648 : f32 to vector<16xf32>
    %select_n3A_4650 = arith.select %eq3A_4647, %mul3A_4609, %broadcast_in_dim3A_4649 : vector<16xi1>, vector<16xf32>
    %select_n3A_4651 = arith.select %eq3A_4644, %div3A_4608, %select_n3A_4650 : vector<16xi1>, vector<16xf32>
    %swap3A_4652 = arith.constant 2 : i32
    %swap3A_4653 = arith.index_cast %swap3A_4652 : i32 to index
    %swap3A_4654 = arith.constant 480 : index
    %swap3A_4655 = tpu.vector_load %arg5[%swap3A_4653, %swap3A_4654] {strides = array<i32>} : memref<4x512xf32, #tpu.memory_space<vmem>>, vector<1x16xf32>,
    %swap3A_4656 = vector.shape_cast %swap3A_4655 : vector<1x16xf32> to vector<16xf32>
    %swap3A_4657 = vector.shape_cast %select_n3A_4651 : vector<16xf32> to vector<1x16xf32>
    tpu.vector_store %arg5[%swap3A_4653, %swap3A_4654], %swap3A_4657 {strides = array<i32>} : memref<4x512xf32, #tpu.memory_space<vmem>>, vector<1x16xf32>,
    %eq3A_4658 = arith.constant 3 : i32
    %eq3A_4659 = vector.broadcast %eq3A_4658 : i32 to vector<16xi32>
    %eq3A_4660 = arith.cmpi eq, %select_n3A_4559, %eq3A_4659 : vector<16xi32>
    %eq3A_4661 = arith.constant 3 : i32
    %eq3A_4662 = vector.broadcast %eq3A_4661 : i32 to vector<16xi32>
    %eq3A_4663 = arith.cmpi eq, %select_n3A_4600, %eq3A_4662 : vector<16xi32>
    %jit3A_4664 = arith.constant 0.000000e+00 : f32
    %broadcast_in_dim3A_4665 = vector.broadcast %jit3A_4664 : f32 to vector<16xf32>
    %select_n3A_4666 = arith.select %eq3A_4663, %mul3A_4609, %broadcast_in_dim3A_4665 : vector<16xi1>, vector<16xf32>
    %select_n3A_4667 = arith.select %eq3A_4660, %div3A_4608, %select_n3A_4666 : vector<16xi1>, vector<16xf32>
    %swap3A_4668 = arith.constant 3 : i32
    %swap3A_4669 = arith.index_cast %swap3A_4668 : i32 to index
    %swap3A_4670 = arith.constant 480 : index
    %swap3A_4671 = tpu.vector_load %arg5[%swap3A_4669, %swap3A_4670] {strides = array<i32>} : memref<4x512xf32, #tpu.memory_space<vmem>>, vector<1x16xf32>,
    %swap3A_4672 = vector.shape_cast %swap3A_4671 : vector<1x16xf32> to vector<16xf32>
    %swap3A_4673 = vector.shape_cast %select_n3A_4667 : vector<16xf32> to vector<1x16xf32>
    tpu.vector_store %arg5[%swap3A_4669, %swap3A_4670], %swap3A_4673 {strides = array<i32>} : memref<4x512xf32, #tpu.memory_space<vmem>>, vector<1x16xf32>,
    %get3A_4674 = arith.constant 0 : i32
    %get3A_4675 = arith.index_cast %get3A_4674 : i32 to index
    %get3A_4676 = arith.constant 496 : index
    %get3A_4677 = tpu.vector_load %arg4[%get3A_4675, %get3A_4676] {strides = array<i32>} : memref<4x512xf32, #tpu.memory_space<vmem>>, vector<1x16xf32>,
    %get3A_4678 = vector.shape_cast %get3A_4677 : vector<1x16xf32> to vector<16xf32>
    %get3A_4679 = arith.constant 1 : i32
    %get3A_4680 = arith.index_cast %get3A_4679 : i32 to index
    %get3A_4681 = arith.constant 496 : index
    %get3A_4682 = tpu.vector_load %arg4[%get3A_4680, %get3A_4681] {strides = array<i32>} : memref<4x512xf32, #tpu.memory_space<vmem>>, vector<1x16xf32>,
    %get3A_4683 = vector.shape_cast %get3A_4682 : vector<1x16xf32> to vector<16xf32>
    %get3A_4684 = arith.constant 2 : i32
    %get3A_4685 = arith.index_cast %get3A_4684 : i32 to index
    %get3A_4686 = arith.constant 496 : index
    %get3A_4687 = tpu.vector_load %arg4[%get3A_4685, %get3A_4686] {strides = array<i32>} : memref<4x512xf32, #tpu.memory_space<vmem>>, vector<1x16xf32>,
    %get3A_4688 = vector.shape_cast %get3A_4687 : vector<1x16xf32> to vector<16xf32>
    %get3A_4689 = arith.constant 3 : i32
    %get3A_4690 = arith.index_cast %get3A_4689 : i32 to index
    %get3A_4691 = arith.constant 496 : index
    %get3A_4692 = tpu.vector_load %arg4[%get3A_4690, %get3A_4691] {strides = array<i32>} : memref<4x512xf32, #tpu.memory_space<vmem>>, vector<1x16xf32>,
    %get3A_4693 = vector.shape_cast %get3A_4692 : vector<1x16xf32> to vector<16xf32>
    %max3A_4694 = arith.maximumf %get3A_4678, %get3A_4683 : vector<16xf32>
    %max3A_4695 = arith.maximumf %get3A_4688, %get3A_4693 : vector<16xf32>
    %max3A_4696 = arith.maximumf %max3A_4694, %max3A_4695 : vector<16xf32>
    %eq3A_4697 = arith.cmpf oeq, %get3A_4678, %max3A_4696 : vector<16xf32>
    %eq3A_4698 = arith.cmpf oeq, %get3A_4683, %max3A_4696 : vector<16xf32>
    %eq3A_4699 = arith.cmpf oeq, %get3A_4688, %max3A_4696 : vector<16xf32>
    %jit3A_4700 = arith.constant 2 : i32
    %jit3A_4701 = arith.constant 3 : i32
    %broadcast_in_dim3A_4702 = vector.broadcast %jit3A_4700 : i32 to vector<16xi32>
    %broadcast_in_dim3A_4703 = vector.broadcast %jit3A_4701 : i32 to vector<16xi32>
    %select_n3A_4704 = arith.select %eq3A_4699, %broadcast_in_dim3A_4702, %broadcast_in_dim3A_4703 : vector<16xi1>, vector<16xi32>
    %jit3A_4705 = arith.constant 1 : i32
    %broadcast_in_dim3A_4706 = vector.broadcast %jit3A_4705 : i32 to vector<16xi32>
    %select_n3A_4707 = arith.select %eq3A_4698, %broadcast_in_dim3A_4706, %select_n3A_4704 : vector<16xi1>, vector<16xi32>
    %jit3A_4708 = arith.constant 0 : i32
    %broadcast_in_dim3A_4709 = vector.broadcast %jit3A_4708 : i32 to vector<16xi32>
    %select_n3A_4710 = arith.select %eq3A_4697, %broadcast_in_dim3A_4709, %select_n3A_4707 : vector<16xi1>, vector<16xi32>
    %eq3A_4711 = arith.constant 0 : i32
    %eq3A_4712 = vector.broadcast %eq3A_4711 : i32 to vector<16xi32>
    %eq3A_4713 = arith.cmpi eq, %select_n3A_4710, %eq3A_4712 : vector<16xi32>
    %jit3A_4714 = arith.constant 0xFF800000 : f32
    %broadcast_in_dim3A_4715 = vector.broadcast %jit3A_4714 : f32 to vector<16xf32>
    %select_n3A_4716 = arith.select %eq3A_4713, %broadcast_in_dim3A_4715, %get3A_4678 : vector<16xi1>, vector<16xf32>
    %eq3A_4717 = arith.constant 1 : i32
    %eq3A_4718 = vector.broadcast %eq3A_4717 : i32 to vector<16xi32>
    %eq3A_4719 = arith.cmpi eq, %select_n3A_4710, %eq3A_4718 : vector<16xi32>
    %jit3A_4720 = arith.constant 0xFF800000 : f32
    %broadcast_in_dim3A_4721 = vector.broadcast %jit3A_4720 : f32 to vector<16xf32>
    %select_n3A_4722 = arith.select %eq3A_4719, %broadcast_in_dim3A_4721, %get3A_4683 : vector<16xi1>, vector<16xf32>
    %eq3A_4723 = arith.constant 2 : i32
    %eq3A_4724 = vector.broadcast %eq3A_4723 : i32 to vector<16xi32>
    %eq3A_4725 = arith.cmpi eq, %select_n3A_4710, %eq3A_4724 : vector<16xi32>
    %jit3A_4726 = arith.constant 0xFF800000 : f32
    %broadcast_in_dim3A_4727 = vector.broadcast %jit3A_4726 : f32 to vector<16xf32>
    %select_n3A_4728 = arith.select %eq3A_4725, %broadcast_in_dim3A_4727, %get3A_4688 : vector<16xi1>, vector<16xf32>
    %eq3A_4729 = arith.constant 3 : i32
    %eq3A_4730 = vector.broadcast %eq3A_4729 : i32 to vector<16xi32>
    %eq3A_4731 = arith.cmpi eq, %select_n3A_4710, %eq3A_4730 : vector<16xi32>
    %jit3A_4732 = arith.constant 0xFF800000 : f32
    %broadcast_in_dim3A_4733 = vector.broadcast %jit3A_4732 : f32 to vector<16xf32>
    %select_n3A_4734 = arith.select %eq3A_4731, %broadcast_in_dim3A_4733, %get3A_4693 : vector<16xi1>, vector<16xf32>
    %max3A_4735 = arith.maximumf %select_n3A_4716, %select_n3A_4722 : vector<16xf32>
    %max3A_4736 = arith.maximumf %select_n3A_4728, %select_n3A_4734 : vector<16xf32>
    %max3A_4737 = arith.maximumf %max3A_4735, %max3A_4736 : vector<16xf32>
    %eq3A_4738 = arith.cmpf oeq, %select_n3A_4716, %max3A_4737 : vector<16xf32>
    %eq3A_4739 = arith.cmpf oeq, %select_n3A_4722, %max3A_4737 : vector<16xf32>
    %eq3A_4740 = arith.cmpf oeq, %select_n3A_4728, %max3A_4737 : vector<16xf32>
    %jit3A_4741 = arith.constant 2 : i32
    %jit3A_4742 = arith.constant 3 : i32
    %broadcast_in_dim3A_4743 = vector.broadcast %jit3A_4741 : i32 to vector<16xi32>
    %broadcast_in_dim3A_4744 = vector.broadcast %jit3A_4742 : i32 to vector<16xi32>
    %select_n3A_4745 = arith.select %eq3A_4740, %broadcast_in_dim3A_4743, %broadcast_in_dim3A_4744 : vector<16xi1>, vector<16xi32>
    %jit3A_4746 = arith.constant 1 : i32
    %broadcast_in_dim3A_4747 = vector.broadcast %jit3A_4746 : i32 to vector<16xi32>
    %select_n3A_4748 = arith.select %eq3A_4739, %broadcast_in_dim3A_4747, %select_n3A_4745 : vector<16xi1>, vector<16xi32>
    %jit3A_4749 = arith.constant 0 : i32
    %broadcast_in_dim3A_4750 = vector.broadcast %jit3A_4749 : i32 to vector<16xi32>
    %select_n3A_4751 = arith.select %eq3A_4738, %broadcast_in_dim3A_4750, %select_n3A_4748 : vector<16xi1>, vector<16xi32>
    %sub3A_4752 = arith.subf %max3A_4737, %max3A_4696 : vector<16xf32>
    %exp3A_4753 = math.exp %sub3A_4752 : vector<16xf32>
    %add3A_4754 = arith.constant 1.000000e+00 : f32
    %add3A_4755 = vector.broadcast %add3A_4754 : f32 to vector<16xf32>
    %add3A_4756 = arith.addf %add3A_4755, %exp3A_4753 : vector<16xf32>
    %div3A_4757 = arith.constant 1.000000e+00 : f32
    %div3A_4758 = vector.broadcast %div3A_4757 : f32 to vector<16xf32>
    %div3A_4759 = arith.divf %div3A_4758, %add3A_4756 : vector<16xf32>
    %mul3A_4760 = arith.mulf %exp3A_4753, %div3A_4759 : vector<16xf32>
    %eq3A_4761 = arith.constant 0 : i32
    %eq3A_4762 = vector.broadcast %eq3A_4761 : i32 to vector<16xi32>
    %eq3A_4763 = arith.cmpi eq, %select_n3A_4710, %eq3A_4762 : vector<16xi32>
    %eq3A_4764 = arith.constant 0 : i32
    %eq3A_4765 = vector.broadcast %eq3A_4764 : i32 to vector<16xi32>
    %eq3A_4766 = arith.cmpi eq, %select_n3A_4751, %eq3A_4765 : vector<16xi32>
    %jit3A_4767 = arith.constant 0.000000e+00 : f32
    %broadcast_in_dim3A_4768 = vector.broadcast %jit3A_4767 : f32 to vector<16xf32>
    %select_n3A_4769 = arith.select %eq3A_4766, %mul3A_4760, %broadcast_in_dim3A_4768 : vector<16xi1>, vector<16xf32>
    %select_n3A_4770 = arith.select %eq3A_4763, %div3A_4759, %select_n3A_4769 : vector<16xi1>, vector<16xf32>
    %swap3A_4771 = arith.constant 0 : i32
    %swap3A_4772 = arith.index_cast %swap3A_4771 : i32 to index
    %swap3A_4773 = arith.constant 496 : index
    %swap3A_4774 = tpu.vector_load %arg5[%swap3A_4772, %swap3A_4773] {strides = array<i32>} : memref<4x512xf32, #tpu.memory_space<vmem>>, vector<1x16xf32>,
    %swap3A_4775 = vector.shape_cast %swap3A_4774 : vector<1x16xf32> to vector<16xf32>
    %swap3A_4776 = vector.shape_cast %select_n3A_4770 : vector<16xf32> to vector<1x16xf32>
    tpu.vector_store %arg5[%swap3A_4772, %swap3A_4773], %swap3A_4776 {strides = array<i32>} : memref<4x512xf32, #tpu.memory_space<vmem>>, vector<1x16xf32>,
    %eq3A_4777 = arith.constant 1 : i32
    %eq3A_4778 = vector.broadcast %eq3A_4777 : i32 to vector<16xi32>
    %eq3A_4779 = arith.cmpi eq, %select_n3A_4710, %eq3A_4778 : vector<16xi32>
    %eq3A_4780 = arith.constant 1 : i32
    %eq3A_4781 = vector.broadcast %eq3A_4780 : i32 to vector<16xi32>
    %eq3A_4782 = arith.cmpi eq, %select_n3A_4751, %eq3A_4781 : vector<16xi32>
    %jit3A_4783 = arith.constant 0.000000e+00 : f32
    %broadcast_in_dim3A_4784 = vector.broadcast %jit3A_4783 : f32 to vector<16xf32>
    %select_n3A_4785 = arith.select %eq3A_4782, %mul3A_4760, %broadcast_in_dim3A_4784 : vector<16xi1>, vector<16xf32>
    %select_n3A_4786 = arith.select %eq3A_4779, %div3A_4759, %select_n3A_4785 : vector<16xi1>, vector<16xf32>
    %swap3A_4787 = arith.constant 1 : i32
    %swap3A_4788 = arith.index_cast %swap3A_4787 : i32 to index
    %swap3A_4789 = arith.constant 496 : index
    %swap3A_4790 = tpu.vector_load %arg5[%swap3A_4788, %swap3A_4789] {strides = array<i32>} : memref<4x512xf32, #tpu.memory_space<vmem>>, vector<1x16xf32>,
    %swap3A_4791 = vector.shape_cast %swap3A_4790 : vector<1x16xf32> to vector<16xf32>
    %swap3A_4792 = vector.shape_cast %select_n3A_4786 : vector<16xf32> to vector<1x16xf32>
    tpu.vector_store %arg5[%swap3A_4788, %swap3A_4789], %swap3A_4792 {strides = array<i32>} : memref<4x512xf32, #tpu.memory_space<vmem>>, vector<1x16xf32>,
    %eq3A_4793 = arith.constant 2 : i32
    %eq3A_4794 = vector.broadcast %eq3A_4793 : i32 to vector<16xi32>
    %eq3A_4795 = arith.cmpi eq, %select_n3A_4710, %eq3A_4794 : vector<16xi32>
    %eq3A_4796 = arith.constant 2 : i32
    %eq3A_4797 = vector.broadcast %eq3A_4796 : i32 to vector<16xi32>
    %eq3A_4798 = arith.cmpi eq, %select_n3A_4751, %eq3A_4797 : vector<16xi32>
    %jit3A_4799 = arith.constant 0.000000e+00 : f32
    %broadcast_in_dim3A_4800 = vector.broadcast %jit3A_4799 : f32 to vector<16xf32>
    %select_n3A_4801 = arith.select %eq3A_4798, %mul3A_4760, %broadcast_in_dim3A_4800 : vector<16xi1>, vector<16xf32>
    %select_n3A_4802 = arith.select %eq3A_4795, %div3A_4759, %select_n3A_4801 : vector<16xi1>, vector<16xf32>
    %swap3A_4803 = arith.constant 2 : i32
    %swap3A_4804 = arith.index_cast %swap3A_4803 : i32 to index
    %swap3A_4805 = arith.constant 496 : index
    %swap3A_4806 = tpu.vector_load %arg5[%swap3A_4804, %swap3A_4805] {strides = array<i32>} : memref<4x512xf32, #tpu.memory_space<vmem>>, vector<1x16xf32>,
    %swap3A_4807 = vector.shape_cast %swap3A_4806 : vector<1x16xf32> to vector<16xf32>
    %swap3A_4808 = vector.shape_cast %select_n3A_4802 : vector<16xf32> to vector<1x16xf32>
    tpu.vector_store %arg5[%swap3A_4804, %swap3A_4805], %swap3A_4808 {strides = array<i32>} : memref<4x512xf32, #tpu.memory_space<vmem>>, vector<1x16xf32>,
    %eq3A_4809 = arith.constant 3 : i32
    %eq3A_4810 = vector.broadcast %eq3A_4809 : i32 to vector<16xi32>
    %eq3A_4811 = arith.cmpi eq, %select_n3A_4710, %eq3A_4810 : vector<16xi32>
    %eq3A_4812 = arith.constant 3 : i32
    %eq3A_4813 = vector.broadcast %eq3A_4812 : i32 to vector<16xi32>
    %eq3A_4814 = arith.cmpi eq, %select_n3A_4751, %eq3A_4813 : vector<16xi32>
    %jit3A_4815 = arith.constant 0.000000e+00 : f32
    %broadcast_in_dim3A_4816 = vector.broadcast %jit3A_4815 : f32 to vector<16xf32>
    %select_n3A_4817 = arith.select %eq3A_4814, %mul3A_4760, %broadcast_in_dim3A_4816 : vector<16xi1>, vector<16xf32>
    %select_n3A_4818 = arith.select %eq3A_4811, %div3A_4759, %select_n3A_4817 : vector<16xi1>, vector<16xf32>
    %swap3A_4819 = arith.constant 3 : i32
    %swap3A_4820 = arith.index_cast %swap3A_4819 : i32 to index
    %swap3A_4821 = arith.constant 496 : index
    %swap3A_4822 = tpu.vector_load %arg5[%swap3A_4820, %swap3A_4821] {strides = array<i32>} : memref<4x512xf32, #tpu.memory_space<vmem>>, vector<1x16xf32>,
    %swap3A_4823 = vector.shape_cast %swap3A_4822 : vector<1x16xf32> to vector<16xf32>
    %swap3A_4824 = vector.shape_cast %select_n3A_4818 : vector<16xf32> to vector<1x16xf32>
    tpu.vector_store %arg5[%swap3A_4820, %swap3A_4821], %swap3A_4824 {strides = array<i32>} : memref<4x512xf32, #tpu.memory_space<vmem>>, vector<1x16xf32>,
    "tpu.region"() ({
      %run_scoped3A = tpu.sem_alloc : memref<!tpu.dma_semaphore, #tpu.memory_space<semaphore_mem>>
      %dma_start3A = arith.constant 0 : i32
      %dma_start3A_4825 = tpu.memref_slice %arg3[%dma_start3A, %mul3A_2] : memref<8x16384xf32, #tpu.memory_space<hbm>> -> memref<4x512xf32, #tpu.memory_space<hbm>>
      %dma_start3A_4826 = arith.constant 0 : i32
      %dma_start3A_4827 = tpu.memref_slice %arg3[%dma_start3A_4826, %mul3A_2] : memref<8x16384xf32, #tpu.memory_space<hbm>> -> memref<4x512xf32, #tpu.memory_space<hbm>>
      tpu.enqueue_dma source(%arg5 : memref<4x512xf32, #tpu.memory_space<vmem>>) target(%dma_start3A_4827 : memref<4x512xf32, #tpu.memory_space<hbm>>) target_semaphore(%run_scoped3A : memref<!tpu.dma_semaphore, #tpu.memory_space<semaphore_mem>>)
      %dma_wait3A = arith.constant 0 : i32
      %dma_wait3A_4828 = tpu.memref_slice %arg3[%dma_wait3A, %mul3A_2] : memref<8x16384xf32, #tpu.memory_space<hbm>> -> memref<4x512xf32, #tpu.memory_space<hbm>>
      %dma_wait3A_4829 = arith.constant 0 : i32
      %dma_wait3A_4830 = tpu.memref_slice %arg3[%dma_wait3A_4829, %mul3A_2] : memref<8x16384xf32, #tpu.memory_space<hbm>> -> memref<4x512xf32, #tpu.memory_space<hbm>>
      tpu.wait_dma2 semaphore(%run_scoped3A : memref<!tpu.dma_semaphore, #tpu.memory_space<semaphore_mem>>) src(%arg5 : memref<4x512xf32, #tpu.memory_space<vmem>>) dst(%dma_wait3A_4830 : memref<4x512xf32, #tpu.memory_space<hbm>>)
      tpu.yield
    }) : () -> ()
    return
  }
}

module attributes {stable_mosaic.version = 14 : i64} {
  func.func @_logits_body(%arg0: i32, %arg1: memref<8192x256xf32, #tpu.memory_space<vmem>>, %arg2: memref<8x256xf32, #tpu.memory_space<vmem>>, %arg3: memref<8x8192xf32, #tpu.memory_space<vmem>>) attributes {dimension_semantics = [#tpu.dimension_semantics<parallel>], iteration_bounds = array<i64: 2>, scalar_prefetch = 0 : i64, scratch_operands = 0 : i64, tpu.core_type = #tpu.core_type<tc>, window_params = [{transform_indices = @transform_0, window_bounds = array<i64: 8192, 256>}, {pipeline_mode = #tpu.pipeline_mode<synchronous>, transform_indices = @transform_1, window_bounds = array<i64: 8, 256>}, {transform_indices = @transform_2, window_bounds = array<i64: 8, 8192>}]} {
    %get3A = arith.constant 0 : index
    %get3A_0 = arith.constant 0 : index
    %get3A_1 = vector.load %arg2[%get3A, %get3A_0] : memref<8x256xf32, #tpu.memory_space<vmem>>, vector<8x256xf32>
    %get3A_2 = arith.constant 0 : index
    %get3A_3 = arith.constant 0 : index
    %get3A_4 = vector.load %arg1[%get3A_2, %get3A_3] : memref<8192x256xf32, #tpu.memory_space<vmem>>, vector<8192x256xf32>
    %dot_general3A = arith.constant dense<0.000000e+00> : vector<8x8192xf32>
    %dot_general3A_5 = tpu.matmul %get3A_1, %get3A_4, %dot_general3A {dimension_numbers = #tpu.dot_dimension_numbers<[1], [1], [0], [0], [0, 0, 1, 0], [], []>, transpose_lhs_hint = false} : vector<8x256xf32>, vector<8192x256xf32>, vector<8x8192xf32> -> vector<8x8192xf32>
    %swap3A = arith.constant 0 : index
    %swap3A_6 = arith.constant 0 : index
    %swap3A_7 = vector.load %arg3[%swap3A, %swap3A_6] : memref<8x8192xf32, #tpu.memory_space<vmem>>, vector<8x8192xf32>
    tpu.vector_store %arg3[%swap3A, %swap3A_6], %dot_general3A_5 {strides = array<i32>} : memref<8x8192xf32, #tpu.memory_space<vmem>>, vector<8x8192xf32>,
    return
  }
  func.func @transform_0(%arg0: i32) -> (i32, i32) {
    %c0_i32 = arith.constant 0 : i32
    %c0_i32_0 = arith.constant 0 : i32
    return %arg0, %c0_i32 : i32, i32
  }
  func.func @transform_1(%arg0: i32) -> (i32, i32) {
    %c0_i32 = arith.constant 0 : i32
    %c0_i32_0 = arith.constant 0 : i32
    %c0_i32_1 = arith.constant 0 : i32
    return %c0_i32, %c0_i32_0 : i32, i32
  }
  func.func @transform_2(%arg0: i32) -> (i32, i32) {
    %c0_i32 = arith.constant 0 : i32
    %c0_i32_0 = arith.constant 0 : i32
    return %c0_i32, %arg0 : i32, i32
  }
}

module attributes {stable_mosaic.version = 14 : i64} {
  func.func @_moe_body(%arg0: i32, %arg1: memref<2048x256xf32, #tpu.memory_space<vmem>>, %arg2: memref<8x2048xf32, #tpu.memory_space<vmem>>, %arg3: memref<512x256xf32, #tpu.memory_space<vmem>>, %arg4: memref<1x512xf32, #tpu.memory_space<vmem>>, %arg5: memref<4x128x128xf32, #tpu.memory_space<vmem>>, %arg6: memref<4x128xf32, #tpu.memory_space<vmem>>, %arg7: memref<4x128x128xf32, #tpu.memory_space<vmem>>, %arg8: memref<4x128xf32, #tpu.memory_space<vmem>>, %arg9: memref<128x256xf32, #tpu.memory_space<vmem>>, %arg10: memref<1x128xf32, #tpu.memory_space<vmem>>, %arg11: memref<128x128xf32, #tpu.memory_space<vmem>>, %arg12: memref<1x128xf32, #tpu.memory_space<vmem>>, %arg13: memref<128x128xf32, #tpu.memory_space<vmem>>, %arg14: memref<1x128xf32, #tpu.memory_space<vmem>>, %arg15: memref<2048x128xf32, #tpu.memory_space<vmem>>) attributes {dimension_semantics = [#tpu.dimension_semantics<parallel>], iteration_bounds = array<i64: 8>, scalar_prefetch = 0 : i64, scratch_operands = 0 : i64, tpu.core_type = #tpu.core_type<tc>, window_params = [{transform_indices = @transform_0, window_bounds = array<i64: 2048, 256>}, {transform_indices = @transform_1, window_bounds = array<i64: 8, 2048>}, {pipeline_mode = #tpu.pipeline_mode<synchronous>, transform_indices = @transform_2, window_bounds = array<i64: 512, 256>}, {pipeline_mode = #tpu.pipeline_mode<synchronous>, transform_indices = @transform_3, window_bounds = array<i64: 1, 512>}, {pipeline_mode = #tpu.pipeline_mode<synchronous>, transform_indices = @transform_4, window_bounds = array<i64: 4, 128, 128>}, {pipeline_mode = #tpu.pipeline_mode<synchronous>, transform_indices = @transform_5, window_bounds = array<i64: 4, 128>}, {pipeline_mode = #tpu.pipeline_mode<synchronous>, transform_indices = @transform_6, window_bounds = array<i64: 4, 128, 128>}, {pipeline_mode = #tpu.pipeline_mode<synchronous>, transform_indices = @transform_7, window_bounds = array<i64: 4, 128>}, {pipeline_mode = #tpu.pipeline_mode<synchronous>, transform_indices = @transform_8, window_bounds = array<i64: 128, 256>}, {pipeline_mode = #tpu.pipeline_mode<synchronous>, transform_indices = @transform_9, window_bounds = array<i64: 1, 128>}, {pipeline_mode = #tpu.pipeline_mode<synchronous>, transform_indices = @transform_10, window_bounds = array<i64: 128, 128>}, {pipeline_mode = #tpu.pipeline_mode<synchronous>, transform_indices = @transform_11, window_bounds = array<i64: 1, 128>}, {pipeline_mode = #tpu.pipeline_mode<synchronous>, transform_indices = @transform_12, window_bounds = array<i64: 128, 128>}, {pipeline_mode = #tpu.pipeline_mode<synchronous>, transform_indices = @transform_13, window_bounds = array<i64: 1, 128>}, {transform_indices = @transform_14, window_bounds = array<i64: 2048, 128>}]} {
    %get3A = arith.constant 0 : index
    %get3A_0 = arith.constant 0 : index
    %get3A_1 = vector.load %arg1[%get3A, %get3A_0] : memref<2048x256xf32, #tpu.memory_space<vmem>>, vector<2048x256xf32>
    %get3A_2 = arith.constant 0 : index
    %get3A_3 = arith.constant 0 : index
    %get3A_4 = vector.load %arg2[%get3A_2, %get3A_3] : memref<8x2048xf32, #tpu.memory_space<vmem>>, vector<8x2048xf32>
    %transpose3A = tpu.transpose %get3A_4, [1, 0] : vector<8x2048xf32> -> vector<2048x8xf32>
    %get3A_5 = arith.constant 0 : index
    %get3A_6 = arith.constant 0 : index
    %get3A_7 = vector.load %arg3[%get3A_5, %get3A_6] : memref<512x256xf32, #tpu.memory_space<vmem>>, vector<512x256xf32>
    %dot_general3A = arith.constant dense<0.000000e+00> : vector<2048x512xf32>
    %dot_general3A_8 = tpu.matmul %get3A_1, %get3A_7, %dot_general3A {dimension_numbers = #tpu.dot_dimension_numbers<[1], [1], [0], [0], [0, 0, 1, 0], [], []>, transpose_lhs_hint = false} : vector<2048x256xf32>, vector<512x256xf32>, vector<2048x512xf32> -> vector<2048x512xf32>
    %get3A_9 = arith.constant 0 : index
    %get3A_10 = arith.constant 0 : index
    %get3A_11 = vector.load %arg4[%get3A_9, %get3A_10] : memref<1x512xf32, #tpu.memory_space<vmem>>, vector<1x512xf32>
    %add3A = vector.broadcast %get3A_11 : vector<1x512xf32> to vector<2048x512xf32>
    %add3A_12 = arith.addf %dot_general3A_8, %add3A : vector<2048x512xf32>
    %max3A = arith.constant 0.000000e+00 : f32
    %max3A_13 = vector.broadcast %max3A : f32 to vector<2048x512xf32>
    %max3A_14 = arith.maximumf %add3A_12, %max3A_13 : vector<2048x512xf32>
    %get3A_15 = arith.constant 0 : index
    %get3A_16 = arith.constant 0 : index
    %get3A_17 = vector.load %arg9[%get3A_15, %get3A_16] : memref<128x256xf32, #tpu.memory_space<vmem>>, vector<128x256xf32>
    %dot_general3A_18 = arith.constant dense<0.000000e+00> : vector<2048x128xf32>
    %dot_general3A_19 = tpu.matmul %get3A_1, %get3A_17, %dot_general3A_18 {dimension_numbers = #tpu.dot_dimension_numbers<[1], [1], [0], [0], [0, 0, 1, 0], [], []>, transpose_lhs_hint = false} : vector<2048x256xf32>, vector<128x256xf32>, vector<2048x128xf32> -> vector<2048x128xf32>
    %get3A_20 = arith.constant 0 : index
    %get3A_21 = arith.constant 0 : index
    %get3A_22 = vector.load %arg10[%get3A_20, %get3A_21] : memref<1x128xf32, #tpu.memory_space<vmem>>, vector<1x128xf32>
    %add3A_23 = vector.broadcast %get3A_22 : vector<1x128xf32> to vector<2048x128xf32>
    %add3A_24 = arith.addf %dot_general3A_19, %add3A_23 : vector<2048x128xf32>
    %max3A_25 = arith.constant 0.000000e+00 : f32
    %max3A_26 = vector.broadcast %max3A_25 : f32 to vector<2048x128xf32>
    %max3A_27 = arith.maximumf %add3A_24, %max3A_26 : vector<2048x128xf32>
    %broadcast_in_dim3A = arith.constant 0.000000e+00 : f32
    %broadcast_in_dim3A_28 = vector.broadcast %broadcast_in_dim3A : f32 to vector<2048x128xf32>
    %slice3A = vector.extract_strided_slice %max3A_14 {offsets = [0, 0], sizes = [2048, 128], strides = [1, 1]} : vector<2048x512xf32> to vector<2048x128xf32>
    %get3A_29 = arith.constant 0 : index
    %get3A_30 = arith.constant 0 : index
    %get3A_31 = arith.constant 0 : index
    %get3A_32 = vector.load %arg5[%get3A_29, %get3A_30, %get3A_31] : memref<4x128x128xf32, #tpu.memory_space<vmem>>, vector<1x128x128xf32>
    %get3A_33 = vector.shape_cast %get3A_32 : vector<1x128x128xf32> to vector<128x128xf32>
    %mul3A = arith.constant 0.999994993 : f32
    %mul3A_34 = vector.broadcast %mul3A : f32 to vector<128x128xf32>
    %mul3A_35 = arith.mulf %get3A_33, %mul3A_34 : vector<128x128xf32>
    %dot_general3A_36 = arith.constant dense<0.000000e+00> : vector<2048x128xf32>
    %dot_general3A_37 = tpu.matmul %slice3A, %mul3A_35, %dot_general3A_36 {dimension_numbers = #tpu.dot_dimension_numbers<[1], [1], [0], [0], [0, 0, 1, 0], [], []>, transpose_lhs_hint = false} : vector<2048x128xf32>, vector<128x128xf32>, vector<2048x128xf32> -> vector<2048x128xf32>
    %get3A_38 = arith.constant 0 : index
    %get3A_39 = arith.constant 0 : index
    %get3A_40 = vector.load %arg6[%get3A_38, %get3A_39] : memref<4x128xf32, #tpu.memory_space<vmem>>, vector<1x128xf32>
    %get3A_41 = vector.shape_cast %get3A_40 : vector<1x128xf32> to vector<128xf32>
    %broadcast_in_dim3A_42 = vector.shape_cast %get3A_41 : vector<128xf32> to vector<1x128xf32>
    %add3A_43 = vector.broadcast %broadcast_in_dim3A_42 : vector<1x128xf32> to vector<2048x128xf32>
    %add3A_44 = arith.addf %dot_general3A_37, %add3A_43 : vector<2048x128xf32>
    %max3A_45 = arith.constant 0.000000e+00 : f32
    %max3A_46 = vector.broadcast %max3A_45 : f32 to vector<2048x128xf32>
    %max3A_47 = arith.maximumf %add3A_44, %max3A_46 : vector<2048x128xf32>
    %get3A_48 = arith.constant 0 : index
    %get3A_49 = arith.constant 0 : index
    %get3A_50 = arith.constant 0 : index
    %get3A_51 = vector.load %arg7[%get3A_48, %get3A_49, %get3A_50] : memref<4x128x128xf32, #tpu.memory_space<vmem>>, vector<1x128x128xf32>
    %get3A_52 = vector.shape_cast %get3A_51 : vector<1x128x128xf32> to vector<128x128xf32>
    %mul3A_53 = arith.constant 0.999994993 : f32
    %mul3A_54 = vector.broadcast %mul3A_53 : f32 to vector<128x128xf32>
    %mul3A_55 = arith.mulf %get3A_52, %mul3A_54 : vector<128x128xf32>
    %dot_general3A_56 = arith.constant dense<0.000000e+00> : vector<2048x128xf32>
    %dot_general3A_57 = tpu.matmul %max3A_47, %mul3A_55, %dot_general3A_56 {dimension_numbers = #tpu.dot_dimension_numbers<[1], [1], [0], [0], [0, 0, 1, 0], [], []>, transpose_lhs_hint = false} : vector<2048x128xf32>, vector<128x128xf32>, vector<2048x128xf32> -> vector<2048x128xf32>
    %get3A_58 = arith.constant 0 : index
    %get3A_59 = arith.constant 0 : index
    %get3A_60 = vector.load %arg8[%get3A_58, %get3A_59] : memref<4x128xf32, #tpu.memory_space<vmem>>, vector<1x128xf32>
    %get3A_61 = vector.shape_cast %get3A_60 : vector<1x128xf32> to vector<128xf32>
    %broadcast_in_dim3A_62 = vector.shape_cast %get3A_61 : vector<128xf32> to vector<1x128xf32>
    %add3A_63 = vector.broadcast %broadcast_in_dim3A_62 : vector<1x128xf32> to vector<2048x128xf32>
    %add3A_64 = arith.addf %dot_general3A_57, %add3A_63 : vector<2048x128xf32>
    %mul3A_65 = arith.constant -1.44269502 : f32
    %mul3A_66 = vector.broadcast %mul3A_65 : f32 to vector<2048x128xf32>
    %mul3A_67 = arith.mulf %add3A_64, %mul3A_66 : vector<2048x128xf32>
    %exp23A = math.exp2 %mul3A_67 : vector<2048x128xf32>
    %add3A_68 = arith.constant 1.000000e+00 : f32
    %add3A_69 = vector.broadcast %add3A_68 : f32 to vector<2048x128xf32>
    %add3A_70 = arith.addf %add3A_69, %exp23A : vector<2048x128xf32>
    %div3A = arith.constant 1.000000e+00 : f32
    %div3A_71 = vector.broadcast %div3A : f32 to vector<2048x128xf32>
    %div3A_72 = arith.divf %div3A_71, %add3A_70 : vector<2048x128xf32>
    %slice3A_73 = vector.extract_strided_slice %transpose3A {offsets = [0, 0], sizes = [2048, 1], strides = [1, 1]} : vector<2048x8xf32> to vector<2048x1xf32>
    %mul3A_74 = vector.broadcast %slice3A_73 : vector<2048x1xf32> to vector<2048x128xf32>
    %mul3A_75 = arith.mulf %div3A_72, %mul3A_74 : vector<2048x128xf32>
    %add3A_76 = arith.addf %broadcast_in_dim3A_28, %mul3A_75 : vector<2048x128xf32>
    %slice3A_77 = vector.extract_strided_slice %max3A_14 {offsets = [0, 128], sizes = [2048, 128], strides = [1, 1]} : vector<2048x512xf32> to vector<2048x128xf32>
    %get3A_78 = arith.constant 1 : index
    %get3A_79 = arith.constant 0 : index
    %get3A_80 = arith.constant 0 : index
    %get3A_81 = vector.load %arg5[%get3A_78, %get3A_79, %get3A_80] : memref<4x128x128xf32, #tpu.memory_space<vmem>>, vector<1x128x128xf32>
    %get3A_82 = vector.shape_cast %get3A_81 : vector<1x128x128xf32> to vector<128x128xf32>
    %mul3A_83 = arith.constant 0.999994993 : f32
    %mul3A_84 = vector.broadcast %mul3A_83 : f32 to vector<128x128xf32>
    %mul3A_85 = arith.mulf %get3A_82, %mul3A_84 : vector<128x128xf32>
    %dot_general3A_86 = arith.constant dense<0.000000e+00> : vector<2048x128xf32>
    %dot_general3A_87 = tpu.matmul %slice3A_77, %mul3A_85, %dot_general3A_86 {dimension_numbers = #tpu.dot_dimension_numbers<[1], [1], [0], [0], [0, 0, 1, 0], [], []>, transpose_lhs_hint = false} : vector<2048x128xf32>, vector<128x128xf32>, vector<2048x128xf32> -> vector<2048x128xf32>
    %get3A_88 = arith.constant 1 : index
    %get3A_89 = arith.constant 0 : index
    %get3A_90 = vector.load %arg6[%get3A_88, %get3A_89] : memref<4x128xf32, #tpu.memory_space<vmem>>, vector<1x128xf32>
    %get3A_91 = vector.shape_cast %get3A_90 : vector<1x128xf32> to vector<128xf32>
    %broadcast_in_dim3A_92 = vector.shape_cast %get3A_91 : vector<128xf32> to vector<1x128xf32>
    %add3A_93 = vector.broadcast %broadcast_in_dim3A_92 : vector<1x128xf32> to vector<2048x128xf32>
    %add3A_94 = arith.addf %dot_general3A_87, %add3A_93 : vector<2048x128xf32>
    %max3A_95 = arith.constant 0.000000e+00 : f32
    %max3A_96 = vector.broadcast %max3A_95 : f32 to vector<2048x128xf32>
    %max3A_97 = arith.maximumf %add3A_94, %max3A_96 : vector<2048x128xf32>
    %get3A_98 = arith.constant 1 : index
    %get3A_99 = arith.constant 0 : index
    %get3A_100 = arith.constant 0 : index
    %get3A_101 = vector.load %arg7[%get3A_98, %get3A_99, %get3A_100] : memref<4x128x128xf32, #tpu.memory_space<vmem>>, vector<1x128x128xf32>
    %get3A_102 = vector.shape_cast %get3A_101 : vector<1x128x128xf32> to vector<128x128xf32>
    %mul3A_103 = arith.constant 0.999994993 : f32
    %mul3A_104 = vector.broadcast %mul3A_103 : f32 to vector<128x128xf32>
    %mul3A_105 = arith.mulf %get3A_102, %mul3A_104 : vector<128x128xf32>
    %dot_general3A_106 = arith.constant dense<0.000000e+00> : vector<2048x128xf32>
    %dot_general3A_107 = tpu.matmul %max3A_97, %mul3A_105, %dot_general3A_106 {dimension_numbers = #tpu.dot_dimension_numbers<[1], [1], [0], [0], [0, 0, 1, 0], [], []>, transpose_lhs_hint = false} : vector<2048x128xf32>, vector<128x128xf32>, vector<2048x128xf32> -> vector<2048x128xf32>
    %get3A_108 = arith.constant 1 : index
    %get3A_109 = arith.constant 0 : index
    %get3A_110 = vector.load %arg8[%get3A_108, %get3A_109] : memref<4x128xf32, #tpu.memory_space<vmem>>, vector<1x128xf32>
    %get3A_111 = vector.shape_cast %get3A_110 : vector<1x128xf32> to vector<128xf32>
    %broadcast_in_dim3A_112 = vector.shape_cast %get3A_111 : vector<128xf32> to vector<1x128xf32>
    %add3A_113 = vector.broadcast %broadcast_in_dim3A_112 : vector<1x128xf32> to vector<2048x128xf32>
    %add3A_114 = arith.addf %dot_general3A_107, %add3A_113 : vector<2048x128xf32>
    %mul3A_115 = arith.constant -1.44269502 : f32
    %mul3A_116 = vector.broadcast %mul3A_115 : f32 to vector<2048x128xf32>
    %mul3A_117 = arith.mulf %add3A_114, %mul3A_116 : vector<2048x128xf32>
    %exp23A_118 = math.exp2 %mul3A_117 : vector<2048x128xf32>
    %add3A_119 = arith.constant 1.000000e+00 : f32
    %add3A_120 = vector.broadcast %add3A_119 : f32 to vector<2048x128xf32>
    %add3A_121 = arith.addf %add3A_120, %exp23A_118 : vector<2048x128xf32>
    %div3A_122 = arith.constant 1.000000e+00 : f32
    %div3A_123 = vector.broadcast %div3A_122 : f32 to vector<2048x128xf32>
    %div3A_124 = arith.divf %div3A_123, %add3A_121 : vector<2048x128xf32>
    %slice3A_125 = vector.extract_strided_slice %transpose3A {offsets = [0, 1], sizes = [2048, 1], strides = [1, 1]} : vector<2048x8xf32> to vector<2048x1xf32>
    %mul3A_126 = vector.broadcast %slice3A_125 : vector<2048x1xf32> to vector<2048x128xf32>
    %mul3A_127 = arith.mulf %div3A_124, %mul3A_126 : vector<2048x128xf32>
    %add3A_128 = arith.addf %add3A_76, %mul3A_127 : vector<2048x128xf32>
    %slice3A_129 = vector.extract_strided_slice %max3A_14 {offsets = [0, 256], sizes = [2048, 128], strides = [1, 1]} : vector<2048x512xf32> to vector<2048x128xf32>
    %get3A_130 = arith.constant 2 : index
    %get3A_131 = arith.constant 0 : index
    %get3A_132 = arith.constant 0 : index
    %get3A_133 = vector.load %arg5[%get3A_130, %get3A_131, %get3A_132] : memref<4x128x128xf32, #tpu.memory_space<vmem>>, vector<1x128x128xf32>
    %get3A_134 = vector.shape_cast %get3A_133 : vector<1x128x128xf32> to vector<128x128xf32>
    %mul3A_135 = arith.constant 0.999994993 : f32
    %mul3A_136 = vector.broadcast %mul3A_135 : f32 to vector<128x128xf32>
    %mul3A_137 = arith.mulf %get3A_134, %mul3A_136 : vector<128x128xf32>
    %dot_general3A_138 = arith.constant dense<0.000000e+00> : vector<2048x128xf32>
    %dot_general3A_139 = tpu.matmul %slice3A_129, %mul3A_137, %dot_general3A_138 {dimension_numbers = #tpu.dot_dimension_numbers<[1], [1], [0], [0], [0, 0, 1, 0], [], []>, transpose_lhs_hint = false} : vector<2048x128xf32>, vector<128x128xf32>, vector<2048x128xf32> -> vector<2048x128xf32>
    %get3A_140 = arith.constant 2 : index
    %get3A_141 = arith.constant 0 : index
    %get3A_142 = vector.load %arg6[%get3A_140, %get3A_141] : memref<4x128xf32, #tpu.memory_space<vmem>>, vector<1x128xf32>
    %get3A_143 = vector.shape_cast %get3A_142 : vector<1x128xf32> to vector<128xf32>
    %broadcast_in_dim3A_144 = vector.shape_cast %get3A_143 : vector<128xf32> to vector<1x128xf32>
    %add3A_145 = vector.broadcast %broadcast_in_dim3A_144 : vector<1x128xf32> to vector<2048x128xf32>
    %add3A_146 = arith.addf %dot_general3A_139, %add3A_145 : vector<2048x128xf32>
    %max3A_147 = arith.constant 0.000000e+00 : f32
    %max3A_148 = vector.broadcast %max3A_147 : f32 to vector<2048x128xf32>
    %max3A_149 = arith.maximumf %add3A_146, %max3A_148 : vector<2048x128xf32>
    %get3A_150 = arith.constant 2 : index
    %get3A_151 = arith.constant 0 : index
    %get3A_152 = arith.constant 0 : index
    %get3A_153 = vector.load %arg7[%get3A_150, %get3A_151, %get3A_152] : memref<4x128x128xf32, #tpu.memory_space<vmem>>, vector<1x128x128xf32>
    %get3A_154 = vector.shape_cast %get3A_153 : vector<1x128x128xf32> to vector<128x128xf32>
    %mul3A_155 = arith.constant 0.999994993 : f32
    %mul3A_156 = vector.broadcast %mul3A_155 : f32 to vector<128x128xf32>
    %mul3A_157 = arith.mulf %get3A_154, %mul3A_156 : vector<128x128xf32>
    %dot_general3A_158 = arith.constant dense<0.000000e+00> : vector<2048x128xf32>
    %dot_general3A_159 = tpu.matmul %max3A_149, %mul3A_157, %dot_general3A_158 {dimension_numbers = #tpu.dot_dimension_numbers<[1], [1], [0], [0], [0, 0, 1, 0], [], []>, transpose_lhs_hint = false} : vector<2048x128xf32>, vector<128x128xf32>, vector<2048x128xf32> -> vector<2048x128xf32>
    %get3A_160 = arith.constant 2 : index
    %get3A_161 = arith.constant 0 : index
    %get3A_162 = vector.load %arg8[%get3A_160, %get3A_161] : memref<4x128xf32, #tpu.memory_space<vmem>>, vector<1x128xf32>
    %get3A_163 = vector.shape_cast %get3A_162 : vector<1x128xf32> to vector<128xf32>
    %broadcast_in_dim3A_164 = vector.shape_cast %get3A_163 : vector<128xf32> to vector<1x128xf32>
    %add3A_165 = vector.broadcast %broadcast_in_dim3A_164 : vector<1x128xf32> to vector<2048x128xf32>
    %add3A_166 = arith.addf %dot_general3A_159, %add3A_165 : vector<2048x128xf32>
    %mul3A_167 = arith.constant -1.44269502 : f32
    %mul3A_168 = vector.broadcast %mul3A_167 : f32 to vector<2048x128xf32>
    %mul3A_169 = arith.mulf %add3A_166, %mul3A_168 : vector<2048x128xf32>
    %exp23A_170 = math.exp2 %mul3A_169 : vector<2048x128xf32>
    %add3A_171 = arith.constant 1.000000e+00 : f32
    %add3A_172 = vector.broadcast %add3A_171 : f32 to vector<2048x128xf32>
    %add3A_173 = arith.addf %add3A_172, %exp23A_170 : vector<2048x128xf32>
    %div3A_174 = arith.constant 1.000000e+00 : f32
    %div3A_175 = vector.broadcast %div3A_174 : f32 to vector<2048x128xf32>
    %div3A_176 = arith.divf %div3A_175, %add3A_173 : vector<2048x128xf32>
    %slice3A_177 = vector.extract_strided_slice %transpose3A {offsets = [0, 2], sizes = [2048, 1], strides = [1, 1]} : vector<2048x8xf32> to vector<2048x1xf32>
    %mul3A_178 = vector.broadcast %slice3A_177 : vector<2048x1xf32> to vector<2048x128xf32>
    %mul3A_179 = arith.mulf %div3A_176, %mul3A_178 : vector<2048x128xf32>
    %add3A_180 = arith.addf %add3A_128, %mul3A_179 : vector<2048x128xf32>
    %slice3A_181 = vector.extract_strided_slice %max3A_14 {offsets = [0, 384], sizes = [2048, 128], strides = [1, 1]} : vector<2048x512xf32> to vector<2048x128xf32>
    %get3A_182 = arith.constant 3 : index
    %get3A_183 = arith.constant 0 : index
    %get3A_184 = arith.constant 0 : index
    %get3A_185 = vector.load %arg5[%get3A_182, %get3A_183, %get3A_184] : memref<4x128x128xf32, #tpu.memory_space<vmem>>, vector<1x128x128xf32>
    %get3A_186 = vector.shape_cast %get3A_185 : vector<1x128x128xf32> to vector<128x128xf32>
    %mul3A_187 = arith.constant 0.999994993 : f32
    %mul3A_188 = vector.broadcast %mul3A_187 : f32 to vector<128x128xf32>
    %mul3A_189 = arith.mulf %get3A_186, %mul3A_188 : vector<128x128xf32>
    %dot_general3A_190 = arith.constant dense<0.000000e+00> : vector<2048x128xf32>
    %dot_general3A_191 = tpu.matmul %slice3A_181, %mul3A_189, %dot_general3A_190 {dimension_numbers = #tpu.dot_dimension_numbers<[1], [1], [0], [0], [0, 0, 1, 0], [], []>, transpose_lhs_hint = false} : vector<2048x128xf32>, vector<128x128xf32>, vector<2048x128xf32> -> vector<2048x128xf32>
    %get3A_192 = arith.constant 3 : index
    %get3A_193 = arith.constant 0 : index
    %get3A_194 = vector.load %arg6[%get3A_192, %get3A_193] : memref<4x128xf32, #tpu.memory_space<vmem>>, vector<1x128xf32>
    %get3A_195 = vector.shape_cast %get3A_194 : vector<1x128xf32> to vector<128xf32>
    %broadcast_in_dim3A_196 = vector.shape_cast %get3A_195 : vector<128xf32> to vector<1x128xf32>
    %add3A_197 = vector.broadcast %broadcast_in_dim3A_196 : vector<1x128xf32> to vector<2048x128xf32>
    %add3A_198 = arith.addf %dot_general3A_191, %add3A_197 : vector<2048x128xf32>
    %max3A_199 = arith.constant 0.000000e+00 : f32
    %max3A_200 = vector.broadcast %max3A_199 : f32 to vector<2048x128xf32>
    %max3A_201 = arith.maximumf %add3A_198, %max3A_200 : vector<2048x128xf32>
    %get3A_202 = arith.constant 3 : index
    %get3A_203 = arith.constant 0 : index
    %get3A_204 = arith.constant 0 : index
    %get3A_205 = vector.load %arg7[%get3A_202, %get3A_203, %get3A_204] : memref<4x128x128xf32, #tpu.memory_space<vmem>>, vector<1x128x128xf32>
    %get3A_206 = vector.shape_cast %get3A_205 : vector<1x128x128xf32> to vector<128x128xf32>
    %mul3A_207 = arith.constant 0.999994993 : f32
    %mul3A_208 = vector.broadcast %mul3A_207 : f32 to vector<128x128xf32>
    %mul3A_209 = arith.mulf %get3A_206, %mul3A_208 : vector<128x128xf32>
    %dot_general3A_210 = arith.constant dense<0.000000e+00> : vector<2048x128xf32>
    %dot_general3A_211 = tpu.matmul %max3A_201, %mul3A_209, %dot_general3A_210 {dimension_numbers = #tpu.dot_dimension_numbers<[1], [1], [0], [0], [0, 0, 1, 0], [], []>, transpose_lhs_hint = false} : vector<2048x128xf32>, vector<128x128xf32>, vector<2048x128xf32> -> vector<2048x128xf32>
    %get3A_212 = arith.constant 3 : index
    %get3A_213 = arith.constant 0 : index
    %get3A_214 = vector.load %arg8[%get3A_212, %get3A_213] : memref<4x128xf32, #tpu.memory_space<vmem>>, vector<1x128xf32>
    %get3A_215 = vector.shape_cast %get3A_214 : vector<1x128xf32> to vector<128xf32>
    %broadcast_in_dim3A_216 = vector.shape_cast %get3A_215 : vector<128xf32> to vector<1x128xf32>
    %add3A_217 = vector.broadcast %broadcast_in_dim3A_216 : vector<1x128xf32> to vector<2048x128xf32>
    %add3A_218 = arith.addf %dot_general3A_211, %add3A_217 : vector<2048x128xf32>
    %mul3A_219 = arith.constant -1.44269502 : f32
    %mul3A_220 = vector.broadcast %mul3A_219 : f32 to vector<2048x128xf32>
    %mul3A_221 = arith.mulf %add3A_218, %mul3A_220 : vector<2048x128xf32>
    %exp23A_222 = math.exp2 %mul3A_221 : vector<2048x128xf32>
    %add3A_223 = arith.constant 1.000000e+00 : f32
    %add3A_224 = vector.broadcast %add3A_223 : f32 to vector<2048x128xf32>
    %add3A_225 = arith.addf %add3A_224, %exp23A_222 : vector<2048x128xf32>
    %div3A_226 = arith.constant 1.000000e+00 : f32
    %div3A_227 = vector.broadcast %div3A_226 : f32 to vector<2048x128xf32>
    %div3A_228 = arith.divf %div3A_227, %add3A_225 : vector<2048x128xf32>
    %slice3A_229 = vector.extract_strided_slice %transpose3A {offsets = [0, 3], sizes = [2048, 1], strides = [1, 1]} : vector<2048x8xf32> to vector<2048x1xf32>
    %mul3A_230 = vector.broadcast %slice3A_229 : vector<2048x1xf32> to vector<2048x128xf32>
    %mul3A_231 = arith.mulf %div3A_228, %mul3A_230 : vector<2048x128xf32>
    %add3A_232 = arith.addf %add3A_180, %mul3A_231 : vector<2048x128xf32>
    %get3A_233 = arith.constant 0 : index
    %get3A_234 = arith.constant 0 : index
    %get3A_235 = vector.load %arg11[%get3A_233, %get3A_234] : memref<128x128xf32, #tpu.memory_space<vmem>>, vector<128x128xf32>
    %mul3A_236 = arith.constant 0.999994993 : f32
    %mul3A_237 = vector.broadcast %mul3A_236 : f32 to vector<128x128xf32>
    %mul3A_238 = arith.mulf %get3A_235, %mul3A_237 : vector<128x128xf32>
    %dot_general3A_239 = arith.constant dense<0.000000e+00> : vector<2048x128xf32>
    %dot_general3A_240 = tpu.matmul %max3A_27, %mul3A_238, %dot_general3A_239 {dimension_numbers = #tpu.dot_dimension_numbers<[1], [1], [0], [0], [0, 0, 1, 0], [], []>, transpose_lhs_hint = false} : vector<2048x128xf32>, vector<128x128xf32>, vector<2048x128xf32> -> vector<2048x128xf32>
    %get3A_241 = arith.constant 0 : index
    %get3A_242 = arith.constant 0 : index
    %get3A_243 = vector.load %arg12[%get3A_241, %get3A_242] : memref<1x128xf32, #tpu.memory_space<vmem>>, vector<1x128xf32>
    %add3A_244 = vector.broadcast %get3A_243 : vector<1x128xf32> to vector<2048x128xf32>
    %add3A_245 = arith.addf %dot_general3A_240, %add3A_244 : vector<2048x128xf32>
    %max3A_246 = arith.constant 0.000000e+00 : f32
    %max3A_247 = vector.broadcast %max3A_246 : f32 to vector<2048x128xf32>
    %max3A_248 = arith.maximumf %add3A_245, %max3A_247 : vector<2048x128xf32>
    %get3A_249 = arith.constant 0 : index
    %get3A_250 = arith.constant 0 : index
    %get3A_251 = vector.load %arg13[%get3A_249, %get3A_250] : memref<128x128xf32, #tpu.memory_space<vmem>>, vector<128x128xf32>
    %mul3A_252 = arith.constant 0.999994993 : f32
    %mul3A_253 = vector.broadcast %mul3A_252 : f32 to vector<128x128xf32>
    %mul3A_254 = arith.mulf %get3A_251, %mul3A_253 : vector<128x128xf32>
    %dot_general3A_255 = arith.constant dense<0.000000e+00> : vector<2048x128xf32>
    %dot_general3A_256 = tpu.matmul %max3A_248, %mul3A_254, %dot_general3A_255 {dimension_numbers = #tpu.dot_dimension_numbers<[1], [1], [0], [0], [0, 0, 1, 0], [], []>, transpose_lhs_hint = false} : vector<2048x128xf32>, vector<128x128xf32>, vector<2048x128xf32> -> vector<2048x128xf32>
    %get3A_257 = arith.constant 0 : index
    %get3A_258 = arith.constant 0 : index
    %get3A_259 = vector.load %arg14[%get3A_257, %get3A_258] : memref<1x128xf32, #tpu.memory_space<vmem>>, vector<1x128xf32>
    %add3A_260 = vector.broadcast %get3A_259 : vector<1x128xf32> to vector<2048x128xf32>
    %add3A_261 = arith.addf %dot_general3A_256, %add3A_260 : vector<2048x128xf32>
    %mul3A_262 = arith.constant -1.44269502 : f32
    %mul3A_263 = vector.broadcast %mul3A_262 : f32 to vector<2048x128xf32>
    %mul3A_264 = arith.mulf %add3A_261, %mul3A_263 : vector<2048x128xf32>
    %exp23A_265 = math.exp2 %mul3A_264 : vector<2048x128xf32>
    %add3A_266 = arith.constant 1.000000e+00 : f32
    %add3A_267 = vector.broadcast %add3A_266 : f32 to vector<2048x128xf32>
    %add3A_268 = arith.addf %add3A_267, %exp23A_265 : vector<2048x128xf32>
    %div3A_269 = arith.constant 1.000000e+00 : f32
    %div3A_270 = vector.broadcast %div3A_269 : f32 to vector<2048x128xf32>
    %div3A_271 = arith.divf %div3A_270, %add3A_268 : vector<2048x128xf32>
    %add3A_272 = arith.addf %add3A_232, %div3A_271 : vector<2048x128xf32>
    %swap3A = arith.constant 0 : index
    %swap3A_273 = arith.constant 0 : index
    %swap3A_274 = vector.load %arg15[%swap3A, %swap3A_273] : memref<2048x128xf32, #tpu.memory_space<vmem>>, vector<2048x128xf32>
    tpu.vector_store %arg15[%swap3A, %swap3A_273], %add3A_272 {strides = array<i32>} : memref<2048x128xf32, #tpu.memory_space<vmem>>, vector<2048x128xf32>,
    return
  }
  func.func @transform_0(%arg0: i32) -> (i32, i32) {
    %c0_i32 = arith.constant 0 : i32
    %c0_i32_0 = arith.constant 0 : i32
    return %arg0, %c0_i32 : i32, i32
  }
  func.func @transform_1(%arg0: i32) -> (i32, i32) {
    %c0_i32 = arith.constant 0 : i32
    %c0_i32_0 = arith.constant 0 : i32
    return %c0_i32, %arg0 : i32, i32
  }
  func.func @transform_2(%arg0: i32) -> (i32, i32) {
    %c0_i32 = arith.constant 0 : i32
    %c0_i32_0 = arith.constant 0 : i32
    %c0_i32_1 = arith.constant 0 : i32
    return %c0_i32, %c0_i32_0 : i32, i32
  }
  func.func @transform_3(%arg0: i32) -> (i32, i32) {
    %c0_i32 = arith.constant 0 : i32
    %c0_i32_0 = arith.constant 0 : i32
    %c0_i32_1 = arith.constant 0 : i32
    return %c0_i32, %c0_i32_0 : i32, i32
  }
  func.func @transform_4(%arg0: i32) -> (i32, i32, i32) {
    %c0_i32 = arith.constant 0 : i32
    %c0_i32_0 = arith.constant 0 : i32
    %c0_i32_1 = arith.constant 0 : i32
    %c0_i32_2 = arith.constant 0 : i32
    return %c0_i32, %c0_i32_0, %c0_i32_1 : i32, i32, i32
  }
  func.func @transform_5(%arg0: i32) -> (i32, i32) {
    %c0_i32 = arith.constant 0 : i32
    %c0_i32_0 = arith.constant 0 : i32
    %c0_i32_1 = arith.constant 0 : i32
    return %c0_i32, %c0_i32_0 : i32, i32
  }
  func.func @transform_6(%arg0: i32) -> (i32, i32, i32) {
    %c0_i32 = arith.constant 0 : i32
    %c0_i32_0 = arith.constant 0 : i32
    %c0_i32_1 = arith.constant 0 : i32
    %c0_i32_2 = arith.constant 0 : i32
    return %c0_i32, %c0_i32_0, %c0_i32_1 : i32, i32, i32
  }
  func.func @transform_7(%arg0: i32) -> (i32, i32) {
    %c0_i32 = arith.constant 0 : i32
    %c0_i32_0 = arith.constant 0 : i32
    %c0_i32_1 = arith.constant 0 : i32
    return %c0_i32, %c0_i32_0 : i32, i32
  }
  func.func @transform_8(%arg0: i32) -> (i32, i32) {
    %c0_i32 = arith.constant 0 : i32
    %c0_i32_0 = arith.constant 0 : i32
    %c0_i32_1 = arith.constant 0 : i32
    return %c0_i32, %c0_i32_0 : i32, i32
  }
  func.func @transform_9(%arg0: i32) -> (i32, i32) {
    %c0_i32 = arith.constant 0 : i32
    %c0_i32_0 = arith.constant 0 : i32
    %c0_i32_1 = arith.constant 0 : i32
    return %c0_i32, %c0_i32_0 : i32, i32
  }
  func.func @transform_10(%arg0: i32) -> (i32, i32) {
    %c0_i32 = arith.constant 0 : i32
    %c0_i32_0 = arith.constant 0 : i32
    %c0_i32_1 = arith.constant 0 : i32
    return %c0_i32, %c0_i32_0 : i32, i32
  }
  func.func @transform_11(%arg0: i32) -> (i32, i32) {
    %c0_i32 = arith.constant 0 : i32
    %c0_i32_0 = arith.constant 0 : i32
    %c0_i32_1 = arith.constant 0 : i32
    return %c0_i32, %c0_i32_0 : i32, i32
  }
  func.func @transform_12(%arg0: i32) -> (i32, i32) {
    %c0_i32 = arith.constant 0 : i32
    %c0_i32_0 = arith.constant 0 : i32
    %c0_i32_1 = arith.constant 0 : i32
    return %c0_i32, %c0_i32_0 : i32, i32
  }
  func.func @transform_13(%arg0: i32) -> (i32, i32) {
    %c0_i32 = arith.constant 0 : i32
    %c0_i32_0 = arith.constant 0 : i32
    %c0_i32_1 = arith.constant 0 : i32
    return %c0_i32, %c0_i32_0 : i32, i32
  }
  func.func @transform_14(%arg0: i32) -> (i32, i32) {
    %c0_i32 = arith.constant 0 : i32
    %c0_i32_0 = arith.constant 0 : i32
    return %arg0, %c0_i32 : i32, i32
  }
}

</mosaic_0001>

<sc_bundles>
// kernel: _run.5.cloned.1.call-start
scs
__scs_entry_jumppad:
0x0: {  	(pc) =	sbr.rel $0x88, $3  }
0x1: {  	(tag) =	ssettag $0x0;
	lr =	simm.s32 $0x1  }
0x2: {  	[smem:$0x3F93] =	sst lr;
	_ =	strace $0xD0000000  }
0x3: {  	_ = 	snop  }
0x4: {  	_ = 	snop  }
0x5: {  	_ = 	snop  }
0x6: {  	_ = 	snop  }
0x7: {  	_ = 	snop  }
__scs_overlays_trampoline_lowered:
0x8: {  	[smem:$0x3FA2] =	sst s0  }
0x9: {  	[smem:$0x3FA3] =	sst s1  }
0xa: {  	[smem:$0x3FA4] =	sst s2  }
0xb: {  	[smem:$0x3FA5] =	sst s3  }
0xc: {  	[smem:$0x3FA6] =	sst s4  }
0xd: {  	[smem:$0x3FA7] =	sst s5  }
0xe: {  	[smem:$0x3FA8] =	sst s6  }
0xf: {  	[smem:$0x3FA9] =	sst s7  }
0x10: {  	[smem:$0x3FAA] =	sst s8  }
0x11: {  	[smem:$0x3FAB] =	sst s9;
	s0 =	simm.s32 @!p0 $0x0  }
0x12: {  	s1 =	sld [smem:$0x3F91];
	s0 =	simm.s32 @p0 $0x1  }
0x13: {  	[smem:$0x3FAC] =	sst s0;
	s0 =	simm.s32 @!p1 $0x0  }
0x14: {  	s2 =	sld [smem:$0x3F90];
	s0 =	simm.s32 @p1 $0x1  }
0x15: {  	[smem:$0x3FAD] =	sst s0;
	s0 =	simm.s32 @!p2 $0x0  }
0x16: {  	s3 =	sld [smem:$0x3FDB];
	s0 =	simm.s32 @p2 $0x1  }
0x17: {  	s4 =	simm.s32 $0x1BF5;
	[smem:$0x3FAF] =	sst s0  }
0x18: {  	s0 =	sld [smem:$0x3F92];
	_ =	swait.ge [sflag:s4], $0x0  }
0x19: {  	s7 =	sld [smem:$0x3F93]  }
0x1a: {  	s8 =	sadd.s32 $0xFFFFE003, lr  }
0x1b: {  	s9 =	sadd.s32 $0xFFFFFEF7, lr;
	s5 =	simm.s32 $0xFFFFFFFF;
	p2 =	slt.u32 s8, $0xFFFFF086  }
0x1c: {  	p1 =	slt.u32 s9, $0xF7A;
	s5 =	simm.s32 @!p2 $0x0  }
0x1d: {  	s5 =	simm.s32 @p1 $0x1;
	p0 =	seq.s32 s7, s2  }
0x1e: {  	s7 =	smul.u32 @!p0 $0xF7A, s2;
	p2 =	seq.s32 @!p0 s5, $0x0  }
0x1f: {  	s9 =	smul.u32 $0xF7A, s1;
	s8 =	simm.s32 @!p0 $0x1BF5;
	p2 =	por !p2, p0  }
0x20: {  	[sflag:s8] =	ssyncset.s32 @!p0 $0xFFFFF086;
	s6 =	sadd.s32 @!p0 s3, s7;
	s7 =	simm.s32 @!p0 $0x108  }
0x21: {  	s3 =	sadd.s32 s3, s9;
	s6 =	sadd.s32 @!p0 $0x88, s6;
	s7 =	simm.s32 @p2 $0x1082  }
0x22: {  	[simem:s7], [sflag:s8] =	dma.local @!p0 [hbm:s6], $0xF7A  }
0x23: {  	s9 =	sor.u32 $0xD0000000, s2;
	s6 =	simm.s32 $0x108;
	_ =	swait.ge @!p0 [sflag:s8], $0x0  }
0x24: {  	s3 =	sadd.s32 $0x88, s3;
	s6 =	simm.s32 @!p1 $0x1082;
	[sflag:s4] =	ssyncset.s32 $0xFFFFF086  }
0x25: {  	[simem:s6], [sflag:s4] =	dma.local [hbm:s3], $0xF7A  }
0x26: {  	[smem:$0x3F93] =	sst s1;
	(tag) =	ssettag s2;
	_ =	strace s9  }
0x27: {  	s1 =	sld [smem:$0x3FA3]  }
0x28: {  	s2 =	sld [smem:$0x3FA4]  }
0x29: {  	s4 =	sld [smem:$0x3FA6]  }
0x2a: {  	p0 =	seq.s32 s5, $0x0;
	s5 =	sld [smem:$0x3FA7]  }
0x2b: {  	s6 =	sld [smem:$0x3FA8]  }
0x2c: {  	s7 =	sld [smem:$0x3FA9]  }
0x2d: {  	s3 =	simm.s32 $0x108;
	s8 =	sld [smem:$0x3FAA]  }
0x2e: {  	s3 =	simm.s32 @!p0 $0x1082;
	s9 =	sld [smem:$0x3FAB]  }
0x2f: {  	lr =	sadd.s32 s0, s3;
	s0 =	sld [smem:$0x3FA2]  }
0x30: {  	s3 =	sld [smem:$0x3FA5]  }
0x31: {  	[smem:$0x3FAE] =	sst s10  }
0x32: {  	s10 =	sld [smem:$0x3FAC];
	_ =	sdelay $0x3  }
0x33: {  	p0 =	seq.s32 s10, $0x1;
	s10 =	sld [smem:$0x3FAE];
	_ =	sdelay $0x3  }
0x34: {  	[smem:$0x3FAE] =	sst s10  }
0x35: {  	s10 =	sld [smem:$0x3FAD];
	_ =	sdelay $0x3  }
0x36: {  	p1 =	seq.s32 s10, $0x1;
	s10 =	sld [smem:$0x3FAE];
	_ =	sdelay $0x3  }
0x37: {  	[smem:$0x3FAE] =	sst s10  }
0x38: {  	s10 =	sld [smem:$0x3FAF]  }
0x39: {  	_ = 	snop;
	(pc) =	sbr.ind lr, $3  }
0x3a: {  	_ = 	snop  }
0x3b: {  	_ = 	snop  }
0x3c: {  	p2 =	seq.s32 s10, $0x1;
	s10 =	sld [smem:$0x3FAE]  }
0x3d: {  	_ =	shalt  }
0x3e: {  	_ =	shalt  }
0x3f: {  	_ =	shalt  }
0x40: {  	_ =	shalt  }
0x41: {  	_ =	shalt  }
0x42: {  	_ =	shalt  }
0x43: {  	_ =	shalt  }
0x44: {  	_ =	shalt  }
0x45: {  	_ =	shalt  }
0x46: {  	_ =	shalt  }
0x47: {  	_ =	shalt  }
0x48: {  	_ =	shalt  }
0x49: {  	_ =	shalt  }
0x4a: {  	_ =	shalt  }
0x4b: {  	_ =	shalt  }
0x4c: {  	_ =	shalt  }
0x4d: {  	_ =	shalt  }
0x4e: {  	_ =	shalt  }
0x4f: {  	_ =	shalt  }
0x50: {  	_ =	shalt  }
0x51: {  	_ =	shalt  }
0x52: {  	_ =	shalt  }
0x53: {  	_ =	shalt  }
0x54: {  	_ =	shalt  }
0x55: {  	_ =	shalt  }
0x56: {  	_ =	shalt  }
0x57: {  	_ =	shalt  }
0x58: {  	_ =	shalt  }
0x59: {  	_ =	shalt  }
0x5a: {  	_ =	shalt  }
0x5b: {  	_ =	shalt  }
0x5c: {  	_ =	shalt  }
0x5d: {  	_ =	shalt  }
0x5e: {  	_ =	shalt  }
0x5f: {  	_ =	shalt  }
0x60: {  	_ =	shalt  }
0x61: {  	_ =	shalt  }
0x62: {  	_ =	shalt  }
0x63: {  	_ =	shalt  }
0x64: {  	_ =	shalt  }
0x65: {  	_ =	shalt  }
0x66: {  	_ =	shalt  }
0x67: {  	_ =	shalt  }
0x68: {  	_ =	shalt  }
0x69: {  	_ =	shalt  }
0x6a: {  	_ =	shalt  }
0x6b: {  	_ =	shalt  }
0x6c: {  	_ =	shalt  }
0x6d: {  	_ =	shalt  }
0x6e: {  	_ =	shalt  }
0x6f: {  	_ =	shalt  }
0x70: {  	_ =	shalt  }
0x71: {  	_ =	shalt  }
0x72: {  	_ =	shalt  }
0x73: {  	_ =	shalt  }
0x74: {  	_ =	shalt  }
0x75: {  	_ =	shalt  }
0x76: {  	_ =	shalt  }
0x77: {  	_ =	shalt  }
0x78: {  	_ =	shalt  }
0x79: {  	_ =	shalt  }
0x7a: {  	_ =	shalt  }
0x7b: {  	_ =	shalt  }
0x7c: {  	_ =	shalt  }
0x7d: {  	_ =	shalt  }
0x7e: {  	_ =	shalt  }
0x7f: {  	_ =	shalt  }
0x80: {  	_ =	shalt  }
0x81: {  	_ =	shalt  }
0x82: {  	_ =	shalt  }
0x83: {  	_ =	shalt  }
0x84: {  	_ =	shalt  }
0x85: {  	_ =	shalt  }
0x86: {  	_ =	shalt  }
0x87: {  	_ =	shalt  }
.Lfunc_end0:
.L_simem_size_0:
called_computation_lowered:
.L_overlay_start_0:
0x88: {  	s2 =	sld [smem:$0x3FD9]  }
0x89: {  	s3 =	sld [smem:$0x3FFE];
	_ =	sdelay $0x1  }
0x8a: {  	s1 =	srdreg.scid  }
0x8b: {  	s0 =	sand.u32 $0x1, s1  }
0x8c: {  	s17 =	sshll.u32 s0, $0xA;
	s2 =	sadd.s32 s3, s2  }
0x8d: {  	s2 =	sadd.s32 s2, s17  }
0x8e: {  	[smem:$0x3FBA] =	sst s2  }
0x8f: {  	_ = 	snop  }
0x90: {  	s2 =	sld [smem:$0x3FD0];
	(tm) =	ssettm $0x1  }
0x91: {  	s18 =	sld [smem:$0x3FFB];
	_ =	sdelay $0x3  }
0x92: {  	_ =	strace s18  }
0x93: {  	s3 =	sld [smem:$0x3FFC];
	_ =	sdelay $0x3  }
0x94: {  	_ =	strace s3  }
0x95: {  	s3 =	sld [smem:$0x3FFD];
	_ =	sdelay $0x3  }
0x96: {  	_ =	strace s3  }
0x97: {  	_ =	strace $0x8FFFFFFF  }
0x98: {  	s19 =	sld [smem:$0x3FDB];
	_ =	sdelay $0x1  }
0x99: {  	s4 =	simm.s32 $_scs_section_size  }
0x9a: {  	s5 =	simm.s32 $_size__tile_overlayer_lowered;
	s6 =	simm.s32 $_tile_overlayer_lowered  }
0x9b: {  	s22 =	simm.s32 $0x1BFF;
	s21 =	sshll.u32 s6, $0x1;
	s3 =	sadd.s32 s4, s19  }
0x9c: {  	s7 =	simm.s32 $0x0;
	s20 =	sshll.u32 s5, $0x1;
	s5 =	sadd.s32 s21, s3  }
0x9d: {  	[timem:s7], [sflag:s22] =	dma.local [hbm:s5], s20  }
0x9e: {  	_ =	swait.ge [sflag:s22], s20  }
0x9f: {  	s4 =	ssub.s32 $0x0, s20;
	[sflag:s22] =	ssyncset.done $0x0  }
0xa0: {  	[sflag:s22] =	ssyncadd.s32 s4;
	_ =	sdelay $0x1  }
0xa1: {  	s23 =	simm.s32 $0x1B8B  }
0xa2: {  	_ =	swait.ge [sflag:s23], $0x1  }
0xa3: {  	[sflag:s23] =	ssyncset.done $0x0  }
0xa4: {  	s25 =	simm.s32 $0x1B8E;
	s24 =	sld [smem:$0x3FFE];
	[sflag:s23] =	ssyncadd.s32 $0xFFFFFFFF  }
0xa5: {  	s26 =	simm.s32 $execute0_lowered;
	[smem:$0x3FD2] =	sst s25  }
0xa6: {  	s5 =	sshll.u32 s26, $0x1;
	_ =	strace $0x80000046;
	[dreg:$0x1] =	wrdreg $0xFFFFFFFF  }
0xa7: {  	s28 =	simm.s32 $_size_execute0_lowered;
	s3 =	sadd.s32 s3, s5;
	[dreg:$0x0] =	wrdreg $0x0  }
0xa8: {  	s5 =	sshll.u32 s28, $0x1;
	[dreg:$0x2] =	wrdreg s3  }
0xa9: {  	[dreg:$0x3] =	wrdreg s5  }
0xaa: {  	[dreg:$0x4] =	wrdreg $0xC0  }
0xab: {  	_ =	task [dreg:s7], $0x5FFFF  }
0xac: {  	[dreg:$0x1] =	wrdreg $0xFFFFFFFF  }
0xad: {  	[dreg:$0x0] =	wrdreg $0x60  }
0xae: {  	[dreg:$0x2] =	wrdreg s2  }
0xaf: {  	[dreg:$0x3] =	wrdreg s24  }
0xb0: {  	[dreg:$0x4] =	wrdreg $0x9  }
0xb1: {  	_ =	task.clear_ibuf [dreg:s7], $0x5FFFF;
	_ =	strace $0x90000046  }
0xb2: {  	s29 =	simm.s32 $0x9;
	_ =	strace $0x80000048  }
0xb3: {  	_ =	swait.ge [sflag:s29], $0x1  }
0xb4: {  	[sflag:s29] =	ssyncadd.s32 $0xFFFFFFFF  }
0xb5: {  	_ =	strace $0x90000048  }
0xb6: {  	_ =	sfence  }
0xb7: {  	s30 =	sld [smem:$0x0];
	_ =	sdelay $0x2  }
0xb8: {  	s31 =	sshll.u32 s1, $0xD;
	s1 =	sshrl.u32 s1, $0x2  }
0xb9: {  	s3 =	sand.u32 $0x4000, s31;
	s1 =	sadd.s32 s1, s30  }
0xba: {  	s0 =	sor.u32 s3, s0;
	s1 =	sshll.u32 s1, $0x11  }
0xbb: {  	s0 =	sor.u32 s1, s0  }
0xbc: {  	s0 =	sadd.s32 $0x8F2B, s0  }
0xbd: {  	[sflag:s0] =	ssyncadd.remote.s32 $0x1  }
0xbe: {  	_ =	sfence.sel $0xFFFF  }
0xbf: {  	[dreg:$0x0] =	wrdreg $0xFFFFFFFF;
	(pc) =	sbr.abs _section_cstart, $3  }
0xc0: {  	[dreg:$0x1] =	wrdreg $0xFFFFFFFF  }
0xc1: {  	_ =	task.clear_ibuf [dreg:s7], $0x2FFFF;
	_ =	strace $0x9FFFFFFF  }
0xc2: {  	(tm) =	ssettm $0x7FFFFFFF  }
0xc3: {  	_ =	shalt  }
tec
execute0_lowered:
.L_overlay_start_1:
0x0: {  	(tag) =	ssettag $0x1  }
0x1: {  	s3 =	rddreg [dreg:$0x0]  }
0x2: {  	s4 =	rddreg [dreg:$0x1]  }
0x3: {  	s0 =	rddreg [dreg:$0x2];
	s2 =	simm.s32 $0x0;
	s5 =	srdreg.scid  }
0x4: {  	s1 =	stileid.u32;
	s8 =	simm.s32 $0x1;
	s9 =	simm.s32 $0x800  }
0x5: {  	[smem:$0x7FF] =	sst s2;
	s5 =	sand.u32 $0x1, s5;
	s6 =	sshll.u32 s1, $0xA  }
0x6: {  	s7 =	sshll.u32 s5, $0x9;
	s5 =	ssub.s32 $0x2, s5;
	_ =	strace $0x80000047  }
0x7: {  	s6 =	sor.u32 s7, s6;
	s31 =	sshrl.u32 s5, $0x1;
	s7 =	simm.s32 $0x400  }
0x8: {  	s4 =	sadd.s32 s6, s4;
	s5 =	ssub.s32 s5, s31;
	s3 =	sadd.s32 s3, s6  }
0x9: {  	v47 =	vimm.s32 $0x3;
	s6 =	simm.s32 $0x200;
	s4 =	sadd.s32 $0x2200, s4;
	s5 =	smax.u32 s5, $0x1  }
.LBB2_1:
0xa: {  	[tilespmem:s2], [sflag:$0x1] =	stream.strided.gather [hbm4b:s3+s6], $0x800, s7, s6, $0x38;
	[tilespmem:$0x1000] =	vst v63  }
0xb: {  	_ =	swait.ge [sflag:s8], $0x800  }
0xc: {  	[sflag:s8] =	ssyncset.done $0x0  }
0xd: {  	[sflag:s8] =	ssyncadd.s32 $0xFFFFF800  }
0xe: {  	v0 =	vld [tilespmem:$0x0]  }
0xf: {  	v1 =	vld [tilespmem:$0x80]  }
0x10: {  	v2 =	vld [tilespmem:$0x100]  }
0x11: {  	v3 =	vld [tilespmem:$0x180];
	_ =	sdelay $0x4  }
0x12: {  	v4 =	vmax.f32 v0, v1;
	v5 =	vmax.f32 v2, v3  }
0x13: {  	v4 =	vmax.f32 v4, v5  }
0x14: {  	vm0 =	veq.f32 v2, v4  }
0x15: {  	vm2 =	veq.f32 v1, v4;
	v24 =	vsel vm0, $0x2, v47  }
0x16: {  	vm10 =	vne.f32 v0, v4;
	v5 =	vsel vm2, $0x1, v24  }
0x17: {  	v5 =	vnsel vm10, $0x0, v5  }
0x18: {  	v7 =	vld [tilespmem:$0x10];
	vm1 =	veq.s32 v5, $0x2  }
0x19: {  	v25 =	vld [tilespmem:$0x90];
	v0 =	vnsel vm10, $0xFF800000, v0;
	vm9 =	vmand vm10, vm2;
	v6 =	vsel vm1, $0xFF800000, v2  }
0x1a: {  	v26 =	vld [tilespmem:$0x110];
	v1 =	vsel vm9, $0xFF800000, v1;
	vm4 =	veq.s32 v5, $0x3;
	v3 =	vmax.f32 v6, v3  }
0x1b: {  	v27 =	vld [tilespmem:$0x190];
	v8 =	vmax.f32 v0, v1;
	v2 =	vsel vm4, v2, v3  }
0x1c: {  	v2 =	vmax.f32 v8, v2  }
0x1d: {  	v4 =	vsub.f32 v2, v4;
	_ =	sdelay $0x1  }
0x1e: {  	v4 =	vmul.f32 $1.442695020e+00, v4  }
0x1f: {  	v28 =	vmax.f32 v7, v25;
	v9 =	vmax.f32 v26, v27  }
0x20: {  	(erf) = vpow2.f32 v4;
	v4 =	vmax.f32 v28, v9  }
0x21: {  	vm13 =	veq.f32 v26, v4  }
0x22: {  	v10 =	vld [tilespmem:$0x20];
	vm14 =	veq.f32 v25, v4;
	v29 =	vsel vm13, $0x2, v47  }
0x23: {  	v11 =	vld [tilespmem:$0xA0];
	vm7 =	vne.f32 v7, v4;
	v9 =	vsel vm14, $0x1, v29  }
0x24: {  	v13 =	vld [tilespmem:$0x120];
	v9 =	vnsel vm7, $0x0, v9  }
0x25: {  	v30 =	vld [tilespmem:$0x1A0];
	vm3 =	veq.s32 v9, $0x2  }
0x26: {  	v7 =	vnsel vm7, $0xFF800000, v7;
	vm8 =	vmand vm7, vm14;
	v12 =	vsel vm3, $0xFF800000, v26  }
0x27: {  	v35 =	vld [tilespmem:$0x30];
	v5 =	vsel vm8, $0xFF800000, v25;
	vm6 =	veq.s32 v9, $0x3;
	v8 =	vmax.f32 v12, v27  }
0x28: {  	v37 =	vld [tilespmem:$0xB0];
	v15 =	vmax.f32 v7, v5;
	v3 =	vsel vm6, v26, v8  }
0x29: {  	v39 =	vld [tilespmem:$0x130];
	v32 =	vmax.f32 v10, v11;
	v14 =	vpop (erf);
	v3 =	vmax.f32 v15, v3  }
0x2a: {  	v40 =	vld [tilespmem:$0x1B0];
	v33 =	vmax.f32 v13, v30;
	v31 =	vadd.f32 $1.000000000e+00, v14;
	v4 =	vsub.f32 v3, v4  }
0x2b: {  	v8 =	vmax.f32 v32, v33  }
0x2c: {  	vm15 =	veq.f32 v13, v8;
	(erf) = vrcp.f32 v31;
	v4 =	vmul.f32 $1.442695020e+00, v4  }
0x2d: {  	v22 =	vimm.s32 $0x0;
	vm5 =	veq.f32 v11, v8;
	v34 =	vsel vm15, $0x2, v47  }
0x2e: {  	v52 =	vld [tilespmem:$0x40];
	vm11 =	vne.f32 v10, v8;
	(erf) = vpow2.f32 v4;
	v4 =	vsel vm5, $0x1, v34  }
0x2f: {  	v54 =	vld [tilespmem:$0xC0];
	v45 =	vmax.f32 v35, v37;
	v46 =	vmax.f32 v39, v40;
	v4 =	vnsel vm11, $0x0, v4  }
0x30: {  	v55 =	vld [tilespmem:$0x140];
	vm12 =	veq.f32 v1, v2;
	vm13 =	veq.f32 v6, v2;
	vm0 =	veq.s32 v4, $0x2  }
0x31: {  	v25 =	vld [tilespmem:$0x1C0];
	v1 =	vnsel vm11, $0xFF800000, v10;
	vm5 =	vmand vm11, vm5;
	v10 =	vsel vm0, $0xFF800000, v13  }
0x32: {  	v11 =	vsel vm5, $0xFF800000, v11;
	vm2 =	veq.s32 v4, $0x3;
	v36 =	vmax.f32 v10, v30  }
0x33: {  	v17 =	vsel vm13, $0x2, v47;
	v16 =	vmax.f32 v1, v11;
	v4 =	vsel vm2, v13, v36  }
0x34: {  	vm13 =	vne.f32 v0, v2;
	v41 =	vsel vm12, $0x1, v17;
	v4 =	vmax.f32 v16, v4  }
0x35: {  	vm12 =	vmand vm13, vm12;
	v0 =	vnsel vm13, $0x0, v41;
	v38 =	vpop (erf);
	v8 =	vsub.f32 v4, v8  }
0x36: {  	v20 =	vmax.f32 v55, v25;
	v30 =	vmax.f32 v52, v54;
	v14 =	vmul.f32 v38, v14  }
0x37: {  	vm14 =	veq.s32 v0, $0x3;
	v13 =	vmax.f32 v30, v20;
	v42 =	vpop (erf);
	v8 =	vmul.f32 $1.442695020e+00, v8  }
0x38: {  	v43 =	vsel vm13, $0x0, v14;
	v18 =	vadd.f32 $1.000000000e+00, v42;
	v44 =	vnsel vm12, $0x0, v14  }
0x39: {  	v34 =	vld [tilespmem:$0x50];
	vm13 =	veq.s32 v0, $0x2;
	v0 =	vnsel vm14, $0x0, v14;
	vm12 =	vne.f32 v7, v3  }
0x3a: {  	v36 =	vld [tilespmem:$0xD0];
	v51 =	vsel vm10, v43, v38;
	v58 =	vsel vm9, v38, v44;
	(erf) = vrcp.f32 v18  }
0x3b: {  	v48 =	vnsel vm13, $0x0, v14;
	(erf) = vpow2.f32 v8;
	v8 =	vmax.f32 v45, v46  }
0x3c: {  	v59 =	vsel vm4, v38, v0;
	vm4 =	veq.f32 v12, v3;
	vm15 =	veq.f32 v39, v8  }
0x3d: {  	vm13 =	veq.f32 v5, v3;
	vm10 =	veq.f32 v37, v8;
	v49 =	vsel vm15, $0x2, v47  }
0x3e: {  	v57 =	vsel vm1, v38, v48;
	vm9 =	vne.f32 v35, v8;
	v50 =	vsel vm10, $0x1, v49  }
0x3f: {  	v53 =	vsel vm4, $0x2, v47;
	v48 =	vmax.f32 v34, v36;
	v0 =	vnsel vm9, $0x0, v50  }
0x40: {  	v3 =	vsel vm13, $0x1, v53;
	vm13 =	vmand vm12, vm13;
	vm1 =	veq.s32 v0, $0x2  }
0x41: {  	v7 =	vnsel vm9, $0xFF800000, v35;
	vm10 =	vmand vm9, vm10;
	v12 =	vsel vm1, $0xFF800000, v39  }
0x42: {  	v9 =	vsel vm10, $0xFF800000, v37;
	vm4 =	veq.s32 v0, $0x3;
	v24 =	vmax.f32 v12, v40  }
0x43: {  	v3 =	vnsel vm12, $0x0, v3;
	v27 =	vmax.f32 v7, v9;
	v56 =	vpop (erf);
	v0 =	vsel vm4, v39, v24  }
0x44: {  	vm14 =	veq.s32 v3, $0x3;
	v26 =	vpop (erf);
	v2 =	vmul.f32 v56, v42;
	v0 =	vmax.f32 v27, v0  }
0x45: {  	v35 =	vimm.s32 $0x0;
	v28 =	vadd.f32 $1.000000000e+00, v26;
	v8 =	vsub.f32 v0, v8  }
0x46: {  	v37 =	vld [tilespmem:$0x150];
	v29 =	vsel vm12, $0x0, v2;
	v19 =	vnsel vm13, $0x0, v2;
	vm13 =	veq.s32 v3, $0x2  }
0x47: {  	v39 =	vld [tilespmem:$0x1D0];
	vm12 =	veq.f32 v54, v13;
	(erf) = vrcp.f32 v28;
	v8 =	vmul.f32 $1.442695020e+00, v8  }
0x48: {  	v63 =	vsel vm7, v29, v56;
	v60 =	vsel vm8, v56, v19;
	vm8 =	veq.f32 v55, v13  }
0x49: {  	v31 =	vnsel vm13, $0x0, v2;
	vm7 =	vne.f32 v52, v13;
	v2 =	vnsel vm14, $0x0, v2  }
0x4a: {  	vm13 =	veq.f32 v11, v4;
	v32 =	vsel vm8, $0x2, v47;
	v2 =	vsel vm6, v56, v2  }
0x4b: {  	v6 =	vnsel vm7, $0xFF800000, v52;
	(erf) = vpow2.f32 v8;
	v33 =	vsel vm12, $0x1, v32  }
0x4c: {  	vm8 =	veq.f32 v10, v4;
	v49 =	vmax.f32 v37, v39;
	v3 =	vnsel vm7, $0x0, v33  }
0x4d: {  	v8 =	vsel vm3, v56, v31;
	vm3 =	vmand vm7, vm12;
	vm15 =	veq.s32 v3, $0x2  }
0x4e: {  	v42 =	vsel vm8, $0x2, v47;
	vm8 =	vne.f32 v1, v4;
	v11 =	vsel vm15, $0xFF800000, v55  }
0x4f: {  	v18 =	vsel vm3, $0xFF800000, v54;
	vm6 =	veq.s32 v3, $0x3;
	v38 =	vmax.f32 v11, v25  }
0x50: {  	v50 =	vmax.f32 v48, v49;
	v41 =	vmax.f32 v6, v18;
	v3 =	vsel vm6, v55, v38  }
0x51: {  	v56 =	vimm.s32 $0x0;
	v43 =	vsel vm13, $0x1, v42;
	v3 =	vmax.f32 v41, v3  }
0x52: {  	v48 =	vimm.s32 $0x0;
	v1 =	vnsel vm8, $0x0, v43;
	v40 =	vpop (erf);
	v13 =	vsub.f32 v3, v13  }
0x53: {  	[tilespmem:$0x1FBA0] =	vst v2;
	v2 =	vsel vm15, $0xFFFFFFFF, v35;
	vm15 =	veq.f32 v12, v0;
	v17 =	vmul.f32 v40, v26  }
0x54: {  	vm12 =	veq.s32 v1, $0x2;
	v28 =	vsel vm15, $0x2, v47;
	v44 =	vpop (erf);
	v13 =	vmul.f32 $1.442695020e+00, v13  }
0x55: {  	v45 =	vsel vm8, $0x0, v17;
	v46 =	vadd.f32 $1.000000000e+00, v44;
	v54 =	vnsel vm12, $0x0, v17  }
0x56: {  	v14 =	vsel vm11, v45, v40;
	vm11 =	vmand vm8, vm13;
	vm8 =	veq.f32 v37, v50  }
0x57: {  	vm13 =	veq.f32 v36, v50;
	(erf) = vrcp.f32 v46;
	v52 =	vnsel vm11, $0x0, v17  }
0x58: {  	v53 =	vsel vm8, $0x2, v47;
	vm11 =	vne.f32 v34, v50;
	(erf) = vpow2.f32 v13  }
0x59: {  	v61 =	vld [tilespmem:$0xE0];
	v16 =	vsel vm13, $0x1, v53;
	v13 =	vsel vm5, v40, v52;
	vm5 =	veq.s32 v1, $0x3  }
0x5a: {  	[tilespmem:$0x1FB90] =	vst v8;
	v55 =	vld [tilespmem:$0x60];
	v8 =	vnsel vm11, $0xFF800000, v34;
	vm14 =	vmand vm11, vm13;
	v16 =	vnsel vm11, $0x0, v16  }
0x5b: {  	v62 =	vld [tilespmem:$0x160];
	[tilespmem:$0x1FBC0] =	vst v13;
	v13 =	vsel vm0, v40, v54;
	v21 =	vsel vm14, $0xFF800000, v36;
	vm8 =	veq.s32 v16, $0x2  }
0x5c: {  	v24 =	vld [tilespmem:$0x1E0];
	v25 =	vnsel vm5, $0x0, v17;
	[tilespmem:$0x1FBD0] =	vst v13;
	vm13 =	veq.s32 v16, $0x3;
	v13 =	vsel vm8, $0xFF800000, v37  }
0x5d: {  	[tilespmem:$0x1FA10] =	vst v2;
	v41 =	vld [tilespmem:$0x1F0];
	vm5 =	veq.f32 v9, v0;
	v2 =	vsel vm13, $0xFFFFFFFF, v22;
	v23 =	vmax.f32 v13, v39  }
0x5e: {  	v26 =	vmax.f32 v8, v21;
	v10 =	vsel vm2, v40, v25;
	v40 =	vld [tilespmem:$0x170];
	[tilespmem:$0x1FA30] =	vst v2;
	v2 =	vsel vm13, v37, v23  }
0x5f: {  	v33 =	vmax.f32 v55, v61;
	v30 =	vsel vm5, $0x1, v28;
	v12 =	vmax.f32 v26, v2  }
0x60: {  	[tilespmem:$0x1FBB0] =	vst v14;
	v1 =	vsel vm8, $0xFFFFFFFF, v56;
	vm8 =	vne.f32 v7, v0;
	v14 =	vsub.f32 v12, v50;
	v27 =	vpop (erf)  }
0x61: {  	v34 =	vmax.f32 v62, v24;
	v0 =	vnsel vm8, $0x0, v30;
	vm2 =	vmand vm8, vm5;
	v29 =	vpop (erf)  }
0x62: {  	v32 =	vmul.f32 $1.442695020e+00, v14;
	v14 =	vmax.f32 v33, v34;
	v31 =	vadd.f32 $1.000000000e+00, v29  }
0x63: {  	v56 =	vmax.f32 v40, v41;
	v4 =	vmul.f32 v27, v44;
	vm0 =	veq.f32 v62, v14  }
0x64: {  	vm15 =	veq.f32 v61, v14;
	vm5 =	vne.f32 v55, v14;
	(erf) = vrcp.f32 v31  }
0x65: {  	v35 =	vsel vm8, $0x0, v4;
	v36 =	vsel vm0, $0x2, v47;
	(erf) = vpow2.f32 v32  }
0x66: {  	v37 =	vnsel vm2, $0x0, v4;
	vm2 =	veq.s32 v0, $0x2;
	vm8 =	veq.s32 v0, $0x3  }
0x67: {  	v7 =	vsel vm15, $0x1, v36;
	v2 =	vsel vm9, v35, v27;
	vm9 =	vmand vm5, vm15  }
0x68: {  	v43 =	vnsel vm2, $0x0, v4;
	v4 =	vnsel vm8, $0x0, v4;
	v7 =	vnsel vm5, $0x0, v7  }
0x69: {  	v38 =	vld [tilespmem:$0x70];
	vm15 =	veq.f32 v11, v3;
	[tilespmem:$0x1FBF0] =	vst v2;
	v2 =	vsel vm10, v27, v37;
	vm13 =	veq.s32 v7, $0x2  }
0x6a: {  	[tilespmem:$0x1FA20] =	vst v1;
	v39 =	vld [tilespmem:$0xF0];
	v1 =	vsel vm9, $0xFF800000, v61;
	v44 =	vsel vm1, v27, v43;
	v17 =	vsel vm13, $0xFF800000, v62  }
0x6b: {  	[tilespmem:$0x1FC00] =	vst v2;
	v2 =	vnsel vm5, $0xFF800000, v55;
	vm12 =	veq.s32 v7, $0x3;
	v5 =	vmax.f32 v17, v24  }
0x6c: {  	v45 =	vsel vm4, v27, v4;
	v42 =	vmax.f32 v2, v1;
	v5 =	vsel vm12, v62, v5  }
0x6d: {  	vm4 =	vne.f32 v6, v3;
	vm10 =	veq.f32 v18, v3;
	v5 =	vmax.f32 v42, v5;
	v22 =	vpop (erf)  }
0x6e: {  	v49 =	vld [tilespmem:$0x380];
	v3 =	vsel vm15, $0x2, v47;
	v43 =	vimm.s32 $0x0;
	v53 =	vsub.f32 v5, v14;
	v46 =	vpop (erf)  }
0x6f: {  	v30 =	vld [tilespmem:$0x300];
	v55 =	vmax.f32 v38, v39;
	v3 =	vsel vm10, $0x1, v3;
	v54 =	vadd.f32 $1.000000000e+00, v46  }
0x70: {  	vm0 =	vmand vm4, vm10;
	v61 =	vmax.f32 v55, v56;
	v4 =	vmul.f32 $1.442695020e+00, v53  }
0x71: {  	vm8 =	veq.f32 v40, v61;
	vm15 =	veq.f32 v39, v61;
	(erf) = vrcp.f32 v54  }
0x72: {  	v24 =	vsel vm8, $0x2, v47;
	vm8 =	vne.f32 v38, v61;
	(erf) = vpow2.f32 v4  }
0x73: {  	v25 =	vnsel vm4, $0x0, v3;
	v6 =	vsel vm15, $0x1, v24;
	vm10 =	vmand vm8, vm15  }
0x74: {  	v24 =	vmax.f32 v30, v49;
	v27 =	vnsel vm8, $0x0, v6;
	v62 =	vmul.f32 v22, v29  }
0x75: {  	v28 =	vld [tilespmem:$0x200];
	[tilespmem:$0x1FBE0] =	vst v10;
	v6 =	vsel vm10, $0xFF800000, v39;
	vm2 =	veq.f32 v17, v5;
	vm15 =	veq.s32 v27, $0x3  }
0x76: {  	[tilespmem:$0x1FC20] =	vst v44;
	v14 =	vsel vm15, $0xFFFFFFFF, v48;
	v29 =	vld [tilespmem:$0x280];
	v26 =	vsel vm4, $0x0, v62;
	vm4 =	veq.s32 v27, $0x2  }
0x77: {  	[tilespmem:$0x1FC30] =	vst v45;
	v50 =	vnsel vm0, $0x0, v62;
	vm0 =	vne.f32 v8, v12;
	v3 =	vsel vm7, v26, v22  }
0x78: {  	[tilespmem:$0x1FA40] =	vst v14;
	v10 =	vsel vm4, $0xFF800000, v40;
	v14 =	vsel vm3, v22, v50;
	vm7 =	veq.s32 v25, $0x2  }
0x79: {  	[tilespmem:$0x1FC40] =	vst v3;
	v3 =	vnsel vm8, $0xFF800000, v38;
	v7 =	vmax.f32 v10, v41;
	v31 =	vnsel vm7, $0x0, v62  }
0x7a: {  	[tilespmem:$0x1FC50] =	vst v14;
	v23 =	vmax.f32 v3, v6;
	v7 =	vsel vm15, v40, v7;
	vm15 =	veq.s32 v25, $0x3;
	v52 =	vpop (erf)  }
0x7b: {  	v35 =	vmax.f32 v28, v29;
	v14 =	vmax.f32 v23, v7;
	v4 =	vnsel vm15, $0x0, v62;
	v32 =	vpop (erf)  }
0x7c: {  	v36 =	vmax.f32 v35, v24;
	v62 =	vsel vm2, $0x2, v47;
	vm2 =	veq.f32 v1, v5;
	v33 =	vld [tilespmem:$0x1FA10]  }
0x7d: {  	v11 =	vsub.f32 v14, v61;
	v4 =	vsel vm6, v22, v4;
	vm15 =	veq.f32 v30, v36;
	v41 =	vld [tilespmem:$0x210]  }
0x7e: {  	vm6 =	veq.f32 v29, v36;
	v38 =	vsel vm15, $0x2, v47;
	vm15 =	veq.f32 v13, v12;
	v44 =	vld [tilespmem:$0x290]  }
0x7f: {  	v13 =	vsel vm15, $0x2, v47;
	vm15 =	veq.f32 v21, v12;
	v37 =	vmul.f32 v52, v46;
	v45 =	vld [tilespmem:$0x310]  }
0x80: {  	v11 =	vmul.f32 $1.442695020e+00, v11;
	v13 =	vsel vm15, $0x1, v13;
	v34 =	vadd.f32 $1.000000000e+00, v32;
	v48 =	vld [tilespmem:$0x390]  }
0x81: {  	v0 =	vsel vm6, $0x1, v38;
	v13 =	vnsel vm0, $0x0, v13;
	v27 =	vld [tilespmem:$0x1FA20];
	v39 =	vsel vm0, $0x0, v37  }
0x82: {  	vm0 =	vmand vm0, vm15;
	(erf) = vrcp.f32 v34;
	v42 =	vsel vm11, v39, v52  }
0x83: {  	v53 =	vnsel vm0, $0x0, v37;
	vm0 =	veq.s32 v13, $0x3;
	v34 =	vimm.s32 $0x0  }
0x84: {  	(erf) = vpow2.f32 v11;
	v16 =	vsel vm14, v52, v53;
	v8 =	vnsel vm0, $0x0, v37  }
0x85: {  	vm0 =	vne.f32 v2, v5;
	vm7 =	vnez.u8 v33;
	v25 =	vmax.f32 v41, v44  }
0x86: {  	v26 =	vmax.f32 v45, v48;
	vm15 =	vnez.u8 v27;
	v7 =	vsel vm7, v22, v31  }
0x87: {  	vm7 =	vne.f32 v28, v36;
	v56 =	vmax.f32 v25, v26;
	v31 =	vimm.s32 $0x0  }
0x88: {  	v40 =	vnsel vm7, $0x0, v0;
	vm3 =	vmand vm7, vm6;
	vm6 =	veq.s32 v13, $0x2  }
0x89: {  	vm1 =	veq.f32 v44, v56;
	vm14 =	vne.f32 v41, v56;
	v13 =	vsel vm2, $0x1, v62  }
0x8a: {  	[tilespmem:$0x1FC70] =	vst v7;
	vm11 =	veq.s32 v40, $0x2;
	v7 =	vsel vm3, $0xFF800000, v29;
	v54 =	vnsel vm6, $0x0, v37  }
0x8b: {  	v33 =	vld [tilespmem:$0x3A0];
	vm6 =	veq.f32 v45, v56;
	v0 =	vsel vm11, $0xFFFFFFFF, v43;
	v11 =	vsel vm11, $0xFF800000, v30  }
0x8c: {  	v29 =	vld [tilespmem:$0x220];
	vm11 =	veq.s32 v40, $0x3;
	[tilespmem:$0x1FA50] =	vst v0;
	v0 =	vnsel vm7, $0xFF800000, v28;
	v46 =	vmax.f32 v11, v49  }
0x8d: {  	[tilespmem:$0x1FCA0] =	vst v16;
	v16 =	vsel vm15, v52, v54;
	v54 =	vld [tilespmem:$0x2B0];
	v49 =	vmax.f32 v0, v7;
	v12 =	vsel vm11, v30, v46;
	v50 =	vpop (erf)  }
0x8e: {  	v37 =	vnsel vm0, $0x0, v13;
	v12 =	vmax.f32 v49, v12;
	v9 =	vmul.f32 v50, v32;
	v32 =	vld [tilespmem:$0x320]  }
0x8f: {  	[tilespmem:$0x1FC80] =	vst v4;
	v61 =	vsel vm6, $0x2, v47;
	vm15 =	vmand vm14, vm1;
	v22 =	vpop (erf);
	v49 =	vld [tilespmem:$0x230];
	v4 =	vsub.f32 v12, v36  }
0x90: {  	v30 =	vld [tilespmem:$0x2A0];
	v55 =	vadd.f32 $1.000000000e+00, v22;
	v5 =	vsel vm0, $0x0, v9;
	vm0 =	vmand vm0, vm2  }
0x91: {  	v4 =	vmul.f32 $1.442695020e+00, v4;
	v5 =	vsel vm5, v5, v50;
	v39 =	vnsel vm0, $0x0, v9  }
0x92: {  	(erf) = vrcp.f32 v55;
	vm5 =	veq.s32 v37, $0x2;
	[tilespmem:$0x1FCD0] =	vst v5;
	v5 =	vsel vm9, v50, v39  }
0x93: {  	vm9 =	veq.s32 v37, $0x3;
	(erf) = vpow2.f32 v4;
	v4 =	vsel vm1, $0x1, v61  }
0x94: {  	[tilespmem:$0x1FC90] =	vst v42;
	v42 =	vmax.f32 v32, v33;
	v39 =	vmax.f32 v49, v54;
	v28 =	vnsel vm14, $0x0, v4  }
0x95: {  	v36 =	vld [tilespmem:$0x1FA30];
	v4 =	vnsel vm14, $0xFF800000, v41;
	v41 =	vmax.f32 v29, v30;
	vm6 =	veq.s32 v28, $0x2  }
0x96: {  	[tilespmem:$0x1FCB0] =	vst v16;
	v43 =	vmax.f32 v41, v42;
	v1 =	vsel vm6, $0xFFFFFFFF, v31;
	v16 =	vsel vm6, $0xFF800000, v45  }
0x97: {  	vm6 =	veq.s32 v28, $0x3;
	vm0 =	veq.f32 v30, v43;
	[tilespmem:$0x1FA60] =	vst v1;
	v1 =	vsel vm15, $0xFF800000, v44  }
0x98: {  	v20 =	vmax.f32 v16, v48;
	v17 =	vsel vm6, $0xFFFFFFFF, v34;
	v44 =	vnsel vm5, $0x0, v9  }
0x99: {  	vm5 =	vne.f32 v29, v43;
	v48 =	vnsel vm9, $0x0, v9;
	v35 =	vmax.f32 v4, v1  }
0x9a: {  	v18 =	vsel vm6, v45, v20;
	vm6 =	vnez.u8 v36;
	vm9 =	vmand vm5, vm0  }
0x9b: {  	v2 =	vsel vm6, v52, v8;
	v8 =	vmax.f32 v35, v18;
	vm6 =	veq.f32 v32, v43;
	v19 =	vpop (erf)  }
0x9c: {  	[tilespmem:$0x1FA70] =	vst v17;
	v52 =	vsel vm13, v50, v44;
	v50 =	vsel vm12, v50, v48;
	v38 =	vsub.f32 v8, v56;
	v17 =	vpop (erf)  }
0x9d: {  	[tilespmem:$0x1FCE0] =	vst v5;
	v5 =	vsel vm9, $0xFF800000, v30;
	vm12 =	veq.f32 v10, v14;
	v40 =	vadd.f32 $1.000000000e+00, v17  }
0x9e: {  	v48 =	vimm.s32 $0x0;
	v45 =	vsel vm6, $0x2, v47;
	v13 =	vmul.f32 $1.442695020e+00, v38  }
0x9f: {  	[tilespmem:$0x1FCC0] =	vst v2;
	v2 =	vnsel vm5, $0xFF800000, v29;
	v46 =	vsel vm0, $0x1, v45;
	(erf) = vrcp.f32 v40  }
0xa0: {  	v56 =	vimm.s32 $0x0;
	(erf) = vpow2.f32 v13;
	v13 =	vnsel vm5, $0x0, v46  }
0xa1: {  	v10 =	vsel vm12, $0x2, v47;
	vm12 =	veq.f32 v6, v14;
	vm13 =	veq.s32 v13, $0x2  }
0xa2: {  	v62 =	vld [tilespmem:$0x3B0];
	[tilespmem:$0x1FCF0] =	vst v50;
	v50 =	vimm.s32 $0x0;
	vm6 =	veq.s32 v13, $0x3;
	v9 =	vsel vm13, $0xFF800000, v32  }
0xa3: {  	v55 =	vld [tilespmem:$0x330];
	v29 =	vimm.s32 $0x0;
	v13 =	vsel vm6, $0xFFFFFFFF, v56;
	v61 =	vmax.f32 v9, v33  }
0xa4: {  	v53 =	vmul.f32 v19, v22;
	v25 =	vmax.f32 v2, v5;
	v56 =	vld [tilespmem:$0x1FA40];
	[tilespmem:$0x1FA80] =	vst v13;
	v13 =	vsel vm6, v32, v61  }
0xa5: {  	v36 =	vsel vm12, $0x1, v10;
	vm6 =	vne.f32 v3, v14;
	v13 =	vmax.f32 v25, v13  }
0xa6: {  	v3 =	vsel vm6, $0x0, v53;
	v41 =	vnsel vm6, $0x0, v36;
	vm0 =	vmand vm6, vm12  }
0xa7: {  	v18 =	vsub.f32 v13, v43;
	v3 =	vsel vm8, v3, v19;
	v43 =	vnsel vm0, $0x0, v53  }
0xa8: {  	v40 =	vmax.f32 v55, v62;
	vm12 =	veq.s32 v41, $0x2;
	[tilespmem:$0x1FD10] =	vst v3;
	v3 =	vsel vm10, v19, v43  }
0xa9: {  	v45 =	vnsel vm12, $0x0, v53;
	vm10 =	vnez.u8 v56;
	v38 =	vmul.f32 $1.442695020e+00, v18  }
0xaa: {  	v18 =	vmax.f32 v39, v40;
	[tilespmem:$0x1FD20] =	vst v3;
	v3 =	vsel vm4, v19, v45;
	vm4 =	veq.f32 v11, v12  }
0xab: {  	v42 =	vld [tilespmem:$0x240];
	v23 =	vpop (erf);
	v39 =	vimm.s32 $0x0;
	vm6 =	veq.f32 v55, v18;
	vm8 =	veq.f32 v54, v18  }
0xac: {  	v30 =	vld [tilespmem:$0x2C0];
	v25 =	vpop (erf);
	vm1 =	vne.f32 v49, v18;
	v11 =	vsel vm4, $0x2, v47;
	v17 =	vmul.f32 v23, v17  }
0xad: {  	v31 =	vld [tilespmem:$0x340];
	v37 =	vadd.f32 $1.000000000e+00, v25;
	v44 =	vsel vm6, $0x2, v47;
	vm0 =	vmand vm1, vm8  }
0xae: {  	v43 =	vld [tilespmem:$0x3D0];
	[tilespmem:$0x1FD30] =	vst v3;
	vm6 =	veq.s32 v41, $0x3;
	v6 =	vsel vm8, $0x1, v44;
	v3 =	vsel vm0, $0xFFFFFFFF, v48  }
0xaf: {  	v41 =	vld [tilespmem:$0x350];
	v15 =	vnsel vm6, $0x0, v53;
	v44 =	vimm.s32 $0x0;
	(erf) = vrcp.f32 v37  }
0xb0: {  	v32 =	vld [tilespmem:$0x3C0];
	v46 =	vnsel vm1, $0x0, v6;
	[tilespmem:$0x1FA90] =	vst v3;
	v6 =	vnsel vm1, $0xFF800000, v49;
	v3 =	vsel vm0, $0xFF800000, v54  }
0xb1: {  	v54 =	vmax.f32 v42, v30;
	v15 =	vsel vm10, v19, v15;
	vm0 =	veq.f32 v7, v12  }
0xb2: {  	(erf) = vpow2.f32 v38;
	vm12 =	veq.s32 v46, $0x2;
	vm8 =	veq.s32 v46, $0x3  }
0xb3: {  	v28 =	vld [tilespmem:$0x1FA50];
	v53 =	vmax.f32 v6, v3;
	v7 =	vsel vm0, $0x1, v11;
	v10 =	vsel vm12, $0xFF800000, v55  }
0xb4: {  	v40 =	vld [tilespmem:$0x2D0];
	v14 =	vsel vm8, $0xFFFFFFFF, v50;
	v49 =	vmax.f32 v10, v62;
	v50 =	vmax.f32 v41, v43  }
0xb5: {  	v38 =	vld [tilespmem:$0x250];
	v20 =	vsel vm8, v55, v49;
	v55 =	vmax.f32 v31, v32;
	vm8 =	vne.f32 v0, v12  }
0xb6: {  	[tilespmem:$0x1FAA0] =	vst v14;
	v14 =	vmax.f32 v53, v20;
	v62 =	vmax.f32 v54, v55;
	v12 =	vnsel vm8, $0x0, v7  }
0xb7: {  	v0 =	vsel vm8, $0x0, v17;
	vm0 =	vmand vm8, vm0;
	v61 =	vsub.f32 v14, v18  }
0xb8: {  	vm6 =	veq.f32 v31, v62;
	vm10 =	veq.f32 v30, v62;
	v0 =	vsel vm7, v0, v23  }
0xb9: {  	v36 =	vnsel vm0, $0x0, v17;
	vm8 =	veq.s32 v12, $0x2;
	vm7 =	vnez.u8 v28  }
0xba: {  	v49 =	vmax.f32 v38, v40;
	vm0 =	vne.f32 v4, v8;
	v34 =	vsel vm6, $0x2, v47  }
0xbb: {  	vm6 =	vne.f32 v42, v62;
	[tilespmem:$0x1FD60] =	vst v0;
	v0 =	vsel vm3, v23, v36;
	v45 =	vnsel vm8, $0x0, v17  }
0xbc: {  	[tilespmem:$0x1FD40] =	vst v15;
	vm8 =	veq.s32 v12, $0x3;
	v15 =	vmul.f32 $1.442695020e+00, v61;
	v35 =	vsel vm10, $0x1, v34  }
0xbd: {  	vm10 =	vmand vm6, vm10;
	v7 =	vnsel vm6, $0xFF800000, v42;
	v12 =	vnsel vm8, $0x0, v17;
	v21 =	vpop (erf)  }
0xbe: {  	[tilespmem:$0x1FD70] =	vst v0;
	v37 =	vnsel vm6, $0x0, v35;
	v0 =	vsel vm10, $0xFFFFFFFF, v39;
	v12 =	vsel vm11, v23, v12;
	v19 =	vpop (erf)  }
0xbf: {  	[tilespmem:$0x1FAB0] =	vst v0;
	vm4 =	veq.s32 v37, $0x2;
	v0 =	vsel vm10, $0xFF800000, v30;
	v33 =	vadd.f32 $1.000000000e+00, v19  }
0xc0: {  	vm10 =	veq.s32 v37, $0x3;
	v37 =	vimm.s32 $0x0;
	v11 =	vsel vm4, $0xFF800000, v31  }
0xc1: {  	v30 =	vmax.f32 v7, v0;
	v42 =	vmax.f32 v11, v32;
	(erf) = vrcp.f32 v33  }
0xc2: {  	v26 =	vsel vm10, v31, v42;
	v42 =	vimm.s32 $0x0;
	(erf) = vpow2.f32 v15  }
0xc3: {  	v15 =	vsel vm10, $0xFFFFFFFF, v44;
	vm10 =	veq.f32 v16, v8;
	v16 =	vmul.f32 v21, v25  }
0xc4: {  	v44 =	vimm.s32 $0x0;
	[tilespmem:$0x1FAC0] =	vst v15;
	v15 =	vsel vm7, v23, v45;
	v46 =	vsel vm10, $0x2, v47  }
0xc5: {  	v23 =	vmax.f32 v49, v50;
	vm7 =	veq.f32 v1, v8;
	[tilespmem:$0x1FD80] =	vst v15;
	v15 =	vmax.f32 v30, v26  }
0xc6: {  	v50 =	vld [tilespmem:$0x1FA60];
	vm11 =	veq.f32 v41, v23;
	v54 =	vsel vm0, $0x0, v16;
	vm2 =	veq.f32 v40, v23  }
0xc7: {  	v20 =	vld [tilespmem:$0x3E0];
	vm10 =	vne.f32 v38, v23;
	v56 =	vsel vm7, $0x1, v46;
	v18 =	vsub.f32 v15, v62  }
0xc8: {  	v30 =	vld [tilespmem:$0x360];
	v53 =	vsel vm11, $0x2, v47;
	v55 =	vsel vm14, v54, v21;
	v62 =	vnsel vm0, $0x0, v56  }
0xc9: {  	vm0 =	vmand vm0, vm7;
	vm11 =	vmand vm10, vm2;
	v4 =	vsel vm2, $0x1, v53  }
0xca: {  	v54 =	vld [tilespmem:$0x1FA70];
	v18 =	vmul.f32 $1.442695020e+00, v18;
	v61 =	vnsel vm10, $0x0, v4;
	v4 =	vsel vm11, $0xFF800000, v40;
	v31 =	vpop (erf)  }
0xcb: {  	vm7 =	veq.s32 v61, $0x2;
	vm14 =	veq.s32 v61, $0x3;
	vm8 =	vnez.u8 v50;
	v17 =	vpop (erf)  }
0xcc: {  	v1 =	vsel vm7, $0xFFFFFFFF, v42;
	v8 =	vsel vm7, $0xFF800000, v41;
	v48 =	vadd.f32 $1.000000000e+00, v17  }
0xcd: {  	[tilespmem:$0x1FD90] =	vst v12;
	v12 =	vsel vm14, $0xFFFFFFFF, v44;
	vm7 =	veq.s32 v62, $0x2;
	v35 =	vmax.f32 v30, v20  }
0xce: {  	v25 =	vld [tilespmem:$0x260];
	[tilespmem:$0x1FAD0] =	vst v1;
	v1 =	vnsel vm10, $0xFF800000, v38;
	v43 =	vmax.f32 v8, v43;
	(erf) = vrcp.f32 v48  }
0xcf: {  	v49 =	vnsel vm7, $0x0, v16;
	vm7 =	vnez.u8 v54;
	(erf) = vpow2.f32 v18;
	v18 =	vld [tilespmem:$0x2E0]  }
0xd0: {  	v45 =	vsel vm14, v41, v43;
	v46 =	vmax.f32 v1, v4;
	v24 =	vsel vm8, v21, v49  }
0xd1: {  	vm14 =	veq.s32 v62, $0x3;
	v19 =	vmul.f32 v31, v19;
	vm8 =	veq.f32 v9, v13  }
0xd2: {  	[tilespmem:$0x1FAE0] =	vst v12;
	v41 =	vimm.s32 $0x0;
	v12 =	vmax.f32 v46, v45;
	v9 =	vsel vm8, $0x2, v47  }
0xd3: {  	v23 =	vsub.f32 v12, v23;
	v48 =	vnsel vm0, $0x0, v16;
	v16 =	vnsel vm14, $0x0, v16  }
0xd4: {  	vm14 =	vne.f32 v2, v13;
	v39 =	vsel vm15, v21, v48;
	v33 =	vmax.f32 v25, v18  }
0xd5: {  	v23 =	vmul.f32 $1.442695020e+00, v23;
	v2 =	vsel vm14, $0x0, v19;
	v33 =	vmax.f32 v33, v35  }
0xd6: {  	v40 =	vsel vm5, v2, v31;
	v35 =	vsel vm7, v21, v16;
	vm15 =	veq.f32 v30, v33  }
0xd7: {  	[tilespmem:$0x1FDA0] =	vst v55;
	vm2 =	veq.f32 v18, v33;
	vm8 =	vne.f32 v25, v33;
	v55 =	vsel vm15, $0x2, v47  }
0xd8: {  	v22 =	vpop (erf);
	vm15 =	veq.f32 v5, v13;
	v2 =	vnsel vm8, $0xFF800000, v25;
	v16 =	vsel vm2, $0x1, v55  }
0xd9: {  	[tilespmem:$0x1FDB0] =	vst v24;
	v24 =	vpop (erf);
	v56 =	vsel vm15, $0x1, v9;
	vm0 =	vmand vm14, vm15;
	v17 =	vmul.f32 v22, v17  }
0xda: {  	v26 =	vld [tilespmem:$0x370];
	v53 =	vadd.f32 $1.000000000e+00, v24;
	v61 =	vnsel vm8, $0x0, v16;
	v62 =	vnsel vm14, $0x0, v56  }
0xdb: {  	v25 =	vld [tilespmem:$0x3F0];
	vm14 =	vmand vm8, vm2;
	v44 =	vnsel vm0, $0x0, v19;
	vm15 =	veq.s32 v61, $0x2  }
0xdc: {  	v21 =	vld [tilespmem:$0x270];
	v5 =	vsel vm14, $0xFF800000, v18;
	vm5 =	veq.s32 v61, $0x3;
	vm7 =	veq.s32 v62, $0x2  }
0xdd: {  	v16 =	vld [tilespmem:$0x2F0];
	(erf) = vrcp.f32 v53;
	v9 =	vsel vm15, $0xFF800000, v30;
	v13 =	vsel vm5, $0xFFFFFFFF, v41  }
0xde: {  	v43 =	vmax.f32 v2, v5;
	v45 =	vnsel vm7, $0x0, v19;
	vm7 =	veq.f32 v10, v14  }
0xdf: {  	v53 =	vld [tilespmem:$0x1FA80];
	v41 =	vimm.s32 $0x0;
	(erf) = vpow2.f32 v23;
	v38 =	vmax.f32 v9, v20  }
0xe0: {  	v46 =	vsel vm13, v31, v45;
	v36 =	vmax.f32 v26, v25;
	v42 =	vsel vm5, v30, v38  }
0xe1: {  	[tilespmem:$0x1FAF0] =	vst v13;
	v10 =	vsel vm7, $0x2, v47;
	v13 =	vmax.f32 v43, v42;
	v43 =	vsel vm9, v31, v44  }
0xe2: {  	v50 =	vmax.f32 v21, v16;
	vm9 =	veq.s32 v62, $0x3;
	v48 =	vsub.f32 v13, v33  }
0xe3: {  	v33 =	vmax.f32 v50, v36;
	v19 =	vnsel vm9, $0x0, v19;
	vm9 =	vne.f32 v6, v14  }
0xe4: {  	vm13 =	veq.f32 v26, v33;
	vm5 =	vnez.u8 v53;
	vm3 =	veq.f32 v16, v33  }
0xe5: {  	v6 =	vsel vm9, $0x0, v17;
	vm2 =	vne.f32 v21, v33;
	v20 =	vmul.f32 $1.442695020e+00, v48  }
0xe6: {  	v19 =	vsel vm5, v31, v19;
	v54 =	vsel vm13, $0x2, v47;
	vm13 =	veq.f32 v3, v14  }
0xe7: {  	v55 =	vsel vm1, v6, v22;
	vm5 =	vmand vm2, vm3;
	[tilespmem:$0x1FDD0] =	vst v19;
	v19 =	vsel vm3, $0x1, v54  }
0xe8: {  	v30 =	vld [tilespmem:$0x500];
	v56 =	vsel vm13, $0x1, v10;
	vm0 =	vmand vm9, vm13;
	v6 =	vsel vm5, $0xFF800000, v16;
	v18 =	vpop (erf)  }
0xe9: {  	v48 =	vld [tilespmem:$0x1FA90];
	v61 =	vnsel vm2, $0x0, v19;
	v62 =	vnsel vm9, $0x0, v56;
	v45 =	vnsel vm0, $0x0, v17;
	v27 =	vpop (erf)  }
0xea: {  	v19 =	vld [tilespmem:$0x480];
	vm9 =	veq.s32 v61, $0x2;
	vm13 =	veq.s32 v61, $0x3;
	v49 =	vadd.f32 $1.000000000e+00, v27  }
0xeb: {  	v56 =	vld [tilespmem:$0x1FAA0];
	vm7 =	veq.s32 v62, $0x2;
	v3 =	vsel vm9, $0xFFFFFFFF, v37;
	v10 =	vsel vm9, $0xFF800000, v26  }
0xec: {  	v14 =	vsel vm13, $0xFFFFFFFF, v41;
	[tilespmem:$0x1FB00] =	vst v3;
	v3 =	vnsel vm2, $0xFF800000, v21;
	v21 =	vld [tilespmem:$0x580];
	(erf) = vrcp.f32 v49  }
0xed: {  	[tilespmem:$0x1FDC0] =	vst v46;
	v46 =	vnsel vm7, $0x0, v17;
	v38 =	vmax.f32 v10, v25;
	(erf) = vpow2.f32 v20;
	v20 =	vld [tilespmem:$0x400]  }
0xee: {  	vm9 =	vnez.u8 v48;
	v42 =	vsel vm13, v26, v38;
	v44 =	vmax.f32 v3, v6  }
0xef: {  	[tilespmem:$0x1FB10] =	vst v14;
	v16 =	vsel vm9, v22, v45;
	vm9 =	veq.f32 v11, v15;
	v14 =	vmax.f32 v44, v42  }
0xf0: {  	v49 =	vsel vm12, v22, v46;
	vm12 =	veq.s32 v62, $0x3;
	vm7 =	vnez.u8 v56  }
0xf1: {  	v62 =	vmul.f32 v18, v24;
	v11 =	vsel vm9, $0x2, v47;
	v50 =	vsub.f32 v14, v33  }
0xf2: {  	[tilespmem:$0x1FDE0] =	vst v55;
	v17 =	vnsel vm12, $0x0, v17;
	v55 =	vmax.f32 v30, v21;
	v54 =	vmax.f32 v20, v19  }
0xf3: {  	v37 =	vld [tilespmem:$0x1FAB0];
	v17 =	vsel vm7, v22, v17;
	vm7 =	veq.f32 v0, v15;
	v33 =	vmax.f32 v54, v55  }
0xf4: {  	[tilespmem:$0x1FDF0] =	vst v16;
	v16 =	vmul.f32 $1.442695020e+00, v50;
	v48 =	vsel vm7, $0x1, v11;
	vm13 =	veq.f32 v30, v33  }
0xf5: {  	v54 =	vimm.s32 $0x0;
	vm12 =	veq.f32 v19, v33;
	v61 =	vsel vm13, $0x2, v47  }
0xf6: {  	[tilespmem:$0x1FE20] =	vst v17;
	vm3 =	vne.f32 v20, v33;
	v31 =	vpop (erf);
	vm13 =	vne.f32 v7, v15;
	v17 =	vsel vm12, $0x1, v61  }
0xf7: {  	v25 =	vpop (erf);
	v7 =	vsel vm13, $0x0, v62;
	v50 =	vnsel vm13, $0x0, v48;
	vm0 =	vmand vm13, vm7  }
0xf8: {  	vm13 =	vmand vm3, vm12;
	vm12 =	vnez.u8 v37;
	v53 =	vadd.f32 $1.000000000e+00, v25  }
0xf9: {  	[tilespmem:$0x1FE00] =	vst v49;
	v46 =	vsel vm6, v7, v18;
	v49 =	vnsel vm3, $0x0, v17;
	v7 =	vsel vm13, $0xFF800000, v19  }
0xfa: {  	v34 =	vnsel vm0, $0x0, v62;
	vm9 =	veq.s32 v49, $0x2;
	vm7 =	veq.s32 v49, $0x3  }
0xfb: {  	(erf) = vrcp.f32 v53;
	v0 =	vsel vm9, $0xFFFFFFFF, v54;
	v11 =	vsel vm9, $0xFF800000, v30  }
0xfc: {  	v22 =	vld [tilespmem:$0x410];
	v15 =	vsel vm7, $0xFFFFFFFF, v29;
	vm9 =	veq.s32 v50, $0x2;
	v29 =	vimm.s32 $0x0  }
0xfd: {  	v17 =	vld [tilespmem:$0x490];
	(erf) = vpow2.f32 v16;
	[tilespmem:$0x1FB20] =	vst v0;
	v0 =	vnsel vm3, $0xFF800000, v20;
	v28 =	vmax.f32 v11, v21  }
0xfe: {  	[tilespmem:$0x1FE30] =	vst v46;
	v46 =	vld [tilespmem:$0x1FAC0];
	v36 =	vnsel vm9, $0x0, v62;
	v21 =	vsel vm12, v18, v34;
	vm9 =	veq.f32 v8, v12  }
0xff: {  	v55 =	vld [tilespmem:$0x590];
	vm12 =	vne.f32 v1, v12;
	v30 =	vsel vm7, v30, v28;
	v32 =	vmax.f32 v0, v7  }
0x100: {  	v53 =	vld [tilespmem:$0x510];
	v38 =	vsel vm4, v18, v36;
	vm4 =	veq.s32 v50, $0x3;
	v50 =	vmul.f32 v31, v27  }
0x101: {  	[tilespmem:$0x1FB30] =	vst v15;
	v8 =	vsel vm9, $0x2, v47;
	vm9 =	veq.f32 v4, v12;
	v15 =	vmax.f32 v32, v30  }
0x102: {  	v44 =	vmax.f32 v22, v17;
	v16 =	vnsel vm4, $0x0, v62;
	v56 =	vsel vm9, $0x1, v8  }
0x103: {  	vm0 =	vmand vm12, vm9;
	v41 =	vsub.f32 v15, v33;
	vm7 =	vnez.u8 v46  }
0x104: {  	[tilespmem:$0x1FE50] =	vst v38;
	v38 =	vld [tilespmem:$0x1FAD0];
	v1 =	vsel vm12, $0x0, v50;
	v62 =	vnsel vm12, $0x0, v56;
	v36 =	vnsel vm0, $0x0, v50  }
0x105: {  	vm0 =	veq.f32 v5, v13;
	v45 =	vmax.f32 v53, v55;
	v49 =	vsel vm7, v18, v16  }
0x106: {  	v1 =	vsel vm10, v1, v31;
	vm7 =	veq.s32 v62, $0x3;
	v33 =	vmax.f32 v44, v45  }
0x107: {  	[tilespmem:$0x1FE40] =	vst v21;
	v21 =	vmul.f32 $1.442695020e+00, v41;
	v18 =	vnsel vm7, $0x0, v50;
	vm6 =	veq.f32 v53, v33  }
0x108: {  	vm1 =	veq.f32 v17, v33;
	vm4 =	vne.f32 v22, v33;
	v48 =	vsel vm6, $0x2, v47  }
0x109: {  	vm12 =	vmand vm4, vm1;
	vm6 =	vnez.u8 v38;
	v19 =	vpop (erf);
	v16 =	vsel vm1, $0x1, v48  }
0x10a: {  	v46 =	vld [tilespmem:$0x1FAE0];
	v8 =	vsel vm12, $0xFF800000, v17;
	v26 =	vpop (erf);
	v61 =	vnsel vm4, $0x0, v16;
	v16 =	vimm.s32 $0x0  }
0x10b: {  	v42 =	vadd.f32 $1.000000000e+00, v26;
	vm10 =	veq.s32 v61, $0x2;
	vm9 =	veq.s32 v61, $0x3  }
0x10c: {  	v23 =	vld [tilespmem:$0x4A0];
	[tilespmem:$0x1FE60] =	vst v1;
	v1 =	vsel vm10, $0xFFFFFFFF, v16;
	v12 =	vsel vm10, $0xFF800000, v53;
	v4 =	vsel vm9, $0xFFFFFFFF, v29  }
0x10d: {  	v30 =	vld [tilespmem:$0x520];
	vm10 =	veq.s32 v62, $0x2;
	(erf) = vrcp.f32 v42;
	[tilespmem:$0x1FB40] =	vst v1;
	v1 =	vnsel vm4, $0xFF800000, v22  }
0x10e: {  	v22 =	vld [tilespmem:$0x5A0];
	v28 =	vmax.f32 v12, v55;
	v37 =	vnsel vm10, $0x0, v50;
	(erf) = vpow2.f32 v21  }
0x10f: {  	v55 =	vsel vm11, v31, v36;
	vm10 =	vnez.u8 v46;
	v50 =	vmul.f32 v19, v25;
	v21 =	vld [tilespmem:$0x420]  }
0x110: {  	vm11 =	veq.f32 v9, v13;
	v32 =	vsel vm9, v53, v28;
	v34 =	vmax.f32 v1, v8  }
0x111: {  	v17 =	vsel vm6, v31, v37;
	v56 =	vsel vm10, v31, v18;
	v9 =	vsel vm11, $0x2, v47  }
0x112: {  	vm6 =	vne.f32 v2, v13;
	v28 =	vimm.s32 $0x0;
	v16 =	vmax.f32 v34, v32  }
0x113: {  	v2 =	vsel vm6, $0x0, v50;
	v54 =	vsel vm0, $0x1, v9;
	v32 =	vimm.s32 $0x0  }
0x114: {  	v41 =	vsub.f32 v16, v33;
	v45 =	vmax.f32 v30, v22;
	v44 =	vmax.f32 v21, v23  }
0x115: {  	v2 =	vsel vm8, v2, v19;
	v62 =	vnsel vm6, $0x0, v54;
	v33 =	vmax.f32 v44, v45  }
0x116: {  	[tilespmem:$0x1FB50] =	vst v4;
	vm6 =	vmand vm6, vm0;
	vm11 =	veq.s32 v62, $0x2;
	vm9 =	veq.f32 v30, v33;
	v4 =	vpop (erf)  }
0x117: {  	v25 =	vld [tilespmem:$0x4B0];
	v37 =	vnsel vm6, $0x0, v50;
	vm1 =	veq.f32 v23, v33;
	v48 =	vsel vm9, $0x2, v47;
	v20 =	vpop (erf)  }
0x118: {  	v18 =	vld [tilespmem:$0x430];
	vm7 =	vne.f32 v21, v33;
	v53 =	vsel vm1, $0x1, v48;
	v42 =	vadd.f32 $1.000000000e+00, v20  }
0x119: {  	[tilespmem:$0x1FE70] =	vst v17;
	vm6 =	veq.s32 v62, $0x3;
	v17 =	vmul.f32 $1.442695020e+00, v41;
	v61 =	vnsel vm7, $0x0, v53  }
0x11a: {  	v38 =	vnsel vm11, $0x0, v50;
	vm0 =	veq.s32 v61, $0x2;
	(erf) = vrcp.f32 v42  }
0x11b: {  	v31 =	vld [tilespmem:$0x530];
	[tilespmem:$0x1FE80] =	vst v2;
	v24 =	vnsel vm6, $0x0, v50;
	v2 =	vsel vm0, $0xFFFFFFFF, v28;
	(erf) = vpow2.f32 v17  }
0x11c: {  	vm11 =	veq.f32 v10, v14;
	v41 =	vsel vm15, v19, v38;
	[tilespmem:$0x1FB60] =	vst v2;
	v2 =	vnsel vm7, $0xFF800000, v21;
	v21 =	vld [tilespmem:$0x5B0]  }
0x11d: {  	v10 =	vsel vm11, $0x2, v47;
	vm15 =	veq.f32 v6, v14;
	v45 =	vmax.f32 v18, v25  }
0x11e: {  	v54 =	vsel vm15, $0x1, v10;
	vm8 =	vmand vm7, vm1;
	v48 =	vld [tilespmem:$0x1FAF0];
	v13 =	vsel vm0, $0xFF800000, v30  }
0x11f: {  	v9 =	vsel vm8, $0xFF800000, v23;
	vm10 =	veq.s32 v61, $0x3;
	v29 =	vmax.f32 v13, v22  }
0x120: {  	v5 =	vsel vm10, $0xFFFFFFFF, v32;
	v34 =	vsel vm10, v30, v29;
	v36 =	vmax.f32 v2, v9  }
0x121: {  	v53 =	vsel vm14, v19, v37;
	v17 =	vmax.f32 v36, v34;
	v46 =	vmax.f32 v31, v21  }
0x122: {  	v27 =	vld [tilespmem:$0x540];
	vm14 =	vne.f32 v3, v14;
	v42 =	vsub.f32 v17, v33;
	v33 =	vmax.f32 v45, v46  }
0x123: {  	v62 =	vnsel vm14, $0x0, v54;
	v54 =	vld [tilespmem:$0x1FB10];
	[tilespmem:$0x1FB70] =	vst v5;
	vm10 =	vnez.u8 v48;
	vm9 =	veq.f32 v31, v33;
	v5 =	vpop (erf)  }
0x124: {  	v30 =	vld [tilespmem:$0x5C0];
	v19 =	vsel vm10, v19, v24;
	vm6 =	veq.f32 v25, v33;
	v50 =	vsel vm9, $0x2, v47;
	v23 =	vpop (erf)  }
0x125: {  	v24 =	vld [tilespmem:$0x440];
	[tilespmem:$0x1FEB0] =	vst v19;
	vm1 =	vne.f32 v18, v33;
	v19 =	vsel vm6, $0x1, v50;
	v44 =	vadd.f32 $1.000000000e+00, v23  }
0x126: {  	v22 =	vmul.f32 $1.442695020e+00, v42;
	v61 =	vnsel vm1, $0x0, v19;
	v19 =	vld [tilespmem:$0x4C0]  }
0x127: {  	(erf) = vrcp.f32 v44  }
0x128: {  	vm9 =	vmand vm1, vm6;
	(erf) = vpow2.f32 v22;
	v22 =	vmul.f32 v4, v26  }
0x129: {  	vm10 =	veq.s32 v62, $0x2;
	v34 =	vimm.s32 $0x0;
	v6 =	vsel vm9, $0xFF800000, v25;
	v44 =	vld [tilespmem:$0x1FB00]  }
0x12a: {  	v50 =	vmax.f32 v27, v30;
	vm11 =	veq.s32 v61, $0x3;
	v3 =	vsel vm14, $0x0, v22  }
0x12b: {  	[tilespmem:$0x1FEA0] =	vst v41;
	v41 =	vnsel vm10, $0x0, v22;
	v48 =	vmax.f32 v24, v19;
	vm10 =	vnez.u8 v54  }
0x12c: {  	v3 =	vsel vm2, v3, v4;
	vm2 =	vmand vm14, vm15;
	vm15 =	veq.s32 v61, $0x2  }
0x12d: {  	[tilespmem:$0x1FEC0] =	vst v3;
	v3 =	vnsel vm1, $0xFF800000, v18;
	v14 =	vsel vm15, $0xFF800000, v31;
	v38 =	vnsel vm2, $0x0, v22  }
0x12e: {  	vm14 =	vnez.u8 v44;
	v36 =	vmax.f32 v14, v21;
	v37 =	vmax.f32 v3, v6  }
0x12f: {  	v42 =	vsel vm5, v4, v38;
	vm5 =	veq.s32 v62, $0x3;
	v10 =	vsel vm11, v31, v36  }
0x130: {  	v62 =	vmul.f32 v5, v20;
	v22 =	vnsel vm5, $0x0, v22;
	v18 =	vmax.f32 v37, v10  }
0x131: {  	v10 =	vsel vm14, v4, v41;
	v4 =	vsel vm10, v4, v22;
	vm14 =	veq.f32 v11, v15  }
0x132: {  	vm10 =	veq.f32 v7, v15;
	v45 =	vsub.f32 v18, v33;
	v33 =	vmax.f32 v48, v50  }
0x133: {  	v20 =	vld [tilespmem:$0x450];
	v31 =	vpop (erf);
	v11 =	vsel vm14, $0x2, v47;
	vm6 =	veq.f32 v27, v33;
	vm5 =	veq.f32 v19, v33  }
0x134: {  	[tilespmem:$0x1FED0] =	vst v42;
	v22 =	vld [tilespmem:$0x4D0];
	v21 =	vpop (erf);
	vm2 =	vne.f32 v24, v33;
	v28 =	vsel vm10, $0x1, v11;
	v23 =	vmul.f32 v31, v23  }
0x135: {  	[tilespmem:$0x1FEE0] =	vst v10;
	v46 =	vadd.f32 $1.000000000e+00, v21;
	v61 =	vsel vm6, $0x2, v47;
	vm6 =	vne.f32 v0, v15  }
0x136: {  	v42 =	vld [tilespmem:$0x1FB20];
	[tilespmem:$0x1FEF0] =	vst v4;
	v10 =	vmul.f32 $1.442695020e+00, v45;
	v4 =	vsel vm5, $0x1, v61;
	v0 =	vsel vm6, $0x0, v62  }
0x137: {  	vm5 =	vmand vm2, vm5;
	(erf) = vrcp.f32 v46;
	v0 =	vsel vm3, v0, v5  }
0x138: {  	v29 =	vnsel vm2, $0x0, v4;
	vm3 =	vmand vm6, vm10;
	v4 =	vnsel vm2, $0xFF800000, v24  }
0x139: {  	v25 =	vld [tilespmem:$0x550];
	v7 =	vsel vm5, $0xFF800000, v19;
	v46 =	vmax.f32 v20, v22;
	(erf) = vpow2.f32 v10  }
0x13a: {  	v50 =	vld [tilespmem:$0x1FB30];
	[tilespmem:$0x1FF00] =	vst v0;
	v0 =	vnsel vm6, $0x0, v28;
	vm14 =	veq.s32 v29, $0x2;
	vm10 =	veq.s32 v29, $0x3  }
0x13b: {  	v24 =	vld [tilespmem:$0x5D0];
	v37 =	vmax.f32 v4, v7;
	v38 =	vnsel vm3, $0x0, v62;
	vm6 =	vnez.u8 v42  }
0x13c: {  	v29 =	vimm.s32 $0x0;
	v15 =	vsel vm14, $0xFF800000, v27;
	vm0 =	veq.s32 v0, $0x2  }
0x13d: {  	v26 =	vsel vm13, v5, v38;
	v32 =	vmax.f32 v15, v30;
	v41 =	vnsel vm0, $0x0, v62  }
0x13e: {  	v11 =	vsel vm10, $0xFFFFFFFF, v34;
	[tilespmem:$0x1FF10] =	vst v26;
	v36 =	vsel vm10, v27, v32;
	v26 =	vsel vm6, v5, v41  }
0x13f: {  	vm10 =	veq.s32 v0, $0x3;
	vm6 =	vnez.u8 v50;
	v32 =	vimm.s32 $0x0  }
0x140: {  	v19 =	vmax.f32 v37, v36;
	v48 =	vmax.f32 v25, v24;
	v0 =	vnsel vm10, $0x0, v62  }
0x141: {  	v38 =	vld [tilespmem:$0x1FB40];
	vm10 =	veq.f32 v12, v16;
	v44 =	vsub.f32 v19, v33;
	v33 =	vmax.f32 v46, v48  }
0x142: {  	v50 =	vsel vm6, v5, v0;
	v61 =	vsel vm10, $0x2, v47;
	vm10 =	vne.f32 v1, v16  }
0x143: {  	vm13 =	veq.f32 v25, v33;
	vm6 =	veq.f32 v22, v33;
	v1 =	vsel vm10, $0x0, v23  }
0x144: {  	[tilespmem:$0x1FF20] =	vst v26;
	vm3 =	vne.f32 v20, v33;
	v26 =	vmul.f32 $1.442695020e+00, v44;
	v54 =	vsel vm13, $0x2, v47  }
0x145: {  	vm13 =	veq.f32 v8, v16;
	v48 =	vsel vm4, v1, v31;
	v28 =	vnsel vm3, $0xFF800000, v20  }
0x146: {  	[tilespmem:$0x1FB80] =	vst v11;
	vm4 =	vnez.u8 v38;
	v38 =	vimm.s32 $0x0;
	v11 =	vpop (erf);
	v0 =	vsel vm6, $0x1, v54  }
0x147: {  	v62 =	vsel vm13, $0x1, v61;
	vm0 =	vmand vm10, vm13;
	v27 =	vpop (erf);
	v5 =	vnsel vm3, $0x0, v0  }
0x148: {  	v12 =	vld [tilespmem:$0x460];
	v1 =	vnsel vm10, $0x0, v62;
	vm10 =	vmand vm3, vm6;
	v45 =	vadd.f32 $1.000000000e+00, v27  }
0x149: {  	v16 =	vld [tilespmem:$0x4E0];
	v36 =	vnsel vm0, $0x0, v23;
	v21 =	vmul.f32 v11, v21;
	vm0 =	vne.f32 v2, v17  }
0x14a: {  	v20 =	vld [tilespmem:$0x5E0];
	vm13 =	veq.s32 v5, $0x2;
	v46 =	vsel vm12, v31, v36;
	(erf) = vrcp.f32 v45  }
0x14b: {  	v54 =	vld [tilespmem:$0x1FB50];
	vm6 =	veq.s32 v1, $0x3;
	v36 =	vimm.s32 $0x0;
	(erf) = vpow2.f32 v26  }
0x14c: {  	v0 =	vsel vm13, $0xFFFFFFFF, v29;
	v8 =	vsel vm13, $0xFF800000, v25;
	v29 =	vsel vm10, $0xFF800000, v22;
	v26 =	vld [tilespmem:$0x560]  }
0x14d: {  	vm13 =	veq.s32 v5, $0x3;
	v2 =	vsel vm0, $0x0, v21;
	v30 =	vmax.f32 v8, v24  }
0x14e: {  	[tilespmem:$0x1FC10] =	vst v0;
	v0 =	vsel vm13, $0xFFFFFFFF, v32;
	v34 =	vmax.f32 v28, v29;
	v10 =	vsel vm13, v25, v30  }
0x14f: {  	v44 =	vmax.f32 v12, v16;
	vm13 =	veq.s32 v1, $0x2;
	v10 =	vmax.f32 v34, v10  }
0x150: {  	v1 =	vnsel vm6, $0x0, v23;
	v37 =	vnsel vm13, $0x0, v23;
	v41 =	vsub.f32 v10, v33  }
0x151: {  	[tilespmem:$0x1FC60] =	vst v0;
	vm13 =	vnez.u8 v54;
	v0 =	vsel vm4, v31, v37;
	v45 =	vmax.f32 v26, v20  }
0x152: {  	[tilespmem:$0x1FF40] =	vst v0;
	v0 =	vsel vm13, v31, v1;
	v24 =	vmul.f32 $1.442695020e+00, v41;
	v33 =	vmax.f32 v44, v45  }
0x153: {  	v45 =	vsel vm7, v2, v11;
	vm12 =	veq.f32 v26, v33;
	vm6 =	veq.f32 v16, v33;
	v22 =	vpop (erf)  }
0x154: {  	vm4 =	vne.f32 v12, v33;
	v61 =	vsel vm12, $0x2, v47;
	vm12 =	veq.f32 v13, v17;
	v25 =	vpop (erf)  }
0x155: {  	v13 =	vsel vm12, $0x2, v47;
	vm12 =	veq.f32 v9, v17;
	v42 =	vadd.f32 $1.000000000e+00, v25  }
0x156: {  	v54 =	vld [tilespmem:$0x1FB60];
	v32 =	vnsel vm4, $0xFF800000, v12;
	v1 =	vsel vm6, $0x1, v61;
	v62 =	vsel vm12, $0x1, v13  }
0x157: {  	v23 =	vld [tilespmem:$0x470];
	v5 =	vnsel vm4, $0x0, v1;
	v2 =	vnsel vm0, $0x0, v62;
	(erf) = vrcp.f32 v42  }
0x158: {  	v17 =	vld [tilespmem:$0x4F0];
	vm0 =	vmand vm0, vm12;
	vm7 =	veq.s32 v5, $0x2;
	(erf) = vpow2.f32 v24  }
0x159: {  	[tilespmem:$0x1FF50] =	vst v0;
	vm12 =	vmand vm4, vm6;
	vm13 =	veq.s32 v5, $0x3;
	v0 =	vsel vm7, $0xFFFFFFFF, v36  }
0x15a: {  	v5 =	vld [tilespmem:$0x1FB70];
	v12 =	vsel vm7, $0xFF800000, v26;
	v9 =	vsel vm12, $0xFF800000, v16;
	v42 =	vnsel vm0, $0x0, v21  }
0x15b: {  	v30 =	vld [tilespmem:$0x5F0];
	vm7 =	vnez.u8 v54;
	[tilespmem:$0x1FD00] =	vst v0;
	v37 =	vmax.f32 v12, v20;
	v0 =	vsel vm13, $0xFFFFFFFF, v38  }
0x15c: {  	v24 =	vld [tilespmem:$0x570];
	v41 =	vmax.f32 v32, v9;
	v38 =	vsel vm8, v11, v42;
	vm8 =	veq.s32 v2, $0x3  }
0x15d: {  	[tilespmem:$0x1FD50] =	vst v0;
	v13 =	vsel vm13, v26, v37;
	vm13 =	veq.s32 v2, $0x2;
	v0 =	vmax.f32 v23, v17  }
0x15e: {  	v2 =	vnsel vm8, $0x0, v21;
	v44 =	vnsel vm13, $0x0, v21;
	v13 =	vmax.f32 v41, v13  }
0x15f: {  	v44 =	vsel vm7, v11, v44;
	v16 =	vsub.f32 v13, v33;
	vm13 =	vnez.u8 v5  }
0x160: {  	vm7 =	veq.f32 v6, v18;
	v37 =	vsel vm13, v11, v2;
	v11 =	vmul.f32 v22, v27;
	v62 =	vpop (erf)  }
0x161: {  	vm13 =	veq.f32 v14, v18;
	v1 =	vmax.f32 v24, v30;
	v16 =	vmul.f32 $1.442695020e+00, v16;
	v20 =	vpop (erf)  }
0x162: {  	v14 =	vsel vm13, $0x2, v47;
	v41 =	vmax.f32 v0, v1;
	v61 =	vadd.f32 $1.000000000e+00, v20  }
0x163: {  	v26 =	vsel vm7, $0x1, v14;
	vm0 =	veq.f32 v24, v41;
	vm6 =	veq.f32 v17, v41  }
0x164: {  	vm13 =	vne.f32 v23, v41;
	v21 =	vsel vm0, $0x2, v47;
	(erf) = vrcp.f32 v61  }
0x165: {  	vm0 =	vne.f32 v3, v18;
	v54 =	vnsel vm13, $0xFF800000, v23;
	(erf) = vpow2.f32 v16  }
0x166: {  	vm8 =	vmand vm13, vm6;
	v2 =	vsel vm6, $0x1, v21;
	v3 =	vsel vm0, $0x0, v11  }
0x167: {  	v6 =	vsel vm8, $0xFF800000, v17;
	v36 =	vsel vm1, v3, v22;
	v2 =	vnsel vm13, $0x0, v2  }
0x168: {  	v18 =	vld [tilespmem:$0x680];
	v3 =	vnsel vm0, $0x0, v26;
	vm1 =	vmand vm0, vm7;
	vm0 =	veq.s32 v2, $0x2  }
0x169: {  	v23 =	vld [tilespmem:$0x780];
	v31 =	vmax.f32 v54, v6;
	v14 =	vsel vm0, $0xFF800000, v24  }
0x16a: {  	v21 =	vld [tilespmem:$0x700];
	vm6 =	veq.s32 v2, $0x3;
	v33 =	vnsel vm1, $0x0, v11;
	v27 =	vmax.f32 v14, v30  }
0x16b: {  	v61 =	vsel vm9, v22, v33;
	vm9 =	veq.f32 v15, v19;
	v16 =	vld [tilespmem:$0x600];
	v30 =	vimm.s32 $0x0  }
0x16c: {  	v0 =	vsel vm6, $0xFFFFFFFF, v30;
	v2 =	vsel vm6, v24, v27;
	vm6 =	veq.s32 v3, $0x2  }
0x16d: {  	v34 =	vnsel vm6, $0x0, v11;
	v42 =	vmax.f32 v31, v2;
	vm6 =	veq.s32 v3, $0x3;
	v27 =	vpop (erf)  }
0x16e: {  	v33 =	vsel vm15, v22, v34;
	v2 =	vsub.f32 v42, v41;
	v3 =	vnsel vm6, $0x0, v11;
	v17 =	vpop (erf)  }
0x16f: {  	v34 =	vmax.f32 v21, v23;
	v31 =	vsel vm11, v22, v3;
	v41 =	vadd.f32 $1.000000000e+00, v17  }
0x170: {  	v22 =	vsel vm9, $0x2, v47;
	v5 =	vmax.f32 v16, v18;
	v2 =	vmul.f32 $1.442695020e+00, v2  }
0x171: {  	[tilespmem:$0x1FE10] =	vst v0;
	vm11 =	vne.f32 v4, v19;
	v0 =	vmax.f32 v5, v34;
	(erf) = vrcp.f32 v41  }
0x172: {  	vm9 =	veq.f32 v7, v19;
	vm7 =	veq.f32 v21, v0;
	(erf) = vpow2.f32 v2  }
0x173: {  	vm6 =	veq.f32 v18, v0;
	v41 =	vsel vm7, $0x2, v47;
	v2 =	vmul.f32 v62, v25  }
0x174: {  	v1 =	vld [tilespmem:$0x610];
	v24 =	vsel vm9, $0x1, v22;
	vm15 =	vne.f32 v16, v0;
	v3 =	vsel vm6, $0x1, v41  }
0x175: {  	v11 =	vld [tilespmem:$0x690];
	vm1 =	vmand vm11, vm9;
	v3 =	vnsel vm15, $0x0, v3;
	v4 =	vsel vm11, $0x0, v2  }
0x176: {  	v34 =	vimm.s32 $0x0;
	vm9 =	veq.s32 v3, $0x3;
	v30 =	vsel vm2, v4, v62  }
0x177: {  	v4 =	vnsel vm11, $0x0, v24;
	vm11 =	veq.s32 v3, $0x2;
	v3 =	vsel vm9, $0xFFFFFFFF, v34;
	_ =	sdelay $0x1  }
0x178: {  	[tilespmem:$0x880] =	vst v58  }
0x179: {  	v7 =	vnsel vm15, $0xFF800000, v16;
	v58 =	vmax.f32 v1, v11;
	v25 =	vimm.s32 $0x0;
	[tilespmem:$0x1FF30] =	vst v3;
	v3 =	vpop (erf)  }
0x17a: {  	vm2 =	vmand vm15, vm6;
	v5 =	vsel vm11, $0xFFFFFFFF, v25;
	v25 =	vsel vm11, $0xFF800000, v21;
	v16 =	vpop (erf)  }
0x17b: {  	[tilespmem:$0x800] =	vst v51;
	v19 =	vld [tilespmem:$0x710];
	v15 =	vsel vm2, $0xFF800000, v18;
	v26 =	vmax.f32 v25, v23;
	v51 =	vadd.f32 $1.000000000e+00, v16  }
0x17c: {  	vm11 =	veq.s32 v4, $0x2;
	[tilespmem:$0x1FE90] =	vst v5;
	v5 =	vld [tilespmem:$0x790];
	v24 =	vmax.f32 v7, v15;
	v41 =	vsel vm9, v21, v26  }
0x17d: {  	vm7 =	veq.s32 v4, $0x3;
	v41 =	vmax.f32 v24, v41;
	(erf) = vrcp.f32 v51;
	v51 =	vld [tilespmem:$0x1FB80]  }
0x17e: {  	[tilespmem:$0x890] =	vst v60;
	v60 =	vld [tilespmem:$0x1FB90];
	v4 =	vmul.f32 v27, v20;
	v26 =	vnsel vm1, $0x0, v2;
	v0 =	vsub.f32 v41, v0  }
0x17f: {  	v18 =	vld [tilespmem:$0x1FBB0];
	v34 =	vnsel vm11, $0x0, v2;
	v2 =	vnsel vm7, $0x0, v2;
	v24 =	vsel vm5, v62, v26  }
0x180: {  	v20 =	vld [tilespmem:$0x1FBC0];
	v26 =	vsel vm14, v62, v34;
	vm14 =	veq.f32 v8, v10;
	v0 =	vmul.f32 $1.442695020e+00, v0  }
0x181: {  	[tilespmem:$0x980] =	vst v59;
	v21 =	vld [tilespmem:$0x1FBD0];
	v59 =	vsel vm14, $0x2, v47;
	vm14 =	veq.f32 v29, v10;
	v34 =	vmax.f32 v19, v5  }
0x182: {  	(erf) = vpow2.f32 v0;
	v0 =	vsel vm14, $0x1, v59;
	v59 =	vld [tilespmem:$0x1FBF0];
	vm11 =	vnez.u8 v51  }
0x183: {  	v58 =	vmax.f32 v58, v34;
	v23 =	vsel vm11, v62, v2;
	v62 =	vld [tilespmem:$0x1FBA0]  }
0x184: {  	[tilespmem:$0x900] =	vst v57;
	v29 =	vld [tilespmem:$0x6A0];
	vm9 =	veq.f32 v19, v58;
	vm6 =	vne.f32 v1, v58  }
0x185: {  	[tilespmem:$0x820] =	vst v18;
	v34 =	vld [tilespmem:$0x1FBE0];
	v57 =	vsel vm9, $0x2, v47;
	vm9 =	veq.f32 v11, v58;
	v18 =	vnsel vm6, $0xFF800000, v1  }
0x186: {  	[tilespmem:$0x810] =	vst v63;
	v1 =	vld [tilespmem:$0x7A0];
	v2 =	vsel vm9, $0x1, v57;
	vm11 =	vne.f32 v28, v10;
	v57 =	vimm.s32 $0x0  }
0x187: {  	v28 =	vld [tilespmem:$0x620];
	[tilespmem:$0x830] =	vst v59;
	v63 =	vsel vm11, $0x0, v4;
	v2 =	vnsel vm6, $0x0, v2;
	vm1 =	vmand vm11, vm14  }
0x188: {  	v59 =	vld [tilespmem:$0x1FC20];
	[tilespmem:$0x990] =	vst v62;
	v62 =	vnsel vm11, $0x0, v0;
	vm11 =	vmand vm6, vm9;
	vm9 =	veq.s32 v2, $0x3  }
0x189: {  	vm7 =	veq.s32 v2, $0x2;
	v2 =	vsel vm9, $0xFFFFFFFF, v57;
	v57 =	vld [tilespmem:$0x1FC10]  }
0x18a: {  	v22 =	vsel vm3, v63, v27;
	v63 =	vld [tilespmem:$0x720]  }
0x18b: {  	[tilespmem:$0x920] =	vst v21;
	v21 =	vnsel vm1, $0x0, v4;
	v8 =	vsel vm7, $0xFF800000, v19  }
0x18c: {  	[tilespmem:$0x8A0] =	vst v20;
	v20 =	vsel vm10, v27, v21;
	v51 =	vmax.f32 v8, v5;
	v10 =	vsel vm11, $0xFF800000, v11  }
0x18d: {  	[tilespmem:$0x910] =	vst v60;
	v0 =	vsel vm9, v19, v51;
	vm14 =	veq.s32 v62, $0x2;
	v60 =	vmax.f32 v18, v10  }
0x18e: {  	[tilespmem:$0x9A0] =	vst v34;
	v34 =	vnsel vm14, $0x0, v4;
	v0 =	vmax.f32 v60, v0;
	vm9 =	vnez.u8 v57  }
0x18f: {  	[tilespmem:$0x930] =	vst v59;
	v59 =	vld [tilespmem:$0x1FC40];
	v57 =	vmax.f32 v63, v1;
	v21 =	vsel vm9, v27, v34;
	v34 =	vmax.f32 v28, v29  }
0x190: {  	v5 =	vsub.f32 v0, v58;
	v58 =	vmax.f32 v34, v57;
	v34 =	vld [tilespmem:$0x1FC60]  }
0x191: {  	v51 =	vld [tilespmem:$0x1FC00]  }
0x192: {  	vm10 =	veq.s32 v62, $0x3;
	v62 =	vld [tilespmem:$0x1FC50]  }
0x193: {  	v11 =	vpop (erf);
	v60 =	vld [tilespmem:$0x1FC30]  }
0x194: {  	[tilespmem:$0x1FF60] =	vst v2;
	v2 =	vpop (erf);
	v57 =	vld [tilespmem:$0x1FC70]  }
0x195: {  	v19 =	vadd.f32 $1.000000000e+00, v2;
	[tilespmem:$0x840] =	vst v59;
	vm9 =	vnez.u8 v34;
	v34 =	vld [tilespmem:$0x1FCB0]  }
0x196: {  	v59 =	vld [tilespmem:$0x1FC80];
	[tilespmem:$0x8B0] =	vst v51;
	v5 =	vmul.f32 $1.442695020e+00, v5  }
0x197: {  	v4 =	vnsel vm10, $0x0, v4;
	[tilespmem:$0x8C0] =	vst v62;
	v62 =	vld [tilespmem:$0x1FCA0];
	(erf) = vrcp.f32 v19  }
0x198: {  	vm10 =	veq.f32 v12, v13;
	[tilespmem:$0x9B0] =	vst v60;
	(erf) = vpow2.f32 v5;
	v5 =	vmul.f32 v3, v17;
	v60 =	vld [tilespmem:$0x1FC90]  }
0x199: {  	vm1 =	vne.f32 v32, v13;
	v12 =	vsel vm10, $0x2, v47;
	[tilespmem:$0x940] =	vst v57;
	v57 =	vld [tilespmem:$0x1FCC0]  }
0x19a: {  	vm14 =	veq.f32 v63, v58;
	v19 =	vsel vm9, v27, v4;
	v27 =	vsel vm1, $0x0, v5;
	[tilespmem:$0x950] =	vst v34;
	v34 =	vld [tilespmem:$0x1FCE0]  }
0x19b: {  	vm3 =	veq.f32 v29, v58;
	v51 =	vsel vm14, $0x2, v47;
	[tilespmem:$0x9C0] =	vst v59;
	v17 =	vsel vm4, v27, v3;
	v27 =	vld [tilespmem:$0x1FCD0]  }
0x19c: {  	v32 =	vld [tilespmem:$0x630];
	vm14 =	veq.f32 v9, v13;
	[tilespmem:$0x8D0] =	vst v62;
	v4 =	vsel vm3, $0x1, v51;
	vm9 =	vne.f32 v28, v58  }
0x19d: {  	v59 =	vimm.s32 $0x0;
	v62 =	vld [tilespmem:$0x730];
	[tilespmem:$0x850] =	vst v60;
	v51 =	vsel vm14, $0x1, v12;
	v4 =	vnsel vm9, $0x0, v4  }
0x19e: {  	v60 =	vld [tilespmem:$0x6B0];
	v9 =	vnsel vm1, $0x0, v51;
	vm1 =	vmand vm1, vm14;
	vm3 =	vmand vm9, vm3;
	[tilespmem:$0x9D0] =	vst v57  }
0x19f: {  	v51 =	vimm.s32 $0x0;
	vm14 =	veq.s32 v4, $0x2;
	vm10 =	veq.s32 v4, $0x3;
	[tilespmem:$0x8E0] =	vst v34;
	v34 =	vld [tilespmem:$0x1FCF0]  }
0x1a0: {  	v12 =	vsel vm14, $0xFFFFFFFF, v59;
	v59 =	vld [tilespmem:$0x7B0];
	[tilespmem:$0x860] =	vst v27;
	v27 =	vnsel vm9, $0xFF800000, v28;
	v28 =	vimm.s32 $0x0  }
0x1a1: {  	v4 =	vsel vm10, $0xFFFFFFFF, v51;
	v51 =	vld [tilespmem:$0x1FD00];
	[tilespmem:$0x1FF80] =	vst v12;
	v57 =	vnsel vm1, $0x0, v5;
	v12 =	vsel vm3, $0xFFFFFFFF, v28  }
0x1a2: {  	v28 =	vsel vm12, v3, v57;
	v57 =	vld [tilespmem:$0x1FD10];
	[tilespmem:$0x1FF70] =	vst v12;
	v12 =	vsel vm14, $0xFF800000, v63  }
0x1a3: {  	v13 =	vsel vm3, $0xFF800000, v29;
	[tilespmem:$0x1FF90] =	vst v4;
	v1 =	vmax.f32 v12, v1  }
0x1a4: {  	v4 =	vmax.f32 v27, v13;
	v1 =	vsel vm10, v63, v1;
	[tilespmem:$0x9E0] =	vst v34;
	v34 =	vld [tilespmem:$0x1FD30]  }
0x1a5: {  	v1 =	vmax.f32 v4, v1  }
0x1a6: {  	v29 =	vsub.f32 v1, v58;
	v58 =	vld [tilespmem:$0x1FD20]  }
0x1a7: {  	vm5 =	vnez.u8 v51;
	v51 =	vmax.f32 v62, v59;
	[tilespmem:$0x870] =	vst v57;
	v57 =	vmax.f32 v32, v60  }
0x1a8: {  	[tilespmem:$0x960] =	vst v52;
	v51 =	vmax.f32 v57, v51;
	v57 =	vmul.f32 $1.442695020e+00, v29;
	v29 =	vld [tilespmem:$0x1FD50]  }
0x1a9: {  	v52 =	vpop (erf);
	[tilespmem:$0x970] =	vst v34;
	v34 =	vld [tilespmem:$0x1FD40]  }
0x1aa: {  	v4 =	vpop (erf)  }
0x1ab: {  	vm14 =	veq.s32 v9, $0x2;
	vm10 =	veq.s32 v9, $0x3;
	[tilespmem:$0x8F0] =	vst v58;
	v58 =	vadd.f32 $1.000000000e+00, v4  }
0x1ac: {  	v63 =	vnsel vm14, $0x0, v5;
	v9 =	vld [tilespmem:$0x1FD70];
	v5 =	vnsel vm10, $0x0, v5;
	vm12 =	veq.f32 v62, v51  }
0x1ad: {  	vm3 =	veq.f32 v60, v51;
	(erf) = vrcp.f32 v58;
	vm14 =	vnez.u8 v29;
	v58 =	vld [tilespmem:$0x1FD60]  }
0x1ae: {  	v29 =	vsel vm14, v3, v5;
	v5 =	vmul.f32 v11, v16;
	v16 =	vld [tilespmem:$0x1FD80];
	[tilespmem:$0x9F0] =	vst v34;
	v34 =	vsel vm12, $0x2, v47  }
0x1af: {  	v63 =	vsel vm5, v3, v63;
	v3 =	vsel vm3, $0x1, v34;
	v34 =	vld [tilespmem:$0x1FD90]  }
0x1b0: {  	[tilespmem:$0xA90] =	vst v39  }
0x1b1: {  	v39 =	vimm.s32 $0x0;
	vm10 =	veq.f32 v14, v42;
	[tilespmem:$0xA80] =	vst v9  }
0x1b2: {  	v14 =	vld [tilespmem:$0x1FDA0];
	v9 =	vsel vm10, $0x2, v47;
	vm10 =	vne.f32 v32, v51;
	[tilespmem:$0xA00] =	vst v58;
	vm12 =	vne.f32 v54, v42  }
0x1b3: {  	(erf) = vpow2.f32 v57;
	vm14 =	veq.f32 v6, v42;
	[tilespmem:$0xB00] =	vst v16;
	v54 =	vsel vm12, $0x0, v5  }
0x1b4: {  	v58 =	vimm.s32 $0x0;
	v16 =	vsel vm14, $0x1, v9;
	[tilespmem:$0xB80] =	vst v34;
	v34 =	vsel vm13, v54, v11;
	v54 =	vld [tilespmem:$0x1FDB0]  }
0x1b5: {  	v57 =	vld [tilespmem:$0x640];
	vm1 =	vmand vm12, vm14;
	vm3 =	vmand vm10, vm3;
	v3 =	vnsel vm10, $0x0, v3  }
0x1b6: {  	[tilespmem:$0xB90] =	vst v35;
	v42 =	vld [tilespmem:$0x740];
	v6 =	vnsel vm12, $0x0, v16;
	v35 =	vsel vm3, $0xFF800000, v60;
	vm12 =	veq.s32 v3, $0x2  }
0x1b7: {  	[tilespmem:$0xA10] =	vst v14;
	v9 =	vld [tilespmem:$0x6C0];
	vm14 =	veq.s32 v6, $0x2;
	v14 =	vsel vm12, $0xFFFFFFFF, v39;
	v39 =	vsel vm12, $0xFF800000, v62  }
0x1b8: {  	[tilespmem:$0x1FFB0] =	vst v14;
	v14 =	vsel vm3, $0xFFFFFFFF, v58;
	v58 =	vld [tilespmem:$0x7C0];
	v60 =	vmax.f32 v39, v59;
	vm13 =	veq.s32 v3, $0x3  }
0x1b9: {  	v32 =	vnsel vm10, $0xFF800000, v32;
	v59 =	vld [tilespmem:$0x1FDC0];
	[tilespmem:$0xB10] =	vst v54;
	v54 =	vsel vm13, v62, v60;
	v62 =	vnsel vm14, $0x0, v5  }
0x1ba: {  	[tilespmem:$0xAA0] =	vst v43;
	v60 =	vmax.f32 v32, v35;
	v43 =	vsel vm0, v11, v62;
	v62 =	vld [tilespmem:$0x1FDE0]  }
0x1bb: {  	[tilespmem:$0xA20] =	vst v40;
	v40 =	vmax.f32 v60, v54;
	v60 =	vld [tilespmem:$0x1FDD0];
	_ =	sdelay $0x2  }
0x1bc: {  	[tilespmem:$0xB20] =	vst v59  }
0x1bd: {  	[tilespmem:$0xA30] =	vst v62;
	v62 =	vld [tilespmem:$0x1FDF0]  }
0x1be: {  	v16 =	vimm.s32 $0x0;
	v59 =	vmax.f32 v57, v9;
	[tilespmem:$0xBA0] =	vst v60;
	v60 =	vmax.f32 v42, v58  }
0x1bf: {  	v3 =	vsel vm13, $0xFFFFFFFF, v16;
	v59 =	vmax.f32 v59, v60;
	v60 =	vld [tilespmem:$0x1FE00]  }
0x1c0: {  	[tilespmem:$0x1FFA0] =	vst v14  }
0x1c1: {  	[tilespmem:$0x1FFC0] =	vst v3;
	v54 =	vpop (erf)  }
0x1c2: {  	v14 =	vsub.f32 v40, v51;
	v3 =	vpop (erf);
	[tilespmem:$0xAB0] =	vst v62;
	v62 =	vld [tilespmem:$0x1FE10]  }
0x1c3: {  	v51 =	vadd.f32 $1.000000000e+00, v3  }
0x1c4: {  	v16 =	vnsel vm1, $0x0, v5;
	v14 =	vmul.f32 $1.442695020e+00, v14;
	[tilespmem:$0xB30] =	vst v60;
	v60 =	vld [tilespmem:$0x1FE30]  }
0x1c5: {  	vm12 =	veq.s32 v6, $0x3;
	v16 =	vsel vm8, v11, v16;
	(erf) = vrcp.f32 v51  }
0x1c6: {  	v5 =	vnsel vm12, $0x0, v5;
	vm13 =	veq.f32 v42, v59;
	(erf) = vpow2.f32 v14  }
0x1c7: {  	[tilespmem:$0xBC0] =	vst v49;
	vm14 =	veq.f32 v9, v59;
	v6 =	vsel vm13, $0x2, v47;
	vm8 =	vnez.u8 v62;
	v62 =	vld [tilespmem:$0x1FE40]  }
0x1c8: {  	[tilespmem:$0xAD0] =	vst v55;
	vm5 =	vne.f32 v57, v59;
	v51 =	vsel vm14, $0x1, v6;
	v14 =	vsel vm8, v11, v5;
	v11 =	vld [tilespmem:$0x1FE20]  }
0x1c9: {  	vm14 =	vmand vm5, vm14;
	[tilespmem:$0xA40] =	vst v60;
	v5 =	vnsel vm5, $0x0, v51;
	v51 =	vld [tilespmem:$0x1FE50];
	v60 =	vimm.s32 $0x0  }
0x1ca: {  	[tilespmem:$0xAE0] =	vst v53;
	v6 =	vsel vm14, $0xFFFFFFFF, v60;
	v60 =	vld [tilespmem:$0x1FE60]  }
0x1cb: {  	v2 =	vmul.f32 v52, v2;
	[tilespmem:$0x1FFD0] =	vst v6  }
0x1cc: {  	v55 =	vld [tilespmem:$0x1FE70];
	vm4 =	veq.f32 v15, v41;
	vm12 =	vne.f32 v7, v41;
	vm13 =	veq.f32 v25, v41;
	[tilespmem:$0xAC0] =	vst v62  }
0x1cd: {  	v53 =	vld [tilespmem:$0x1FE90];
	v41 =	vimm.s32 $0x0;
	v7 =	vsel vm13, $0x2, v47;
	[tilespmem:$0xBB0] =	vst v11;
	v11 =	vsel vm12, $0x0, v2  }
0x1ce: {  	v25 =	vld [tilespmem:$0x650];
	v62 =	vimm.s32 $0x0;
	[tilespmem:$0xB40] =	vst v51;
	v11 =	vsel vm15, v11, v52;
	vm15 =	veq.s32 v5, $0x2  }
0x1cf: {  	v9 =	vsel vm14, $0xFF800000, v9;
	v51 =	vld [tilespmem:$0x6D0];
	[tilespmem:$0xA50] =	vst v60;
	v6 =	vsel vm15, $0xFFFFFFFF, v62;
	v49 =	vsel vm15, $0xFF800000, v42  }
0x1d0: {  	vm8 =	veq.s32 v5, $0x3;
	v60 =	vld [tilespmem:$0x7D0];
	[tilespmem:$0x1FFE0] =	vst v6;
	v6 =	vnsel vm5, $0xFF800000, v57;
	v58 =	vmax.f32 v49, v58  }
0x1d1: {  	v7 =	vsel vm4, $0x1, v7;
	v57 =	vld [tilespmem:$0x750];
	v58 =	vsel vm8, v42, v58;
	v62 =	vmax.f32 v6, v9  }
0x1d2: {  	v5 =	vsel vm8, $0xFFFFFFFF, v41;
	v41 =	vnsel vm12, $0x0, v7;
	v7 =	vmax.f32 v62, v58;
	v62 =	vld [tilespmem:$0x1FE80];
	_ =	sdelay $0x1  }
0x1d3: {  	[tilespmem:$0xB50] =	vst v55;
	vm0 =	vmand vm12, vm4;
	vm12 =	veq.s32 v41, $0x2;
	v42 =	vpop (erf)  }
0x1d4: {  	vm13 =	vnez.u8 v53;
	[tilespmem:$0x1FFF0] =	vst v5;
	v5 =	vnsel vm12, $0x0, v2;
	v58 =	vnsel vm0, $0x0, v2;
	v55 =	vpop (erf)  }
0x1d5: {  	[tilespmem:$0xBD0] =	vst v56;
	v53 =	vsel vm13, v52, v5;
	v5 =	vld [tilespmem:$0x1FEA0];
	v56 =	vsel vm2, v52, v58;
	v58 =	vadd.f32 $1.000000000e+00, v55  }
0x1d6: {  	v15 =	vsub.f32 v7, v59;
	v59 =	vmax.f32 v25, v51;
	[tilespmem:$0xA60] =	vst v62;
	v62 =	vmax.f32 v57, v60  }
0x1d7: {  	(erf) = vrcp.f32 v58;
	v58 =	vmax.f32 v59, v62  }
0x1d8: {  	vm15 =	veq.f32 v57, v58  }
0x1d9: {  	vm14 =	veq.s32 v41, $0x3;
	v41 =	vld [tilespmem:$0x1FEC0];
	vm4 =	veq.f32 v51, v58;
	v62 =	vsel vm15, $0x2, v47  }
0x1da: {  	[tilespmem:$0xB60] =	vst v5;
	v5 =	vsel vm4, $0x1, v62;
	v62 =	vld [tilespmem:$0x1FEE0]  }
0x1db: {  	v59 =	vld [tilespmem:$0x1FEB0];
	_ =	sdelay $0x1  }
0x1dc: {  	vm2 =	veq.f32 v10, v0;
	v10 =	vld [tilespmem:$0x1FEF0]  }
0x1dd: {  	[tilespmem:$0xA70] =	vst v41;
	v41 =	vld [tilespmem:$0x1FF00];
	v15 =	vmul.f32 $1.442695020e+00, v15  }
0x1de: {  	vm8 =	vne.f32 v25, v58;
	[tilespmem:$0xB70] =	vst v62;
	v62 =	vmul.f32 v54, v4;
	v4 =	vld [tilespmem:$0x1FF10]  }
0x1df: {  	(erf) = vpow2.f32 v15;
	vm15 =	veq.f32 v8, v0;
	vm13 =	vmand vm8, vm4;
	[tilespmem:$0xBE0] =	vst v59;
	v59 =	vld [tilespmem:$0x1FED0]  }
0x1e0: {  	v8 =	vsel vm15, $0x2, v47;
	vm4 =	vne.f32 v18, v0;
	v18 =	vld [tilespmem:$0x1FF30];
	v15 =	vnsel vm8, $0x0, v5  }
0x1e1: {  	[tilespmem:$0xBF0] =	vst v10;
	v10 =	vsel vm2, $0x1, v8;
	v8 =	vld [tilespmem:$0x6E0];
	vm15 =	veq.s32 v15, $0x2  }
0x1e2: {  	v2 =	vnsel vm14, $0x0, v2;
	[tilespmem:$0xC00] =	vst v41;
	v5 =	vnsel vm8, $0xFF800000, v25;
	v25 =	vld [tilespmem:$0x760];
	v41 =	vsel vm15, $0xFF800000, v57  }
0x1e3: {  	v51 =	vsel vm13, $0xFF800000, v51;
	vm14 =	veq.s32 v15, $0x3;
	v15 =	vld [tilespmem:$0x1FF20];
	[tilespmem:$0xC80] =	vst v4;
	v4 =	vmax.f32 v41, v60  }
0x1e4: {  	[tilespmem:$0xAF0] =	vst v59;
	v59 =	vld [tilespmem:$0x660];
	v4 =	vsel vm14, v57, v4;
	v57 =	vmax.f32 v5, v51  }
0x1e5: {  	v60 =	vld [tilespmem:$0x7E0];
	v0 =	vmax.f32 v57, v4  }
0x1e6: {  	v57 =	vsub.f32 v0, v58;
	v58 =	vld [tilespmem:$0x1FF40];
	_ =	sdelay $0x1  }
0x1e7: {  	[tilespmem:$0xC10] =	vst v48;
	vm12 =	vnez.u8 v18;
	v4 =	vpop (erf)  }
0x1e8: {  	[tilespmem:$0xD00] =	vst v15;
	v15 =	vsel vm12, v52, v2;
	v52 =	vsel vm4, $0x0, v62;
	v48 =	vpop (erf)  }
0x1e9: {  	[tilespmem:$0xD80] =	vst v50;
	vm1 =	veq.f32 v35, v40;
	v50 =	vsel vm6, v52, v54;
	v52 =	vadd.f32 $1.000000000e+00, v48  }
0x1ea: {  	v18 =	vmul.f32 $1.442695020e+00, v57;
	v57 =	vmax.f32 v59, v8;
	[tilespmem:$0xD10] =	vst v58;
	v58 =	vmax.f32 v25, v60  }
0x1eb: {  	vm2 =	vmand vm4, vm2;
	(erf) = vrcp.f32 v52;
	v52 =	vmax.f32 v57, v58  }
0x1ec: {  	v2 =	vnsel vm4, $0x0, v10;
	v10 =	vnsel vm2, $0x0, v62;
	vm6 =	veq.f32 v25, v52  }
0x1ed: {  	[tilespmem:$0xC90] =	vst v46;
	v46 =	vsel vm11, v54, v10;
	v10 =	vld [tilespmem:$0x1FF50];
	vm0 =	veq.f32 v8, v52;
	v58 =	vsel vm6, $0x2, v47  }
0x1ee: {  	[tilespmem:$0xCA0] =	vst v38;
	vm4 =	veq.s32 v2, $0x2;
	(erf) = vpow2.f32 v18;
	v18 =	vsel vm0, $0x1, v58;
	v58 =	vld [tilespmem:$0x1FF60]  }
0x1ef: {  	[tilespmem:$0xC30] =	vst v36;
	v36 =	vmul.f32 v42, v3;
	vm11 =	veq.s32 v2, $0x3;
	v57 =	vnsel vm4, $0x0, v62  }
0x1f0: {  	[tilespmem:$0xD20] =	vst v44;
	v2 =	vnsel vm11, $0x0, v62;
	vm4 =	veq.f32 v12, v1;
	v38 =	vsel vm7, v54, v57  }
0x1f1: {  	v44 =	vld [tilespmem:$0x670];
	[tilespmem:$0xCC0] =	vst v24;
	v12 =	vsel vm4, $0x2, v47;
	vm4 =	veq.f32 v13, v1;
	vm6 =	vne.f32 v59, v52  }
0x1f2: {  	v24 =	vld [tilespmem:$0x1FF70];
	[tilespmem:$0xD90] =	vst v10;
	v10 =	vnsel vm6, $0xFF800000, v59;
	vm7 =	vmand vm6, vm0;
	vm0 =	vne.f32 v27, v1  }
0x1f3: {  	[tilespmem:$0xC20] =	vst v45;
	v57 =	vld [tilespmem:$0x770];
	v1 =	vsel vm4, $0x1, v12;
	v62 =	vnsel vm6, $0x0, v18;
	vm12 =	vnez.u8 v58  }
0x1f4: {  	[tilespmem:$0xCB0] =	vst v61;
	v61 =	vsel vm0, $0x0, v36;
	v45 =	vsel vm12, v54, v2;
	v54 =	vld [tilespmem:$0x6F0];
	vm12 =	veq.s32 v62, $0x2  }
0x1f5: {  	vm11 =	veq.s32 v62, $0x3;
	v2 =	vsel vm7, $0xFF800000, v8;
	v8 =	vld [tilespmem:$0x7F0];
	v18 =	vsel vm12, $0xFF800000, v25  }
0x1f6: {  	[tilespmem:$0xDA0] =	vst v37;
	v13 =	vsel vm9, v61, v42;
	v59 =	vmax.f32 v18, v60;
	v60 =	vmax.f32 v10, v2  }
0x1f7: {  	[tilespmem:$0xD30] =	vst v33;
	v3 =	vsel vm11, v25, v59;
	v25 =	vpop (erf);
	v59 =	vnsel vm0, $0x0, v1;
	vm0 =	vmand vm0, vm4  }
0x1f8: {  	[tilespmem:$0xDB0] =	vst v31;
	vm4 =	vnez.u8 v24;
	v3 =	vmax.f32 v60, v3;
	v27 =	vpop (erf);
	v60 =	vnsel vm0, $0x0, v36  }
0x1f9: {  	[tilespmem:$0xC40] =	vst v30;
	vm2 =	veq.s32 v59, $0x2;
	v62 =	vsub.f32 v3, v52;
	v31 =	vadd.f32 $1.000000000e+00, v27  }
0x1fa: {  	[tilespmem:$0xCE0] =	vst v28;
	v28 =	vmul.f32 v25, v48;
	v37 =	vmax.f32 v44, v54;
	v52 =	vmax.f32 v57, v8  }
0x1fb: {  	[tilespmem:$0xD40] =	vst v26;
	v58 =	vmax.f32 v37, v52;
	v33 =	vmul.f32 $1.442695020e+00, v62;
	(erf) = vrcp.f32 v31;
	v31 =	vld [tilespmem:$0x1FF80]  }
0x1fc: {  	[tilespmem:$0xCD0] =	vst v20;
	v20 =	vsel vm4, v42, v60;
	v26 =	vnsel vm2, $0x0, v36;
	vm9 =	veq.f32 v57, v58  }
0x1fd: {  	[tilespmem:$0xDC0] =	vst v23;
	v37 =	vld [tilespmem:$0x1FF90];
	vm0 =	veq.f32 v54, v58;
	v61 =	vsel vm9, $0x2, v47;
	(erf) = vpow2.f32 v33  }
0x1fe: {  	[tilespmem:$0xC50] =	vst v22;
	v52 =	vmul.f32 v4, v55;
	vm9 =	vne.f32 v44, v58;
	v62 =	vsel vm0, $0x1, v61  }
0x1ff: {  	[tilespmem:$0xD50] =	vst v21;
	vm3 =	vmand vm9, vm0;
	v1 =	vnsel vm9, $0xFF800000, v44;
	vm0 =	veq.s32 v59, $0x3  }
0x200: {  	[tilespmem:$0xDD0] =	vst v19;
	v30 =	vnsel vm9, $0x0, v62;
	v21 =	vsel vm3, $0xFF800000, v54;
	vm4 =	vnez.u8 v31  }
0x201: {  	[tilespmem:$0xC60] =	vst v17;
	v33 =	vnsel vm0, $0x0, v36;
	v19 =	vsel vm4, v42, v26;
	vm4 =	veq.s32 v30, $0x2  }
0x202: {  	[tilespmem:$0xD60] =	vst v63;
	vm2 =	veq.s32 v30, $0x3;
	vm0 =	vnez.u8 v37;
	v23 =	vsel vm4, $0xFF800000, v57  }
0x203: {  	[tilespmem:$0xDE0] =	vst v29;
	v17 =	vsel vm0, v42, v33;
	vm0 =	veq.f32 v39, v40;
	v8 =	vmax.f32 v23, v8  }
0x204: {  	[tilespmem:$0xCF0] =	vst v16;
	v36 =	vmax.f32 v1, v21;
	v44 =	vsel vm0, $0x2, v47;
	v8 =	vsel vm2, v57, v8  }
0x205: {  	[tilespmem:$0xE00] =	vst v11;
	v61 =	vld [tilespmem:$0x1FFA0];
	vm0 =	vne.f32 v32, v40;
	v16 =	vpop (erf);
	v57 =	vsel vm1, $0x1, v44;
	v8 =	vmax.f32 v36, v8  }
0x206: {  	[tilespmem:$0xF10] =	vst v38;
	v62 =	vld [tilespmem:$0x1FFB0];
	v11 =	vnsel vm0, $0x0, v57;
	v38 =	vmul.f32 v16, v27;
	v54 =	vpop (erf);
	v12 =	vsub.f32 v8, v58  }
0x207: {  	[tilespmem:$0xC70] =	vst v34;
	v24 =	vld [tilespmem:$0x1FFC0];
	v58 =	vsel vm0, $0x0, v52;
	vm0 =	vmand vm0, vm1;
	v55 =	vadd.f32 $1.000000000e+00, v54  }
0x208: {  	[tilespmem:$0xD70] =	vst v43;
	v22 =	vsel vm10, v58, v4;
	vm10 =	veq.s32 v11, $0x2;
	v12 =	vmul.f32 $1.442695020e+00, v12  }
0x209: {  	[tilespmem:$0xDF0] =	vst v14;
	v59 =	vnsel vm0, $0x0, v52;
	vm0 =	veq.s32 v11, $0x3;
	(erf) = vrcp.f32 v55  }
0x20a: {  	[tilespmem:$0xF00] =	vst v53;
	v33 =	vld [tilespmem:$0x1FFD0];
	v60 =	vnsel vm10, $0x0, v52;
	vm10 =	vnez.u8 v61;
	(erf) = vpow2.f32 v12  }
0x20b: {  	[tilespmem:$0xE80] =	vst v56;
	v63 =	vnsel vm0, $0x0, v52;
	v11 =	vsel vm10, v4, v59;
	vm10 =	vnez.u8 v62  }
0x20c: {  	[tilespmem:$0xF80] =	vst v15;
	vm0 =	vne.f32 v6, v7;
	v12 =	vsel vm10, v4, v60;
	vm10 =	vnez.u8 v24  }
0x20d: {  	[tilespmem:$0xE10] =	vst v50;
	v31 =	vsel vm0, $0x0, v28;
	v4 =	vsel vm10, v4, v63;
	vm10 =	veq.f32 v49, v7  }
0x20e: {  	[tilespmem:$0xE90] =	vst v46;
	v40 =	vld [tilespmem:$0x1FFE0];
	v29 =	vsel vm10, $0x2, v47;
	vm10 =	veq.f32 v9, v7;
	v7 =	vsel vm5, v31, v25  }
0x20f: {  	[tilespmem:$0xE20] =	vst v13;
	v30 =	vsel vm10, $0x1, v29;
	vm1 =	vmand vm0, vm10;
	vm10 =	vnez.u8 v33  }
0x210: {  	[tilespmem:$0xF90] =	vst v45;
	v6 =	vnsel vm0, $0x0, v30;
	v32 =	vnsel vm1, $0x0, v28;
	vm1 =	vne.f32 v5, v0  }
0x211: {  	[tilespmem:$0xEA0] =	vst v20;
	vm0 =	veq.f32 v51, v0;
	v9 =	vsel vm10, v25, v32;
	vm5 =	veq.s32 v6, $0x2  }
0x212: {  	[tilespmem:$0xFA0] =	vst v17;
	vm10 =	veq.s32 v6, $0x3;
	v42 =	vsel vm1, $0x0, v38;
	v35 =	vnsel vm5, $0x0, v28;
	v34 =	vpop (erf)  }
0x213: {  	[tilespmem:$0xF20] =	vst v19;
	vm5 =	veq.f32 v41, v0;
	v14 =	vnsel vm10, $0x0, v28;
	vm10 =	vnez.u8 v40;
	v41 =	vld [tilespmem:$0x1FFF0];
	v37 =	vpop (erf)  }
0x214: {  	[tilespmem:$0xEB0] =	vst v11;
	v11 =	vsel vm8, v42, v16;
	v36 =	vsel vm5, $0x2, v47;
	v39 =	vadd.f32 $1.000000000e+00, v37  }
0x215: {  	[tilespmem:$0xE30] =	vst v22;
	v13 =	vsel vm10, v25, v35;
	vm5 =	vne.f32 v10, v3;
	v5 =	vsel vm0, $0x1, v36  }
0x216: {  	[tilespmem:$0xF30] =	vst v12;
	vm0 =	vmand vm1, vm0;
	v5 =	vnsel vm1, $0x0, v5;
	(erf) = vrcp.f32 v39  }
0x217: {  	[tilespmem:$0xFB0] =	vst v4;
	v43 =	vnsel vm0, $0x0, v38;
	v49 =	vmul.f32 v34, v54;
	vm8 =	veq.s32 v5, $0x2  }
0x218: {  	[tilespmem:$0xE40] =	vst v7;
	v4 =	vsel vm13, v16, v43;
	vm13 =	veq.f32 v18, v3;
	vm10 =	vnez.u8 v41  }
0x219: {  	[tilespmem:$0xEC0] =	vst v9;
	v44 =	vnsel vm8, $0x0, v38;
	v48 =	vsel vm13, $0x2, v47;
	v51 =	vsel vm5, $0x0, v49  }
0x21a: {  	[tilespmem:$0xE50] =	vst v11;
	v14 =	vsel vm10, v25, v14;
	vm10 =	veq.s32 v5, $0x3;
	v45 =	vsel vm15, v16, v44  }
0x21b: {  	[tilespmem:$0xF40] =	vst v13;
	vm15 =	veq.f32 v2, v3;
	v9 =	vsel vm6, v51, v34;
	v46 =	vnsel vm10, $0x0, v38  }
0x21c: {  	[tilespmem:$0xED0] =	vst v4;
	v50 =	vsel vm15, $0x1, v48;
	vm0 =	vmand vm5, vm15;
	vm10 =	veq.f32 v23, v8  }
0x21d: {  	[tilespmem:$0xFC0] =	vst v14;
	v7 =	vsel vm14, v16, v46;
	v3 =	vnsel vm5, $0x0, v50;
	v52 =	vnsel vm0, $0x0, v49  }
0x21e: {  	[tilespmem:$0xF50] =	vst v45;
	v56 =	vsel vm10, $0x2, v47;
	vm6 =	veq.s32 v3, $0x2;
	vm8 =	veq.s32 v3, $0x3  }
0x21f: {  	[tilespmem:$0xE60] =	vst v9;
	v4 =	vsel vm7, v34, v52;
	v53 =	vnsel vm6, $0x0, v49;
	v2 =	vnsel vm8, $0x0, v49;
	v55 =	vpop (erf)  }
0x220: {  	[tilespmem:$0xFD0] =	vst v7;
	v54 =	vsel vm12, v34, v53;
	vm12 =	veq.f32 v21, v8;
	v0 =	vmul.f32 v55, v37  }
0x221: {  	vm13 =	vne.f32 v1, v8;
	[tilespmem:$0xEE0] =	vst v4;
	v2 =	vsel vm11, v34, v2;
	v57 =	vsel vm12, $0x1, v56  }
0x222: {  	[tilespmem:$0xF60] =	vst v54;
	vm0 =	vmand vm13, vm12;
	v1 =	vnsel vm13, $0x0, v57;
	v58 =	vsel vm13, $0x0, v0  }
0x223: {  	[tilespmem:$0xFE0] =	vst v2;
	vm14 =	veq.s32 v1, $0x2;
	v60 =	vnsel vm0, $0x0, v0;
	v59 =	vsel vm9, v58, v55  }
0x224: {  	vm15 =	veq.s32 v1, $0x3;
	v62 =	vnsel vm14, $0x0, v0;
	v61 =	vsel vm3, v55, v60;
	[tilespmem:$0xE70] =	vst v59  }
0x225: {  	v0 =	vnsel vm15, $0x0, v0;
	v63 =	vsel vm4, v55, v62;
	[tilespmem:$0xEF0] =	vst v61  }
0x226: {  	p0 =	sne.s32 s5, $0x1;
	v0 =	vsel vm2, v55, v0;
	[tilespmem:$0xF70] =	vst v63  }
.Ltmp0:
0x227: {  	[tilespmem:$0xFF0] =	vst v0;
	(pc) =	sbr.rel @p0 .LBB2_1-.Ltmp0, $4  }
0x228: {  	[hbm4b:s4+s6] =	stream.strided.scatter [tilespmem:s9], [sflag:$0x1], $0x800, s7, s6, $0x38;
	[tilespmem:$0x1000] =	vst v63  }
0x229: {  	_ =	swait.ge [sflag:s8], $0x800  }
0x22a: {  	[sflag:s8] =	ssyncset.done $0x0  }
0x22b: {  	s5 =	sadd.s32 $0xFFFFFFFF, s5;
	[sflag:s8] =	ssyncadd.s32 $0xFFFFF800  }
0x22c: {  	_ =	sfence.sel $0x180000  }
0x22d: {  	[bflag:$0x0] =	sbarrier.arrive $0xFFFF  }
0x22e: {  	p0 =	sne.s32 s1, $0x0;
	_ =	strace $0x90000047  }
0x22f: {  	s0 =	sadd.s32 @!p0 $0x100000, s0;
	[bflag:$0x2] =	sbarrier.arrive $0xFFFF  }
0x230: {  	[sflag:s0] =	ssyncadd.tile.s32 @!p0 $0x1;
	_ =	shalt  }
.Lfunc_end2:
_tile_overlayer_lowered:
.L_overlay_start_2:
0x231: {  	(tag) =	ssettag $0x2  }
0x232: {  	s0 =	rddreg [dreg:$0x0];
	s2 =	stileid.u32  }
0x233: {  	s1 =	rddreg [dreg:$0x1];
	p0 =	sne.s32 s2, $0x0  }
0x234: {  	s3 =	rddreg [dreg:$0x2];
	[bflag:$0x3] =	sbarrier.arrive $0xFFFF;
	s2 =	simm.s32 @!p0 $0x1C01  }
0x235: {  	[timem:s3], [sflag:s2] =	dma.local @!p0 [hbm:s0], s1  }
0x236: {  	s0 =	simm.s32 @!p0 $0x1  }
0x237: {  	_ =	swait.ge @!p0 [sflag:s0], s1  }
0x238: {  	s1 =	ssub.s32 @!p0 $0x0, s1;
	[sflag:s0] =	ssyncset.done @!p0 $0x0  }
0x239: {  	[sflag:s0] =	ssyncadd.s32 @!p0 s1  }
0x23a: {  	[bflag:$0x3] =	sbarrier.arrive $0xFFFF  }
0x23b: {  	_ =	shalt  }

</sc_bundles>
